<compile_context>
chip_gen: v7x
topology: tpu7x:2x2x1
jax: 0.10.2.dev20260603
libtpu: 0.0.44.dev20260713+nightly
codegen_flags: <defaults>
</compile_context>

<pallas_src>
import functools

import jax
import jax.numpy as jnp
from jax import lax
from jax.experimental import pallas as pl
from jax.experimental.pallas import tpu as pltpu
from jax.experimental.pallas import tpu_sc as plsc

ALPHA = 0.1
THETA = 0.5
EPS = 1e-5

ROWS_BLK = 5000
CHUNK = 128
NS = 16
HP = lax.Precision.HIGHEST



def _linear_body(x_ref, w_ref, b_ref, za_ref, zb_ref, xsa_ref, xsb_ref):
    hd = za_ref.shape[1]
    z = jnp.dot(x_ref[...], w_ref[...], preferred_element_type=jnp.float32,
                precision=HP)
    z = z + b_ref[...]
    za_ref[...] = z[:, :hd]
    zb_ref[...] = z[:, hd:]
    xs = (ALPHA / (1.0 - ALPHA)) * z
    xsa_ref[...] = xs[:, :hd]
    xsb_ref[...] = xs[:, hd:]


def _make_linear(n, d, r):
    nb = n // r
    hd = d // 2
    return pl.pallas_call(
        _linear_body,
        grid=(nb,),
        in_specs=[
            pl.BlockSpec((r, d), lambda j: (j, 0)),
            pl.BlockSpec((d, d), lambda j: (0, 0)),
            pl.BlockSpec((1, d), lambda j: (0, 0)),
        ],
        out_specs=[
            pl.BlockSpec((r, hd), lambda j: (j, 0)),
            pl.BlockSpec((r, hd), lambda j: (j, 0)),
            pl.BlockSpec((r, hd), lambda j: (j, 0)),
            pl.BlockSpec((r, hd), lambda j: (j, 0)),
        ],
        out_shape=[jax.ShapeDtypeStruct((n, hd), jnp.float32)] * 4,
    )


def _dense_bn_body(nb, n_total, h_a, h_b, w_ref, g_ref, be_ref,
                   za_ref, zb_ref, G_s, s_s, aff_s):
    p = pl.program_id(0)
    j = pl.program_id(1)
    hd = za_ref.shape[1]
    hsum = jnp.concatenate([h_a[...], h_b[...]], axis=1)

    @pl.when(jnp.logical_and(p == 0, j == 0))
    def _():
        G_s[...] = jnp.zeros_like(G_s)
        s_s[...] = jnp.zeros_like(s_s)

    @pl.when(p == 0)
    def _():
        G_s[...] += lax.dot_general(hsum, hsum, (((0,), (0,)), ((), ())),
                                    preferred_element_type=jnp.float32,
                                    precision=HP)
        s_s[...] += jnp.sum(hsum, axis=0, keepdims=True)

        @pl.when(j == nb - 1)
        def _():
            W = w_ref[...]
            colsum_z = jnp.dot(s_s[...], W,
                               preferred_element_type=jnp.float32, precision=HP)
            mean = colsum_z / n_total
            GW = jnp.dot(G_s[...], W,
                         preferred_element_type=jnp.float32, precision=HP)
            ez2 = jnp.sum(W * GW, axis=0, keepdims=True) / n_total
            var = ez2 - mean * mean
            scale = g_ref[...] * lax.rsqrt(var + EPS)
            aff_s[0:1, :] = scale
            aff_s[1:2, :] = be_ref[...] - mean * scale

    @pl.when(p == 1)
    def _():
        z = jnp.dot(hsum, w_ref[...], preferred_element_type=jnp.float32,
                    precision=HP)
        zn = jnp.maximum(z * aff_s[0:1, :] + aff_s[1:2, :], 0.0)
        za_ref[...] = zn[:, :hd]
        zb_ref[...] = zn[:, hd:]


def _make_dense_bn(n, d, r):
    nb = n // r
    hd = d // 2
    return pl.pallas_call(
        functools.partial(_dense_bn_body, nb, float(n)),
        grid=(2, nb),
        in_specs=[
            pl.BlockSpec((r, hd), lambda p, j: (j, 0)),
            pl.BlockSpec((r, hd), lambda p, j: (j, 0)),
            pl.BlockSpec((d, d), lambda p, j: (0, 0)),
            pl.BlockSpec((1, d), lambda p, j: (0, 0)),
            pl.BlockSpec((1, d), lambda p, j: (0, 0)),
        ],
        out_specs=[
            pl.BlockSpec((r, hd), lambda p, j: (j, 0)),
            pl.BlockSpec((r, hd), lambda p, j: (j, 0)),
        ],
        out_shape=[jax.ShapeDtypeStruct((n, hd), jnp.float32)] * 2,
        scratch_shapes=[
            pltpu.VMEM((d, d), jnp.float32),
            pltpu.VMEM((1, d), jnp.float32),
            pltpu.VMEM((2, d), jnp.float32),
        ],
    )


def _dense_final_body(h_a, h_b, w_ref, z_ref):
    hsum = jnp.concatenate([h_a[...], h_b[...]], axis=1)
    z_ref[...] = jnp.dot(hsum, w_ref[...], preferred_element_type=jnp.float32,
                         precision=HP)


def _make_dense_final(n, d, r):
    nb = n // r
    hd = d // 2
    return pl.pallas_call(
        _dense_final_body,
        grid=(nb,),
        in_specs=[
            pl.BlockSpec((r, hd), lambda j: (j, 0)),
            pl.BlockSpec((r, hd), lambda j: (j, 0)),
            pl.BlockSpec((d, d), lambda j: (0, 0)),
        ],
        out_specs=pl.BlockSpec((r, d), lambda j: (j, 0)),
        out_shape=jax.ShapeDtypeStruct((n, d), jnp.float32),
    )



def _segsum_body(z_a, z_b, x_a, x_b, srcp, dstp, out_a, out_b,
                 acc, idx_s, idx_d, rows, sem):
    cid = lax.axis_index("c")
    sid = lax.axis_index("s")
    nc = idx_s.shape[0]
    n_out = out_a.shape[0]
    copy_per = 8 * (n_out // (NS * 8))
    copy_last = n_out - copy_per * (NS - 1)
    init_per = copy_per
    init_last = acc.shape[0] - init_per * (NS - 1)

    ib = sid * init_per
    last = sid == NS - 1

    def _init(x_half):
        @pl.when(jnp.logical_not(last))
        def _():
            pltpu.sync_copy(x_half.at[pl.ds(ib, init_per)],
                            acc.at[pl.ds(ib, init_per)])

        @pl.when(last)
        def _():
            pltpu.sync_copy(x_half.at[pl.ds(ib, copy_last)],
                            acc.at[pl.ds(ib, copy_last)])
            pltpu.sync_copy(x_half.at[pl.ds(0, init_last - copy_last)],
                            acc.at[pl.ds(ib + copy_last,
                                         init_last - copy_last)])

    @pl.when(cid == 0)
    def _():
        _init(x_a)

    @pl.when(cid == 1)
    def _():
        _init(x_b)

    pltpu.sync_copy(srcp.at[sid], idx_s)
    pltpu.sync_copy(dstp.at[sid], idx_d)
    plsc.subcore_barrier()

    def _run(table):
        def body(jj, carry):
            pltpu.async_copy(table.at[idx_s.at[jj]], rows, sem).wait()
            pltpu.sync_copy(rows, acc.at[idx_d.at[jj]], add=True)
            return carry
        lax.fori_loop(0, nc, body, 0)

    @pl.when(cid == 0)
    def _():
        _run(z_a)

    @pl.when(cid == 1)
    def _():
        _run(z_b)

    plsc.subcore_barrier()

    ob = sid * copy_per

    @pl.when(jnp.logical_and(cid == 0, jnp.logical_not(last)))
    def _():
        pltpu.sync_copy(acc.at[pl.ds(ob, copy_per)],
                        out_a.at[pl.ds(ob, copy_per)])

    @pl.when(jnp.logical_and(cid == 0, last))
    def _():
        pltpu.sync_copy(acc.at[pl.ds(ob, copy_last)],
                        out_a.at[pl.ds(ob, copy_last)])

    @pl.when(jnp.logical_and(cid == 1, jnp.logical_not(last)))
    def _():
        pltpu.sync_copy(acc.at[pl.ds(ob, copy_per)],
                        out_b.at[pl.ds(ob, copy_per)])

    @pl.when(jnp.logical_and(cid == 1, last))
    def _():
        pltpu.sync_copy(acc.at[pl.ds(ob, copy_last)],
                        out_b.at[pl.ds(ob, copy_last)])


def _make_segsum(n, d, nc):
    hd = d // 2
    nacc = NS * 8 * (-(-(n + 1) // (NS * 8)))
    mesh = plsc.VectorSubcoreMesh(core_axis_name="c", subcore_axis_name="s")
    return pl.kernel(
        _segsum_body,
        out_type=[jax.ShapeDtypeStruct((n, hd), jnp.float32)] * 2,
        mesh=mesh,
        scratch_types=[
            pltpu.VMEM_SHARED((nacc, hd), jnp.float32),
            pltpu.VMEM((nc, CHUNK), jnp.int32),
            pltpu.VMEM((nc, CHUNK), jnp.int32),
            pltpu.VMEM((CHUNK, hd), jnp.float32),
            pltpu.SemaphoreType.DMA,
        ],
    )



def kernel(x, edge_index, lin_W, lin_b, conv_W, bn_gamma, bn_beta):
    import numpy as np
    n, d = x.shape
    e = edge_index.shape[1]
    nlayers = conv_W.shape[0]

    betas = [float(np.log(THETA / (l + 1) + 1.0)) for l in range(nlayers)]
    eye = jnp.eye(d, dtype=jnp.float32)
    bb = jnp.asarray(betas, jnp.float32).reshape(nlayers, 1, 1)
    Wp = (1.0 - ALPHA) * ((1.0 - bb) * eye[None] + bb * conv_W)

    per = -(-e // NS)
    nc = -(-per // CHUNK)
    src = jnp.pad(edge_index[0], (0, NS * per - e))
    dst = jnp.pad(edge_index[1], (0, NS * per - e), constant_values=n)
    srcp = jnp.pad(src.reshape(NS, per), ((0, 0), (0, nc * CHUNK - per)))
    dstp = jnp.pad(dst.reshape(NS, per), ((0, 0), (0, nc * CHUNK - per)),
                   constant_values=n).reshape(NS, nc, CHUNK)
    srcp = srcp.reshape(NS, nc, CHUNK)

    lin = _make_linear(n, d, ROWS_BLK)
    dense_bn = _make_dense_bn(n, d, ROWS_BLK)
    dense_final = _make_dense_final(n, d, ROWS_BLK)
    segsum = _make_segsum(n, d, nc)

    x0_a, x0_b, xs_a, xs_b = lin(x, lin_W, lin_b.reshape(1, d))
    za, zb = x0_a, x0_b
    for l in range(nlayers):
        h_a, h_b = segsum(za, zb, xs_a, xs_b, srcp, dstp)
        if l < nlayers - 1:
            za, zb = dense_bn(h_a, h_b, Wp[l],
                              bn_gamma[l].reshape(1, d),
                              bn_beta[l].reshape(1, d))
        else:
            z = dense_final(h_a, h_b, Wp[l])
    return z

# --- scband reference (transcript-rebuilt; emitter-appended) ---
"""Pipeline reference for scband-gcnii-9964324127122 (READ-ONLY COPY).

The authoritative reference and input builder live on the scoring server;
editing this copy changes nothing except your own understanding.
"""

import jax, jax.numpy as jnp
import numpy as np

N = 10000
E = 160000
D = 256
L = 8
ALPHA = 0.1
THETA = 0.5


def setup_inputs(seed: int = 0) -> dict:
    key = jax.random.key(seed)
    ks = jax.random.split(key, 10)
    x = jax.random.normal(ks[0], (N, D), dtype=jnp.float32)
    edge_index = jax.random.randint(ks[1], (2, E), 0, N, dtype=jnp.int32)
    s = float(np.sqrt(6.0 / (D + D)))
    lin_W = jax.random.uniform(ks[2], (D, D), jnp.float32, -s, s)
    lin_b = jnp.zeros((D,), jnp.float32)
    conv_W = jax.random.uniform(ks[3], (L, D, D), jnp.float32, -s, s)
    bn_gamma = jnp.ones((L - 1, D), jnp.float32)
    bn_beta = jnp.zeros((L - 1, D), jnp.float32)
    return {"x": x, "edge_index": edge_index, "lin_W": lin_W, "lin_b": lin_b,
            "conv_W": conv_W, "bn_gamma": bn_gamma, "bn_beta": bn_beta}


def reference(x, edge_index, lin_W, lin_b, conv_W, bn_gamma, bn_beta):
    # GCNII.encode: initial Linear, then L GCN2Conv layers (normalize=False,
    # shared_weights=True, no bias), BatchNorm1d (training-mode batch stats) + relu
    # between layers. dropout=0.0 so it is a no-op.
    src = edge_index[0]
    dst = edge_index[1]
    z = x @ lin_W + lin_b
    x0 = z
    for l in range(L):
        # propagate with raw adjacency (normalize=False): scatter-add of z[src] into dst
        h = jax.ops.segment_sum(z[src], dst, num_segments=N)
        h = h * (1.0 - ALPHA)
        out = h + ALPHA * x0
        beta = float(np.log(THETA / (l + 1) + 1.0))
        z = (1.0 - beta) * out + beta * (out @ conv_W[l])
        if l < L - 1:
            mean = jnp.mean(z, axis=0)
            var = jnp.var(z, axis=0)
            z = (z - mean) / jnp.sqrt(var + 1e-5) * bn_gamma[l] + bn_beta[l]
            z = jax.nn.relu(z)
    return z

if __name__ == "__main__":
    import jax
    _d = setup_inputs()
    print(jax.jit(kernel)(*tuple(_d.values())))

</pallas_src>

<mosaic_0001>
#map = affine_map<(d0, d1) -> (0, 0)>
#map1 = affine_map<(d0, d1) -> (0, 0, 0)>
module attributes {stable_mosaic.version = 14 : i64} {
  func.func @_segsum_body(%arg0: i32, %arg1: i32, %arg2: memref<10000x128xf32, #tpu.memory_space<hbm>>, %arg3: memref<10000x128xf32, #tpu.memory_space<hbm>>, %arg4: memref<10000x128xf32, #tpu.memory_space<hbm>>, %arg5: memref<10000x128xf32, #tpu.memory_space<hbm>>, %arg6: memref<16x79x128xi32, #tpu.memory_space<hbm>>, %arg7: memref<16x79x128xi32, #tpu.memory_space<hbm>>, %arg8: memref<10000x128xf32, #tpu.memory_space<hbm>>, %arg9: memref<10000x128xf32, #tpu.memory_space<hbm>>, %arg10: memref<10112x128xf32, #tpu.memory_space<vmem_shared>>, %arg11: memref<79x128xi32, #tpu.memory_space<vmem>>, %arg12: memref<79x128xi32, #tpu.memory_space<vmem>>, %arg13: memref<128x128xf32, #tpu.memory_space<vmem>>, %arg14: memref<!tpu.dma_semaphore, #tpu.memory_space<semaphore_mem>>) attributes {dimension_semantics = [#tpu.dimension_semantics<core_parallel>, #tpu.dimension_semantics<subcore_parallel>], iteration_bounds = array<i64: 2, 16>, scalar_prefetch = 0 : i64, scratch_operands = 5 : i64, tpu.core_type = #tpu.core_type<sc_vector_subcore>, window_params = [{transform_indices = #map}, {transform_indices = #map}, {transform_indices = #map}, {transform_indices = #map}, {transform_indices = #map1}, {transform_indices = #map1}, {transform_indices = #map}, {transform_indices = #map}]} {
    %mul3A = arith.constant 624 : i32
    %mul3A_0 = arith.muli %arg1, %mul3A : i32
    %eq3A = arith.constant 15 : i32
    %eq3A_1 = arith.cmpi eq, %arg1, %eq3A : i32
    %eq3A_2 = arith.constant 0 : i32
    %eq3A_3 = arith.cmpi eq, %arg0, %eq3A_2 : i32
    %convert_element_type3A = arith.extui %eq3A_3 : i1 to i32
    %cond3A = arith.constant 0 : i32
    %cond3A_4 = arith.cmpi ne, %convert_element_type3A, %cond3A : i32
    scf.if %cond3A_4 {
      %not3A_49 = arith.constant true
      %not3A_50 = arith.xori %eq3A_1, %not3A_49 : i1
      %convert_element_type3A_51 = arith.extui %not3A_50 : i1 to i32
      %cond3A_52 = arith.constant 0 : i32
      %cond3A_53 = arith.cmpi ne, %convert_element_type3A_51, %cond3A_52 : i32
      scf.if %cond3A_53 {
        "tpu.region"() ({
          %run_scoped3A = tpu.sem_alloc : memref<!tpu.dma_semaphore, #tpu.memory_space<semaphore_mem>>
          %dma_start3A = arith.constant 0 : i32
          %dma_start3A_57 = tpu.memref_slice %arg10[%mul3A_0, %dma_start3A] : memref<10112x128xf32, #tpu.memory_space<vmem_shared>> -> memref<624x128xf32, #tpu.memory_space<vmem_shared>>
          %dma_start3A_58 = arith.constant 0 : i32
          %dma_start3A_59 = tpu.memref_slice %arg4[%mul3A_0, %dma_start3A_58] : memref<10000x128xf32, #tpu.memory_space<hbm>> -> memref<624x128xf32, #tpu.memory_space<hbm>>
          tpu.enqueue_dma source(%dma_start3A_59 : memref<624x128xf32, #tpu.memory_space<hbm>>) target(%dma_start3A_57 : memref<624x128xf32, #tpu.memory_space<vmem_shared>>) target_semaphore(%run_scoped3A : memref<!tpu.dma_semaphore, #tpu.memory_space<semaphore_mem>>)
          %dma_wait3A = arith.constant 0 : i32
          %dma_wait3A_60 = tpu.memref_slice %arg10[%mul3A_0, %dma_wait3A] : memref<10112x128xf32, #tpu.memory_space<vmem_shared>> -> memref<624x128xf32, #tpu.memory_space<vmem_shared>>
          %dma_wait3A_61 = arith.constant 0 : i32
          %dma_wait3A_62 = tpu.memref_slice %arg4[%mul3A_0, %dma_wait3A_61] : memref<10000x128xf32, #tpu.memory_space<hbm>> -> memref<624x128xf32, #tpu.memory_space<hbm>>
          tpu.wait_dma2 semaphore(%run_scoped3A : memref<!tpu.dma_semaphore, #tpu.memory_space<semaphore_mem>>) src(%dma_wait3A_62 : memref<624x128xf32, #tpu.memory_space<hbm>>) dst(%dma_wait3A_60 : memref<624x128xf32, #tpu.memory_space<vmem_shared>>)
          tpu.yield
        }) : () -> ()
      } else {
      }
      %convert_element_type3A_54 = arith.extui %eq3A_1 : i1 to i32
      %cond3A_55 = arith.constant 0 : i32
      %cond3A_56 = arith.cmpi ne, %convert_element_type3A_54, %cond3A_55 : i32
      scf.if %cond3A_56 {
        "tpu.region"() ({
          %run_scoped3A = tpu.sem_alloc : memref<!tpu.dma_semaphore, #tpu.memory_space<semaphore_mem>>
          %dma_start3A = arith.constant 0 : i32
          %dma_start3A_58 = tpu.memref_slice %arg10[%mul3A_0, %dma_start3A] : memref<10112x128xf32, #tpu.memory_space<vmem_shared>> -> memref<640x128xf32, #tpu.memory_space<vmem_shared>>
          %dma_start3A_59 = arith.constant 0 : i32
          %dma_start3A_60 = tpu.memref_slice %arg4[%mul3A_0, %dma_start3A_59] : memref<10000x128xf32, #tpu.memory_space<hbm>> -> memref<640x128xf32, #tpu.memory_space<hbm>>
          tpu.enqueue_dma source(%dma_start3A_60 : memref<640x128xf32, #tpu.memory_space<hbm>>) target(%dma_start3A_58 : memref<640x128xf32, #tpu.memory_space<vmem_shared>>) target_semaphore(%run_scoped3A : memref<!tpu.dma_semaphore, #tpu.memory_space<semaphore_mem>>)
          %dma_wait3A = arith.constant 0 : i32
          %dma_wait3A_61 = tpu.memref_slice %arg10[%mul3A_0, %dma_wait3A] : memref<10112x128xf32, #tpu.memory_space<vmem_shared>> -> memref<640x128xf32, #tpu.memory_space<vmem_shared>>
          %dma_wait3A_62 = arith.constant 0 : i32
          %dma_wait3A_63 = tpu.memref_slice %arg4[%mul3A_0, %dma_wait3A_62] : memref<10000x128xf32, #tpu.memory_space<hbm>> -> memref<640x128xf32, #tpu.memory_space<hbm>>
          tpu.wait_dma2 semaphore(%run_scoped3A : memref<!tpu.dma_semaphore, #tpu.memory_space<semaphore_mem>>) src(%dma_wait3A_63 : memref<640x128xf32, #tpu.memory_space<hbm>>) dst(%dma_wait3A_61 : memref<640x128xf32, #tpu.memory_space<vmem_shared>>)
          tpu.yield
        }) : () -> ()
        %add3A = arith.constant 640 : i32
        %add3A_57 = arith.addi %mul3A_0, %add3A : i32
        "tpu.region"() ({
          %run_scoped3A = tpu.sem_alloc : memref<!tpu.dma_semaphore, #tpu.memory_space<semaphore_mem>>
          %dma_start3A = arith.constant 0 : i32
          %dma_start3A_58 = tpu.memref_slice %arg10[%add3A_57, %dma_start3A] : memref<10112x128xf32, #tpu.memory_space<vmem_shared>> -> memref<112x128xf32, #tpu.memory_space<vmem_shared>>
          %dma_start3A_59 = arith.constant 0 : i32
          %dma_start3A_60 = arith.constant 0 : i32
          %dma_start3A_61 = tpu.memref_slice %arg4[%dma_start3A_59, %dma_start3A_60] : memref<10000x128xf32, #tpu.memory_space<hbm>> -> memref<112x128xf32, #tpu.memory_space<hbm>>
          tpu.enqueue_dma source(%dma_start3A_61 : memref<112x128xf32, #tpu.memory_space<hbm>>) target(%dma_start3A_58 : memref<112x128xf32, #tpu.memory_space<vmem_shared>>) target_semaphore(%run_scoped3A : memref<!tpu.dma_semaphore, #tpu.memory_space<semaphore_mem>>)
          %dma_wait3A = arith.constant 0 : i32
          %dma_wait3A_62 = tpu.memref_slice %arg10[%add3A_57, %dma_wait3A] : memref<10112x128xf32, #tpu.memory_space<vmem_shared>> -> memref<112x128xf32, #tpu.memory_space<vmem_shared>>
          %dma_wait3A_63 = arith.constant 0 : i32
          %dma_wait3A_64 = arith.constant 0 : i32
          %dma_wait3A_65 = tpu.memref_slice %arg4[%dma_wait3A_63, %dma_wait3A_64] : memref<10000x128xf32, #tpu.memory_space<hbm>> -> memref<112x128xf32, #tpu.memory_space<hbm>>
          tpu.wait_dma2 semaphore(%run_scoped3A : memref<!tpu.dma_semaphore, #tpu.memory_space<semaphore_mem>>) src(%dma_wait3A_65 : memref<112x128xf32, #tpu.memory_space<hbm>>) dst(%dma_wait3A_62 : memref<112x128xf32, #tpu.memory_space<vmem_shared>>)
          tpu.yield
        }) : () -> ()
      } else {
      }
    } else {
    }
    %eq3A_5 = arith.constant 1 : i32
    %eq3A_6 = arith.cmpi eq, %arg0, %eq3A_5 : i32
    %convert_element_type3A_7 = arith.extui %eq3A_6 : i1 to i32
    %cond3A_8 = arith.constant 0 : i32
    %cond3A_9 = arith.cmpi ne, %convert_element_type3A_7, %cond3A_8 : i32
    scf.if %cond3A_9 {
      %not3A_49 = arith.constant true
      %not3A_50 = arith.xori %eq3A_1, %not3A_49 : i1
      %convert_element_type3A_51 = arith.extui %not3A_50 : i1 to i32
      %cond3A_52 = arith.constant 0 : i32
      %cond3A_53 = arith.cmpi ne, %convert_element_type3A_51, %cond3A_52 : i32
      scf.if %cond3A_53 {
        "tpu.region"() ({
          %run_scoped3A = tpu.sem_alloc : memref<!tpu.dma_semaphore, #tpu.memory_space<semaphore_mem>>
          %dma_start3A = arith.constant 0 : i32
          %dma_start3A_57 = tpu.memref_slice %arg10[%mul3A_0, %dma_start3A] : memref<10112x128xf32, #tpu.memory_space<vmem_shared>> -> memref<624x128xf32, #tpu.memory_space<vmem_shared>>
          %dma_start3A_58 = arith.constant 0 : i32
          %dma_start3A_59 = tpu.memref_slice %arg5[%mul3A_0, %dma_start3A_58] : memref<10000x128xf32, #tpu.memory_space<hbm>> -> memref<624x128xf32, #tpu.memory_space<hbm>>
          tpu.enqueue_dma source(%dma_start3A_59 : memref<624x128xf32, #tpu.memory_space<hbm>>) target(%dma_start3A_57 : memref<624x128xf32, #tpu.memory_space<vmem_shared>>) target_semaphore(%run_scoped3A : memref<!tpu.dma_semaphore, #tpu.memory_space<semaphore_mem>>)
          %dma_wait3A = arith.constant 0 : i32
          %dma_wait3A_60 = tpu.memref_slice %arg10[%mul3A_0, %dma_wait3A] : memref<10112x128xf32, #tpu.memory_space<vmem_shared>> -> memref<624x128xf32, #tpu.memory_space<vmem_shared>>
          %dma_wait3A_61 = arith.constant 0 : i32
          %dma_wait3A_62 = tpu.memref_slice %arg5[%mul3A_0, %dma_wait3A_61] : memref<10000x128xf32, #tpu.memory_space<hbm>> -> memref<624x128xf32, #tpu.memory_space<hbm>>
          tpu.wait_dma2 semaphore(%run_scoped3A : memref<!tpu.dma_semaphore, #tpu.memory_space<semaphore_mem>>) src(%dma_wait3A_62 : memref<624x128xf32, #tpu.memory_space<hbm>>) dst(%dma_wait3A_60 : memref<624x128xf32, #tpu.memory_space<vmem_shared>>)
          tpu.yield
        }) : () -> ()
      } else {
      }
      %convert_element_type3A_54 = arith.extui %eq3A_1 : i1 to i32
      %cond3A_55 = arith.constant 0 : i32
      %cond3A_56 = arith.cmpi ne, %convert_element_type3A_54, %cond3A_55 : i32
      scf.if %cond3A_56 {
        "tpu.region"() ({
          %run_scoped3A = tpu.sem_alloc : memref<!tpu.dma_semaphore, #tpu.memory_space<semaphore_mem>>
          %dma_start3A = arith.constant 0 : i32
          %dma_start3A_58 = tpu.memref_slice %arg10[%mul3A_0, %dma_start3A] : memref<10112x128xf32, #tpu.memory_space<vmem_shared>> -> memref<640x128xf32, #tpu.memory_space<vmem_shared>>
          %dma_start3A_59 = arith.constant 0 : i32
          %dma_start3A_60 = tpu.memref_slice %arg5[%mul3A_0, %dma_start3A_59] : memref<10000x128xf32, #tpu.memory_space<hbm>> -> memref<640x128xf32, #tpu.memory_space<hbm>>
          tpu.enqueue_dma source(%dma_start3A_60 : memref<640x128xf32, #tpu.memory_space<hbm>>) target(%dma_start3A_58 : memref<640x128xf32, #tpu.memory_space<vmem_shared>>) target_semaphore(%run_scoped3A : memref<!tpu.dma_semaphore, #tpu.memory_space<semaphore_mem>>)
          %dma_wait3A = arith.constant 0 : i32
          %dma_wait3A_61 = tpu.memref_slice %arg10[%mul3A_0, %dma_wait3A] : memref<10112x128xf32, #tpu.memory_space<vmem_shared>> -> memref<640x128xf32, #tpu.memory_space<vmem_shared>>
          %dma_wait3A_62 = arith.constant 0 : i32
          %dma_wait3A_63 = tpu.memref_slice %arg5[%mul3A_0, %dma_wait3A_62] : memref<10000x128xf32, #tpu.memory_space<hbm>> -> memref<640x128xf32, #tpu.memory_space<hbm>>
          tpu.wait_dma2 semaphore(%run_scoped3A : memref<!tpu.dma_semaphore, #tpu.memory_space<semaphore_mem>>) src(%dma_wait3A_63 : memref<640x128xf32, #tpu.memory_space<hbm>>) dst(%dma_wait3A_61 : memref<640x128xf32, #tpu.memory_space<vmem_shared>>)
          tpu.yield
        }) : () -> ()
        %add3A = arith.constant 640 : i32
        %add3A_57 = arith.addi %mul3A_0, %add3A : i32
        "tpu.region"() ({
          %run_scoped3A = tpu.sem_alloc : memref<!tpu.dma_semaphore, #tpu.memory_space<semaphore_mem>>
          %dma_start3A = arith.constant 0 : i32
          %dma_start3A_58 = tpu.memref_slice %arg10[%add3A_57, %dma_start3A] : memref<10112x128xf32, #tpu.memory_space<vmem_shared>> -> memref<112x128xf32, #tpu.memory_space<vmem_shared>>
          %dma_start3A_59 = arith.constant 0 : i32
          %dma_start3A_60 = arith.constant 0 : i32
          %dma_start3A_61 = tpu.memref_slice %arg5[%dma_start3A_59, %dma_start3A_60] : memref<10000x128xf32, #tpu.memory_space<hbm>> -> memref<112x128xf32, #tpu.memory_space<hbm>>
          tpu.enqueue_dma source(%dma_start3A_61 : memref<112x128xf32, #tpu.memory_space<hbm>>) target(%dma_start3A_58 : memref<112x128xf32, #tpu.memory_space<vmem_shared>>) target_semaphore(%run_scoped3A : memref<!tpu.dma_semaphore, #tpu.memory_space<semaphore_mem>>)
          %dma_wait3A = arith.constant 0 : i32
          %dma_wait3A_62 = tpu.memref_slice %arg10[%add3A_57, %dma_wait3A] : memref<10112x128xf32, #tpu.memory_space<vmem_shared>> -> memref<112x128xf32, #tpu.memory_space<vmem_shared>>
          %dma_wait3A_63 = arith.constant 0 : i32
          %dma_wait3A_64 = arith.constant 0 : i32
          %dma_wait3A_65 = tpu.memref_slice %arg5[%dma_wait3A_63, %dma_wait3A_64] : memref<10000x128xf32, #tpu.memory_space<hbm>> -> memref<112x128xf32, #tpu.memory_space<hbm>>
          tpu.wait_dma2 semaphore(%run_scoped3A : memref<!tpu.dma_semaphore, #tpu.memory_space<semaphore_mem>>) src(%dma_wait3A_65 : memref<112x128xf32, #tpu.memory_space<hbm>>) dst(%dma_wait3A_62 : memref<112x128xf32, #tpu.memory_space<vmem_shared>>)
          tpu.yield
        }) : () -> ()
      } else {
      }
    } else {
    }
    "tpu.region"() ({
      %run_scoped3A = tpu.sem_alloc : memref<!tpu.dma_semaphore, #tpu.memory_space<semaphore_mem>>
      %dma_start3A = arith.constant 0 : i32
      %dma_start3A_49 = arith.constant 0 : i32
      %dma_start3A_50 = tpu.memref_slice %arg6[%arg1, %dma_start3A, %dma_start3A_49] : memref<16x79x128xi32, #tpu.memory_space<hbm>> -> memref<1x79x128xi32, #tpu.memory_space<hbm>>
      %dma_start3A_51 = tpu.memref_squeeze %dma_start3A_50 : memref<1x79x128xi32, #tpu.memory_space<hbm>> -> memref<79x128xi32, #tpu.memory_space<hbm>>
      %dma_start3A_52 = arith.constant 0 : i32
      %dma_start3A_53 = arith.constant 0 : i32
      %dma_start3A_54 = tpu.memref_slice %arg6[%arg1, %dma_start3A_52, %dma_start3A_53] : memref<16x79x128xi32, #tpu.memory_space<hbm>> -> memref<1x79x128xi32, #tpu.memory_space<hbm>>
      %dma_start3A_55 = tpu.memref_squeeze %dma_start3A_54 : memref<1x79x128xi32, #tpu.memory_space<hbm>> -> memref<79x128xi32, #tpu.memory_space<hbm>>
      tpu.enqueue_dma source(%dma_start3A_55 : memref<79x128xi32, #tpu.memory_space<hbm>>) target(%arg11 : memref<79x128xi32, #tpu.memory_space<vmem>>) target_semaphore(%run_scoped3A : memref<!tpu.dma_semaphore, #tpu.memory_space<semaphore_mem>>)
      %dma_wait3A = arith.constant 0 : i32
      %dma_wait3A_56 = arith.constant 0 : i32
      %dma_wait3A_57 = tpu.memref_slice %arg6[%arg1, %dma_wait3A, %dma_wait3A_56] : memref<16x79x128xi32, #tpu.memory_space<hbm>> -> memref<1x79x128xi32, #tpu.memory_space<hbm>>
      %dma_wait3A_58 = tpu.memref_squeeze %dma_wait3A_57 : memref<1x79x128xi32, #tpu.memory_space<hbm>> -> memref<79x128xi32, #tpu.memory_space<hbm>>
      %dma_wait3A_59 = arith.constant 0 : i32
      %dma_wait3A_60 = arith.constant 0 : i32
      %dma_wait3A_61 = tpu.memref_slice %arg6[%arg1, %dma_wait3A_59, %dma_wait3A_60] : memref<16x79x128xi32, #tpu.memory_space<hbm>> -> memref<1x79x128xi32, #tpu.memory_space<hbm>>
      %dma_wait3A_62 = tpu.memref_squeeze %dma_wait3A_61 : memref<1x79x128xi32, #tpu.memory_space<hbm>> -> memref<79x128xi32, #tpu.memory_space<hbm>>
      tpu.wait_dma2 semaphore(%run_scoped3A : memref<!tpu.dma_semaphore, #tpu.memory_space<semaphore_mem>>) src(%dma_wait3A_62 : memref<79x128xi32, #tpu.memory_space<hbm>>) dst(%arg11 : memref<79x128xi32, #tpu.memory_space<vmem>>)
      tpu.yield
    }) : () -> ()
    "tpu.region"() ({
      %run_scoped3A = tpu.sem_alloc : memref<!tpu.dma_semaphore, #tpu.memory_space<semaphore_mem>>
      %dma_start3A = arith.constant 0 : i32
      %dma_start3A_49 = arith.constant 0 : i32
      %dma_start3A_50 = tpu.memref_slice %arg7[%arg1, %dma_start3A, %dma_start3A_49] : memref<16x79x128xi32, #tpu.memory_space<hbm>> -> memref<1x79x128xi32, #tpu.memory_space<hbm>>
      %dma_start3A_51 = tpu.memref_squeeze %dma_start3A_50 : memref<1x79x128xi32, #tpu.memory_space<hbm>> -> memref<79x128xi32, #tpu.memory_space<hbm>>
      %dma_start3A_52 = arith.constant 0 : i32
      %dma_start3A_53 = arith.constant 0 : i32
      %dma_start3A_54 = tpu.memref_slice %arg7[%arg1, %dma_start3A_52, %dma_start3A_53] : memref<16x79x128xi32, #tpu.memory_space<hbm>> -> memref<1x79x128xi32, #tpu.memory_space<hbm>>
      %dma_start3A_55 = tpu.memref_squeeze %dma_start3A_54 : memref<1x79x128xi32, #tpu.memory_space<hbm>> -> memref<79x128xi32, #tpu.memory_space<hbm>>
      tpu.enqueue_dma source(%dma_start3A_55 : memref<79x128xi32, #tpu.memory_space<hbm>>) target(%arg12 : memref<79x128xi32, #tpu.memory_space<vmem>>) target_semaphore(%run_scoped3A : memref<!tpu.dma_semaphore, #tpu.memory_space<semaphore_mem>>)
      %dma_wait3A = arith.constant 0 : i32
      %dma_wait3A_56 = arith.constant 0 : i32
      %dma_wait3A_57 = tpu.memref_slice %arg7[%arg1, %dma_wait3A, %dma_wait3A_56] : memref<16x79x128xi32, #tpu.memory_space<hbm>> -> memref<1x79x128xi32, #tpu.memory_space<hbm>>
      %dma_wait3A_58 = tpu.memref_squeeze %dma_wait3A_57 : memref<1x79x128xi32, #tpu.memory_space<hbm>> -> memref<79x128xi32, #tpu.memory_space<hbm>>
      %dma_wait3A_59 = arith.constant 0 : i32
      %dma_wait3A_60 = arith.constant 0 : i32
      %dma_wait3A_61 = tpu.memref_slice %arg7[%arg1, %dma_wait3A_59, %dma_wait3A_60] : memref<16x79x128xi32, #tpu.memory_space<hbm>> -> memref<1x79x128xi32, #tpu.memory_space<hbm>>
      %dma_wait3A_62 = tpu.memref_squeeze %dma_wait3A_61 : memref<1x79x128xi32, #tpu.memory_space<hbm>> -> memref<79x128xi32, #tpu.memory_space<hbm>>
      tpu.wait_dma2 semaphore(%run_scoped3A : memref<!tpu.dma_semaphore, #tpu.memory_space<semaphore_mem>>) src(%dma_wait3A_62 : memref<79x128xi32, #tpu.memory_space<hbm>>) dst(%arg12 : memref<79x128xi32, #tpu.memory_space<vmem>>)
      tpu.yield
    }) : () -> ()
    %barrier3A = arith.constant 0 : index
    tpu.barrier barrier_id(%barrier3A)
    %eq3A_10 = arith.constant 0 : i32
    %eq3A_11 = arith.cmpi eq, %arg0, %eq3A_10 : i32
    %convert_element_type3A_12 = arith.extui %eq3A_11 : i1 to i32
    %cond3A_13 = arith.constant 0 : i32
    %cond3A_14 = arith.cmpi ne, %convert_element_type3A_12, %cond3A_13 : i32
    scf.if %cond3A_14 {
      %scan3A = arith.constant 0 : i32
      %scan3A_49 = arith.constant 0 : i32
      %scan3A_50 = arith.constant 79 : i32
      %scan3A_51 = arith.addi %scan3A_49, %scan3A_50 : i32
      %scan3A_52 = arith.constant 1 : i32
      scf.for %scan3A_54 = %scan3A_49 to %scan3A_51 step %scan3A_52  : i32 {
        %dma_start3A = arith.constant 0 : i32
        %dma_start3A_55 = tpu.memref_slice %arg11[%scan3A_54, %dma_start3A] : memref<79x128xi32, #tpu.memory_space<vmem>> -> memref<1x128xi32, #tpu.memory_space<vmem>>
        %dma_start3A_56 = tpu.memref_squeeze %dma_start3A_55 : memref<1x128xi32, #tpu.memory_space<vmem>> -> memref<128xi32, #tpu.memory_space<vmem>>
        %dma_start3A_57 = arith.constant 0 : i32
        %dma_start3A_58 = arith.constant 0 : i32
        %dma_start3A_59 = tpu.memref_slice %arg2[%dma_start3A_57, %dma_start3A_58] : memref<10000x128xf32, #tpu.memory_space<hbm>> -> memref<10000x128xf32, #tpu.memory_space<hbm>>
        tpu.enqueue_indirect_dma source(%dma_start3A_59 : memref<10000x128xf32, #tpu.memory_space<hbm>>) target(%arg13 : memref<128x128xf32, #tpu.memory_space<vmem>>) offsets(%dma_start3A_56 : memref<128xi32, #tpu.memory_space<vmem>>) semaphore(%arg14 : memref<!tpu.dma_semaphore, #tpu.memory_space<semaphore_mem>>)
        %dma_wait3A = arith.constant 0 : i32
        %dma_wait3A_60 = tpu.memref_slice %arg11[%scan3A_54, %dma_wait3A] : memref<79x128xi32, #tpu.memory_space<vmem>> -> memref<1x128xi32, #tpu.memory_space<vmem>>
        %dma_wait3A_61 = tpu.memref_squeeze %dma_wait3A_60 : memref<1x128xi32, #tpu.memory_space<vmem>> -> memref<128xi32, #tpu.memory_space<vmem>>
        %dma_wait3A_62 = arith.constant 0 : i32
        %dma_wait3A_63 = arith.constant 0 : i32
        %dma_wait3A_64 = tpu.memref_slice %arg2[%dma_wait3A_62, %dma_wait3A_63] : memref<10000x128xf32, #tpu.memory_space<hbm>> -> memref<10000x128xf32, #tpu.memory_space<hbm>>
        tpu.wait_indirect_dma semaphore(%arg14 : memref<!tpu.dma_semaphore, #tpu.memory_space<semaphore_mem>>) src(%dma_wait3A_64 : memref<10000x128xf32, #tpu.memory_space<hbm>>) dst(%arg13 : memref<128x128xf32, #tpu.memory_space<vmem>>)
        "tpu.region"() ({
          %run_scoped3A = tpu.sem_alloc : memref<!tpu.dma_semaphore, #tpu.memory_space<semaphore_mem>>
          %dma_start3A_65 = arith.constant 0 : i32
          %dma_start3A_66 = tpu.memref_slice %arg12[%scan3A_54, %dma_start3A_65] : memref<79x128xi32, #tpu.memory_space<vmem>> -> memref<1x128xi32, #tpu.memory_space<vmem>>
          %dma_start3A_67 = tpu.memref_squeeze %dma_start3A_66 : memref<1x128xi32, #tpu.memory_space<vmem>> -> memref<128xi32, #tpu.memory_space<vmem>>
          %dma_start3A_68 = arith.constant 0 : i32
          %dma_start3A_69 = arith.constant 0 : i32
          %dma_start3A_70 = tpu.memref_slice %arg10[%dma_start3A_68, %dma_start3A_69] : memref<10112x128xf32, #tpu.memory_space<vmem_shared>> -> memref<10112x128xf32, #tpu.memory_space<vmem_shared>>
          tpu.enqueue_indirect_dma source(%arg13 : memref<128x128xf32, #tpu.memory_space<vmem>>) target(%dma_start3A_70 : memref<10112x128xf32, #tpu.memory_space<vmem_shared>>) offsets(%dma_start3A_67 : memref<128xi32, #tpu.memory_space<vmem>>) semaphore(%run_scoped3A : memref<!tpu.dma_semaphore, #tpu.memory_space<semaphore_mem>>) {add = true}
          %dma_wait3A_71 = arith.constant 0 : i32
          %dma_wait3A_72 = tpu.memref_slice %arg12[%scan3A_54, %dma_wait3A_71] : memref<79x128xi32, #tpu.memory_space<vmem>> -> memref<1x128xi32, #tpu.memory_space<vmem>>
          %dma_wait3A_73 = tpu.memref_squeeze %dma_wait3A_72 : memref<1x128xi32, #tpu.memory_space<vmem>> -> memref<128xi32, #tpu.memory_space<vmem>>
          %dma_wait3A_74 = arith.constant 0 : i32
          %dma_wait3A_75 = arith.constant 0 : i32
          %dma_wait3A_76 = tpu.memref_slice %arg10[%dma_wait3A_74, %dma_wait3A_75] : memref<10112x128xf32, #tpu.memory_space<vmem_shared>> -> memref<10112x128xf32, #tpu.memory_space<vmem_shared>>
          tpu.wait_indirect_dma semaphore(%run_scoped3A : memref<!tpu.dma_semaphore, #tpu.memory_space<semaphore_mem>>) src(%arg13 : memref<128x128xf32, #tpu.memory_space<vmem>>) dst(%dma_wait3A_76 : memref<10112x128xf32, #tpu.memory_space<vmem_shared>>)
          tpu.yield
        }) : () -> ()
      }
      %scan3A_53 = arith.constant 79 : i32
    } else {
    }
    %eq3A_15 = arith.constant 1 : i32
    %eq3A_16 = arith.cmpi eq, %arg0, %eq3A_15 : i32
    %convert_element_type3A_17 = arith.extui %eq3A_16 : i1 to i32
    %cond3A_18 = arith.constant 0 : i32
    %cond3A_19 = arith.cmpi ne, %convert_element_type3A_17, %cond3A_18 : i32
    scf.if %cond3A_19 {
      %scan3A = arith.constant 0 : i32
      %scan3A_49 = arith.constant 0 : i32
      %scan3A_50 = arith.constant 79 : i32
      %scan3A_51 = arith.addi %scan3A_49, %scan3A_50 : i32
      %scan3A_52 = arith.constant 1 : i32
      scf.for %scan3A_54 = %scan3A_49 to %scan3A_51 step %scan3A_52  : i32 {
        %dma_start3A = arith.constant 0 : i32
        %dma_start3A_55 = tpu.memref_slice %arg11[%scan3A_54, %dma_start3A] : memref<79x128xi32, #tpu.memory_space<vmem>> -> memref<1x128xi32, #tpu.memory_space<vmem>>
        %dma_start3A_56 = tpu.memref_squeeze %dma_start3A_55 : memref<1x128xi32, #tpu.memory_space<vmem>> -> memref<128xi32, #tpu.memory_space<vmem>>
        %dma_start3A_57 = arith.constant 0 : i32
        %dma_start3A_58 = arith.constant 0 : i32
        %dma_start3A_59 = tpu.memref_slice %arg3[%dma_start3A_57, %dma_start3A_58] : memref<10000x128xf32, #tpu.memory_space<hbm>> -> memref<10000x128xf32, #tpu.memory_space<hbm>>
        tpu.enqueue_indirect_dma source(%dma_start3A_59 : memref<10000x128xf32, #tpu.memory_space<hbm>>) target(%arg13 : memref<128x128xf32, #tpu.memory_space<vmem>>) offsets(%dma_start3A_56 : memref<128xi32, #tpu.memory_space<vmem>>) semaphore(%arg14 : memref<!tpu.dma_semaphore, #tpu.memory_space<semaphore_mem>>)
        %dma_wait3A = arith.constant 0 : i32
        %dma_wait3A_60 = tpu.memref_slice %arg11[%scan3A_54, %dma_wait3A] : memref<79x128xi32, #tpu.memory_space<vmem>> -> memref<1x128xi32, #tpu.memory_space<vmem>>
        %dma_wait3A_61 = tpu.memref_squeeze %dma_wait3A_60 : memref<1x128xi32, #tpu.memory_space<vmem>> -> memref<128xi32, #tpu.memory_space<vmem>>
        %dma_wait3A_62 = arith.constant 0 : i32
        %dma_wait3A_63 = arith.constant 0 : i32
        %dma_wait3A_64 = tpu.memref_slice %arg3[%dma_wait3A_62, %dma_wait3A_63] : memref<10000x128xf32, #tpu.memory_space<hbm>> -> memref<10000x128xf32, #tpu.memory_space<hbm>>
        tpu.wait_indirect_dma semaphore(%arg14 : memref<!tpu.dma_semaphore, #tpu.memory_space<semaphore_mem>>) src(%dma_wait3A_64 : memref<10000x128xf32, #tpu.memory_space<hbm>>) dst(%arg13 : memref<128x128xf32, #tpu.memory_space<vmem>>)
        "tpu.region"() ({
          %run_scoped3A = tpu.sem_alloc : memref<!tpu.dma_semaphore, #tpu.memory_space<semaphore_mem>>
          %dma_start3A_65 = arith.constant 0 : i32
          %dma_start3A_66 = tpu.memref_slice %arg12[%scan3A_54, %dma_start3A_65] : memref<79x128xi32, #tpu.memory_space<vmem>> -> memref<1x128xi32, #tpu.memory_space<vmem>>
          %dma_start3A_67 = tpu.memref_squeeze %dma_start3A_66 : memref<1x128xi32, #tpu.memory_space<vmem>> -> memref<128xi32, #tpu.memory_space<vmem>>
          %dma_start3A_68 = arith.constant 0 : i32
          %dma_start3A_69 = arith.constant 0 : i32
          %dma_start3A_70 = tpu.memref_slice %arg10[%dma_start3A_68, %dma_start3A_69] : memref<10112x128xf32, #tpu.memory_space<vmem_shared>> -> memref<10112x128xf32, #tpu.memory_space<vmem_shared>>
          tpu.enqueue_indirect_dma source(%arg13 : memref<128x128xf32, #tpu.memory_space<vmem>>) target(%dma_start3A_70 : memref<10112x128xf32, #tpu.memory_space<vmem_shared>>) offsets(%dma_start3A_67 : memref<128xi32, #tpu.memory_space<vmem>>) semaphore(%run_scoped3A : memref<!tpu.dma_semaphore, #tpu.memory_space<semaphore_mem>>) {add = true}
          %dma_wait3A_71 = arith.constant 0 : i32
          %dma_wait3A_72 = tpu.memref_slice %arg12[%scan3A_54, %dma_wait3A_71] : memref<79x128xi32, #tpu.memory_space<vmem>> -> memref<1x128xi32, #tpu.memory_space<vmem>>
          %dma_wait3A_73 = tpu.memref_squeeze %dma_wait3A_72 : memref<1x128xi32, #tpu.memory_space<vmem>> -> memref<128xi32, #tpu.memory_space<vmem>>
          %dma_wait3A_74 = arith.constant 0 : i32
          %dma_wait3A_75 = arith.constant 0 : i32
          %dma_wait3A_76 = tpu.memref_slice %arg10[%dma_wait3A_74, %dma_wait3A_75] : memref<10112x128xf32, #tpu.memory_space<vmem_shared>> -> memref<10112x128xf32, #tpu.memory_space<vmem_shared>>
          tpu.wait_indirect_dma semaphore(%run_scoped3A : memref<!tpu.dma_semaphore, #tpu.memory_space<semaphore_mem>>) src(%arg13 : memref<128x128xf32, #tpu.memory_space<vmem>>) dst(%dma_wait3A_76 : memref<10112x128xf32, #tpu.memory_space<vmem_shared>>)
          tpu.yield
        }) : () -> ()
      }
      %scan3A_53 = arith.constant 79 : i32
    } else {
    }
    %barrier3A_20 = arith.constant 0 : index
    tpu.barrier barrier_id(%barrier3A_20)
    %mul3A_21 = arith.constant 624 : i32
    %mul3A_22 = arith.muli %arg1, %mul3A_21 : i32
    %eq3A_23 = arith.constant 0 : i32
    %eq3A_24 = arith.cmpi eq, %arg0, %eq3A_23 : i32
    %not3A = arith.constant true
    %not3A_25 = arith.xori %eq3A_1, %not3A : i1
    %and3A = arith.andi %eq3A_24, %not3A_25 : i1
    %convert_element_type3A_26 = arith.extui %and3A : i1 to i32
    %cond3A_27 = arith.constant 0 : i32
    %cond3A_28 = arith.cmpi ne, %convert_element_type3A_26, %cond3A_27 : i32
    scf.if %cond3A_28 {
      "tpu.region"() ({
        %run_scoped3A = tpu.sem_alloc : memref<!tpu.dma_semaphore, #tpu.memory_space<semaphore_mem>>
        %dma_start3A = arith.constant 0 : i32
        %dma_start3A_49 = tpu.memref_slice %arg8[%mul3A_22, %dma_start3A] : memref<10000x128xf32, #tpu.memory_space<hbm>> -> memref<624x128xf32, #tpu.memory_space<hbm>>
        %dma_start3A_50 = arith.constant 0 : i32
        %dma_start3A_51 = tpu.memref_slice %arg10[%mul3A_22, %dma_start3A_50] : memref<10112x128xf32, #tpu.memory_space<vmem_shared>> -> memref<624x128xf32, #tpu.memory_space<vmem_shared>>
        tpu.enqueue_dma source(%dma_start3A_51 : memref<624x128xf32, #tpu.memory_space<vmem_shared>>) target(%dma_start3A_49 : memref<624x128xf32, #tpu.memory_space<hbm>>) target_semaphore(%run_scoped3A : memref<!tpu.dma_semaphore, #tpu.memory_space<semaphore_mem>>)
        %dma_wait3A = arith.constant 0 : i32
        %dma_wait3A_52 = tpu.memref_slice %arg8[%mul3A_22, %dma_wait3A] : memref<10000x128xf32, #tpu.memory_space<hbm>> -> memref<624x128xf32, #tpu.memory_space<hbm>>
        %dma_wait3A_53 = arith.constant 0 : i32
        %dma_wait3A_54 = tpu.memref_slice %arg10[%mul3A_22, %dma_wait3A_53] : memref<10112x128xf32, #tpu.memory_space<vmem_shared>> -> memref<624x128xf32, #tpu.memory_space<vmem_shared>>
        tpu.wait_dma2 semaphore(%run_scoped3A : memref<!tpu.dma_semaphore, #tpu.memory_space<semaphore_mem>>) src(%dma_wait3A_54 : memref<624x128xf32, #tpu.memory_space<vmem_shared>>) dst(%dma_wait3A_52 : memref<624x128xf32, #tpu.memory_space<hbm>>)
        tpu.yield
      }) : () -> ()
    } else {
    }
    %eq3A_29 = arith.constant 0 : i32
    %eq3A_30 = arith.cmpi eq, %arg0, %eq3A_29 : i32
    %and3A_31 = arith.andi %eq3A_30, %eq3A_1 : i1
    %convert_element_type3A_32 = arith.extui %and3A_31 : i1 to i32
    %cond3A_33 = arith.constant 0 : i32
    %cond3A_34 = arith.cmpi ne, %convert_element_type3A_32, %cond3A_33 : i32
    scf.if %cond3A_34 {
      "tpu.region"() ({
        %run_scoped3A = tpu.sem_alloc : memref<!tpu.dma_semaphore, #tpu.memory_space<semaphore_mem>>
        %dma_start3A = arith.constant 0 : i32
        %dma_start3A_49 = tpu.memref_slice %arg8[%mul3A_22, %dma_start3A] : memref<10000x128xf32, #tpu.memory_space<hbm>> -> memref<640x128xf32, #tpu.memory_space<hbm>>
        %dma_start3A_50 = arith.constant 0 : i32
        %dma_start3A_51 = tpu.memref_slice %arg10[%mul3A_22, %dma_start3A_50] : memref<10112x128xf32, #tpu.memory_space<vmem_shared>> -> memref<640x128xf32, #tpu.memory_space<vmem_shared>>
        tpu.enqueue_dma source(%dma_start3A_51 : memref<640x128xf32, #tpu.memory_space<vmem_shared>>) target(%dma_start3A_49 : memref<640x128xf32, #tpu.memory_space<hbm>>) target_semaphore(%run_scoped3A : memref<!tpu.dma_semaphore, #tpu.memory_space<semaphore_mem>>)
        %dma_wait3A = arith.constant 0 : i32
        %dma_wait3A_52 = tpu.memref_slice %arg8[%mul3A_22, %dma_wait3A] : memref<10000x128xf32, #tpu.memory_space<hbm>> -> memref<640x128xf32, #tpu.memory_space<hbm>>
        %dma_wait3A_53 = arith.constant 0 : i32
        %dma_wait3A_54 = tpu.memref_slice %arg10[%mul3A_22, %dma_wait3A_53] : memref<10112x128xf32, #tpu.memory_space<vmem_shared>> -> memref<640x128xf32, #tpu.memory_space<vmem_shared>>
        tpu.wait_dma2 semaphore(%run_scoped3A : memref<!tpu.dma_semaphore, #tpu.memory_space<semaphore_mem>>) src(%dma_wait3A_54 : memref<640x128xf32, #tpu.memory_space<vmem_shared>>) dst(%dma_wait3A_52 : memref<640x128xf32, #tpu.memory_space<hbm>>)
        tpu.yield
      }) : () -> ()
    } else {
    }
    %eq3A_35 = arith.constant 1 : i32
    %eq3A_36 = arith.cmpi eq, %arg0, %eq3A_35 : i32
    %not3A_37 = arith.constant true
    %not3A_38 = arith.xori %eq3A_1, %not3A_37 : i1
    %and3A_39 = arith.andi %eq3A_36, %not3A_38 : i1
    %convert_element_type3A_40 = arith.extui %and3A_39 : i1 to i32
    %cond3A_41 = arith.constant 0 : i32
    %cond3A_42 = arith.cmpi ne, %convert_element_type3A_40, %cond3A_41 : i32
    scf.if %cond3A_42 {
      "tpu.region"() ({
        %run_scoped3A = tpu.sem_alloc : memref<!tpu.dma_semaphore, #tpu.memory_space<semaphore_mem>>
        %dma_start3A = arith.constant 0 : i32
        %dma_start3A_49 = tpu.memref_slice %arg9[%mul3A_22, %dma_start3A] : memref<10000x128xf32, #tpu.memory_space<hbm>> -> memref<624x128xf32, #tpu.memory_space<hbm>>
        %dma_start3A_50 = arith.constant 0 : i32
        %dma_start3A_51 = tpu.memref_slice %arg10[%mul3A_22, %dma_start3A_50] : memref<10112x128xf32, #tpu.memory_space<vmem_shared>> -> memref<624x128xf32, #tpu.memory_space<vmem_shared>>
        tpu.enqueue_dma source(%dma_start3A_51 : memref<624x128xf32, #tpu.memory_space<vmem_shared>>) target(%dma_start3A_49 : memref<624x128xf32, #tpu.memory_space<hbm>>) target_semaphore(%run_scoped3A : memref<!tpu.dma_semaphore, #tpu.memory_space<semaphore_mem>>)
        %dma_wait3A = arith.constant 0 : i32
        %dma_wait3A_52 = tpu.memref_slice %arg9[%mul3A_22, %dma_wait3A] : memref<10000x128xf32, #tpu.memory_space<hbm>> -> memref<624x128xf32, #tpu.memory_space<hbm>>
        %dma_wait3A_53 = arith.constant 0 : i32
        %dma_wait3A_54 = tpu.memref_slice %arg10[%mul3A_22, %dma_wait3A_53] : memref<10112x128xf32, #tpu.memory_space<vmem_shared>> -> memref<624x128xf32, #tpu.memory_space<vmem_shared>>
        tpu.wait_dma2 semaphore(%run_scoped3A : memref<!tpu.dma_semaphore, #tpu.memory_space<semaphore_mem>>) src(%dma_wait3A_54 : memref<624x128xf32, #tpu.memory_space<vmem_shared>>) dst(%dma_wait3A_52 : memref<624x128xf32, #tpu.memory_space<hbm>>)
        tpu.yield
      }) : () -> ()
    } else {
    }
    %eq3A_43 = arith.constant 1 : i32
    %eq3A_44 = arith.cmpi eq, %arg0, %eq3A_43 : i32
    %and3A_45 = arith.andi %eq3A_44, %eq3A_1 : i1
    %convert_element_type3A_46 = arith.extui %and3A_45 : i1 to i32
    %cond3A_47 = arith.constant 0 : i32
    %cond3A_48 = arith.cmpi ne, %convert_element_type3A_46, %cond3A_47 : i32
    scf.if %cond3A_48 {
      "tpu.region"() ({
        %run_scoped3A = tpu.sem_alloc : memref<!tpu.dma_semaphore, #tpu.memory_space<semaphore_mem>>
        %dma_start3A = arith.constant 0 : i32
        %dma_start3A_49 = tpu.memref_slice %arg9[%mul3A_22, %dma_start3A] : memref<10000x128xf32, #tpu.memory_space<hbm>> -> memref<640x128xf32, #tpu.memory_space<hbm>>
        %dma_start3A_50 = arith.constant 0 : i32
        %dma_start3A_51 = tpu.memref_slice %arg10[%mul3A_22, %dma_start3A_50] : memref<10112x128xf32, #tpu.memory_space<vmem_shared>> -> memref<640x128xf32, #tpu.memory_space<vmem_shared>>
        tpu.enqueue_dma source(%dma_start3A_51 : memref<640x128xf32, #tpu.memory_space<vmem_shared>>) target(%dma_start3A_49 : memref<640x128xf32, #tpu.memory_space<hbm>>) target_semaphore(%run_scoped3A : memref<!tpu.dma_semaphore, #tpu.memory_space<semaphore_mem>>)
        %dma_wait3A = arith.constant 0 : i32
        %dma_wait3A_52 = tpu.memref_slice %arg9[%mul3A_22, %dma_wait3A] : memref<10000x128xf32, #tpu.memory_space<hbm>> -> memref<640x128xf32, #tpu.memory_space<hbm>>
        %dma_wait3A_53 = arith.constant 0 : i32
        %dma_wait3A_54 = tpu.memref_slice %arg10[%mul3A_22, %dma_wait3A_53] : memref<10112x128xf32, #tpu.memory_space<vmem_shared>> -> memref<640x128xf32, #tpu.memory_space<vmem_shared>>
        tpu.wait_dma2 semaphore(%run_scoped3A : memref<!tpu.dma_semaphore, #tpu.memory_space<semaphore_mem>>) src(%dma_wait3A_54 : memref<640x128xf32, #tpu.memory_space<vmem_shared>>) dst(%dma_wait3A_52 : memref<640x128xf32, #tpu.memory_space<hbm>>)
        tpu.yield
      }) : () -> ()
    } else {
    }
    return
  }
}

#map = affine_map<(d0, d1) -> (0, 0)>
#map1 = affine_map<(d0, d1) -> (0, 0, 0)>
module attributes {stable_mosaic.version = 14 : i64} {
  func.func @_segsum_body(%arg0: i32, %arg1: i32, %arg2: memref<10000x128xf32, #tpu.memory_space<hbm>>, %arg3: memref<10000x128xf32, #tpu.memory_space<hbm>>, %arg4: memref<10000x128xf32, #tpu.memory_space<hbm>>, %arg5: memref<10000x128xf32, #tpu.memory_space<hbm>>, %arg6: memref<16x79x128xi32, #tpu.memory_space<hbm>>, %arg7: memref<16x79x128xi32, #tpu.memory_space<hbm>>, %arg8: memref<10000x128xf32, #tpu.memory_space<hbm>>, %arg9: memref<10000x128xf32, #tpu.memory_space<hbm>>, %arg10: memref<10112x128xf32, #tpu.memory_space<vmem_shared>>, %arg11: memref<79x128xi32, #tpu.memory_space<vmem>>, %arg12: memref<79x128xi32, #tpu.memory_space<vmem>>, %arg13: memref<128x128xf32, #tpu.memory_space<vmem>>, %arg14: memref<!tpu.dma_semaphore, #tpu.memory_space<semaphore_mem>>) attributes {dimension_semantics = [#tpu.dimension_semantics<core_parallel>, #tpu.dimension_semantics<subcore_parallel>], iteration_bounds = array<i64: 2, 16>, scalar_prefetch = 0 : i64, scratch_operands = 5 : i64, tpu.core_type = #tpu.core_type<sc_vector_subcore>, window_params = [{transform_indices = #map}, {transform_indices = #map}, {transform_indices = #map}, {transform_indices = #map}, {transform_indices = #map1}, {transform_indices = #map1}, {transform_indices = #map}, {transform_indices = #map}]} {
    %mul3A = arith.constant 624 : i32
    %mul3A_0 = arith.muli %arg1, %mul3A : i32
    %eq3A = arith.constant 15 : i32
    %eq3A_1 = arith.cmpi eq, %arg1, %eq3A : i32
    %eq3A_2 = arith.constant 0 : i32
    %eq3A_3 = arith.cmpi eq, %arg0, %eq3A_2 : i32
    %convert_element_type3A = arith.extui %eq3A_3 : i1 to i32
    %cond3A = arith.constant 0 : i32
    %cond3A_4 = arith.cmpi ne, %convert_element_type3A, %cond3A : i32
    scf.if %cond3A_4 {
      %not3A_49 = arith.constant true
      %not3A_50 = arith.xori %eq3A_1, %not3A_49 : i1
      %convert_element_type3A_51 = arith.extui %not3A_50 : i1 to i32
      %cond3A_52 = arith.constant 0 : i32
      %cond3A_53 = arith.cmpi ne, %convert_element_type3A_51, %cond3A_52 : i32
      scf.if %cond3A_53 {
        "tpu.region"() ({
          %run_scoped3A = tpu.sem_alloc : memref<!tpu.dma_semaphore, #tpu.memory_space<semaphore_mem>>
          %dma_start3A = arith.constant 0 : i32
          %dma_start3A_57 = tpu.memref_slice %arg10[%mul3A_0, %dma_start3A] : memref<10112x128xf32, #tpu.memory_space<vmem_shared>> -> memref<624x128xf32, #tpu.memory_space<vmem_shared>>
          %dma_start3A_58 = arith.constant 0 : i32
          %dma_start3A_59 = tpu.memref_slice %arg4[%mul3A_0, %dma_start3A_58] : memref<10000x128xf32, #tpu.memory_space<hbm>> -> memref<624x128xf32, #tpu.memory_space<hbm>>
          tpu.enqueue_dma source(%dma_start3A_59 : memref<624x128xf32, #tpu.memory_space<hbm>>) target(%dma_start3A_57 : memref<624x128xf32, #tpu.memory_space<vmem_shared>>) target_semaphore(%run_scoped3A : memref<!tpu.dma_semaphore, #tpu.memory_space<semaphore_mem>>)
          %dma_wait3A = arith.constant 0 : i32
          %dma_wait3A_60 = tpu.memref_slice %arg10[%mul3A_0, %dma_wait3A] : memref<10112x128xf32, #tpu.memory_space<vmem_shared>> -> memref<624x128xf32, #tpu.memory_space<vmem_shared>>
          %dma_wait3A_61 = arith.constant 0 : i32
          %dma_wait3A_62 = tpu.memref_slice %arg4[%mul3A_0, %dma_wait3A_61] : memref<10000x128xf32, #tpu.memory_space<hbm>> -> memref<624x128xf32, #tpu.memory_space<hbm>>
          tpu.wait_dma2 semaphore(%run_scoped3A : memref<!tpu.dma_semaphore, #tpu.memory_space<semaphore_mem>>) src(%dma_wait3A_62 : memref<624x128xf32, #tpu.memory_space<hbm>>) dst(%dma_wait3A_60 : memref<624x128xf32, #tpu.memory_space<vmem_shared>>)
          tpu.yield
        }) : () -> ()
      } else {
      }
      %convert_element_type3A_54 = arith.extui %eq3A_1 : i1 to i32
      %cond3A_55 = arith.constant 0 : i32
      %cond3A_56 = arith.cmpi ne, %convert_element_type3A_54, %cond3A_55 : i32
      scf.if %cond3A_56 {
        "tpu.region"() ({
          %run_scoped3A = tpu.sem_alloc : memref<!tpu.dma_semaphore, #tpu.memory_space<semaphore_mem>>
          %dma_start3A = arith.constant 0 : i32
          %dma_start3A_58 = tpu.memref_slice %arg10[%mul3A_0, %dma_start3A] : memref<10112x128xf32, #tpu.memory_space<vmem_shared>> -> memref<640x128xf32, #tpu.memory_space<vmem_shared>>
          %dma_start3A_59 = arith.constant 0 : i32
          %dma_start3A_60 = tpu.memref_slice %arg4[%mul3A_0, %dma_start3A_59] : memref<10000x128xf32, #tpu.memory_space<hbm>> -> memref<640x128xf32, #tpu.memory_space<hbm>>
          tpu.enqueue_dma source(%dma_start3A_60 : memref<640x128xf32, #tpu.memory_space<hbm>>) target(%dma_start3A_58 : memref<640x128xf32, #tpu.memory_space<vmem_shared>>) target_semaphore(%run_scoped3A : memref<!tpu.dma_semaphore, #tpu.memory_space<semaphore_mem>>)
          %dma_wait3A = arith.constant 0 : i32
          %dma_wait3A_61 = tpu.memref_slice %arg10[%mul3A_0, %dma_wait3A] : memref<10112x128xf32, #tpu.memory_space<vmem_shared>> -> memref<640x128xf32, #tpu.memory_space<vmem_shared>>
          %dma_wait3A_62 = arith.constant 0 : i32
          %dma_wait3A_63 = tpu.memref_slice %arg4[%mul3A_0, %dma_wait3A_62] : memref<10000x128xf32, #tpu.memory_space<hbm>> -> memref<640x128xf32, #tpu.memory_space<hbm>>
          tpu.wait_dma2 semaphore(%run_scoped3A : memref<!tpu.dma_semaphore, #tpu.memory_space<semaphore_mem>>) src(%dma_wait3A_63 : memref<640x128xf32, #tpu.memory_space<hbm>>) dst(%dma_wait3A_61 : memref<640x128xf32, #tpu.memory_space<vmem_shared>>)
          tpu.yield
        }) : () -> ()
        %add3A = arith.constant 640 : i32
        %add3A_57 = arith.addi %mul3A_0, %add3A : i32
        "tpu.region"() ({
          %run_scoped3A = tpu.sem_alloc : memref<!tpu.dma_semaphore, #tpu.memory_space<semaphore_mem>>
          %dma_start3A = arith.constant 0 : i32
          %dma_start3A_58 = tpu.memref_slice %arg10[%add3A_57, %dma_start3A] : memref<10112x128xf32, #tpu.memory_space<vmem_shared>> -> memref<112x128xf32, #tpu.memory_space<vmem_shared>>
          %dma_start3A_59 = arith.constant 0 : i32
          %dma_start3A_60 = arith.constant 0 : i32
          %dma_start3A_61 = tpu.memref_slice %arg4[%dma_start3A_59, %dma_start3A_60] : memref<10000x128xf32, #tpu.memory_space<hbm>> -> memref<112x128xf32, #tpu.memory_space<hbm>>
          tpu.enqueue_dma source(%dma_start3A_61 : memref<112x128xf32, #tpu.memory_space<hbm>>) target(%dma_start3A_58 : memref<112x128xf32, #tpu.memory_space<vmem_shared>>) target_semaphore(%run_scoped3A : memref<!tpu.dma_semaphore, #tpu.memory_space<semaphore_mem>>)
          %dma_wait3A = arith.constant 0 : i32
          %dma_wait3A_62 = tpu.memref_slice %arg10[%add3A_57, %dma_wait3A] : memref<10112x128xf32, #tpu.memory_space<vmem_shared>> -> memref<112x128xf32, #tpu.memory_space<vmem_shared>>
          %dma_wait3A_63 = arith.constant 0 : i32
          %dma_wait3A_64 = arith.constant 0 : i32
          %dma_wait3A_65 = tpu.memref_slice %arg4[%dma_wait3A_63, %dma_wait3A_64] : memref<10000x128xf32, #tpu.memory_space<hbm>> -> memref<112x128xf32, #tpu.memory_space<hbm>>
          tpu.wait_dma2 semaphore(%run_scoped3A : memref<!tpu.dma_semaphore, #tpu.memory_space<semaphore_mem>>) src(%dma_wait3A_65 : memref<112x128xf32, #tpu.memory_space<hbm>>) dst(%dma_wait3A_62 : memref<112x128xf32, #tpu.memory_space<vmem_shared>>)
          tpu.yield
        }) : () -> ()
      } else {
      }
    } else {
    }
    %eq3A_5 = arith.constant 1 : i32
    %eq3A_6 = arith.cmpi eq, %arg0, %eq3A_5 : i32
    %convert_element_type3A_7 = arith.extui %eq3A_6 : i1 to i32
    %cond3A_8 = arith.constant 0 : i32
    %cond3A_9 = arith.cmpi ne, %convert_element_type3A_7, %cond3A_8 : i32
    scf.if %cond3A_9 {
      %not3A_49 = arith.constant true
      %not3A_50 = arith.xori %eq3A_1, %not3A_49 : i1
      %convert_element_type3A_51 = arith.extui %not3A_50 : i1 to i32
      %cond3A_52 = arith.constant 0 : i32
      %cond3A_53 = arith.cmpi ne, %convert_element_type3A_51, %cond3A_52 : i32
      scf.if %cond3A_53 {
        "tpu.region"() ({
          %run_scoped3A = tpu.sem_alloc : memref<!tpu.dma_semaphore, #tpu.memory_space<semaphore_mem>>
          %dma_start3A = arith.constant 0 : i32
          %dma_start3A_57 = tpu.memref_slice %arg10[%mul3A_0, %dma_start3A] : memref<10112x128xf32, #tpu.memory_space<vmem_shared>> -> memref<624x128xf32, #tpu.memory_space<vmem_shared>>
          %dma_start3A_58 = arith.constant 0 : i32
          %dma_start3A_59 = tpu.memref_slice %arg5[%mul3A_0, %dma_start3A_58] : memref<10000x128xf32, #tpu.memory_space<hbm>> -> memref<624x128xf32, #tpu.memory_space<hbm>>
          tpu.enqueue_dma source(%dma_start3A_59 : memref<624x128xf32, #tpu.memory_space<hbm>>) target(%dma_start3A_57 : memref<624x128xf32, #tpu.memory_space<vmem_shared>>) target_semaphore(%run_scoped3A : memref<!tpu.dma_semaphore, #tpu.memory_space<semaphore_mem>>)
          %dma_wait3A = arith.constant 0 : i32
          %dma_wait3A_60 = tpu.memref_slice %arg10[%mul3A_0, %dma_wait3A] : memref<10112x128xf32, #tpu.memory_space<vmem_shared>> -> memref<624x128xf32, #tpu.memory_space<vmem_shared>>
          %dma_wait3A_61 = arith.constant 0 : i32
          %dma_wait3A_62 = tpu.memref_slice %arg5[%mul3A_0, %dma_wait3A_61] : memref<10000x128xf32, #tpu.memory_space<hbm>> -> memref<624x128xf32, #tpu.memory_space<hbm>>
          tpu.wait_dma2 semaphore(%run_scoped3A : memref<!tpu.dma_semaphore, #tpu.memory_space<semaphore_mem>>) src(%dma_wait3A_62 : memref<624x128xf32, #tpu.memory_space<hbm>>) dst(%dma_wait3A_60 : memref<624x128xf32, #tpu.memory_space<vmem_shared>>)
          tpu.yield
        }) : () -> ()
      } else {
      }
      %convert_element_type3A_54 = arith.extui %eq3A_1 : i1 to i32
      %cond3A_55 = arith.constant 0 : i32
      %cond3A_56 = arith.cmpi ne, %convert_element_type3A_54, %cond3A_55 : i32
      scf.if %cond3A_56 {
        "tpu.region"() ({
          %run_scoped3A = tpu.sem_alloc : memref<!tpu.dma_semaphore, #tpu.memory_space<semaphore_mem>>
          %dma_start3A = arith.constant 0 : i32
          %dma_start3A_58 = tpu.memref_slice %arg10[%mul3A_0, %dma_start3A] : memref<10112x128xf32, #tpu.memory_space<vmem_shared>> -> memref<640x128xf32, #tpu.memory_space<vmem_shared>>
          %dma_start3A_59 = arith.constant 0 : i32
          %dma_start3A_60 = tpu.memref_slice %arg5[%mul3A_0, %dma_start3A_59] : memref<10000x128xf32, #tpu.memory_space<hbm>> -> memref<640x128xf32, #tpu.memory_space<hbm>>
          tpu.enqueue_dma source(%dma_start3A_60 : memref<640x128xf32, #tpu.memory_space<hbm>>) target(%dma_start3A_58 : memref<640x128xf32, #tpu.memory_space<vmem_shared>>) target_semaphore(%run_scoped3A : memref<!tpu.dma_semaphore, #tpu.memory_space<semaphore_mem>>)
          %dma_wait3A = arith.constant 0 : i32
          %dma_wait3A_61 = tpu.memref_slice %arg10[%mul3A_0, %dma_wait3A] : memref<10112x128xf32, #tpu.memory_space<vmem_shared>> -> memref<640x128xf32, #tpu.memory_space<vmem_shared>>
          %dma_wait3A_62 = arith.constant 0 : i32
          %dma_wait3A_63 = tpu.memref_slice %arg5[%mul3A_0, %dma_wait3A_62] : memref<10000x128xf32, #tpu.memory_space<hbm>> -> memref<640x128xf32, #tpu.memory_space<hbm>>
          tpu.wait_dma2 semaphore(%run_scoped3A : memref<!tpu.dma_semaphore, #tpu.memory_space<semaphore_mem>>) src(%dma_wait3A_63 : memref<640x128xf32, #tpu.memory_space<hbm>>) dst(%dma_wait3A_61 : memref<640x128xf32, #tpu.memory_space<vmem_shared>>)
          tpu.yield
        }) : () -> ()
        %add3A = arith.constant 640 : i32
        %add3A_57 = arith.addi %mul3A_0, %add3A : i32
        "tpu.region"() ({
          %run_scoped3A = tpu.sem_alloc : memref<!tpu.dma_semaphore, #tpu.memory_space<semaphore_mem>>
          %dma_start3A = arith.constant 0 : i32
          %dma_start3A_58 = tpu.memref_slice %arg10[%add3A_57, %dma_start3A] : memref<10112x128xf32, #tpu.memory_space<vmem_shared>> -> memref<112x128xf32, #tpu.memory_space<vmem_shared>>
          %dma_start3A_59 = arith.constant 0 : i32
          %dma_start3A_60 = arith.constant 0 : i32
          %dma_start3A_61 = tpu.memref_slice %arg5[%dma_start3A_59, %dma_start3A_60] : memref<10000x128xf32, #tpu.memory_space<hbm>> -> memref<112x128xf32, #tpu.memory_space<hbm>>
          tpu.enqueue_dma source(%dma_start3A_61 : memref<112x128xf32, #tpu.memory_space<hbm>>) target(%dma_start3A_58 : memref<112x128xf32, #tpu.memory_space<vmem_shared>>) target_semaphore(%run_scoped3A : memref<!tpu.dma_semaphore, #tpu.memory_space<semaphore_mem>>)
          %dma_wait3A = arith.constant 0 : i32
          %dma_wait3A_62 = tpu.memref_slice %arg10[%add3A_57, %dma_wait3A] : memref<10112x128xf32, #tpu.memory_space<vmem_shared>> -> memref<112x128xf32, #tpu.memory_space<vmem_shared>>
          %dma_wait3A_63 = arith.constant 0 : i32
          %dma_wait3A_64 = arith.constant 0 : i32
          %dma_wait3A_65 = tpu.memref_slice %arg5[%dma_wait3A_63, %dma_wait3A_64] : memref<10000x128xf32, #tpu.memory_space<hbm>> -> memref<112x128xf32, #tpu.memory_space<hbm>>
          tpu.wait_dma2 semaphore(%run_scoped3A : memref<!tpu.dma_semaphore, #tpu.memory_space<semaphore_mem>>) src(%dma_wait3A_65 : memref<112x128xf32, #tpu.memory_space<hbm>>) dst(%dma_wait3A_62 : memref<112x128xf32, #tpu.memory_space<vmem_shared>>)
          tpu.yield
        }) : () -> ()
      } else {
      }
    } else {
    }
    "tpu.region"() ({
      %run_scoped3A = tpu.sem_alloc : memref<!tpu.dma_semaphore, #tpu.memory_space<semaphore_mem>>
      %dma_start3A = arith.constant 0 : i32
      %dma_start3A_49 = arith.constant 0 : i32
      %dma_start3A_50 = tpu.memref_slice %arg6[%arg1, %dma_start3A, %dma_start3A_49] : memref<16x79x128xi32, #tpu.memory_space<hbm>> -> memref<1x79x128xi32, #tpu.memory_space<hbm>>
      %dma_start3A_51 = tpu.memref_squeeze %dma_start3A_50 : memref<1x79x128xi32, #tpu.memory_space<hbm>> -> memref<79x128xi32, #tpu.memory_space<hbm>>
      %dma_start3A_52 = arith.constant 0 : i32
      %dma_start3A_53 = arith.constant 0 : i32
      %dma_start3A_54 = tpu.memref_slice %arg6[%arg1, %dma_start3A_52, %dma_start3A_53] : memref<16x79x128xi32, #tpu.memory_space<hbm>> -> memref<1x79x128xi32, #tpu.memory_space<hbm>>
      %dma_start3A_55 = tpu.memref_squeeze %dma_start3A_54 : memref<1x79x128xi32, #tpu.memory_space<hbm>> -> memref<79x128xi32, #tpu.memory_space<hbm>>
      tpu.enqueue_dma source(%dma_start3A_55 : memref<79x128xi32, #tpu.memory_space<hbm>>) target(%arg11 : memref<79x128xi32, #tpu.memory_space<vmem>>) target_semaphore(%run_scoped3A : memref<!tpu.dma_semaphore, #tpu.memory_space<semaphore_mem>>)
      %dma_wait3A = arith.constant 0 : i32
      %dma_wait3A_56 = arith.constant 0 : i32
      %dma_wait3A_57 = tpu.memref_slice %arg6[%arg1, %dma_wait3A, %dma_wait3A_56] : memref<16x79x128xi32, #tpu.memory_space<hbm>> -> memref<1x79x128xi32, #tpu.memory_space<hbm>>
      %dma_wait3A_58 = tpu.memref_squeeze %dma_wait3A_57 : memref<1x79x128xi32, #tpu.memory_space<hbm>> -> memref<79x128xi32, #tpu.memory_space<hbm>>
      %dma_wait3A_59 = arith.constant 0 : i32
      %dma_wait3A_60 = arith.constant 0 : i32
      %dma_wait3A_61 = tpu.memref_slice %arg6[%arg1, %dma_wait3A_59, %dma_wait3A_60] : memref<16x79x128xi32, #tpu.memory_space<hbm>> -> memref<1x79x128xi32, #tpu.memory_space<hbm>>
      %dma_wait3A_62 = tpu.memref_squeeze %dma_wait3A_61 : memref<1x79x128xi32, #tpu.memory_space<hbm>> -> memref<79x128xi32, #tpu.memory_space<hbm>>
      tpu.wait_dma2 semaphore(%run_scoped3A : memref<!tpu.dma_semaphore, #tpu.memory_space<semaphore_mem>>) src(%dma_wait3A_62 : memref<79x128xi32, #tpu.memory_space<hbm>>) dst(%arg11 : memref<79x128xi32, #tpu.memory_space<vmem>>)
      tpu.yield
    }) : () -> ()
    "tpu.region"() ({
      %run_scoped3A = tpu.sem_alloc : memref<!tpu.dma_semaphore, #tpu.memory_space<semaphore_mem>>
      %dma_start3A = arith.constant 0 : i32
      %dma_start3A_49 = arith.constant 0 : i32
      %dma_start3A_50 = tpu.memref_slice %arg7[%arg1, %dma_start3A, %dma_start3A_49] : memref<16x79x128xi32, #tpu.memory_space<hbm>> -> memref<1x79x128xi32, #tpu.memory_space<hbm>>
      %dma_start3A_51 = tpu.memref_squeeze %dma_start3A_50 : memref<1x79x128xi32, #tpu.memory_space<hbm>> -> memref<79x128xi32, #tpu.memory_space<hbm>>
      %dma_start3A_52 = arith.constant 0 : i32
      %dma_start3A_53 = arith.constant 0 : i32
      %dma_start3A_54 = tpu.memref_slice %arg7[%arg1, %dma_start3A_52, %dma_start3A_53] : memref<16x79x128xi32, #tpu.memory_space<hbm>> -> memref<1x79x128xi32, #tpu.memory_space<hbm>>
      %dma_start3A_55 = tpu.memref_squeeze %dma_start3A_54 : memref<1x79x128xi32, #tpu.memory_space<hbm>> -> memref<79x128xi32, #tpu.memory_space<hbm>>
      tpu.enqueue_dma source(%dma_start3A_55 : memref<79x128xi32, #tpu.memory_space<hbm>>) target(%arg12 : memref<79x128xi32, #tpu.memory_space<vmem>>) target_semaphore(%run_scoped3A : memref<!tpu.dma_semaphore, #tpu.memory_space<semaphore_mem>>)
      %dma_wait3A = arith.constant 0 : i32
      %dma_wait3A_56 = arith.constant 0 : i32
      %dma_wait3A_57 = tpu.memref_slice %arg7[%arg1, %dma_wait3A, %dma_wait3A_56] : memref<16x79x128xi32, #tpu.memory_space<hbm>> -> memref<1x79x128xi32, #tpu.memory_space<hbm>>
      %dma_wait3A_58 = tpu.memref_squeeze %dma_wait3A_57 : memref<1x79x128xi32, #tpu.memory_space<hbm>> -> memref<79x128xi32, #tpu.memory_space<hbm>>
      %dma_wait3A_59 = arith.constant 0 : i32
      %dma_wait3A_60 = arith.constant 0 : i32
      %dma_wait3A_61 = tpu.memref_slice %arg7[%arg1, %dma_wait3A_59, %dma_wait3A_60] : memref<16x79x128xi32, #tpu.memory_space<hbm>> -> memref<1x79x128xi32, #tpu.memory_space<hbm>>
      %dma_wait3A_62 = tpu.memref_squeeze %dma_wait3A_61 : memref<1x79x128xi32, #tpu.memory_space<hbm>> -> memref<79x128xi32, #tpu.memory_space<hbm>>
      tpu.wait_dma2 semaphore(%run_scoped3A : memref<!tpu.dma_semaphore, #tpu.memory_space<semaphore_mem>>) src(%dma_wait3A_62 : memref<79x128xi32, #tpu.memory_space<hbm>>) dst(%arg12 : memref<79x128xi32, #tpu.memory_space<vmem>>)
      tpu.yield
    }) : () -> ()
    %barrier3A = arith.constant 0 : index
    tpu.barrier barrier_id(%barrier3A)
    %eq3A_10 = arith.constant 0 : i32
    %eq3A_11 = arith.cmpi eq, %arg0, %eq3A_10 : i32
    %convert_element_type3A_12 = arith.extui %eq3A_11 : i1 to i32
    %cond3A_13 = arith.constant 0 : i32
    %cond3A_14 = arith.cmpi ne, %convert_element_type3A_12, %cond3A_13 : i32
    scf.if %cond3A_14 {
      %scan3A = arith.constant 0 : i32
      %scan3A_49 = arith.constant 0 : i32
      %scan3A_50 = arith.constant 79 : i32
      %scan3A_51 = arith.addi %scan3A_49, %scan3A_50 : i32
      %scan3A_52 = arith.constant 1 : i32
      scf.for %scan3A_54 = %scan3A_49 to %scan3A_51 step %scan3A_52  : i32 {
        %dma_start3A = arith.constant 0 : i32
        %dma_start3A_55 = tpu.memref_slice %arg11[%scan3A_54, %dma_start3A] : memref<79x128xi32, #tpu.memory_space<vmem>> -> memref<1x128xi32, #tpu.memory_space<vmem>>
        %dma_start3A_56 = tpu.memref_squeeze %dma_start3A_55 : memref<1x128xi32, #tpu.memory_space<vmem>> -> memref<128xi32, #tpu.memory_space<vmem>>
        %dma_start3A_57 = arith.constant 0 : i32
        %dma_start3A_58 = arith.constant 0 : i32
        %dma_start3A_59 = tpu.memref_slice %arg2[%dma_start3A_57, %dma_start3A_58] : memref<10000x128xf32, #tpu.memory_space<hbm>> -> memref<10000x128xf32, #tpu.memory_space<hbm>>
        tpu.enqueue_indirect_dma source(%dma_start3A_59 : memref<10000x128xf32, #tpu.memory_space<hbm>>) target(%arg13 : memref<128x128xf32, #tpu.memory_space<vmem>>) offsets(%dma_start3A_56 : memref<128xi32, #tpu.memory_space<vmem>>) semaphore(%arg14 : memref<!tpu.dma_semaphore, #tpu.memory_space<semaphore_mem>>)
        %dma_wait3A = arith.constant 0 : i32
        %dma_wait3A_60 = tpu.memref_slice %arg11[%scan3A_54, %dma_wait3A] : memref<79x128xi32, #tpu.memory_space<vmem>> -> memref<1x128xi32, #tpu.memory_space<vmem>>
        %dma_wait3A_61 = tpu.memref_squeeze %dma_wait3A_60 : memref<1x128xi32, #tpu.memory_space<vmem>> -> memref<128xi32, #tpu.memory_space<vmem>>
        %dma_wait3A_62 = arith.constant 0 : i32
        %dma_wait3A_63 = arith.constant 0 : i32
        %dma_wait3A_64 = tpu.memref_slice %arg2[%dma_wait3A_62, %dma_wait3A_63] : memref<10000x128xf32, #tpu.memory_space<hbm>> -> memref<10000x128xf32, #tpu.memory_space<hbm>>
        tpu.wait_indirect_dma semaphore(%arg14 : memref<!tpu.dma_semaphore, #tpu.memory_space<semaphore_mem>>) src(%dma_wait3A_64 : memref<10000x128xf32, #tpu.memory_space<hbm>>) dst(%arg13 : memref<128x128xf32, #tpu.memory_space<vmem>>)
        "tpu.region"() ({
          %run_scoped3A = tpu.sem_alloc : memref<!tpu.dma_semaphore, #tpu.memory_space<semaphore_mem>>
          %dma_start3A_65 = arith.constant 0 : i32
          %dma_start3A_66 = tpu.memref_slice %arg12[%scan3A_54, %dma_start3A_65] : memref<79x128xi32, #tpu.memory_space<vmem>> -> memref<1x128xi32, #tpu.memory_space<vmem>>
          %dma_start3A_67 = tpu.memref_squeeze %dma_start3A_66 : memref<1x128xi32, #tpu.memory_space<vmem>> -> memref<128xi32, #tpu.memory_space<vmem>>
          %dma_start3A_68 = arith.constant 0 : i32
          %dma_start3A_69 = arith.constant 0 : i32
          %dma_start3A_70 = tpu.memref_slice %arg10[%dma_start3A_68, %dma_start3A_69] : memref<10112x128xf32, #tpu.memory_space<vmem_shared>> -> memref<10112x128xf32, #tpu.memory_space<vmem_shared>>
          tpu.enqueue_indirect_dma source(%arg13 : memref<128x128xf32, #tpu.memory_space<vmem>>) target(%dma_start3A_70 : memref<10112x128xf32, #tpu.memory_space<vmem_shared>>) offsets(%dma_start3A_67 : memref<128xi32, #tpu.memory_space<vmem>>) semaphore(%run_scoped3A : memref<!tpu.dma_semaphore, #tpu.memory_space<semaphore_mem>>) {add = true}
          %dma_wait3A_71 = arith.constant 0 : i32
          %dma_wait3A_72 = tpu.memref_slice %arg12[%scan3A_54, %dma_wait3A_71] : memref<79x128xi32, #tpu.memory_space<vmem>> -> memref<1x128xi32, #tpu.memory_space<vmem>>
          %dma_wait3A_73 = tpu.memref_squeeze %dma_wait3A_72 : memref<1x128xi32, #tpu.memory_space<vmem>> -> memref<128xi32, #tpu.memory_space<vmem>>
          %dma_wait3A_74 = arith.constant 0 : i32
          %dma_wait3A_75 = arith.constant 0 : i32
          %dma_wait3A_76 = tpu.memref_slice %arg10[%dma_wait3A_74, %dma_wait3A_75] : memref<10112x128xf32, #tpu.memory_space<vmem_shared>> -> memref<10112x128xf32, #tpu.memory_space<vmem_shared>>
          tpu.wait_indirect_dma semaphore(%run_scoped3A : memref<!tpu.dma_semaphore, #tpu.memory_space<semaphore_mem>>) src(%arg13 : memref<128x128xf32, #tpu.memory_space<vmem>>) dst(%dma_wait3A_76 : memref<10112x128xf32, #tpu.memory_space<vmem_shared>>)
          tpu.yield
        }) : () -> ()
      }
      %scan3A_53 = arith.constant 79 : i32
    } else {
    }
    %eq3A_15 = arith.constant 1 : i32
    %eq3A_16 = arith.cmpi eq, %arg0, %eq3A_15 : i32
    %convert_element_type3A_17 = arith.extui %eq3A_16 : i1 to i32
    %cond3A_18 = arith.constant 0 : i32
    %cond3A_19 = arith.cmpi ne, %convert_element_type3A_17, %cond3A_18 : i32
    scf.if %cond3A_19 {
      %scan3A = arith.constant 0 : i32
      %scan3A_49 = arith.constant 0 : i32
      %scan3A_50 = arith.constant 79 : i32
      %scan3A_51 = arith.addi %scan3A_49, %scan3A_50 : i32
      %scan3A_52 = arith.constant 1 : i32
      scf.for %scan3A_54 = %scan3A_49 to %scan3A_51 step %scan3A_52  : i32 {
        %dma_start3A = arith.constant 0 : i32
        %dma_start3A_55 = tpu.memref_slice %arg11[%scan3A_54, %dma_start3A] : memref<79x128xi32, #tpu.memory_space<vmem>> -> memref<1x128xi32, #tpu.memory_space<vmem>>
        %dma_start3A_56 = tpu.memref_squeeze %dma_start3A_55 : memref<1x128xi32, #tpu.memory_space<vmem>> -> memref<128xi32, #tpu.memory_space<vmem>>
        %dma_start3A_57 = arith.constant 0 : i32
        %dma_start3A_58 = arith.constant 0 : i32
        %dma_start3A_59 = tpu.memref_slice %arg3[%dma_start3A_57, %dma_start3A_58] : memref<10000x128xf32, #tpu.memory_space<hbm>> -> memref<10000x128xf32, #tpu.memory_space<hbm>>
        tpu.enqueue_indirect_dma source(%dma_start3A_59 : memref<10000x128xf32, #tpu.memory_space<hbm>>) target(%arg13 : memref<128x128xf32, #tpu.memory_space<vmem>>) offsets(%dma_start3A_56 : memref<128xi32, #tpu.memory_space<vmem>>) semaphore(%arg14 : memref<!tpu.dma_semaphore, #tpu.memory_space<semaphore_mem>>)
        %dma_wait3A = arith.constant 0 : i32
        %dma_wait3A_60 = tpu.memref_slice %arg11[%scan3A_54, %dma_wait3A] : memref<79x128xi32, #tpu.memory_space<vmem>> -> memref<1x128xi32, #tpu.memory_space<vmem>>
        %dma_wait3A_61 = tpu.memref_squeeze %dma_wait3A_60 : memref<1x128xi32, #tpu.memory_space<vmem>> -> memref<128xi32, #tpu.memory_space<vmem>>
        %dma_wait3A_62 = arith.constant 0 : i32
        %dma_wait3A_63 = arith.constant 0 : i32
        %dma_wait3A_64 = tpu.memref_slice %arg3[%dma_wait3A_62, %dma_wait3A_63] : memref<10000x128xf32, #tpu.memory_space<hbm>> -> memref<10000x128xf32, #tpu.memory_space<hbm>>
        tpu.wait_indirect_dma semaphore(%arg14 : memref<!tpu.dma_semaphore, #tpu.memory_space<semaphore_mem>>) src(%dma_wait3A_64 : memref<10000x128xf32, #tpu.memory_space<hbm>>) dst(%arg13 : memref<128x128xf32, #tpu.memory_space<vmem>>)
        "tpu.region"() ({
          %run_scoped3A = tpu.sem_alloc : memref<!tpu.dma_semaphore, #tpu.memory_space<semaphore_mem>>
          %dma_start3A_65 = arith.constant 0 : i32
          %dma_start3A_66 = tpu.memref_slice %arg12[%scan3A_54, %dma_start3A_65] : memref<79x128xi32, #tpu.memory_space<vmem>> -> memref<1x128xi32, #tpu.memory_space<vmem>>
          %dma_start3A_67 = tpu.memref_squeeze %dma_start3A_66 : memref<1x128xi32, #tpu.memory_space<vmem>> -> memref<128xi32, #tpu.memory_space<vmem>>
          %dma_start3A_68 = arith.constant 0 : i32
          %dma_start3A_69 = arith.constant 0 : i32
          %dma_start3A_70 = tpu.memref_slice %arg10[%dma_start3A_68, %dma_start3A_69] : memref<10112x128xf32, #tpu.memory_space<vmem_shared>> -> memref<10112x128xf32, #tpu.memory_space<vmem_shared>>
          tpu.enqueue_indirect_dma source(%arg13 : memref<128x128xf32, #tpu.memory_space<vmem>>) target(%dma_start3A_70 : memref<10112x128xf32, #tpu.memory_space<vmem_shared>>) offsets(%dma_start3A_67 : memref<128xi32, #tpu.memory_space<vmem>>) semaphore(%run_scoped3A : memref<!tpu.dma_semaphore, #tpu.memory_space<semaphore_mem>>) {add = true}
          %dma_wait3A_71 = arith.constant 0 : i32
          %dma_wait3A_72 = tpu.memref_slice %arg12[%scan3A_54, %dma_wait3A_71] : memref<79x128xi32, #tpu.memory_space<vmem>> -> memref<1x128xi32, #tpu.memory_space<vmem>>
          %dma_wait3A_73 = tpu.memref_squeeze %dma_wait3A_72 : memref<1x128xi32, #tpu.memory_space<vmem>> -> memref<128xi32, #tpu.memory_space<vmem>>
          %dma_wait3A_74 = arith.constant 0 : i32
          %dma_wait3A_75 = arith.constant 0 : i32
          %dma_wait3A_76 = tpu.memref_slice %arg10[%dma_wait3A_74, %dma_wait3A_75] : memref<10112x128xf32, #tpu.memory_space<vmem_shared>> -> memref<10112x128xf32, #tpu.memory_space<vmem_shared>>
          tpu.wait_indirect_dma semaphore(%run_scoped3A : memref<!tpu.dma_semaphore, #tpu.memory_space<semaphore_mem>>) src(%arg13 : memref<128x128xf32, #tpu.memory_space<vmem>>) dst(%dma_wait3A_76 : memref<10112x128xf32, #tpu.memory_space<vmem_shared>>)
          tpu.yield
        }) : () -> ()
      }
      %scan3A_53 = arith.constant 79 : i32
    } else {
    }
    %barrier3A_20 = arith.constant 0 : index
    tpu.barrier barrier_id(%barrier3A_20)
    %mul3A_21 = arith.constant 624 : i32
    %mul3A_22 = arith.muli %arg1, %mul3A_21 : i32
    %eq3A_23 = arith.constant 0 : i32
    %eq3A_24 = arith.cmpi eq, %arg0, %eq3A_23 : i32
    %not3A = arith.constant true
    %not3A_25 = arith.xori %eq3A_1, %not3A : i1
    %and3A = arith.andi %eq3A_24, %not3A_25 : i1
    %convert_element_type3A_26 = arith.extui %and3A : i1 to i32
    %cond3A_27 = arith.constant 0 : i32
    %cond3A_28 = arith.cmpi ne, %convert_element_type3A_26, %cond3A_27 : i32
    scf.if %cond3A_28 {
      "tpu.region"() ({
        %run_scoped3A = tpu.sem_alloc : memref<!tpu.dma_semaphore, #tpu.memory_space<semaphore_mem>>
        %dma_start3A = arith.constant 0 : i32
        %dma_start3A_49 = tpu.memref_slice %arg8[%mul3A_22, %dma_start3A] : memref<10000x128xf32, #tpu.memory_space<hbm>> -> memref<624x128xf32, #tpu.memory_space<hbm>>
        %dma_start3A_50 = arith.constant 0 : i32
        %dma_start3A_51 = tpu.memref_slice %arg10[%mul3A_22, %dma_start3A_50] : memref<10112x128xf32, #tpu.memory_space<vmem_shared>> -> memref<624x128xf32, #tpu.memory_space<vmem_shared>>
        tpu.enqueue_dma source(%dma_start3A_51 : memref<624x128xf32, #tpu.memory_space<vmem_shared>>) target(%dma_start3A_49 : memref<624x128xf32, #tpu.memory_space<hbm>>) target_semaphore(%run_scoped3A : memref<!tpu.dma_semaphore, #tpu.memory_space<semaphore_mem>>)
        %dma_wait3A = arith.constant 0 : i32
        %dma_wait3A_52 = tpu.memref_slice %arg8[%mul3A_22, %dma_wait3A] : memref<10000x128xf32, #tpu.memory_space<hbm>> -> memref<624x128xf32, #tpu.memory_space<hbm>>
        %dma_wait3A_53 = arith.constant 0 : i32
        %dma_wait3A_54 = tpu.memref_slice %arg10[%mul3A_22, %dma_wait3A_53] : memref<10112x128xf32, #tpu.memory_space<vmem_shared>> -> memref<624x128xf32, #tpu.memory_space<vmem_shared>>
        tpu.wait_dma2 semaphore(%run_scoped3A : memref<!tpu.dma_semaphore, #tpu.memory_space<semaphore_mem>>) src(%dma_wait3A_54 : memref<624x128xf32, #tpu.memory_space<vmem_shared>>) dst(%dma_wait3A_52 : memref<624x128xf32, #tpu.memory_space<hbm>>)
        tpu.yield
      }) : () -> ()
    } else {
    }
    %eq3A_29 = arith.constant 0 : i32
    %eq3A_30 = arith.cmpi eq, %arg0, %eq3A_29 : i32
    %and3A_31 = arith.andi %eq3A_30, %eq3A_1 : i1
    %convert_element_type3A_32 = arith.extui %and3A_31 : i1 to i32
    %cond3A_33 = arith.constant 0 : i32
    %cond3A_34 = arith.cmpi ne, %convert_element_type3A_32, %cond3A_33 : i32
    scf.if %cond3A_34 {
      "tpu.region"() ({
        %run_scoped3A = tpu.sem_alloc : memref<!tpu.dma_semaphore, #tpu.memory_space<semaphore_mem>>
        %dma_start3A = arith.constant 0 : i32
        %dma_start3A_49 = tpu.memref_slice %arg8[%mul3A_22, %dma_start3A] : memref<10000x128xf32, #tpu.memory_space<hbm>> -> memref<640x128xf32, #tpu.memory_space<hbm>>
        %dma_start3A_50 = arith.constant 0 : i32
        %dma_start3A_51 = tpu.memref_slice %arg10[%mul3A_22, %dma_start3A_50] : memref<10112x128xf32, #tpu.memory_space<vmem_shared>> -> memref<640x128xf32, #tpu.memory_space<vmem_shared>>
        tpu.enqueue_dma source(%dma_start3A_51 : memref<640x128xf32, #tpu.memory_space<vmem_shared>>) target(%dma_start3A_49 : memref<640x128xf32, #tpu.memory_space<hbm>>) target_semaphore(%run_scoped3A : memref<!tpu.dma_semaphore, #tpu.memory_space<semaphore_mem>>)
        %dma_wait3A = arith.constant 0 : i32
        %dma_wait3A_52 = tpu.memref_slice %arg8[%mul3A_22, %dma_wait3A] : memref<10000x128xf32, #tpu.memory_space<hbm>> -> memref<640x128xf32, #tpu.memory_space<hbm>>
        %dma_wait3A_53 = arith.constant 0 : i32
        %dma_wait3A_54 = tpu.memref_slice %arg10[%mul3A_22, %dma_wait3A_53] : memref<10112x128xf32, #tpu.memory_space<vmem_shared>> -> memref<640x128xf32, #tpu.memory_space<vmem_shared>>
        tpu.wait_dma2 semaphore(%run_scoped3A : memref<!tpu.dma_semaphore, #tpu.memory_space<semaphore_mem>>) src(%dma_wait3A_54 : memref<640x128xf32, #tpu.memory_space<vmem_shared>>) dst(%dma_wait3A_52 : memref<640x128xf32, #tpu.memory_space<hbm>>)
        tpu.yield
      }) : () -> ()
    } else {
    }
    %eq3A_35 = arith.constant 1 : i32
    %eq3A_36 = arith.cmpi eq, %arg0, %eq3A_35 : i32
    %not3A_37 = arith.constant true
    %not3A_38 = arith.xori %eq3A_1, %not3A_37 : i1
    %and3A_39 = arith.andi %eq3A_36, %not3A_38 : i1
    %convert_element_type3A_40 = arith.extui %and3A_39 : i1 to i32
    %cond3A_41 = arith.constant 0 : i32
    %cond3A_42 = arith.cmpi ne, %convert_element_type3A_40, %cond3A_41 : i32
    scf.if %cond3A_42 {
      "tpu.region"() ({
        %run_scoped3A = tpu.sem_alloc : memref<!tpu.dma_semaphore, #tpu.memory_space<semaphore_mem>>
        %dma_start3A = arith.constant 0 : i32
        %dma_start3A_49 = tpu.memref_slice %arg9[%mul3A_22, %dma_start3A] : memref<10000x128xf32, #tpu.memory_space<hbm>> -> memref<624x128xf32, #tpu.memory_space<hbm>>
        %dma_start3A_50 = arith.constant 0 : i32
        %dma_start3A_51 = tpu.memref_slice %arg10[%mul3A_22, %dma_start3A_50] : memref<10112x128xf32, #tpu.memory_space<vmem_shared>> -> memref<624x128xf32, #tpu.memory_space<vmem_shared>>
        tpu.enqueue_dma source(%dma_start3A_51 : memref<624x128xf32, #tpu.memory_space<vmem_shared>>) target(%dma_start3A_49 : memref<624x128xf32, #tpu.memory_space<hbm>>) target_semaphore(%run_scoped3A : memref<!tpu.dma_semaphore, #tpu.memory_space<semaphore_mem>>)
        %dma_wait3A = arith.constant 0 : i32
        %dma_wait3A_52 = tpu.memref_slice %arg9[%mul3A_22, %dma_wait3A] : memref<10000x128xf32, #tpu.memory_space<hbm>> -> memref<624x128xf32, #tpu.memory_space<hbm>>
        %dma_wait3A_53 = arith.constant 0 : i32
        %dma_wait3A_54 = tpu.memref_slice %arg10[%mul3A_22, %dma_wait3A_53] : memref<10112x128xf32, #tpu.memory_space<vmem_shared>> -> memref<624x128xf32, #tpu.memory_space<vmem_shared>>
        tpu.wait_dma2 semaphore(%run_scoped3A : memref<!tpu.dma_semaphore, #tpu.memory_space<semaphore_mem>>) src(%dma_wait3A_54 : memref<624x128xf32, #tpu.memory_space<vmem_shared>>) dst(%dma_wait3A_52 : memref<624x128xf32, #tpu.memory_space<hbm>>)
        tpu.yield
      }) : () -> ()
    } else {
    }
    %eq3A_43 = arith.constant 1 : i32
    %eq3A_44 = arith.cmpi eq, %arg0, %eq3A_43 : i32
    %and3A_45 = arith.andi %eq3A_44, %eq3A_1 : i1
    %convert_element_type3A_46 = arith.extui %and3A_45 : i1 to i32
    %cond3A_47 = arith.constant 0 : i32
    %cond3A_48 = arith.cmpi ne, %convert_element_type3A_46, %cond3A_47 : i32
    scf.if %cond3A_48 {
      "tpu.region"() ({
        %run_scoped3A = tpu.sem_alloc : memref<!tpu.dma_semaphore, #tpu.memory_space<semaphore_mem>>
        %dma_start3A = arith.constant 0 : i32
        %dma_start3A_49 = tpu.memref_slice %arg9[%mul3A_22, %dma_start3A] : memref<10000x128xf32, #tpu.memory_space<hbm>> -> memref<640x128xf32, #tpu.memory_space<hbm>>
        %dma_start3A_50 = arith.constant 0 : i32
        %dma_start3A_51 = tpu.memref_slice %arg10[%mul3A_22, %dma_start3A_50] : memref<10112x128xf32, #tpu.memory_space<vmem_shared>> -> memref<640x128xf32, #tpu.memory_space<vmem_shared>>
        tpu.enqueue_dma source(%dma_start3A_51 : memref<640x128xf32, #tpu.memory_space<vmem_shared>>) target(%dma_start3A_49 : memref<640x128xf32, #tpu.memory_space<hbm>>) target_semaphore(%run_scoped3A : memref<!tpu.dma_semaphore, #tpu.memory_space<semaphore_mem>>)
        %dma_wait3A = arith.constant 0 : i32
        %dma_wait3A_52 = tpu.memref_slice %arg9[%mul3A_22, %dma_wait3A] : memref<10000x128xf32, #tpu.memory_space<hbm>> -> memref<640x128xf32, #tpu.memory_space<hbm>>
        %dma_wait3A_53 = arith.constant 0 : i32
        %dma_wait3A_54 = tpu.memref_slice %arg10[%mul3A_22, %dma_wait3A_53] : memref<10112x128xf32, #tpu.memory_space<vmem_shared>> -> memref<640x128xf32, #tpu.memory_space<vmem_shared>>
        tpu.wait_dma2 semaphore(%run_scoped3A : memref<!tpu.dma_semaphore, #tpu.memory_space<semaphore_mem>>) src(%dma_wait3A_54 : memref<640x128xf32, #tpu.memory_space<vmem_shared>>) dst(%dma_wait3A_52 : memref<640x128xf32, #tpu.memory_space<hbm>>)
        tpu.yield
      }) : () -> ()
    } else {
    }
    return
  }
}

#map = affine_map<(d0, d1) -> (0, 0)>
#map1 = affine_map<(d0, d1) -> (0, 0, 0)>
module attributes {stable_mosaic.version = 14 : i64} {
  func.func @_segsum_body(%arg0: i32, %arg1: i32, %arg2: memref<10000x128xf32, #tpu.memory_space<hbm>>, %arg3: memref<10000x128xf32, #tpu.memory_space<hbm>>, %arg4: memref<10000x128xf32, #tpu.memory_space<hbm>>, %arg5: memref<10000x128xf32, #tpu.memory_space<hbm>>, %arg6: memref<16x79x128xi32, #tpu.memory_space<hbm>>, %arg7: memref<16x79x128xi32, #tpu.memory_space<hbm>>, %arg8: memref<10000x128xf32, #tpu.memory_space<hbm>>, %arg9: memref<10000x128xf32, #tpu.memory_space<hbm>>, %arg10: memref<10112x128xf32, #tpu.memory_space<vmem_shared>>, %arg11: memref<79x128xi32, #tpu.memory_space<vmem>>, %arg12: memref<79x128xi32, #tpu.memory_space<vmem>>, %arg13: memref<128x128xf32, #tpu.memory_space<vmem>>, %arg14: memref<!tpu.dma_semaphore, #tpu.memory_space<semaphore_mem>>) attributes {dimension_semantics = [#tpu.dimension_semantics<core_parallel>, #tpu.dimension_semantics<subcore_parallel>], iteration_bounds = array<i64: 2, 16>, scalar_prefetch = 0 : i64, scratch_operands = 5 : i64, tpu.core_type = #tpu.core_type<sc_vector_subcore>, window_params = [{transform_indices = #map}, {transform_indices = #map}, {transform_indices = #map}, {transform_indices = #map}, {transform_indices = #map1}, {transform_indices = #map1}, {transform_indices = #map}, {transform_indices = #map}]} {
    %mul3A = arith.constant 624 : i32
    %mul3A_0 = arith.muli %arg1, %mul3A : i32
    %eq3A = arith.constant 15 : i32
    %eq3A_1 = arith.cmpi eq, %arg1, %eq3A : i32
    %eq3A_2 = arith.constant 0 : i32
    %eq3A_3 = arith.cmpi eq, %arg0, %eq3A_2 : i32
    %convert_element_type3A = arith.extui %eq3A_3 : i1 to i32
    %cond3A = arith.constant 0 : i32
    %cond3A_4 = arith.cmpi ne, %convert_element_type3A, %cond3A : i32
    scf.if %cond3A_4 {
      %not3A_49 = arith.constant true
      %not3A_50 = arith.xori %eq3A_1, %not3A_49 : i1
      %convert_element_type3A_51 = arith.extui %not3A_50 : i1 to i32
      %cond3A_52 = arith.constant 0 : i32
      %cond3A_53 = arith.cmpi ne, %convert_element_type3A_51, %cond3A_52 : i32
      scf.if %cond3A_53 {
        "tpu.region"() ({
          %run_scoped3A = tpu.sem_alloc : memref<!tpu.dma_semaphore, #tpu.memory_space<semaphore_mem>>
          %dma_start3A = arith.constant 0 : i32
          %dma_start3A_57 = tpu.memref_slice %arg10[%mul3A_0, %dma_start3A] : memref<10112x128xf32, #tpu.memory_space<vmem_shared>> -> memref<624x128xf32, #tpu.memory_space<vmem_shared>>
          %dma_start3A_58 = arith.constant 0 : i32
          %dma_start3A_59 = tpu.memref_slice %arg4[%mul3A_0, %dma_start3A_58] : memref<10000x128xf32, #tpu.memory_space<hbm>> -> memref<624x128xf32, #tpu.memory_space<hbm>>
          tpu.enqueue_dma source(%dma_start3A_59 : memref<624x128xf32, #tpu.memory_space<hbm>>) target(%dma_start3A_57 : memref<624x128xf32, #tpu.memory_space<vmem_shared>>) target_semaphore(%run_scoped3A : memref<!tpu.dma_semaphore, #tpu.memory_space<semaphore_mem>>)
          %dma_wait3A = arith.constant 0 : i32
          %dma_wait3A_60 = tpu.memref_slice %arg10[%mul3A_0, %dma_wait3A] : memref<10112x128xf32, #tpu.memory_space<vmem_shared>> -> memref<624x128xf32, #tpu.memory_space<vmem_shared>>
          %dma_wait3A_61 = arith.constant 0 : i32
          %dma_wait3A_62 = tpu.memref_slice %arg4[%mul3A_0, %dma_wait3A_61] : memref<10000x128xf32, #tpu.memory_space<hbm>> -> memref<624x128xf32, #tpu.memory_space<hbm>>
          tpu.wait_dma2 semaphore(%run_scoped3A : memref<!tpu.dma_semaphore, #tpu.memory_space<semaphore_mem>>) src(%dma_wait3A_62 : memref<624x128xf32, #tpu.memory_space<hbm>>) dst(%dma_wait3A_60 : memref<624x128xf32, #tpu.memory_space<vmem_shared>>)
          tpu.yield
        }) : () -> ()
      } else {
      }
      %convert_element_type3A_54 = arith.extui %eq3A_1 : i1 to i32
      %cond3A_55 = arith.constant 0 : i32
      %cond3A_56 = arith.cmpi ne, %convert_element_type3A_54, %cond3A_55 : i32
      scf.if %cond3A_56 {
        "tpu.region"() ({
          %run_scoped3A = tpu.sem_alloc : memref<!tpu.dma_semaphore, #tpu.memory_space<semaphore_mem>>
          %dma_start3A = arith.constant 0 : i32
          %dma_start3A_58 = tpu.memref_slice %arg10[%mul3A_0, %dma_start3A] : memref<10112x128xf32, #tpu.memory_space<vmem_shared>> -> memref<640x128xf32, #tpu.memory_space<vmem_shared>>
          %dma_start3A_59 = arith.constant 0 : i32
          %dma_start3A_60 = tpu.memref_slice %arg4[%mul3A_0, %dma_start3A_59] : memref<10000x128xf32, #tpu.memory_space<hbm>> -> memref<640x128xf32, #tpu.memory_space<hbm>>
          tpu.enqueue_dma source(%dma_start3A_60 : memref<640x128xf32, #tpu.memory_space<hbm>>) target(%dma_start3A_58 : memref<640x128xf32, #tpu.memory_space<vmem_shared>>) target_semaphore(%run_scoped3A : memref<!tpu.dma_semaphore, #tpu.memory_space<semaphore_mem>>)
          %dma_wait3A = arith.constant 0 : i32
          %dma_wait3A_61 = tpu.memref_slice %arg10[%mul3A_0, %dma_wait3A] : memref<10112x128xf32, #tpu.memory_space<vmem_shared>> -> memref<640x128xf32, #tpu.memory_space<vmem_shared>>
          %dma_wait3A_62 = arith.constant 0 : i32
          %dma_wait3A_63 = tpu.memref_slice %arg4[%mul3A_0, %dma_wait3A_62] : memref<10000x128xf32, #tpu.memory_space<hbm>> -> memref<640x128xf32, #tpu.memory_space<hbm>>
          tpu.wait_dma2 semaphore(%run_scoped3A : memref<!tpu.dma_semaphore, #tpu.memory_space<semaphore_mem>>) src(%dma_wait3A_63 : memref<640x128xf32, #tpu.memory_space<hbm>>) dst(%dma_wait3A_61 : memref<640x128xf32, #tpu.memory_space<vmem_shared>>)
          tpu.yield
        }) : () -> ()
        %add3A = arith.constant 640 : i32
        %add3A_57 = arith.addi %mul3A_0, %add3A : i32
        "tpu.region"() ({
          %run_scoped3A = tpu.sem_alloc : memref<!tpu.dma_semaphore, #tpu.memory_space<semaphore_mem>>
          %dma_start3A = arith.constant 0 : i32
          %dma_start3A_58 = tpu.memref_slice %arg10[%add3A_57, %dma_start3A] : memref<10112x128xf32, #tpu.memory_space<vmem_shared>> -> memref<112x128xf32, #tpu.memory_space<vmem_shared>>
          %dma_start3A_59 = arith.constant 0 : i32
          %dma_start3A_60 = arith.constant 0 : i32
          %dma_start3A_61 = tpu.memref_slice %arg4[%dma_start3A_59, %dma_start3A_60] : memref<10000x128xf32, #tpu.memory_space<hbm>> -> memref<112x128xf32, #tpu.memory_space<hbm>>
          tpu.enqueue_dma source(%dma_start3A_61 : memref<112x128xf32, #tpu.memory_space<hbm>>) target(%dma_start3A_58 : memref<112x128xf32, #tpu.memory_space<vmem_shared>>) target_semaphore(%run_scoped3A : memref<!tpu.dma_semaphore, #tpu.memory_space<semaphore_mem>>)
          %dma_wait3A = arith.constant 0 : i32
          %dma_wait3A_62 = tpu.memref_slice %arg10[%add3A_57, %dma_wait3A] : memref<10112x128xf32, #tpu.memory_space<vmem_shared>> -> memref<112x128xf32, #tpu.memory_space<vmem_shared>>
          %dma_wait3A_63 = arith.constant 0 : i32
          %dma_wait3A_64 = arith.constant 0 : i32
          %dma_wait3A_65 = tpu.memref_slice %arg4[%dma_wait3A_63, %dma_wait3A_64] : memref<10000x128xf32, #tpu.memory_space<hbm>> -> memref<112x128xf32, #tpu.memory_space<hbm>>
          tpu.wait_dma2 semaphore(%run_scoped3A : memref<!tpu.dma_semaphore, #tpu.memory_space<semaphore_mem>>) src(%dma_wait3A_65 : memref<112x128xf32, #tpu.memory_space<hbm>>) dst(%dma_wait3A_62 : memref<112x128xf32, #tpu.memory_space<vmem_shared>>)
          tpu.yield
        }) : () -> ()
      } else {
      }
    } else {
    }
    %eq3A_5 = arith.constant 1 : i32
    %eq3A_6 = arith.cmpi eq, %arg0, %eq3A_5 : i32
    %convert_element_type3A_7 = arith.extui %eq3A_6 : i1 to i32
    %cond3A_8 = arith.constant 0 : i32
    %cond3A_9 = arith.cmpi ne, %convert_element_type3A_7, %cond3A_8 : i32
    scf.if %cond3A_9 {
      %not3A_49 = arith.constant true
      %not3A_50 = arith.xori %eq3A_1, %not3A_49 : i1
      %convert_element_type3A_51 = arith.extui %not3A_50 : i1 to i32
      %cond3A_52 = arith.constant 0 : i32
      %cond3A_53 = arith.cmpi ne, %convert_element_type3A_51, %cond3A_52 : i32
      scf.if %cond3A_53 {
        "tpu.region"() ({
          %run_scoped3A = tpu.sem_alloc : memref<!tpu.dma_semaphore, #tpu.memory_space<semaphore_mem>>
          %dma_start3A = arith.constant 0 : i32
          %dma_start3A_57 = tpu.memref_slice %arg10[%mul3A_0, %dma_start3A] : memref<10112x128xf32, #tpu.memory_space<vmem_shared>> -> memref<624x128xf32, #tpu.memory_space<vmem_shared>>
          %dma_start3A_58 = arith.constant 0 : i32
          %dma_start3A_59 = tpu.memref_slice %arg5[%mul3A_0, %dma_start3A_58] : memref<10000x128xf32, #tpu.memory_space<hbm>> -> memref<624x128xf32, #tpu.memory_space<hbm>>
          tpu.enqueue_dma source(%dma_start3A_59 : memref<624x128xf32, #tpu.memory_space<hbm>>) target(%dma_start3A_57 : memref<624x128xf32, #tpu.memory_space<vmem_shared>>) target_semaphore(%run_scoped3A : memref<!tpu.dma_semaphore, #tpu.memory_space<semaphore_mem>>)
          %dma_wait3A = arith.constant 0 : i32
          %dma_wait3A_60 = tpu.memref_slice %arg10[%mul3A_0, %dma_wait3A] : memref<10112x128xf32, #tpu.memory_space<vmem_shared>> -> memref<624x128xf32, #tpu.memory_space<vmem_shared>>
          %dma_wait3A_61 = arith.constant 0 : i32
          %dma_wait3A_62 = tpu.memref_slice %arg5[%mul3A_0, %dma_wait3A_61] : memref<10000x128xf32, #tpu.memory_space<hbm>> -> memref<624x128xf32, #tpu.memory_space<hbm>>
          tpu.wait_dma2 semaphore(%run_scoped3A : memref<!tpu.dma_semaphore, #tpu.memory_space<semaphore_mem>>) src(%dma_wait3A_62 : memref<624x128xf32, #tpu.memory_space<hbm>>) dst(%dma_wait3A_60 : memref<624x128xf32, #tpu.memory_space<vmem_shared>>)
          tpu.yield
        }) : () -> ()
      } else {
      }
      %convert_element_type3A_54 = arith.extui %eq3A_1 : i1 to i32
      %cond3A_55 = arith.constant 0 : i32
      %cond3A_56 = arith.cmpi ne, %convert_element_type3A_54, %cond3A_55 : i32
      scf.if %cond3A_56 {
        "tpu.region"() ({
          %run_scoped3A = tpu.sem_alloc : memref<!tpu.dma_semaphore, #tpu.memory_space<semaphore_mem>>
          %dma_start3A = arith.constant 0 : i32
          %dma_start3A_58 = tpu.memref_slice %arg10[%mul3A_0, %dma_start3A] : memref<10112x128xf32, #tpu.memory_space<vmem_shared>> -> memref<640x128xf32, #tpu.memory_space<vmem_shared>>
          %dma_start3A_59 = arith.constant 0 : i32
          %dma_start3A_60 = tpu.memref_slice %arg5[%mul3A_0, %dma_start3A_59] : memref<10000x128xf32, #tpu.memory_space<hbm>> -> memref<640x128xf32, #tpu.memory_space<hbm>>
          tpu.enqueue_dma source(%dma_start3A_60 : memref<640x128xf32, #tpu.memory_space<hbm>>) target(%dma_start3A_58 : memref<640x128xf32, #tpu.memory_space<vmem_shared>>) target_semaphore(%run_scoped3A : memref<!tpu.dma_semaphore, #tpu.memory_space<semaphore_mem>>)
          %dma_wait3A = arith.constant 0 : i32
          %dma_wait3A_61 = tpu.memref_slice %arg10[%mul3A_0, %dma_wait3A] : memref<10112x128xf32, #tpu.memory_space<vmem_shared>> -> memref<640x128xf32, #tpu.memory_space<vmem_shared>>
          %dma_wait3A_62 = arith.constant 0 : i32
          %dma_wait3A_63 = tpu.memref_slice %arg5[%mul3A_0, %dma_wait3A_62] : memref<10000x128xf32, #tpu.memory_space<hbm>> -> memref<640x128xf32, #tpu.memory_space<hbm>>
          tpu.wait_dma2 semaphore(%run_scoped3A : memref<!tpu.dma_semaphore, #tpu.memory_space<semaphore_mem>>) src(%dma_wait3A_63 : memref<640x128xf32, #tpu.memory_space<hbm>>) dst(%dma_wait3A_61 : memref<640x128xf32, #tpu.memory_space<vmem_shared>>)
          tpu.yield
        }) : () -> ()
        %add3A = arith.constant 640 : i32
        %add3A_57 = arith.addi %mul3A_0, %add3A : i32
        "tpu.region"() ({
          %run_scoped3A = tpu.sem_alloc : memref<!tpu.dma_semaphore, #tpu.memory_space<semaphore_mem>>
          %dma_start3A = arith.constant 0 : i32
          %dma_start3A_58 = tpu.memref_slice %arg10[%add3A_57, %dma_start3A] : memref<10112x128xf32, #tpu.memory_space<vmem_shared>> -> memref<112x128xf32, #tpu.memory_space<vmem_shared>>
          %dma_start3A_59 = arith.constant 0 : i32
          %dma_start3A_60 = arith.constant 0 : i32
          %dma_start3A_61 = tpu.memref_slice %arg5[%dma_start3A_59, %dma_start3A_60] : memref<10000x128xf32, #tpu.memory_space<hbm>> -> memref<112x128xf32, #tpu.memory_space<hbm>>
          tpu.enqueue_dma source(%dma_start3A_61 : memref<112x128xf32, #tpu.memory_space<hbm>>) target(%dma_start3A_58 : memref<112x128xf32, #tpu.memory_space<vmem_shared>>) target_semaphore(%run_scoped3A : memref<!tpu.dma_semaphore, #tpu.memory_space<semaphore_mem>>)
          %dma_wait3A = arith.constant 0 : i32
          %dma_wait3A_62 = tpu.memref_slice %arg10[%add3A_57, %dma_wait3A] : memref<10112x128xf32, #tpu.memory_space<vmem_shared>> -> memref<112x128xf32, #tpu.memory_space<vmem_shared>>
          %dma_wait3A_63 = arith.constant 0 : i32
          %dma_wait3A_64 = arith.constant 0 : i32
          %dma_wait3A_65 = tpu.memref_slice %arg5[%dma_wait3A_63, %dma_wait3A_64] : memref<10000x128xf32, #tpu.memory_space<hbm>> -> memref<112x128xf32, #tpu.memory_space<hbm>>
          tpu.wait_dma2 semaphore(%run_scoped3A : memref<!tpu.dma_semaphore, #tpu.memory_space<semaphore_mem>>) src(%dma_wait3A_65 : memref<112x128xf32, #tpu.memory_space<hbm>>) dst(%dma_wait3A_62 : memref<112x128xf32, #tpu.memory_space<vmem_shared>>)
          tpu.yield
        }) : () -> ()
      } else {
      }
    } else {
    }
    "tpu.region"() ({
      %run_scoped3A = tpu.sem_alloc : memref<!tpu.dma_semaphore, #tpu.memory_space<semaphore_mem>>
      %dma_start3A = arith.constant 0 : i32
      %dma_start3A_49 = arith.constant 0 : i32
      %dma_start3A_50 = tpu.memref_slice %arg6[%arg1, %dma_start3A, %dma_start3A_49] : memref<16x79x128xi32, #tpu.memory_space<hbm>> -> memref<1x79x128xi32, #tpu.memory_space<hbm>>
      %dma_start3A_51 = tpu.memref_squeeze %dma_start3A_50 : memref<1x79x128xi32, #tpu.memory_space<hbm>> -> memref<79x128xi32, #tpu.memory_space<hbm>>
      %dma_start3A_52 = arith.constant 0 : i32
      %dma_start3A_53 = arith.constant 0 : i32
      %dma_start3A_54 = tpu.memref_slice %arg6[%arg1, %dma_start3A_52, %dma_start3A_53] : memref<16x79x128xi32, #tpu.memory_space<hbm>> -> memref<1x79x128xi32, #tpu.memory_space<hbm>>
      %dma_start3A_55 = tpu.memref_squeeze %dma_start3A_54 : memref<1x79x128xi32, #tpu.memory_space<hbm>> -> memref<79x128xi32, #tpu.memory_space<hbm>>
      tpu.enqueue_dma source(%dma_start3A_55 : memref<79x128xi32, #tpu.memory_space<hbm>>) target(%arg11 : memref<79x128xi32, #tpu.memory_space<vmem>>) target_semaphore(%run_scoped3A : memref<!tpu.dma_semaphore, #tpu.memory_space<semaphore_mem>>)
      %dma_wait3A = arith.constant 0 : i32
      %dma_wait3A_56 = arith.constant 0 : i32
      %dma_wait3A_57 = tpu.memref_slice %arg6[%arg1, %dma_wait3A, %dma_wait3A_56] : memref<16x79x128xi32, #tpu.memory_space<hbm>> -> memref<1x79x128xi32, #tpu.memory_space<hbm>>
      %dma_wait3A_58 = tpu.memref_squeeze %dma_wait3A_57 : memref<1x79x128xi32, #tpu.memory_space<hbm>> -> memref<79x128xi32, #tpu.memory_space<hbm>>
      %dma_wait3A_59 = arith.constant 0 : i32
      %dma_wait3A_60 = arith.constant 0 : i32
      %dma_wait3A_61 = tpu.memref_slice %arg6[%arg1, %dma_wait3A_59, %dma_wait3A_60] : memref<16x79x128xi32, #tpu.memory_space<hbm>> -> memref<1x79x128xi32, #tpu.memory_space<hbm>>
      %dma_wait3A_62 = tpu.memref_squeeze %dma_wait3A_61 : memref<1x79x128xi32, #tpu.memory_space<hbm>> -> memref<79x128xi32, #tpu.memory_space<hbm>>
      tpu.wait_dma2 semaphore(%run_scoped3A : memref<!tpu.dma_semaphore, #tpu.memory_space<semaphore_mem>>) src(%dma_wait3A_62 : memref<79x128xi32, #tpu.memory_space<hbm>>) dst(%arg11 : memref<79x128xi32, #tpu.memory_space<vmem>>)
      tpu.yield
    }) : () -> ()
    "tpu.region"() ({
      %run_scoped3A = tpu.sem_alloc : memref<!tpu.dma_semaphore, #tpu.memory_space<semaphore_mem>>
      %dma_start3A = arith.constant 0 : i32
      %dma_start3A_49 = arith.constant 0 : i32
      %dma_start3A_50 = tpu.memref_slice %arg7[%arg1, %dma_start3A, %dma_start3A_49] : memref<16x79x128xi32, #tpu.memory_space<hbm>> -> memref<1x79x128xi32, #tpu.memory_space<hbm>>
      %dma_start3A_51 = tpu.memref_squeeze %dma_start3A_50 : memref<1x79x128xi32, #tpu.memory_space<hbm>> -> memref<79x128xi32, #tpu.memory_space<hbm>>
      %dma_start3A_52 = arith.constant 0 : i32
      %dma_start3A_53 = arith.constant 0 : i32
      %dma_start3A_54 = tpu.memref_slice %arg7[%arg1, %dma_start3A_52, %dma_start3A_53] : memref<16x79x128xi32, #tpu.memory_space<hbm>> -> memref<1x79x128xi32, #tpu.memory_space<hbm>>
      %dma_start3A_55 = tpu.memref_squeeze %dma_start3A_54 : memref<1x79x128xi32, #tpu.memory_space<hbm>> -> memref<79x128xi32, #tpu.memory_space<hbm>>
      tpu.enqueue_dma source(%dma_start3A_55 : memref<79x128xi32, #tpu.memory_space<hbm>>) target(%arg12 : memref<79x128xi32, #tpu.memory_space<vmem>>) target_semaphore(%run_scoped3A : memref<!tpu.dma_semaphore, #tpu.memory_space<semaphore_mem>>)
      %dma_wait3A = arith.constant 0 : i32
      %dma_wait3A_56 = arith.constant 0 : i32
      %dma_wait3A_57 = tpu.memref_slice %arg7[%arg1, %dma_wait3A, %dma_wait3A_56] : memref<16x79x128xi32, #tpu.memory_space<hbm>> -> memref<1x79x128xi32, #tpu.memory_space<hbm>>
      %dma_wait3A_58 = tpu.memref_squeeze %dma_wait3A_57 : memref<1x79x128xi32, #tpu.memory_space<hbm>> -> memref<79x128xi32, #tpu.memory_space<hbm>>
      %dma_wait3A_59 = arith.constant 0 : i32
      %dma_wait3A_60 = arith.constant 0 : i32
      %dma_wait3A_61 = tpu.memref_slice %arg7[%arg1, %dma_wait3A_59, %dma_wait3A_60] : memref<16x79x128xi32, #tpu.memory_space<hbm>> -> memref<1x79x128xi32, #tpu.memory_space<hbm>>
      %dma_wait3A_62 = tpu.memref_squeeze %dma_wait3A_61 : memref<1x79x128xi32, #tpu.memory_space<hbm>> -> memref<79x128xi32, #tpu.memory_space<hbm>>
      tpu.wait_dma2 semaphore(%run_scoped3A : memref<!tpu.dma_semaphore, #tpu.memory_space<semaphore_mem>>) src(%dma_wait3A_62 : memref<79x128xi32, #tpu.memory_space<hbm>>) dst(%arg12 : memref<79x128xi32, #tpu.memory_space<vmem>>)
      tpu.yield
    }) : () -> ()
    %barrier3A = arith.constant 0 : index
    tpu.barrier barrier_id(%barrier3A)
    %eq3A_10 = arith.constant 0 : i32
    %eq3A_11 = arith.cmpi eq, %arg0, %eq3A_10 : i32
    %convert_element_type3A_12 = arith.extui %eq3A_11 : i1 to i32
    %cond3A_13 = arith.constant 0 : i32
    %cond3A_14 = arith.cmpi ne, %convert_element_type3A_12, %cond3A_13 : i32
    scf.if %cond3A_14 {
      %scan3A = arith.constant 0 : i32
      %scan3A_49 = arith.constant 0 : i32
      %scan3A_50 = arith.constant 79 : i32
      %scan3A_51 = arith.addi %scan3A_49, %scan3A_50 : i32
      %scan3A_52 = arith.constant 1 : i32
      scf.for %scan3A_54 = %scan3A_49 to %scan3A_51 step %scan3A_52  : i32 {
        %dma_start3A = arith.constant 0 : i32
        %dma_start3A_55 = tpu.memref_slice %arg11[%scan3A_54, %dma_start3A] : memref<79x128xi32, #tpu.memory_space<vmem>> -> memref<1x128xi32, #tpu.memory_space<vmem>>
        %dma_start3A_56 = tpu.memref_squeeze %dma_start3A_55 : memref<1x128xi32, #tpu.memory_space<vmem>> -> memref<128xi32, #tpu.memory_space<vmem>>
        %dma_start3A_57 = arith.constant 0 : i32
        %dma_start3A_58 = arith.constant 0 : i32
        %dma_start3A_59 = tpu.memref_slice %arg2[%dma_start3A_57, %dma_start3A_58] : memref<10000x128xf32, #tpu.memory_space<hbm>> -> memref<10000x128xf32, #tpu.memory_space<hbm>>
        tpu.enqueue_indirect_dma source(%dma_start3A_59 : memref<10000x128xf32, #tpu.memory_space<hbm>>) target(%arg13 : memref<128x128xf32, #tpu.memory_space<vmem>>) offsets(%dma_start3A_56 : memref<128xi32, #tpu.memory_space<vmem>>) semaphore(%arg14 : memref<!tpu.dma_semaphore, #tpu.memory_space<semaphore_mem>>)
        %dma_wait3A = arith.constant 0 : i32
        %dma_wait3A_60 = tpu.memref_slice %arg11[%scan3A_54, %dma_wait3A] : memref<79x128xi32, #tpu.memory_space<vmem>> -> memref<1x128xi32, #tpu.memory_space<vmem>>
        %dma_wait3A_61 = tpu.memref_squeeze %dma_wait3A_60 : memref<1x128xi32, #tpu.memory_space<vmem>> -> memref<128xi32, #tpu.memory_space<vmem>>
        %dma_wait3A_62 = arith.constant 0 : i32
        %dma_wait3A_63 = arith.constant 0 : i32
        %dma_wait3A_64 = tpu.memref_slice %arg2[%dma_wait3A_62, %dma_wait3A_63] : memref<10000x128xf32, #tpu.memory_space<hbm>> -> memref<10000x128xf32, #tpu.memory_space<hbm>>
        tpu.wait_indirect_dma semaphore(%arg14 : memref<!tpu.dma_semaphore, #tpu.memory_space<semaphore_mem>>) src(%dma_wait3A_64 : memref<10000x128xf32, #tpu.memory_space<hbm>>) dst(%arg13 : memref<128x128xf32, #tpu.memory_space<vmem>>)
        "tpu.region"() ({
          %run_scoped3A = tpu.sem_alloc : memref<!tpu.dma_semaphore, #tpu.memory_space<semaphore_mem>>
          %dma_start3A_65 = arith.constant 0 : i32
          %dma_start3A_66 = tpu.memref_slice %arg12[%scan3A_54, %dma_start3A_65] : memref<79x128xi32, #tpu.memory_space<vmem>> -> memref<1x128xi32, #tpu.memory_space<vmem>>
          %dma_start3A_67 = tpu.memref_squeeze %dma_start3A_66 : memref<1x128xi32, #tpu.memory_space<vmem>> -> memref<128xi32, #tpu.memory_space<vmem>>
          %dma_start3A_68 = arith.constant 0 : i32
          %dma_start3A_69 = arith.constant 0 : i32
          %dma_start3A_70 = tpu.memref_slice %arg10[%dma_start3A_68, %dma_start3A_69] : memref<10112x128xf32, #tpu.memory_space<vmem_shared>> -> memref<10112x128xf32, #tpu.memory_space<vmem_shared>>
          tpu.enqueue_indirect_dma source(%arg13 : memref<128x128xf32, #tpu.memory_space<vmem>>) target(%dma_start3A_70 : memref<10112x128xf32, #tpu.memory_space<vmem_shared>>) offsets(%dma_start3A_67 : memref<128xi32, #tpu.memory_space<vmem>>) semaphore(%run_scoped3A : memref<!tpu.dma_semaphore, #tpu.memory_space<semaphore_mem>>) {add = true}
          %dma_wait3A_71 = arith.constant 0 : i32
          %dma_wait3A_72 = tpu.memref_slice %arg12[%scan3A_54, %dma_wait3A_71] : memref<79x128xi32, #tpu.memory_space<vmem>> -> memref<1x128xi32, #tpu.memory_space<vmem>>
          %dma_wait3A_73 = tpu.memref_squeeze %dma_wait3A_72 : memref<1x128xi32, #tpu.memory_space<vmem>> -> memref<128xi32, #tpu.memory_space<vmem>>
          %dma_wait3A_74 = arith.constant 0 : i32
          %dma_wait3A_75 = arith.constant 0 : i32
          %dma_wait3A_76 = tpu.memref_slice %arg10[%dma_wait3A_74, %dma_wait3A_75] : memref<10112x128xf32, #tpu.memory_space<vmem_shared>> -> memref<10112x128xf32, #tpu.memory_space<vmem_shared>>
          tpu.wait_indirect_dma semaphore(%run_scoped3A : memref<!tpu.dma_semaphore, #tpu.memory_space<semaphore_mem>>) src(%arg13 : memref<128x128xf32, #tpu.memory_space<vmem>>) dst(%dma_wait3A_76 : memref<10112x128xf32, #tpu.memory_space<vmem_shared>>)
          tpu.yield
        }) : () -> ()
      }
      %scan3A_53 = arith.constant 79 : i32
    } else {
    }
    %eq3A_15 = arith.constant 1 : i32
    %eq3A_16 = arith.cmpi eq, %arg0, %eq3A_15 : i32
    %convert_element_type3A_17 = arith.extui %eq3A_16 : i1 to i32
    %cond3A_18 = arith.constant 0 : i32
    %cond3A_19 = arith.cmpi ne, %convert_element_type3A_17, %cond3A_18 : i32
    scf.if %cond3A_19 {
      %scan3A = arith.constant 0 : i32
      %scan3A_49 = arith.constant 0 : i32
      %scan3A_50 = arith.constant 79 : i32
      %scan3A_51 = arith.addi %scan3A_49, %scan3A_50 : i32
      %scan3A_52 = arith.constant 1 : i32
      scf.for %scan3A_54 = %scan3A_49 to %scan3A_51 step %scan3A_52  : i32 {
        %dma_start3A = arith.constant 0 : i32
        %dma_start3A_55 = tpu.memref_slice %arg11[%scan3A_54, %dma_start3A] : memref<79x128xi32, #tpu.memory_space<vmem>> -> memref<1x128xi32, #tpu.memory_space<vmem>>
        %dma_start3A_56 = tpu.memref_squeeze %dma_start3A_55 : memref<1x128xi32, #tpu.memory_space<vmem>> -> memref<128xi32, #tpu.memory_space<vmem>>
        %dma_start3A_57 = arith.constant 0 : i32
        %dma_start3A_58 = arith.constant 0 : i32
        %dma_start3A_59 = tpu.memref_slice %arg3[%dma_start3A_57, %dma_start3A_58] : memref<10000x128xf32, #tpu.memory_space<hbm>> -> memref<10000x128xf32, #tpu.memory_space<hbm>>
        tpu.enqueue_indirect_dma source(%dma_start3A_59 : memref<10000x128xf32, #tpu.memory_space<hbm>>) target(%arg13 : memref<128x128xf32, #tpu.memory_space<vmem>>) offsets(%dma_start3A_56 : memref<128xi32, #tpu.memory_space<vmem>>) semaphore(%arg14 : memref<!tpu.dma_semaphore, #tpu.memory_space<semaphore_mem>>)
        %dma_wait3A = arith.constant 0 : i32
        %dma_wait3A_60 = tpu.memref_slice %arg11[%scan3A_54, %dma_wait3A] : memref<79x128xi32, #tpu.memory_space<vmem>> -> memref<1x128xi32, #tpu.memory_space<vmem>>
        %dma_wait3A_61 = tpu.memref_squeeze %dma_wait3A_60 : memref<1x128xi32, #tpu.memory_space<vmem>> -> memref<128xi32, #tpu.memory_space<vmem>>
        %dma_wait3A_62 = arith.constant 0 : i32
        %dma_wait3A_63 = arith.constant 0 : i32
        %dma_wait3A_64 = tpu.memref_slice %arg3[%dma_wait3A_62, %dma_wait3A_63] : memref<10000x128xf32, #tpu.memory_space<hbm>> -> memref<10000x128xf32, #tpu.memory_space<hbm>>
        tpu.wait_indirect_dma semaphore(%arg14 : memref<!tpu.dma_semaphore, #tpu.memory_space<semaphore_mem>>) src(%dma_wait3A_64 : memref<10000x128xf32, #tpu.memory_space<hbm>>) dst(%arg13 : memref<128x128xf32, #tpu.memory_space<vmem>>)
        "tpu.region"() ({
          %run_scoped3A = tpu.sem_alloc : memref<!tpu.dma_semaphore, #tpu.memory_space<semaphore_mem>>
          %dma_start3A_65 = arith.constant 0 : i32
          %dma_start3A_66 = tpu.memref_slice %arg12[%scan3A_54, %dma_start3A_65] : memref<79x128xi32, #tpu.memory_space<vmem>> -> memref<1x128xi32, #tpu.memory_space<vmem>>
          %dma_start3A_67 = tpu.memref_squeeze %dma_start3A_66 : memref<1x128xi32, #tpu.memory_space<vmem>> -> memref<128xi32, #tpu.memory_space<vmem>>
          %dma_start3A_68 = arith.constant 0 : i32
          %dma_start3A_69 = arith.constant 0 : i32
          %dma_start3A_70 = tpu.memref_slice %arg10[%dma_start3A_68, %dma_start3A_69] : memref<10112x128xf32, #tpu.memory_space<vmem_shared>> -> memref<10112x128xf32, #tpu.memory_space<vmem_shared>>
          tpu.enqueue_indirect_dma source(%arg13 : memref<128x128xf32, #tpu.memory_space<vmem>>) target(%dma_start3A_70 : memref<10112x128xf32, #tpu.memory_space<vmem_shared>>) offsets(%dma_start3A_67 : memref<128xi32, #tpu.memory_space<vmem>>) semaphore(%run_scoped3A : memref<!tpu.dma_semaphore, #tpu.memory_space<semaphore_mem>>) {add = true}
          %dma_wait3A_71 = arith.constant 0 : i32
          %dma_wait3A_72 = tpu.memref_slice %arg12[%scan3A_54, %dma_wait3A_71] : memref<79x128xi32, #tpu.memory_space<vmem>> -> memref<1x128xi32, #tpu.memory_space<vmem>>
          %dma_wait3A_73 = tpu.memref_squeeze %dma_wait3A_72 : memref<1x128xi32, #tpu.memory_space<vmem>> -> memref<128xi32, #tpu.memory_space<vmem>>
          %dma_wait3A_74 = arith.constant 0 : i32
          %dma_wait3A_75 = arith.constant 0 : i32
          %dma_wait3A_76 = tpu.memref_slice %arg10[%dma_wait3A_74, %dma_wait3A_75] : memref<10112x128xf32, #tpu.memory_space<vmem_shared>> -> memref<10112x128xf32, #tpu.memory_space<vmem_shared>>
          tpu.wait_indirect_dma semaphore(%run_scoped3A : memref<!tpu.dma_semaphore, #tpu.memory_space<semaphore_mem>>) src(%arg13 : memref<128x128xf32, #tpu.memory_space<vmem>>) dst(%dma_wait3A_76 : memref<10112x128xf32, #tpu.memory_space<vmem_shared>>)
          tpu.yield
        }) : () -> ()
      }
      %scan3A_53 = arith.constant 79 : i32
    } else {
    }
    %barrier3A_20 = arith.constant 0 : index
    tpu.barrier barrier_id(%barrier3A_20)
    %mul3A_21 = arith.constant 624 : i32
    %mul3A_22 = arith.muli %arg1, %mul3A_21 : i32
    %eq3A_23 = arith.constant 0 : i32
    %eq3A_24 = arith.cmpi eq, %arg0, %eq3A_23 : i32
    %not3A = arith.constant true
    %not3A_25 = arith.xori %eq3A_1, %not3A : i1
    %and3A = arith.andi %eq3A_24, %not3A_25 : i1
    %convert_element_type3A_26 = arith.extui %and3A : i1 to i32
    %cond3A_27 = arith.constant 0 : i32
    %cond3A_28 = arith.cmpi ne, %convert_element_type3A_26, %cond3A_27 : i32
    scf.if %cond3A_28 {
      "tpu.region"() ({
        %run_scoped3A = tpu.sem_alloc : memref<!tpu.dma_semaphore, #tpu.memory_space<semaphore_mem>>
        %dma_start3A = arith.constant 0 : i32
        %dma_start3A_49 = tpu.memref_slice %arg8[%mul3A_22, %dma_start3A] : memref<10000x128xf32, #tpu.memory_space<hbm>> -> memref<624x128xf32, #tpu.memory_space<hbm>>
        %dma_start3A_50 = arith.constant 0 : i32
        %dma_start3A_51 = tpu.memref_slice %arg10[%mul3A_22, %dma_start3A_50] : memref<10112x128xf32, #tpu.memory_space<vmem_shared>> -> memref<624x128xf32, #tpu.memory_space<vmem_shared>>
        tpu.enqueue_dma source(%dma_start3A_51 : memref<624x128xf32, #tpu.memory_space<vmem_shared>>) target(%dma_start3A_49 : memref<624x128xf32, #tpu.memory_space<hbm>>) target_semaphore(%run_scoped3A : memref<!tpu.dma_semaphore, #tpu.memory_space<semaphore_mem>>)
        %dma_wait3A = arith.constant 0 : i32
        %dma_wait3A_52 = tpu.memref_slice %arg8[%mul3A_22, %dma_wait3A] : memref<10000x128xf32, #tpu.memory_space<hbm>> -> memref<624x128xf32, #tpu.memory_space<hbm>>
        %dma_wait3A_53 = arith.constant 0 : i32
        %dma_wait3A_54 = tpu.memref_slice %arg10[%mul3A_22, %dma_wait3A_53] : memref<10112x128xf32, #tpu.memory_space<vmem_shared>> -> memref<624x128xf32, #tpu.memory_space<vmem_shared>>
        tpu.wait_dma2 semaphore(%run_scoped3A : memref<!tpu.dma_semaphore, #tpu.memory_space<semaphore_mem>>) src(%dma_wait3A_54 : memref<624x128xf32, #tpu.memory_space<vmem_shared>>) dst(%dma_wait3A_52 : memref<624x128xf32, #tpu.memory_space<hbm>>)
        tpu.yield
      }) : () -> ()
    } else {
    }
    %eq3A_29 = arith.constant 0 : i32
    %eq3A_30 = arith.cmpi eq, %arg0, %eq3A_29 : i32
    %and3A_31 = arith.andi %eq3A_30, %eq3A_1 : i1
    %convert_element_type3A_32 = arith.extui %and3A_31 : i1 to i32
    %cond3A_33 = arith.constant 0 : i32
    %cond3A_34 = arith.cmpi ne, %convert_element_type3A_32, %cond3A_33 : i32
    scf.if %cond3A_34 {
      "tpu.region"() ({
        %run_scoped3A = tpu.sem_alloc : memref<!tpu.dma_semaphore, #tpu.memory_space<semaphore_mem>>
        %dma_start3A = arith.constant 0 : i32
        %dma_start3A_49 = tpu.memref_slice %arg8[%mul3A_22, %dma_start3A] : memref<10000x128xf32, #tpu.memory_space<hbm>> -> memref<640x128xf32, #tpu.memory_space<hbm>>
        %dma_start3A_50 = arith.constant 0 : i32
        %dma_start3A_51 = tpu.memref_slice %arg10[%mul3A_22, %dma_start3A_50] : memref<10112x128xf32, #tpu.memory_space<vmem_shared>> -> memref<640x128xf32, #tpu.memory_space<vmem_shared>>
        tpu.enqueue_dma source(%dma_start3A_51 : memref<640x128xf32, #tpu.memory_space<vmem_shared>>) target(%dma_start3A_49 : memref<640x128xf32, #tpu.memory_space<hbm>>) target_semaphore(%run_scoped3A : memref<!tpu.dma_semaphore, #tpu.memory_space<semaphore_mem>>)
        %dma_wait3A = arith.constant 0 : i32
        %dma_wait3A_52 = tpu.memref_slice %arg8[%mul3A_22, %dma_wait3A] : memref<10000x128xf32, #tpu.memory_space<hbm>> -> memref<640x128xf32, #tpu.memory_space<hbm>>
        %dma_wait3A_53 = arith.constant 0 : i32
        %dma_wait3A_54 = tpu.memref_slice %arg10[%mul3A_22, %dma_wait3A_53] : memref<10112x128xf32, #tpu.memory_space<vmem_shared>> -> memref<640x128xf32, #tpu.memory_space<vmem_shared>>
        tpu.wait_dma2 semaphore(%run_scoped3A : memref<!tpu.dma_semaphore, #tpu.memory_space<semaphore_mem>>) src(%dma_wait3A_54 : memref<640x128xf32, #tpu.memory_space<vmem_shared>>) dst(%dma_wait3A_52 : memref<640x128xf32, #tpu.memory_space<hbm>>)
        tpu.yield
      }) : () -> ()
    } else {
    }
    %eq3A_35 = arith.constant 1 : i32
    %eq3A_36 = arith.cmpi eq, %arg0, %eq3A_35 : i32
    %not3A_37 = arith.constant true
    %not3A_38 = arith.xori %eq3A_1, %not3A_37 : i1
    %and3A_39 = arith.andi %eq3A_36, %not3A_38 : i1
    %convert_element_type3A_40 = arith.extui %and3A_39 : i1 to i32
    %cond3A_41 = arith.constant 0 : i32
    %cond3A_42 = arith.cmpi ne, %convert_element_type3A_40, %cond3A_41 : i32
    scf.if %cond3A_42 {
      "tpu.region"() ({
        %run_scoped3A = tpu.sem_alloc : memref<!tpu.dma_semaphore, #tpu.memory_space<semaphore_mem>>
        %dma_start3A = arith.constant 0 : i32
        %dma_start3A_49 = tpu.memref_slice %arg9[%mul3A_22, %dma_start3A] : memref<10000x128xf32, #tpu.memory_space<hbm>> -> memref<624x128xf32, #tpu.memory_space<hbm>>
        %dma_start3A_50 = arith.constant 0 : i32
        %dma_start3A_51 = tpu.memref_slice %arg10[%mul3A_22, %dma_start3A_50] : memref<10112x128xf32, #tpu.memory_space<vmem_shared>> -> memref<624x128xf32, #tpu.memory_space<vmem_shared>>
        tpu.enqueue_dma source(%dma_start3A_51 : memref<624x128xf32, #tpu.memory_space<vmem_shared>>) target(%dma_start3A_49 : memref<624x128xf32, #tpu.memory_space<hbm>>) target_semaphore(%run_scoped3A : memref<!tpu.dma_semaphore, #tpu.memory_space<semaphore_mem>>)
        %dma_wait3A = arith.constant 0 : i32
        %dma_wait3A_52 = tpu.memref_slice %arg9[%mul3A_22, %dma_wait3A] : memref<10000x128xf32, #tpu.memory_space<hbm>> -> memref<624x128xf32, #tpu.memory_space<hbm>>
        %dma_wait3A_53 = arith.constant 0 : i32
        %dma_wait3A_54 = tpu.memref_slice %arg10[%mul3A_22, %dma_wait3A_53] : memref<10112x128xf32, #tpu.memory_space<vmem_shared>> -> memref<624x128xf32, #tpu.memory_space<vmem_shared>>
        tpu.wait_dma2 semaphore(%run_scoped3A : memref<!tpu.dma_semaphore, #tpu.memory_space<semaphore_mem>>) src(%dma_wait3A_54 : memref<624x128xf32, #tpu.memory_space<vmem_shared>>) dst(%dma_wait3A_52 : memref<624x128xf32, #tpu.memory_space<hbm>>)
        tpu.yield
      }) : () -> ()
    } else {
    }
    %eq3A_43 = arith.constant 1 : i32
    %eq3A_44 = arith.cmpi eq, %arg0, %eq3A_43 : i32
    %and3A_45 = arith.andi %eq3A_44, %eq3A_1 : i1
    %convert_element_type3A_46 = arith.extui %and3A_45 : i1 to i32
    %cond3A_47 = arith.constant 0 : i32
    %cond3A_48 = arith.cmpi ne, %convert_element_type3A_46, %cond3A_47 : i32
    scf.if %cond3A_48 {
      "tpu.region"() ({
        %run_scoped3A = tpu.sem_alloc : memref<!tpu.dma_semaphore, #tpu.memory_space<semaphore_mem>>
        %dma_start3A = arith.constant 0 : i32
        %dma_start3A_49 = tpu.memref_slice %arg9[%mul3A_22, %dma_start3A] : memref<10000x128xf32, #tpu.memory_space<hbm>> -> memref<640x128xf32, #tpu.memory_space<hbm>>
        %dma_start3A_50 = arith.constant 0 : i32
        %dma_start3A_51 = tpu.memref_slice %arg10[%mul3A_22, %dma_start3A_50] : memref<10112x128xf32, #tpu.memory_space<vmem_shared>> -> memref<640x128xf32, #tpu.memory_space<vmem_shared>>
        tpu.enqueue_dma source(%dma_start3A_51 : memref<640x128xf32, #tpu.memory_space<vmem_shared>>) target(%dma_start3A_49 : memref<640x128xf32, #tpu.memory_space<hbm>>) target_semaphore(%run_scoped3A : memref<!tpu.dma_semaphore, #tpu.memory_space<semaphore_mem>>)
        %dma_wait3A = arith.constant 0 : i32
        %dma_wait3A_52 = tpu.memref_slice %arg9[%mul3A_22, %dma_wait3A] : memref<10000x128xf32, #tpu.memory_space<hbm>> -> memref<640x128xf32, #tpu.memory_space<hbm>>
        %dma_wait3A_53 = arith.constant 0 : i32
        %dma_wait3A_54 = tpu.memref_slice %arg10[%mul3A_22, %dma_wait3A_53] : memref<10112x128xf32, #tpu.memory_space<vmem_shared>> -> memref<640x128xf32, #tpu.memory_space<vmem_shared>>
        tpu.wait_dma2 semaphore(%run_scoped3A : memref<!tpu.dma_semaphore, #tpu.memory_space<semaphore_mem>>) src(%dma_wait3A_54 : memref<640x128xf32, #tpu.memory_space<vmem_shared>>) dst(%dma_wait3A_52 : memref<640x128xf32, #tpu.memory_space<hbm>>)
        tpu.yield
      }) : () -> ()
    } else {
    }
    return
  }
}

#map = affine_map<(d0, d1) -> (0, 0)>
#map1 = affine_map<(d0, d1) -> (0, 0, 0)>
module attributes {stable_mosaic.version = 14 : i64} {
  func.func @_segsum_body(%arg0: i32, %arg1: i32, %arg2: memref<10000x128xf32, #tpu.memory_space<hbm>>, %arg3: memref<10000x128xf32, #tpu.memory_space<hbm>>, %arg4: memref<10000x128xf32, #tpu.memory_space<hbm>>, %arg5: memref<10000x128xf32, #tpu.memory_space<hbm>>, %arg6: memref<16x79x128xi32, #tpu.memory_space<hbm>>, %arg7: memref<16x79x128xi32, #tpu.memory_space<hbm>>, %arg8: memref<10000x128xf32, #tpu.memory_space<hbm>>, %arg9: memref<10000x128xf32, #tpu.memory_space<hbm>>, %arg10: memref<10112x128xf32, #tpu.memory_space<vmem_shared>>, %arg11: memref<79x128xi32, #tpu.memory_space<vmem>>, %arg12: memref<79x128xi32, #tpu.memory_space<vmem>>, %arg13: memref<128x128xf32, #tpu.memory_space<vmem>>, %arg14: memref<!tpu.dma_semaphore, #tpu.memory_space<semaphore_mem>>) attributes {dimension_semantics = [#tpu.dimension_semantics<core_parallel>, #tpu.dimension_semantics<subcore_parallel>], iteration_bounds = array<i64: 2, 16>, scalar_prefetch = 0 : i64, scratch_operands = 5 : i64, tpu.core_type = #tpu.core_type<sc_vector_subcore>, window_params = [{transform_indices = #map}, {transform_indices = #map}, {transform_indices = #map}, {transform_indices = #map}, {transform_indices = #map1}, {transform_indices = #map1}, {transform_indices = #map}, {transform_indices = #map}]} {
    %mul3A = arith.constant 624 : i32
    %mul3A_0 = arith.muli %arg1, %mul3A : i32
    %eq3A = arith.constant 15 : i32
    %eq3A_1 = arith.cmpi eq, %arg1, %eq3A : i32
    %eq3A_2 = arith.constant 0 : i32
    %eq3A_3 = arith.cmpi eq, %arg0, %eq3A_2 : i32
    %convert_element_type3A = arith.extui %eq3A_3 : i1 to i32
    %cond3A = arith.constant 0 : i32
    %cond3A_4 = arith.cmpi ne, %convert_element_type3A, %cond3A : i32
    scf.if %cond3A_4 {
      %not3A_49 = arith.constant true
      %not3A_50 = arith.xori %eq3A_1, %not3A_49 : i1
      %convert_element_type3A_51 = arith.extui %not3A_50 : i1 to i32
      %cond3A_52 = arith.constant 0 : i32
      %cond3A_53 = arith.cmpi ne, %convert_element_type3A_51, %cond3A_52 : i32
      scf.if %cond3A_53 {
        "tpu.region"() ({
          %run_scoped3A = tpu.sem_alloc : memref<!tpu.dma_semaphore, #tpu.memory_space<semaphore_mem>>
          %dma_start3A = arith.constant 0 : i32
          %dma_start3A_57 = tpu.memref_slice %arg10[%mul3A_0, %dma_start3A] : memref<10112x128xf32, #tpu.memory_space<vmem_shared>> -> memref<624x128xf32, #tpu.memory_space<vmem_shared>>
          %dma_start3A_58 = arith.constant 0 : i32
          %dma_start3A_59 = tpu.memref_slice %arg4[%mul3A_0, %dma_start3A_58] : memref<10000x128xf32, #tpu.memory_space<hbm>> -> memref<624x128xf32, #tpu.memory_space<hbm>>
          tpu.enqueue_dma source(%dma_start3A_59 : memref<624x128xf32, #tpu.memory_space<hbm>>) target(%dma_start3A_57 : memref<624x128xf32, #tpu.memory_space<vmem_shared>>) target_semaphore(%run_scoped3A : memref<!tpu.dma_semaphore, #tpu.memory_space<semaphore_mem>>)
          %dma_wait3A = arith.constant 0 : i32
          %dma_wait3A_60 = tpu.memref_slice %arg10[%mul3A_0, %dma_wait3A] : memref<10112x128xf32, #tpu.memory_space<vmem_shared>> -> memref<624x128xf32, #tpu.memory_space<vmem_shared>>
          %dma_wait3A_61 = arith.constant 0 : i32
          %dma_wait3A_62 = tpu.memref_slice %arg4[%mul3A_0, %dma_wait3A_61] : memref<10000x128xf32, #tpu.memory_space<hbm>> -> memref<624x128xf32, #tpu.memory_space<hbm>>
          tpu.wait_dma2 semaphore(%run_scoped3A : memref<!tpu.dma_semaphore, #tpu.memory_space<semaphore_mem>>) src(%dma_wait3A_62 : memref<624x128xf32, #tpu.memory_space<hbm>>) dst(%dma_wait3A_60 : memref<624x128xf32, #tpu.memory_space<vmem_shared>>)
          tpu.yield
        }) : () -> ()
      } else {
      }
      %convert_element_type3A_54 = arith.extui %eq3A_1 : i1 to i32
      %cond3A_55 = arith.constant 0 : i32
      %cond3A_56 = arith.cmpi ne, %convert_element_type3A_54, %cond3A_55 : i32
      scf.if %cond3A_56 {
        "tpu.region"() ({
          %run_scoped3A = tpu.sem_alloc : memref<!tpu.dma_semaphore, #tpu.memory_space<semaphore_mem>>
          %dma_start3A = arith.constant 0 : i32
          %dma_start3A_58 = tpu.memref_slice %arg10[%mul3A_0, %dma_start3A] : memref<10112x128xf32, #tpu.memory_space<vmem_shared>> -> memref<640x128xf32, #tpu.memory_space<vmem_shared>>
          %dma_start3A_59 = arith.constant 0 : i32
          %dma_start3A_60 = tpu.memref_slice %arg4[%mul3A_0, %dma_start3A_59] : memref<10000x128xf32, #tpu.memory_space<hbm>> -> memref<640x128xf32, #tpu.memory_space<hbm>>
          tpu.enqueue_dma source(%dma_start3A_60 : memref<640x128xf32, #tpu.memory_space<hbm>>) target(%dma_start3A_58 : memref<640x128xf32, #tpu.memory_space<vmem_shared>>) target_semaphore(%run_scoped3A : memref<!tpu.dma_semaphore, #tpu.memory_space<semaphore_mem>>)
          %dma_wait3A = arith.constant 0 : i32
          %dma_wait3A_61 = tpu.memref_slice %arg10[%mul3A_0, %dma_wait3A] : memref<10112x128xf32, #tpu.memory_space<vmem_shared>> -> memref<640x128xf32, #tpu.memory_space<vmem_shared>>
          %dma_wait3A_62 = arith.constant 0 : i32
          %dma_wait3A_63 = tpu.memref_slice %arg4[%mul3A_0, %dma_wait3A_62] : memref<10000x128xf32, #tpu.memory_space<hbm>> -> memref<640x128xf32, #tpu.memory_space<hbm>>
          tpu.wait_dma2 semaphore(%run_scoped3A : memref<!tpu.dma_semaphore, #tpu.memory_space<semaphore_mem>>) src(%dma_wait3A_63 : memref<640x128xf32, #tpu.memory_space<hbm>>) dst(%dma_wait3A_61 : memref<640x128xf32, #tpu.memory_space<vmem_shared>>)
          tpu.yield
        }) : () -> ()
        %add3A = arith.constant 640 : i32
        %add3A_57 = arith.addi %mul3A_0, %add3A : i32
        "tpu.region"() ({
          %run_scoped3A = tpu.sem_alloc : memref<!tpu.dma_semaphore, #tpu.memory_space<semaphore_mem>>
          %dma_start3A = arith.constant 0 : i32
          %dma_start3A_58 = tpu.memref_slice %arg10[%add3A_57, %dma_start3A] : memref<10112x128xf32, #tpu.memory_space<vmem_shared>> -> memref<112x128xf32, #tpu.memory_space<vmem_shared>>
          %dma_start3A_59 = arith.constant 0 : i32
          %dma_start3A_60 = arith.constant 0 : i32
          %dma_start3A_61 = tpu.memref_slice %arg4[%dma_start3A_59, %dma_start3A_60] : memref<10000x128xf32, #tpu.memory_space<hbm>> -> memref<112x128xf32, #tpu.memory_space<hbm>>
          tpu.enqueue_dma source(%dma_start3A_61 : memref<112x128xf32, #tpu.memory_space<hbm>>) target(%dma_start3A_58 : memref<112x128xf32, #tpu.memory_space<vmem_shared>>) target_semaphore(%run_scoped3A : memref<!tpu.dma_semaphore, #tpu.memory_space<semaphore_mem>>)
          %dma_wait3A = arith.constant 0 : i32
          %dma_wait3A_62 = tpu.memref_slice %arg10[%add3A_57, %dma_wait3A] : memref<10112x128xf32, #tpu.memory_space<vmem_shared>> -> memref<112x128xf32, #tpu.memory_space<vmem_shared>>
          %dma_wait3A_63 = arith.constant 0 : i32
          %dma_wait3A_64 = arith.constant 0 : i32
          %dma_wait3A_65 = tpu.memref_slice %arg4[%dma_wait3A_63, %dma_wait3A_64] : memref<10000x128xf32, #tpu.memory_space<hbm>> -> memref<112x128xf32, #tpu.memory_space<hbm>>
          tpu.wait_dma2 semaphore(%run_scoped3A : memref<!tpu.dma_semaphore, #tpu.memory_space<semaphore_mem>>) src(%dma_wait3A_65 : memref<112x128xf32, #tpu.memory_space<hbm>>) dst(%dma_wait3A_62 : memref<112x128xf32, #tpu.memory_space<vmem_shared>>)
          tpu.yield
        }) : () -> ()
      } else {
      }
    } else {
    }
    %eq3A_5 = arith.constant 1 : i32
    %eq3A_6 = arith.cmpi eq, %arg0, %eq3A_5 : i32
    %convert_element_type3A_7 = arith.extui %eq3A_6 : i1 to i32
    %cond3A_8 = arith.constant 0 : i32
    %cond3A_9 = arith.cmpi ne, %convert_element_type3A_7, %cond3A_8 : i32
    scf.if %cond3A_9 {
      %not3A_49 = arith.constant true
      %not3A_50 = arith.xori %eq3A_1, %not3A_49 : i1
      %convert_element_type3A_51 = arith.extui %not3A_50 : i1 to i32
      %cond3A_52 = arith.constant 0 : i32
      %cond3A_53 = arith.cmpi ne, %convert_element_type3A_51, %cond3A_52 : i32
      scf.if %cond3A_53 {
        "tpu.region"() ({
          %run_scoped3A = tpu.sem_alloc : memref<!tpu.dma_semaphore, #tpu.memory_space<semaphore_mem>>
          %dma_start3A = arith.constant 0 : i32
          %dma_start3A_57 = tpu.memref_slice %arg10[%mul3A_0, %dma_start3A] : memref<10112x128xf32, #tpu.memory_space<vmem_shared>> -> memref<624x128xf32, #tpu.memory_space<vmem_shared>>
          %dma_start3A_58 = arith.constant 0 : i32
          %dma_start3A_59 = tpu.memref_slice %arg5[%mul3A_0, %dma_start3A_58] : memref<10000x128xf32, #tpu.memory_space<hbm>> -> memref<624x128xf32, #tpu.memory_space<hbm>>
          tpu.enqueue_dma source(%dma_start3A_59 : memref<624x128xf32, #tpu.memory_space<hbm>>) target(%dma_start3A_57 : memref<624x128xf32, #tpu.memory_space<vmem_shared>>) target_semaphore(%run_scoped3A : memref<!tpu.dma_semaphore, #tpu.memory_space<semaphore_mem>>)
          %dma_wait3A = arith.constant 0 : i32
          %dma_wait3A_60 = tpu.memref_slice %arg10[%mul3A_0, %dma_wait3A] : memref<10112x128xf32, #tpu.memory_space<vmem_shared>> -> memref<624x128xf32, #tpu.memory_space<vmem_shared>>
          %dma_wait3A_61 = arith.constant 0 : i32
          %dma_wait3A_62 = tpu.memref_slice %arg5[%mul3A_0, %dma_wait3A_61] : memref<10000x128xf32, #tpu.memory_space<hbm>> -> memref<624x128xf32, #tpu.memory_space<hbm>>
          tpu.wait_dma2 semaphore(%run_scoped3A : memref<!tpu.dma_semaphore, #tpu.memory_space<semaphore_mem>>) src(%dma_wait3A_62 : memref<624x128xf32, #tpu.memory_space<hbm>>) dst(%dma_wait3A_60 : memref<624x128xf32, #tpu.memory_space<vmem_shared>>)
          tpu.yield
        }) : () -> ()
      } else {
      }
      %convert_element_type3A_54 = arith.extui %eq3A_1 : i1 to i32
      %cond3A_55 = arith.constant 0 : i32
      %cond3A_56 = arith.cmpi ne, %convert_element_type3A_54, %cond3A_55 : i32
      scf.if %cond3A_56 {
        "tpu.region"() ({
          %run_scoped3A = tpu.sem_alloc : memref<!tpu.dma_semaphore, #tpu.memory_space<semaphore_mem>>
          %dma_start3A = arith.constant 0 : i32
          %dma_start3A_58 = tpu.memref_slice %arg10[%mul3A_0, %dma_start3A] : memref<10112x128xf32, #tpu.memory_space<vmem_shared>> -> memref<640x128xf32, #tpu.memory_space<vmem_shared>>
          %dma_start3A_59 = arith.constant 0 : i32
          %dma_start3A_60 = tpu.memref_slice %arg5[%mul3A_0, %dma_start3A_59] : memref<10000x128xf32, #tpu.memory_space<hbm>> -> memref<640x128xf32, #tpu.memory_space<hbm>>
          tpu.enqueue_dma source(%dma_start3A_60 : memref<640x128xf32, #tpu.memory_space<hbm>>) target(%dma_start3A_58 : memref<640x128xf32, #tpu.memory_space<vmem_shared>>) target_semaphore(%run_scoped3A : memref<!tpu.dma_semaphore, #tpu.memory_space<semaphore_mem>>)
          %dma_wait3A = arith.constant 0 : i32
          %dma_wait3A_61 = tpu.memref_slice %arg10[%mul3A_0, %dma_wait3A] : memref<10112x128xf32, #tpu.memory_space<vmem_shared>> -> memref<640x128xf32, #tpu.memory_space<vmem_shared>>
          %dma_wait3A_62 = arith.constant 0 : i32
          %dma_wait3A_63 = tpu.memref_slice %arg5[%mul3A_0, %dma_wait3A_62] : memref<10000x128xf32, #tpu.memory_space<hbm>> -> memref<640x128xf32, #tpu.memory_space<hbm>>
          tpu.wait_dma2 semaphore(%run_scoped3A : memref<!tpu.dma_semaphore, #tpu.memory_space<semaphore_mem>>) src(%dma_wait3A_63 : memref<640x128xf32, #tpu.memory_space<hbm>>) dst(%dma_wait3A_61 : memref<640x128xf32, #tpu.memory_space<vmem_shared>>)
          tpu.yield
        }) : () -> ()
        %add3A = arith.constant 640 : i32
        %add3A_57 = arith.addi %mul3A_0, %add3A : i32
        "tpu.region"() ({
          %run_scoped3A = tpu.sem_alloc : memref<!tpu.dma_semaphore, #tpu.memory_space<semaphore_mem>>
          %dma_start3A = arith.constant 0 : i32
          %dma_start3A_58 = tpu.memref_slice %arg10[%add3A_57, %dma_start3A] : memref<10112x128xf32, #tpu.memory_space<vmem_shared>> -> memref<112x128xf32, #tpu.memory_space<vmem_shared>>
          %dma_start3A_59 = arith.constant 0 : i32
          %dma_start3A_60 = arith.constant 0 : i32
          %dma_start3A_61 = tpu.memref_slice %arg5[%dma_start3A_59, %dma_start3A_60] : memref<10000x128xf32, #tpu.memory_space<hbm>> -> memref<112x128xf32, #tpu.memory_space<hbm>>
          tpu.enqueue_dma source(%dma_start3A_61 : memref<112x128xf32, #tpu.memory_space<hbm>>) target(%dma_start3A_58 : memref<112x128xf32, #tpu.memory_space<vmem_shared>>) target_semaphore(%run_scoped3A : memref<!tpu.dma_semaphore, #tpu.memory_space<semaphore_mem>>)
          %dma_wait3A = arith.constant 0 : i32
          %dma_wait3A_62 = tpu.memref_slice %arg10[%add3A_57, %dma_wait3A] : memref<10112x128xf32, #tpu.memory_space<vmem_shared>> -> memref<112x128xf32, #tpu.memory_space<vmem_shared>>
          %dma_wait3A_63 = arith.constant 0 : i32
          %dma_wait3A_64 = arith.constant 0 : i32
          %dma_wait3A_65 = tpu.memref_slice %arg5[%dma_wait3A_63, %dma_wait3A_64] : memref<10000x128xf32, #tpu.memory_space<hbm>> -> memref<112x128xf32, #tpu.memory_space<hbm>>
          tpu.wait_dma2 semaphore(%run_scoped3A : memref<!tpu.dma_semaphore, #tpu.memory_space<semaphore_mem>>) src(%dma_wait3A_65 : memref<112x128xf32, #tpu.memory_space<hbm>>) dst(%dma_wait3A_62 : memref<112x128xf32, #tpu.memory_space<vmem_shared>>)
          tpu.yield
        }) : () -> ()
      } else {
      }
    } else {
    }
    "tpu.region"() ({
      %run_scoped3A = tpu.sem_alloc : memref<!tpu.dma_semaphore, #tpu.memory_space<semaphore_mem>>
      %dma_start3A = arith.constant 0 : i32
      %dma_start3A_49 = arith.constant 0 : i32
      %dma_start3A_50 = tpu.memref_slice %arg6[%arg1, %dma_start3A, %dma_start3A_49] : memref<16x79x128xi32, #tpu.memory_space<hbm>> -> memref<1x79x128xi32, #tpu.memory_space<hbm>>
      %dma_start3A_51 = tpu.memref_squeeze %dma_start3A_50 : memref<1x79x128xi32, #tpu.memory_space<hbm>> -> memref<79x128xi32, #tpu.memory_space<hbm>>
      %dma_start3A_52 = arith.constant 0 : i32
      %dma_start3A_53 = arith.constant 0 : i32
      %dma_start3A_54 = tpu.memref_slice %arg6[%arg1, %dma_start3A_52, %dma_start3A_53] : memref<16x79x128xi32, #tpu.memory_space<hbm>> -> memref<1x79x128xi32, #tpu.memory_space<hbm>>
      %dma_start3A_55 = tpu.memref_squeeze %dma_start3A_54 : memref<1x79x128xi32, #tpu.memory_space<hbm>> -> memref<79x128xi32, #tpu.memory_space<hbm>>
      tpu.enqueue_dma source(%dma_start3A_55 : memref<79x128xi32, #tpu.memory_space<hbm>>) target(%arg11 : memref<79x128xi32, #tpu.memory_space<vmem>>) target_semaphore(%run_scoped3A : memref<!tpu.dma_semaphore, #tpu.memory_space<semaphore_mem>>)
      %dma_wait3A = arith.constant 0 : i32
      %dma_wait3A_56 = arith.constant 0 : i32
      %dma_wait3A_57 = tpu.memref_slice %arg6[%arg1, %dma_wait3A, %dma_wait3A_56] : memref<16x79x128xi32, #tpu.memory_space<hbm>> -> memref<1x79x128xi32, #tpu.memory_space<hbm>>
      %dma_wait3A_58 = tpu.memref_squeeze %dma_wait3A_57 : memref<1x79x128xi32, #tpu.memory_space<hbm>> -> memref<79x128xi32, #tpu.memory_space<hbm>>
      %dma_wait3A_59 = arith.constant 0 : i32
      %dma_wait3A_60 = arith.constant 0 : i32
      %dma_wait3A_61 = tpu.memref_slice %arg6[%arg1, %dma_wait3A_59, %dma_wait3A_60] : memref<16x79x128xi32, #tpu.memory_space<hbm>> -> memref<1x79x128xi32, #tpu.memory_space<hbm>>
      %dma_wait3A_62 = tpu.memref_squeeze %dma_wait3A_61 : memref<1x79x128xi32, #tpu.memory_space<hbm>> -> memref<79x128xi32, #tpu.memory_space<hbm>>
      tpu.wait_dma2 semaphore(%run_scoped3A : memref<!tpu.dma_semaphore, #tpu.memory_space<semaphore_mem>>) src(%dma_wait3A_62 : memref<79x128xi32, #tpu.memory_space<hbm>>) dst(%arg11 : memref<79x128xi32, #tpu.memory_space<vmem>>)
      tpu.yield
    }) : () -> ()
    "tpu.region"() ({
      %run_scoped3A = tpu.sem_alloc : memref<!tpu.dma_semaphore, #tpu.memory_space<semaphore_mem>>
      %dma_start3A = arith.constant 0 : i32
      %dma_start3A_49 = arith.constant 0 : i32
      %dma_start3A_50 = tpu.memref_slice %arg7[%arg1, %dma_start3A, %dma_start3A_49] : memref<16x79x128xi32, #tpu.memory_space<hbm>> -> memref<1x79x128xi32, #tpu.memory_space<hbm>>
      %dma_start3A_51 = tpu.memref_squeeze %dma_start3A_50 : memref<1x79x128xi32, #tpu.memory_space<hbm>> -> memref<79x128xi32, #tpu.memory_space<hbm>>
      %dma_start3A_52 = arith.constant 0 : i32
      %dma_start3A_53 = arith.constant 0 : i32
      %dma_start3A_54 = tpu.memref_slice %arg7[%arg1, %dma_start3A_52, %dma_start3A_53] : memref<16x79x128xi32, #tpu.memory_space<hbm>> -> memref<1x79x128xi32, #tpu.memory_space<hbm>>
      %dma_start3A_55 = tpu.memref_squeeze %dma_start3A_54 : memref<1x79x128xi32, #tpu.memory_space<hbm>> -> memref<79x128xi32, #tpu.memory_space<hbm>>
      tpu.enqueue_dma source(%dma_start3A_55 : memref<79x128xi32, #tpu.memory_space<hbm>>) target(%arg12 : memref<79x128xi32, #tpu.memory_space<vmem>>) target_semaphore(%run_scoped3A : memref<!tpu.dma_semaphore, #tpu.memory_space<semaphore_mem>>)
      %dma_wait3A = arith.constant 0 : i32
      %dma_wait3A_56 = arith.constant 0 : i32
      %dma_wait3A_57 = tpu.memref_slice %arg7[%arg1, %dma_wait3A, %dma_wait3A_56] : memref<16x79x128xi32, #tpu.memory_space<hbm>> -> memref<1x79x128xi32, #tpu.memory_space<hbm>>
      %dma_wait3A_58 = tpu.memref_squeeze %dma_wait3A_57 : memref<1x79x128xi32, #tpu.memory_space<hbm>> -> memref<79x128xi32, #tpu.memory_space<hbm>>
      %dma_wait3A_59 = arith.constant 0 : i32
      %dma_wait3A_60 = arith.constant 0 : i32
      %dma_wait3A_61 = tpu.memref_slice %arg7[%arg1, %dma_wait3A_59, %dma_wait3A_60] : memref<16x79x128xi32, #tpu.memory_space<hbm>> -> memref<1x79x128xi32, #tpu.memory_space<hbm>>
      %dma_wait3A_62 = tpu.memref_squeeze %dma_wait3A_61 : memref<1x79x128xi32, #tpu.memory_space<hbm>> -> memref<79x128xi32, #tpu.memory_space<hbm>>
      tpu.wait_dma2 semaphore(%run_scoped3A : memref<!tpu.dma_semaphore, #tpu.memory_space<semaphore_mem>>) src(%dma_wait3A_62 : memref<79x128xi32, #tpu.memory_space<hbm>>) dst(%arg12 : memref<79x128xi32, #tpu.memory_space<vmem>>)
      tpu.yield
    }) : () -> ()
    %barrier3A = arith.constant 0 : index
    tpu.barrier barrier_id(%barrier3A)
    %eq3A_10 = arith.constant 0 : i32
    %eq3A_11 = arith.cmpi eq, %arg0, %eq3A_10 : i32
    %convert_element_type3A_12 = arith.extui %eq3A_11 : i1 to i32
    %cond3A_13 = arith.constant 0 : i32
    %cond3A_14 = arith.cmpi ne, %convert_element_type3A_12, %cond3A_13 : i32
    scf.if %cond3A_14 {
      %scan3A = arith.constant 0 : i32
      %scan3A_49 = arith.constant 0 : i32
      %scan3A_50 = arith.constant 79 : i32
      %scan3A_51 = arith.addi %scan3A_49, %scan3A_50 : i32
      %scan3A_52 = arith.constant 1 : i32
      scf.for %scan3A_54 = %scan3A_49 to %scan3A_51 step %scan3A_52  : i32 {
        %dma_start3A = arith.constant 0 : i32
        %dma_start3A_55 = tpu.memref_slice %arg11[%scan3A_54, %dma_start3A] : memref<79x128xi32, #tpu.memory_space<vmem>> -> memref<1x128xi32, #tpu.memory_space<vmem>>
        %dma_start3A_56 = tpu.memref_squeeze %dma_start3A_55 : memref<1x128xi32, #tpu.memory_space<vmem>> -> memref<128xi32, #tpu.memory_space<vmem>>
        %dma_start3A_57 = arith.constant 0 : i32
        %dma_start3A_58 = arith.constant 0 : i32
        %dma_start3A_59 = tpu.memref_slice %arg2[%dma_start3A_57, %dma_start3A_58] : memref<10000x128xf32, #tpu.memory_space<hbm>> -> memref<10000x128xf32, #tpu.memory_space<hbm>>
        tpu.enqueue_indirect_dma source(%dma_start3A_59 : memref<10000x128xf32, #tpu.memory_space<hbm>>) target(%arg13 : memref<128x128xf32, #tpu.memory_space<vmem>>) offsets(%dma_start3A_56 : memref<128xi32, #tpu.memory_space<vmem>>) semaphore(%arg14 : memref<!tpu.dma_semaphore, #tpu.memory_space<semaphore_mem>>)
        %dma_wait3A = arith.constant 0 : i32
        %dma_wait3A_60 = tpu.memref_slice %arg11[%scan3A_54, %dma_wait3A] : memref<79x128xi32, #tpu.memory_space<vmem>> -> memref<1x128xi32, #tpu.memory_space<vmem>>
        %dma_wait3A_61 = tpu.memref_squeeze %dma_wait3A_60 : memref<1x128xi32, #tpu.memory_space<vmem>> -> memref<128xi32, #tpu.memory_space<vmem>>
        %dma_wait3A_62 = arith.constant 0 : i32
        %dma_wait3A_63 = arith.constant 0 : i32
        %dma_wait3A_64 = tpu.memref_slice %arg2[%dma_wait3A_62, %dma_wait3A_63] : memref<10000x128xf32, #tpu.memory_space<hbm>> -> memref<10000x128xf32, #tpu.memory_space<hbm>>
        tpu.wait_indirect_dma semaphore(%arg14 : memref<!tpu.dma_semaphore, #tpu.memory_space<semaphore_mem>>) src(%dma_wait3A_64 : memref<10000x128xf32, #tpu.memory_space<hbm>>) dst(%arg13 : memref<128x128xf32, #tpu.memory_space<vmem>>)
        "tpu.region"() ({
          %run_scoped3A = tpu.sem_alloc : memref<!tpu.dma_semaphore, #tpu.memory_space<semaphore_mem>>
          %dma_start3A_65 = arith.constant 0 : i32
          %dma_start3A_66 = tpu.memref_slice %arg12[%scan3A_54, %dma_start3A_65] : memref<79x128xi32, #tpu.memory_space<vmem>> -> memref<1x128xi32, #tpu.memory_space<vmem>>
          %dma_start3A_67 = tpu.memref_squeeze %dma_start3A_66 : memref<1x128xi32, #tpu.memory_space<vmem>> -> memref<128xi32, #tpu.memory_space<vmem>>
          %dma_start3A_68 = arith.constant 0 : i32
          %dma_start3A_69 = arith.constant 0 : i32
          %dma_start3A_70 = tpu.memref_slice %arg10[%dma_start3A_68, %dma_start3A_69] : memref<10112x128xf32, #tpu.memory_space<vmem_shared>> -> memref<10112x128xf32, #tpu.memory_space<vmem_shared>>
          tpu.enqueue_indirect_dma source(%arg13 : memref<128x128xf32, #tpu.memory_space<vmem>>) target(%dma_start3A_70 : memref<10112x128xf32, #tpu.memory_space<vmem_shared>>) offsets(%dma_start3A_67 : memref<128xi32, #tpu.memory_space<vmem>>) semaphore(%run_scoped3A : memref<!tpu.dma_semaphore, #tpu.memory_space<semaphore_mem>>) {add = true}
          %dma_wait3A_71 = arith.constant 0 : i32
          %dma_wait3A_72 = tpu.memref_slice %arg12[%scan3A_54, %dma_wait3A_71] : memref<79x128xi32, #tpu.memory_space<vmem>> -> memref<1x128xi32, #tpu.memory_space<vmem>>
          %dma_wait3A_73 = tpu.memref_squeeze %dma_wait3A_72 : memref<1x128xi32, #tpu.memory_space<vmem>> -> memref<128xi32, #tpu.memory_space<vmem>>
          %dma_wait3A_74 = arith.constant 0 : i32
          %dma_wait3A_75 = arith.constant 0 : i32
          %dma_wait3A_76 = tpu.memref_slice %arg10[%dma_wait3A_74, %dma_wait3A_75] : memref<10112x128xf32, #tpu.memory_space<vmem_shared>> -> memref<10112x128xf32, #tpu.memory_space<vmem_shared>>
          tpu.wait_indirect_dma semaphore(%run_scoped3A : memref<!tpu.dma_semaphore, #tpu.memory_space<semaphore_mem>>) src(%arg13 : memref<128x128xf32, #tpu.memory_space<vmem>>) dst(%dma_wait3A_76 : memref<10112x128xf32, #tpu.memory_space<vmem_shared>>)
          tpu.yield
        }) : () -> ()
      }
      %scan3A_53 = arith.constant 79 : i32
    } else {
    }
    %eq3A_15 = arith.constant 1 : i32
    %eq3A_16 = arith.cmpi eq, %arg0, %eq3A_15 : i32
    %convert_element_type3A_17 = arith.extui %eq3A_16 : i1 to i32
    %cond3A_18 = arith.constant 0 : i32
    %cond3A_19 = arith.cmpi ne, %convert_element_type3A_17, %cond3A_18 : i32
    scf.if %cond3A_19 {
      %scan3A = arith.constant 0 : i32
      %scan3A_49 = arith.constant 0 : i32
      %scan3A_50 = arith.constant 79 : i32
      %scan3A_51 = arith.addi %scan3A_49, %scan3A_50 : i32
      %scan3A_52 = arith.constant 1 : i32
      scf.for %scan3A_54 = %scan3A_49 to %scan3A_51 step %scan3A_52  : i32 {
        %dma_start3A = arith.constant 0 : i32
        %dma_start3A_55 = tpu.memref_slice %arg11[%scan3A_54, %dma_start3A] : memref<79x128xi32, #tpu.memory_space<vmem>> -> memref<1x128xi32, #tpu.memory_space<vmem>>
        %dma_start3A_56 = tpu.memref_squeeze %dma_start3A_55 : memref<1x128xi32, #tpu.memory_space<vmem>> -> memref<128xi32, #tpu.memory_space<vmem>>
        %dma_start3A_57 = arith.constant 0 : i32
        %dma_start3A_58 = arith.constant 0 : i32
        %dma_start3A_59 = tpu.memref_slice %arg3[%dma_start3A_57, %dma_start3A_58] : memref<10000x128xf32, #tpu.memory_space<hbm>> -> memref<10000x128xf32, #tpu.memory_space<hbm>>
        tpu.enqueue_indirect_dma source(%dma_start3A_59 : memref<10000x128xf32, #tpu.memory_space<hbm>>) target(%arg13 : memref<128x128xf32, #tpu.memory_space<vmem>>) offsets(%dma_start3A_56 : memref<128xi32, #tpu.memory_space<vmem>>) semaphore(%arg14 : memref<!tpu.dma_semaphore, #tpu.memory_space<semaphore_mem>>)
        %dma_wait3A = arith.constant 0 : i32
        %dma_wait3A_60 = tpu.memref_slice %arg11[%scan3A_54, %dma_wait3A] : memref<79x128xi32, #tpu.memory_space<vmem>> -> memref<1x128xi32, #tpu.memory_space<vmem>>
        %dma_wait3A_61 = tpu.memref_squeeze %dma_wait3A_60 : memref<1x128xi32, #tpu.memory_space<vmem>> -> memref<128xi32, #tpu.memory_space<vmem>>
        %dma_wait3A_62 = arith.constant 0 : i32
        %dma_wait3A_63 = arith.constant 0 : i32
        %dma_wait3A_64 = tpu.memref_slice %arg3[%dma_wait3A_62, %dma_wait3A_63] : memref<10000x128xf32, #tpu.memory_space<hbm>> -> memref<10000x128xf32, #tpu.memory_space<hbm>>
        tpu.wait_indirect_dma semaphore(%arg14 : memref<!tpu.dma_semaphore, #tpu.memory_space<semaphore_mem>>) src(%dma_wait3A_64 : memref<10000x128xf32, #tpu.memory_space<hbm>>) dst(%arg13 : memref<128x128xf32, #tpu.memory_space<vmem>>)
        "tpu.region"() ({
          %run_scoped3A = tpu.sem_alloc : memref<!tpu.dma_semaphore, #tpu.memory_space<semaphore_mem>>
          %dma_start3A_65 = arith.constant 0 : i32
          %dma_start3A_66 = tpu.memref_slice %arg12[%scan3A_54, %dma_start3A_65] : memref<79x128xi32, #tpu.memory_space<vmem>> -> memref<1x128xi32, #tpu.memory_space<vmem>>
          %dma_start3A_67 = tpu.memref_squeeze %dma_start3A_66 : memref<1x128xi32, #tpu.memory_space<vmem>> -> memref<128xi32, #tpu.memory_space<vmem>>
          %dma_start3A_68 = arith.constant 0 : i32
          %dma_start3A_69 = arith.constant 0 : i32
          %dma_start3A_70 = tpu.memref_slice %arg10[%dma_start3A_68, %dma_start3A_69] : memref<10112x128xf32, #tpu.memory_space<vmem_shared>> -> memref<10112x128xf32, #tpu.memory_space<vmem_shared>>
          tpu.enqueue_indirect_dma source(%arg13 : memref<128x128xf32, #tpu.memory_space<vmem>>) target(%dma_start3A_70 : memref<10112x128xf32, #tpu.memory_space<vmem_shared>>) offsets(%dma_start3A_67 : memref<128xi32, #tpu.memory_space<vmem>>) semaphore(%run_scoped3A : memref<!tpu.dma_semaphore, #tpu.memory_space<semaphore_mem>>) {add = true}
          %dma_wait3A_71 = arith.constant 0 : i32
          %dma_wait3A_72 = tpu.memref_slice %arg12[%scan3A_54, %dma_wait3A_71] : memref<79x128xi32, #tpu.memory_space<vmem>> -> memref<1x128xi32, #tpu.memory_space<vmem>>
          %dma_wait3A_73 = tpu.memref_squeeze %dma_wait3A_72 : memref<1x128xi32, #tpu.memory_space<vmem>> -> memref<128xi32, #tpu.memory_space<vmem>>
          %dma_wait3A_74 = arith.constant 0 : i32
          %dma_wait3A_75 = arith.constant 0 : i32
          %dma_wait3A_76 = tpu.memref_slice %arg10[%dma_wait3A_74, %dma_wait3A_75] : memref<10112x128xf32, #tpu.memory_space<vmem_shared>> -> memref<10112x128xf32, #tpu.memory_space<vmem_shared>>
          tpu.wait_indirect_dma semaphore(%run_scoped3A : memref<!tpu.dma_semaphore, #tpu.memory_space<semaphore_mem>>) src(%arg13 : memref<128x128xf32, #tpu.memory_space<vmem>>) dst(%dma_wait3A_76 : memref<10112x128xf32, #tpu.memory_space<vmem_shared>>)
          tpu.yield
        }) : () -> ()
      }
      %scan3A_53 = arith.constant 79 : i32
    } else {
    }
    %barrier3A_20 = arith.constant 0 : index
    tpu.barrier barrier_id(%barrier3A_20)
    %mul3A_21 = arith.constant 624 : i32
    %mul3A_22 = arith.muli %arg1, %mul3A_21 : i32
    %eq3A_23 = arith.constant 0 : i32
    %eq3A_24 = arith.cmpi eq, %arg0, %eq3A_23 : i32
    %not3A = arith.constant true
    %not3A_25 = arith.xori %eq3A_1, %not3A : i1
    %and3A = arith.andi %eq3A_24, %not3A_25 : i1
    %convert_element_type3A_26 = arith.extui %and3A : i1 to i32
    %cond3A_27 = arith.constant 0 : i32
    %cond3A_28 = arith.cmpi ne, %convert_element_type3A_26, %cond3A_27 : i32
    scf.if %cond3A_28 {
      "tpu.region"() ({
        %run_scoped3A = tpu.sem_alloc : memref<!tpu.dma_semaphore, #tpu.memory_space<semaphore_mem>>
        %dma_start3A = arith.constant 0 : i32
        %dma_start3A_49 = tpu.memref_slice %arg8[%mul3A_22, %dma_start3A] : memref<10000x128xf32, #tpu.memory_space<hbm>> -> memref<624x128xf32, #tpu.memory_space<hbm>>
        %dma_start3A_50 = arith.constant 0 : i32
        %dma_start3A_51 = tpu.memref_slice %arg10[%mul3A_22, %dma_start3A_50] : memref<10112x128xf32, #tpu.memory_space<vmem_shared>> -> memref<624x128xf32, #tpu.memory_space<vmem_shared>>
        tpu.enqueue_dma source(%dma_start3A_51 : memref<624x128xf32, #tpu.memory_space<vmem_shared>>) target(%dma_start3A_49 : memref<624x128xf32, #tpu.memory_space<hbm>>) target_semaphore(%run_scoped3A : memref<!tpu.dma_semaphore, #tpu.memory_space<semaphore_mem>>)
        %dma_wait3A = arith.constant 0 : i32
        %dma_wait3A_52 = tpu.memref_slice %arg8[%mul3A_22, %dma_wait3A] : memref<10000x128xf32, #tpu.memory_space<hbm>> -> memref<624x128xf32, #tpu.memory_space<hbm>>
        %dma_wait3A_53 = arith.constant 0 : i32
        %dma_wait3A_54 = tpu.memref_slice %arg10[%mul3A_22, %dma_wait3A_53] : memref<10112x128xf32, #tpu.memory_space<vmem_shared>> -> memref<624x128xf32, #tpu.memory_space<vmem_shared>>
        tpu.wait_dma2 semaphore(%run_scoped3A : memref<!tpu.dma_semaphore, #tpu.memory_space<semaphore_mem>>) src(%dma_wait3A_54 : memref<624x128xf32, #tpu.memory_space<vmem_shared>>) dst(%dma_wait3A_52 : memref<624x128xf32, #tpu.memory_space<hbm>>)
        tpu.yield
      }) : () -> ()
    } else {
    }
    %eq3A_29 = arith.constant 0 : i32
    %eq3A_30 = arith.cmpi eq, %arg0, %eq3A_29 : i32
    %and3A_31 = arith.andi %eq3A_30, %eq3A_1 : i1
    %convert_element_type3A_32 = arith.extui %and3A_31 : i1 to i32
    %cond3A_33 = arith.constant 0 : i32
    %cond3A_34 = arith.cmpi ne, %convert_element_type3A_32, %cond3A_33 : i32
    scf.if %cond3A_34 {
      "tpu.region"() ({
        %run_scoped3A = tpu.sem_alloc : memref<!tpu.dma_semaphore, #tpu.memory_space<semaphore_mem>>
        %dma_start3A = arith.constant 0 : i32
        %dma_start3A_49 = tpu.memref_slice %arg8[%mul3A_22, %dma_start3A] : memref<10000x128xf32, #tpu.memory_space<hbm>> -> memref<640x128xf32, #tpu.memory_space<hbm>>
        %dma_start3A_50 = arith.constant 0 : i32
        %dma_start3A_51 = tpu.memref_slice %arg10[%mul3A_22, %dma_start3A_50] : memref<10112x128xf32, #tpu.memory_space<vmem_shared>> -> memref<640x128xf32, #tpu.memory_space<vmem_shared>>
        tpu.enqueue_dma source(%dma_start3A_51 : memref<640x128xf32, #tpu.memory_space<vmem_shared>>) target(%dma_start3A_49 : memref<640x128xf32, #tpu.memory_space<hbm>>) target_semaphore(%run_scoped3A : memref<!tpu.dma_semaphore, #tpu.memory_space<semaphore_mem>>)
        %dma_wait3A = arith.constant 0 : i32
        %dma_wait3A_52 = tpu.memref_slice %arg8[%mul3A_22, %dma_wait3A] : memref<10000x128xf32, #tpu.memory_space<hbm>> -> memref<640x128xf32, #tpu.memory_space<hbm>>
        %dma_wait3A_53 = arith.constant 0 : i32
        %dma_wait3A_54 = tpu.memref_slice %arg10[%mul3A_22, %dma_wait3A_53] : memref<10112x128xf32, #tpu.memory_space<vmem_shared>> -> memref<640x128xf32, #tpu.memory_space<vmem_shared>>
        tpu.wait_dma2 semaphore(%run_scoped3A : memref<!tpu.dma_semaphore, #tpu.memory_space<semaphore_mem>>) src(%dma_wait3A_54 : memref<640x128xf32, #tpu.memory_space<vmem_shared>>) dst(%dma_wait3A_52 : memref<640x128xf32, #tpu.memory_space<hbm>>)
        tpu.yield
      }) : () -> ()
    } else {
    }
    %eq3A_35 = arith.constant 1 : i32
    %eq3A_36 = arith.cmpi eq, %arg0, %eq3A_35 : i32
    %not3A_37 = arith.constant true
    %not3A_38 = arith.xori %eq3A_1, %not3A_37 : i1
    %and3A_39 = arith.andi %eq3A_36, %not3A_38 : i1
    %convert_element_type3A_40 = arith.extui %and3A_39 : i1 to i32
    %cond3A_41 = arith.constant 0 : i32
    %cond3A_42 = arith.cmpi ne, %convert_element_type3A_40, %cond3A_41 : i32
    scf.if %cond3A_42 {
      "tpu.region"() ({
        %run_scoped3A = tpu.sem_alloc : memref<!tpu.dma_semaphore, #tpu.memory_space<semaphore_mem>>
        %dma_start3A = arith.constant 0 : i32
        %dma_start3A_49 = tpu.memref_slice %arg9[%mul3A_22, %dma_start3A] : memref<10000x128xf32, #tpu.memory_space<hbm>> -> memref<624x128xf32, #tpu.memory_space<hbm>>
        %dma_start3A_50 = arith.constant 0 : i32
        %dma_start3A_51 = tpu.memref_slice %arg10[%mul3A_22, %dma_start3A_50] : memref<10112x128xf32, #tpu.memory_space<vmem_shared>> -> memref<624x128xf32, #tpu.memory_space<vmem_shared>>
        tpu.enqueue_dma source(%dma_start3A_51 : memref<624x128xf32, #tpu.memory_space<vmem_shared>>) target(%dma_start3A_49 : memref<624x128xf32, #tpu.memory_space<hbm>>) target_semaphore(%run_scoped3A : memref<!tpu.dma_semaphore, #tpu.memory_space<semaphore_mem>>)
        %dma_wait3A = arith.constant 0 : i32
        %dma_wait3A_52 = tpu.memref_slice %arg9[%mul3A_22, %dma_wait3A] : memref<10000x128xf32, #tpu.memory_space<hbm>> -> memref<624x128xf32, #tpu.memory_space<hbm>>
        %dma_wait3A_53 = arith.constant 0 : i32
        %dma_wait3A_54 = tpu.memref_slice %arg10[%mul3A_22, %dma_wait3A_53] : memref<10112x128xf32, #tpu.memory_space<vmem_shared>> -> memref<624x128xf32, #tpu.memory_space<vmem_shared>>
        tpu.wait_dma2 semaphore(%run_scoped3A : memref<!tpu.dma_semaphore, #tpu.memory_space<semaphore_mem>>) src(%dma_wait3A_54 : memref<624x128xf32, #tpu.memory_space<vmem_shared>>) dst(%dma_wait3A_52 : memref<624x128xf32, #tpu.memory_space<hbm>>)
        tpu.yield
      }) : () -> ()
    } else {
    }
    %eq3A_43 = arith.constant 1 : i32
    %eq3A_44 = arith.cmpi eq, %arg0, %eq3A_43 : i32
    %and3A_45 = arith.andi %eq3A_44, %eq3A_1 : i1
    %convert_element_type3A_46 = arith.extui %and3A_45 : i1 to i32
    %cond3A_47 = arith.constant 0 : i32
    %cond3A_48 = arith.cmpi ne, %convert_element_type3A_46, %cond3A_47 : i32
    scf.if %cond3A_48 {
      "tpu.region"() ({
        %run_scoped3A = tpu.sem_alloc : memref<!tpu.dma_semaphore, #tpu.memory_space<semaphore_mem>>
        %dma_start3A = arith.constant 0 : i32
        %dma_start3A_49 = tpu.memref_slice %arg9[%mul3A_22, %dma_start3A] : memref<10000x128xf32, #tpu.memory_space<hbm>> -> memref<640x128xf32, #tpu.memory_space<hbm>>
        %dma_start3A_50 = arith.constant 0 : i32
        %dma_start3A_51 = tpu.memref_slice %arg10[%mul3A_22, %dma_start3A_50] : memref<10112x128xf32, #tpu.memory_space<vmem_shared>> -> memref<640x128xf32, #tpu.memory_space<vmem_shared>>
        tpu.enqueue_dma source(%dma_start3A_51 : memref<640x128xf32, #tpu.memory_space<vmem_shared>>) target(%dma_start3A_49 : memref<640x128xf32, #tpu.memory_space<hbm>>) target_semaphore(%run_scoped3A : memref<!tpu.dma_semaphore, #tpu.memory_space<semaphore_mem>>)
        %dma_wait3A = arith.constant 0 : i32
        %dma_wait3A_52 = tpu.memref_slice %arg9[%mul3A_22, %dma_wait3A] : memref<10000x128xf32, #tpu.memory_space<hbm>> -> memref<640x128xf32, #tpu.memory_space<hbm>>
        %dma_wait3A_53 = arith.constant 0 : i32
        %dma_wait3A_54 = tpu.memref_slice %arg10[%mul3A_22, %dma_wait3A_53] : memref<10112x128xf32, #tpu.memory_space<vmem_shared>> -> memref<640x128xf32, #tpu.memory_space<vmem_shared>>
        tpu.wait_dma2 semaphore(%run_scoped3A : memref<!tpu.dma_semaphore, #tpu.memory_space<semaphore_mem>>) src(%dma_wait3A_54 : memref<640x128xf32, #tpu.memory_space<vmem_shared>>) dst(%dma_wait3A_52 : memref<640x128xf32, #tpu.memory_space<hbm>>)
        tpu.yield
      }) : () -> ()
    } else {
    }
    return
  }
}

#map = affine_map<(d0, d1) -> (0, 0)>
#map1 = affine_map<(d0, d1) -> (0, 0, 0)>
module attributes {stable_mosaic.version = 14 : i64} {
  func.func @_segsum_body(%arg0: i32, %arg1: i32, %arg2: memref<10000x128xf32, #tpu.memory_space<hbm>>, %arg3: memref<10000x128xf32, #tpu.memory_space<hbm>>, %arg4: memref<10000x128xf32, #tpu.memory_space<hbm>>, %arg5: memref<10000x128xf32, #tpu.memory_space<hbm>>, %arg6: memref<16x79x128xi32, #tpu.memory_space<hbm>>, %arg7: memref<16x79x128xi32, #tpu.memory_space<hbm>>, %arg8: memref<10000x128xf32, #tpu.memory_space<hbm>>, %arg9: memref<10000x128xf32, #tpu.memory_space<hbm>>, %arg10: memref<10112x128xf32, #tpu.memory_space<vmem_shared>>, %arg11: memref<79x128xi32, #tpu.memory_space<vmem>>, %arg12: memref<79x128xi32, #tpu.memory_space<vmem>>, %arg13: memref<128x128xf32, #tpu.memory_space<vmem>>, %arg14: memref<!tpu.dma_semaphore, #tpu.memory_space<semaphore_mem>>) attributes {dimension_semantics = [#tpu.dimension_semantics<core_parallel>, #tpu.dimension_semantics<subcore_parallel>], iteration_bounds = array<i64: 2, 16>, scalar_prefetch = 0 : i64, scratch_operands = 5 : i64, tpu.core_type = #tpu.core_type<sc_vector_subcore>, window_params = [{transform_indices = #map}, {transform_indices = #map}, {transform_indices = #map}, {transform_indices = #map}, {transform_indices = #map1}, {transform_indices = #map1}, {transform_indices = #map}, {transform_indices = #map}]} {
    %mul3A = arith.constant 624 : i32
    %mul3A_0 = arith.muli %arg1, %mul3A : i32
    %eq3A = arith.constant 15 : i32
    %eq3A_1 = arith.cmpi eq, %arg1, %eq3A : i32
    %eq3A_2 = arith.constant 0 : i32
    %eq3A_3 = arith.cmpi eq, %arg0, %eq3A_2 : i32
    %convert_element_type3A = arith.extui %eq3A_3 : i1 to i32
    %cond3A = arith.constant 0 : i32
    %cond3A_4 = arith.cmpi ne, %convert_element_type3A, %cond3A : i32
    scf.if %cond3A_4 {
      %not3A_49 = arith.constant true
      %not3A_50 = arith.xori %eq3A_1, %not3A_49 : i1
      %convert_element_type3A_51 = arith.extui %not3A_50 : i1 to i32
      %cond3A_52 = arith.constant 0 : i32
      %cond3A_53 = arith.cmpi ne, %convert_element_type3A_51, %cond3A_52 : i32
      scf.if %cond3A_53 {
        "tpu.region"() ({
          %run_scoped3A = tpu.sem_alloc : memref<!tpu.dma_semaphore, #tpu.memory_space<semaphore_mem>>
          %dma_start3A = arith.constant 0 : i32
          %dma_start3A_57 = tpu.memref_slice %arg10[%mul3A_0, %dma_start3A] : memref<10112x128xf32, #tpu.memory_space<vmem_shared>> -> memref<624x128xf32, #tpu.memory_space<vmem_shared>>
          %dma_start3A_58 = arith.constant 0 : i32
          %dma_start3A_59 = tpu.memref_slice %arg4[%mul3A_0, %dma_start3A_58] : memref<10000x128xf32, #tpu.memory_space<hbm>> -> memref<624x128xf32, #tpu.memory_space<hbm>>
          tpu.enqueue_dma source(%dma_start3A_59 : memref<624x128xf32, #tpu.memory_space<hbm>>) target(%dma_start3A_57 : memref<624x128xf32, #tpu.memory_space<vmem_shared>>) target_semaphore(%run_scoped3A : memref<!tpu.dma_semaphore, #tpu.memory_space<semaphore_mem>>)
          %dma_wait3A = arith.constant 0 : i32
          %dma_wait3A_60 = tpu.memref_slice %arg10[%mul3A_0, %dma_wait3A] : memref<10112x128xf32, #tpu.memory_space<vmem_shared>> -> memref<624x128xf32, #tpu.memory_space<vmem_shared>>
          %dma_wait3A_61 = arith.constant 0 : i32
          %dma_wait3A_62 = tpu.memref_slice %arg4[%mul3A_0, %dma_wait3A_61] : memref<10000x128xf32, #tpu.memory_space<hbm>> -> memref<624x128xf32, #tpu.memory_space<hbm>>
          tpu.wait_dma2 semaphore(%run_scoped3A : memref<!tpu.dma_semaphore, #tpu.memory_space<semaphore_mem>>) src(%dma_wait3A_62 : memref<624x128xf32, #tpu.memory_space<hbm>>) dst(%dma_wait3A_60 : memref<624x128xf32, #tpu.memory_space<vmem_shared>>)
          tpu.yield
        }) : () -> ()
      } else {
      }
      %convert_element_type3A_54 = arith.extui %eq3A_1 : i1 to i32
      %cond3A_55 = arith.constant 0 : i32
      %cond3A_56 = arith.cmpi ne, %convert_element_type3A_54, %cond3A_55 : i32
      scf.if %cond3A_56 {
        "tpu.region"() ({
          %run_scoped3A = tpu.sem_alloc : memref<!tpu.dma_semaphore, #tpu.memory_space<semaphore_mem>>
          %dma_start3A = arith.constant 0 : i32
          %dma_start3A_58 = tpu.memref_slice %arg10[%mul3A_0, %dma_start3A] : memref<10112x128xf32, #tpu.memory_space<vmem_shared>> -> memref<640x128xf32, #tpu.memory_space<vmem_shared>>
          %dma_start3A_59 = arith.constant 0 : i32
          %dma_start3A_60 = tpu.memref_slice %arg4[%mul3A_0, %dma_start3A_59] : memref<10000x128xf32, #tpu.memory_space<hbm>> -> memref<640x128xf32, #tpu.memory_space<hbm>>
          tpu.enqueue_dma source(%dma_start3A_60 : memref<640x128xf32, #tpu.memory_space<hbm>>) target(%dma_start3A_58 : memref<640x128xf32, #tpu.memory_space<vmem_shared>>) target_semaphore(%run_scoped3A : memref<!tpu.dma_semaphore, #tpu.memory_space<semaphore_mem>>)
          %dma_wait3A = arith.constant 0 : i32
          %dma_wait3A_61 = tpu.memref_slice %arg10[%mul3A_0, %dma_wait3A] : memref<10112x128xf32, #tpu.memory_space<vmem_shared>> -> memref<640x128xf32, #tpu.memory_space<vmem_shared>>
          %dma_wait3A_62 = arith.constant 0 : i32
          %dma_wait3A_63 = tpu.memref_slice %arg4[%mul3A_0, %dma_wait3A_62] : memref<10000x128xf32, #tpu.memory_space<hbm>> -> memref<640x128xf32, #tpu.memory_space<hbm>>
          tpu.wait_dma2 semaphore(%run_scoped3A : memref<!tpu.dma_semaphore, #tpu.memory_space<semaphore_mem>>) src(%dma_wait3A_63 : memref<640x128xf32, #tpu.memory_space<hbm>>) dst(%dma_wait3A_61 : memref<640x128xf32, #tpu.memory_space<vmem_shared>>)
          tpu.yield
        }) : () -> ()
        %add3A = arith.constant 640 : i32
        %add3A_57 = arith.addi %mul3A_0, %add3A : i32
        "tpu.region"() ({
          %run_scoped3A = tpu.sem_alloc : memref<!tpu.dma_semaphore, #tpu.memory_space<semaphore_mem>>
          %dma_start3A = arith.constant 0 : i32
          %dma_start3A_58 = tpu.memref_slice %arg10[%add3A_57, %dma_start3A] : memref<10112x128xf32, #tpu.memory_space<vmem_shared>> -> memref<112x128xf32, #tpu.memory_space<vmem_shared>>
          %dma_start3A_59 = arith.constant 0 : i32
          %dma_start3A_60 = arith.constant 0 : i32
          %dma_start3A_61 = tpu.memref_slice %arg4[%dma_start3A_59, %dma_start3A_60] : memref<10000x128xf32, #tpu.memory_space<hbm>> -> memref<112x128xf32, #tpu.memory_space<hbm>>
          tpu.enqueue_dma source(%dma_start3A_61 : memref<112x128xf32, #tpu.memory_space<hbm>>) target(%dma_start3A_58 : memref<112x128xf32, #tpu.memory_space<vmem_shared>>) target_semaphore(%run_scoped3A : memref<!tpu.dma_semaphore, #tpu.memory_space<semaphore_mem>>)
          %dma_wait3A = arith.constant 0 : i32
          %dma_wait3A_62 = tpu.memref_slice %arg10[%add3A_57, %dma_wait3A] : memref<10112x128xf32, #tpu.memory_space<vmem_shared>> -> memref<112x128xf32, #tpu.memory_space<vmem_shared>>
          %dma_wait3A_63 = arith.constant 0 : i32
          %dma_wait3A_64 = arith.constant 0 : i32
          %dma_wait3A_65 = tpu.memref_slice %arg4[%dma_wait3A_63, %dma_wait3A_64] : memref<10000x128xf32, #tpu.memory_space<hbm>> -> memref<112x128xf32, #tpu.memory_space<hbm>>
          tpu.wait_dma2 semaphore(%run_scoped3A : memref<!tpu.dma_semaphore, #tpu.memory_space<semaphore_mem>>) src(%dma_wait3A_65 : memref<112x128xf32, #tpu.memory_space<hbm>>) dst(%dma_wait3A_62 : memref<112x128xf32, #tpu.memory_space<vmem_shared>>)
          tpu.yield
        }) : () -> ()
      } else {
      }
    } else {
    }
    %eq3A_5 = arith.constant 1 : i32
    %eq3A_6 = arith.cmpi eq, %arg0, %eq3A_5 : i32
    %convert_element_type3A_7 = arith.extui %eq3A_6 : i1 to i32
    %cond3A_8 = arith.constant 0 : i32
    %cond3A_9 = arith.cmpi ne, %convert_element_type3A_7, %cond3A_8 : i32
    scf.if %cond3A_9 {
      %not3A_49 = arith.constant true
      %not3A_50 = arith.xori %eq3A_1, %not3A_49 : i1
      %convert_element_type3A_51 = arith.extui %not3A_50 : i1 to i32
      %cond3A_52 = arith.constant 0 : i32
      %cond3A_53 = arith.cmpi ne, %convert_element_type3A_51, %cond3A_52 : i32
      scf.if %cond3A_53 {
        "tpu.region"() ({
          %run_scoped3A = tpu.sem_alloc : memref<!tpu.dma_semaphore, #tpu.memory_space<semaphore_mem>>
          %dma_start3A = arith.constant 0 : i32
          %dma_start3A_57 = tpu.memref_slice %arg10[%mul3A_0, %dma_start3A] : memref<10112x128xf32, #tpu.memory_space<vmem_shared>> -> memref<624x128xf32, #tpu.memory_space<vmem_shared>>
          %dma_start3A_58 = arith.constant 0 : i32
          %dma_start3A_59 = tpu.memref_slice %arg5[%mul3A_0, %dma_start3A_58] : memref<10000x128xf32, #tpu.memory_space<hbm>> -> memref<624x128xf32, #tpu.memory_space<hbm>>
          tpu.enqueue_dma source(%dma_start3A_59 : memref<624x128xf32, #tpu.memory_space<hbm>>) target(%dma_start3A_57 : memref<624x128xf32, #tpu.memory_space<vmem_shared>>) target_semaphore(%run_scoped3A : memref<!tpu.dma_semaphore, #tpu.memory_space<semaphore_mem>>)
          %dma_wait3A = arith.constant 0 : i32
          %dma_wait3A_60 = tpu.memref_slice %arg10[%mul3A_0, %dma_wait3A] : memref<10112x128xf32, #tpu.memory_space<vmem_shared>> -> memref<624x128xf32, #tpu.memory_space<vmem_shared>>
          %dma_wait3A_61 = arith.constant 0 : i32
          %dma_wait3A_62 = tpu.memref_slice %arg5[%mul3A_0, %dma_wait3A_61] : memref<10000x128xf32, #tpu.memory_space<hbm>> -> memref<624x128xf32, #tpu.memory_space<hbm>>
          tpu.wait_dma2 semaphore(%run_scoped3A : memref<!tpu.dma_semaphore, #tpu.memory_space<semaphore_mem>>) src(%dma_wait3A_62 : memref<624x128xf32, #tpu.memory_space<hbm>>) dst(%dma_wait3A_60 : memref<624x128xf32, #tpu.memory_space<vmem_shared>>)
          tpu.yield
        }) : () -> ()
      } else {
      }
      %convert_element_type3A_54 = arith.extui %eq3A_1 : i1 to i32
      %cond3A_55 = arith.constant 0 : i32
      %cond3A_56 = arith.cmpi ne, %convert_element_type3A_54, %cond3A_55 : i32
      scf.if %cond3A_56 {
        "tpu.region"() ({
          %run_scoped3A = tpu.sem_alloc : memref<!tpu.dma_semaphore, #tpu.memory_space<semaphore_mem>>
          %dma_start3A = arith.constant 0 : i32
          %dma_start3A_58 = tpu.memref_slice %arg10[%mul3A_0, %dma_start3A] : memref<10112x128xf32, #tpu.memory_space<vmem_shared>> -> memref<640x128xf32, #tpu.memory_space<vmem_shared>>
          %dma_start3A_59 = arith.constant 0 : i32
          %dma_start3A_60 = tpu.memref_slice %arg5[%mul3A_0, %dma_start3A_59] : memref<10000x128xf32, #tpu.memory_space<hbm>> -> memref<640x128xf32, #tpu.memory_space<hbm>>
          tpu.enqueue_dma source(%dma_start3A_60 : memref<640x128xf32, #tpu.memory_space<hbm>>) target(%dma_start3A_58 : memref<640x128xf32, #tpu.memory_space<vmem_shared>>) target_semaphore(%run_scoped3A : memref<!tpu.dma_semaphore, #tpu.memory_space<semaphore_mem>>)
          %dma_wait3A = arith.constant 0 : i32
          %dma_wait3A_61 = tpu.memref_slice %arg10[%mul3A_0, %dma_wait3A] : memref<10112x128xf32, #tpu.memory_space<vmem_shared>> -> memref<640x128xf32, #tpu.memory_space<vmem_shared>>
          %dma_wait3A_62 = arith.constant 0 : i32
          %dma_wait3A_63 = tpu.memref_slice %arg5[%mul3A_0, %dma_wait3A_62] : memref<10000x128xf32, #tpu.memory_space<hbm>> -> memref<640x128xf32, #tpu.memory_space<hbm>>
          tpu.wait_dma2 semaphore(%run_scoped3A : memref<!tpu.dma_semaphore, #tpu.memory_space<semaphore_mem>>) src(%dma_wait3A_63 : memref<640x128xf32, #tpu.memory_space<hbm>>) dst(%dma_wait3A_61 : memref<640x128xf32, #tpu.memory_space<vmem_shared>>)
          tpu.yield
        }) : () -> ()
        %add3A = arith.constant 640 : i32
        %add3A_57 = arith.addi %mul3A_0, %add3A : i32
        "tpu.region"() ({
          %run_scoped3A = tpu.sem_alloc : memref<!tpu.dma_semaphore, #tpu.memory_space<semaphore_mem>>
          %dma_start3A = arith.constant 0 : i32
          %dma_start3A_58 = tpu.memref_slice %arg10[%add3A_57, %dma_start3A] : memref<10112x128xf32, #tpu.memory_space<vmem_shared>> -> memref<112x128xf32, #tpu.memory_space<vmem_shared>>
          %dma_start3A_59 = arith.constant 0 : i32
          %dma_start3A_60 = arith.constant 0 : i32
          %dma_start3A_61 = tpu.memref_slice %arg5[%dma_start3A_59, %dma_start3A_60] : memref<10000x128xf32, #tpu.memory_space<hbm>> -> memref<112x128xf32, #tpu.memory_space<hbm>>
          tpu.enqueue_dma source(%dma_start3A_61 : memref<112x128xf32, #tpu.memory_space<hbm>>) target(%dma_start3A_58 : memref<112x128xf32, #tpu.memory_space<vmem_shared>>) target_semaphore(%run_scoped3A : memref<!tpu.dma_semaphore, #tpu.memory_space<semaphore_mem>>)
          %dma_wait3A = arith.constant 0 : i32
          %dma_wait3A_62 = tpu.memref_slice %arg10[%add3A_57, %dma_wait3A] : memref<10112x128xf32, #tpu.memory_space<vmem_shared>> -> memref<112x128xf32, #tpu.memory_space<vmem_shared>>
          %dma_wait3A_63 = arith.constant 0 : i32
          %dma_wait3A_64 = arith.constant 0 : i32
          %dma_wait3A_65 = tpu.memref_slice %arg5[%dma_wait3A_63, %dma_wait3A_64] : memref<10000x128xf32, #tpu.memory_space<hbm>> -> memref<112x128xf32, #tpu.memory_space<hbm>>
          tpu.wait_dma2 semaphore(%run_scoped3A : memref<!tpu.dma_semaphore, #tpu.memory_space<semaphore_mem>>) src(%dma_wait3A_65 : memref<112x128xf32, #tpu.memory_space<hbm>>) dst(%dma_wait3A_62 : memref<112x128xf32, #tpu.memory_space<vmem_shared>>)
          tpu.yield
        }) : () -> ()
      } else {
      }
    } else {
    }
    "tpu.region"() ({
      %run_scoped3A = tpu.sem_alloc : memref<!tpu.dma_semaphore, #tpu.memory_space<semaphore_mem>>
      %dma_start3A = arith.constant 0 : i32
      %dma_start3A_49 = arith.constant 0 : i32
      %dma_start3A_50 = tpu.memref_slice %arg6[%arg1, %dma_start3A, %dma_start3A_49] : memref<16x79x128xi32, #tpu.memory_space<hbm>> -> memref<1x79x128xi32, #tpu.memory_space<hbm>>
      %dma_start3A_51 = tpu.memref_squeeze %dma_start3A_50 : memref<1x79x128xi32, #tpu.memory_space<hbm>> -> memref<79x128xi32, #tpu.memory_space<hbm>>
      %dma_start3A_52 = arith.constant 0 : i32
      %dma_start3A_53 = arith.constant 0 : i32
      %dma_start3A_54 = tpu.memref_slice %arg6[%arg1, %dma_start3A_52, %dma_start3A_53] : memref<16x79x128xi32, #tpu.memory_space<hbm>> -> memref<1x79x128xi32, #tpu.memory_space<hbm>>
      %dma_start3A_55 = tpu.memref_squeeze %dma_start3A_54 : memref<1x79x128xi32, #tpu.memory_space<hbm>> -> memref<79x128xi32, #tpu.memory_space<hbm>>
      tpu.enqueue_dma source(%dma_start3A_55 : memref<79x128xi32, #tpu.memory_space<hbm>>) target(%arg11 : memref<79x128xi32, #tpu.memory_space<vmem>>) target_semaphore(%run_scoped3A : memref<!tpu.dma_semaphore, #tpu.memory_space<semaphore_mem>>)
      %dma_wait3A = arith.constant 0 : i32
      %dma_wait3A_56 = arith.constant 0 : i32
      %dma_wait3A_57 = tpu.memref_slice %arg6[%arg1, %dma_wait3A, %dma_wait3A_56] : memref<16x79x128xi32, #tpu.memory_space<hbm>> -> memref<1x79x128xi32, #tpu.memory_space<hbm>>
      %dma_wait3A_58 = tpu.memref_squeeze %dma_wait3A_57 : memref<1x79x128xi32, #tpu.memory_space<hbm>> -> memref<79x128xi32, #tpu.memory_space<hbm>>
      %dma_wait3A_59 = arith.constant 0 : i32
      %dma_wait3A_60 = arith.constant 0 : i32
      %dma_wait3A_61 = tpu.memref_slice %arg6[%arg1, %dma_wait3A_59, %dma_wait3A_60] : memref<16x79x128xi32, #tpu.memory_space<hbm>> -> memref<1x79x128xi32, #tpu.memory_space<hbm>>
      %dma_wait3A_62 = tpu.memref_squeeze %dma_wait3A_61 : memref<1x79x128xi32, #tpu.memory_space<hbm>> -> memref<79x128xi32, #tpu.memory_space<hbm>>
      tpu.wait_dma2 semaphore(%run_scoped3A : memref<!tpu.dma_semaphore, #tpu.memory_space<semaphore_mem>>) src(%dma_wait3A_62 : memref<79x128xi32, #tpu.memory_space<hbm>>) dst(%arg11 : memref<79x128xi32, #tpu.memory_space<vmem>>)
      tpu.yield
    }) : () -> ()
    "tpu.region"() ({
      %run_scoped3A = tpu.sem_alloc : memref<!tpu.dma_semaphore, #tpu.memory_space<semaphore_mem>>
      %dma_start3A = arith.constant 0 : i32
      %dma_start3A_49 = arith.constant 0 : i32
      %dma_start3A_50 = tpu.memref_slice %arg7[%arg1, %dma_start3A, %dma_start3A_49] : memref<16x79x128xi32, #tpu.memory_space<hbm>> -> memref<1x79x128xi32, #tpu.memory_space<hbm>>
      %dma_start3A_51 = tpu.memref_squeeze %dma_start3A_50 : memref<1x79x128xi32, #tpu.memory_space<hbm>> -> memref<79x128xi32, #tpu.memory_space<hbm>>
      %dma_start3A_52 = arith.constant 0 : i32
      %dma_start3A_53 = arith.constant 0 : i32
      %dma_start3A_54 = tpu.memref_slice %arg7[%arg1, %dma_start3A_52, %dma_start3A_53] : memref<16x79x128xi32, #tpu.memory_space<hbm>> -> memref<1x79x128xi32, #tpu.memory_space<hbm>>
      %dma_start3A_55 = tpu.memref_squeeze %dma_start3A_54 : memref<1x79x128xi32, #tpu.memory_space<hbm>> -> memref<79x128xi32, #tpu.memory_space<hbm>>
      tpu.enqueue_dma source(%dma_start3A_55 : memref<79x128xi32, #tpu.memory_space<hbm>>) target(%arg12 : memref<79x128xi32, #tpu.memory_space<vmem>>) target_semaphore(%run_scoped3A : memref<!tpu.dma_semaphore, #tpu.memory_space<semaphore_mem>>)
      %dma_wait3A = arith.constant 0 : i32
      %dma_wait3A_56 = arith.constant 0 : i32
      %dma_wait3A_57 = tpu.memref_slice %arg7[%arg1, %dma_wait3A, %dma_wait3A_56] : memref<16x79x128xi32, #tpu.memory_space<hbm>> -> memref<1x79x128xi32, #tpu.memory_space<hbm>>
      %dma_wait3A_58 = tpu.memref_squeeze %dma_wait3A_57 : memref<1x79x128xi32, #tpu.memory_space<hbm>> -> memref<79x128xi32, #tpu.memory_space<hbm>>
      %dma_wait3A_59 = arith.constant 0 : i32
      %dma_wait3A_60 = arith.constant 0 : i32
      %dma_wait3A_61 = tpu.memref_slice %arg7[%arg1, %dma_wait3A_59, %dma_wait3A_60] : memref<16x79x128xi32, #tpu.memory_space<hbm>> -> memref<1x79x128xi32, #tpu.memory_space<hbm>>
      %dma_wait3A_62 = tpu.memref_squeeze %dma_wait3A_61 : memref<1x79x128xi32, #tpu.memory_space<hbm>> -> memref<79x128xi32, #tpu.memory_space<hbm>>
      tpu.wait_dma2 semaphore(%run_scoped3A : memref<!tpu.dma_semaphore, #tpu.memory_space<semaphore_mem>>) src(%dma_wait3A_62 : memref<79x128xi32, #tpu.memory_space<hbm>>) dst(%arg12 : memref<79x128xi32, #tpu.memory_space<vmem>>)
      tpu.yield
    }) : () -> ()
    %barrier3A = arith.constant 0 : index
    tpu.barrier barrier_id(%barrier3A)
    %eq3A_10 = arith.constant 0 : i32
    %eq3A_11 = arith.cmpi eq, %arg0, %eq3A_10 : i32
    %convert_element_type3A_12 = arith.extui %eq3A_11 : i1 to i32
    %cond3A_13 = arith.constant 0 : i32
    %cond3A_14 = arith.cmpi ne, %convert_element_type3A_12, %cond3A_13 : i32
    scf.if %cond3A_14 {
      %scan3A = arith.constant 0 : i32
      %scan3A_49 = arith.constant 0 : i32
      %scan3A_50 = arith.constant 79 : i32
      %scan3A_51 = arith.addi %scan3A_49, %scan3A_50 : i32
      %scan3A_52 = arith.constant 1 : i32
      scf.for %scan3A_54 = %scan3A_49 to %scan3A_51 step %scan3A_52  : i32 {
        %dma_start3A = arith.constant 0 : i32
        %dma_start3A_55 = tpu.memref_slice %arg11[%scan3A_54, %dma_start3A] : memref<79x128xi32, #tpu.memory_space<vmem>> -> memref<1x128xi32, #tpu.memory_space<vmem>>
        %dma_start3A_56 = tpu.memref_squeeze %dma_start3A_55 : memref<1x128xi32, #tpu.memory_space<vmem>> -> memref<128xi32, #tpu.memory_space<vmem>>
        %dma_start3A_57 = arith.constant 0 : i32
        %dma_start3A_58 = arith.constant 0 : i32
        %dma_start3A_59 = tpu.memref_slice %arg2[%dma_start3A_57, %dma_start3A_58] : memref<10000x128xf32, #tpu.memory_space<hbm>> -> memref<10000x128xf32, #tpu.memory_space<hbm>>
        tpu.enqueue_indirect_dma source(%dma_start3A_59 : memref<10000x128xf32, #tpu.memory_space<hbm>>) target(%arg13 : memref<128x128xf32, #tpu.memory_space<vmem>>) offsets(%dma_start3A_56 : memref<128xi32, #tpu.memory_space<vmem>>) semaphore(%arg14 : memref<!tpu.dma_semaphore, #tpu.memory_space<semaphore_mem>>)
        %dma_wait3A = arith.constant 0 : i32
        %dma_wait3A_60 = tpu.memref_slice %arg11[%scan3A_54, %dma_wait3A] : memref<79x128xi32, #tpu.memory_space<vmem>> -> memref<1x128xi32, #tpu.memory_space<vmem>>
        %dma_wait3A_61 = tpu.memref_squeeze %dma_wait3A_60 : memref<1x128xi32, #tpu.memory_space<vmem>> -> memref<128xi32, #tpu.memory_space<vmem>>
        %dma_wait3A_62 = arith.constant 0 : i32
        %dma_wait3A_63 = arith.constant 0 : i32
        %dma_wait3A_64 = tpu.memref_slice %arg2[%dma_wait3A_62, %dma_wait3A_63] : memref<10000x128xf32, #tpu.memory_space<hbm>> -> memref<10000x128xf32, #tpu.memory_space<hbm>>
        tpu.wait_indirect_dma semaphore(%arg14 : memref<!tpu.dma_semaphore, #tpu.memory_space<semaphore_mem>>) src(%dma_wait3A_64 : memref<10000x128xf32, #tpu.memory_space<hbm>>) dst(%arg13 : memref<128x128xf32, #tpu.memory_space<vmem>>)
        "tpu.region"() ({
          %run_scoped3A = tpu.sem_alloc : memref<!tpu.dma_semaphore, #tpu.memory_space<semaphore_mem>>
          %dma_start3A_65 = arith.constant 0 : i32
          %dma_start3A_66 = tpu.memref_slice %arg12[%scan3A_54, %dma_start3A_65] : memref<79x128xi32, #tpu.memory_space<vmem>> -> memref<1x128xi32, #tpu.memory_space<vmem>>
          %dma_start3A_67 = tpu.memref_squeeze %dma_start3A_66 : memref<1x128xi32, #tpu.memory_space<vmem>> -> memref<128xi32, #tpu.memory_space<vmem>>
          %dma_start3A_68 = arith.constant 0 : i32
          %dma_start3A_69 = arith.constant 0 : i32
          %dma_start3A_70 = tpu.memref_slice %arg10[%dma_start3A_68, %dma_start3A_69] : memref<10112x128xf32, #tpu.memory_space<vmem_shared>> -> memref<10112x128xf32, #tpu.memory_space<vmem_shared>>
          tpu.enqueue_indirect_dma source(%arg13 : memref<128x128xf32, #tpu.memory_space<vmem>>) target(%dma_start3A_70 : memref<10112x128xf32, #tpu.memory_space<vmem_shared>>) offsets(%dma_start3A_67 : memref<128xi32, #tpu.memory_space<vmem>>) semaphore(%run_scoped3A : memref<!tpu.dma_semaphore, #tpu.memory_space<semaphore_mem>>) {add = true}
          %dma_wait3A_71 = arith.constant 0 : i32
          %dma_wait3A_72 = tpu.memref_slice %arg12[%scan3A_54, %dma_wait3A_71] : memref<79x128xi32, #tpu.memory_space<vmem>> -> memref<1x128xi32, #tpu.memory_space<vmem>>
          %dma_wait3A_73 = tpu.memref_squeeze %dma_wait3A_72 : memref<1x128xi32, #tpu.memory_space<vmem>> -> memref<128xi32, #tpu.memory_space<vmem>>
          %dma_wait3A_74 = arith.constant 0 : i32
          %dma_wait3A_75 = arith.constant 0 : i32
          %dma_wait3A_76 = tpu.memref_slice %arg10[%dma_wait3A_74, %dma_wait3A_75] : memref<10112x128xf32, #tpu.memory_space<vmem_shared>> -> memref<10112x128xf32, #tpu.memory_space<vmem_shared>>
          tpu.wait_indirect_dma semaphore(%run_scoped3A : memref<!tpu.dma_semaphore, #tpu.memory_space<semaphore_mem>>) src(%arg13 : memref<128x128xf32, #tpu.memory_space<vmem>>) dst(%dma_wait3A_76 : memref<10112x128xf32, #tpu.memory_space<vmem_shared>>)
          tpu.yield
        }) : () -> ()
      }
      %scan3A_53 = arith.constant 79 : i32
    } else {
    }
    %eq3A_15 = arith.constant 1 : i32
    %eq3A_16 = arith.cmpi eq, %arg0, %eq3A_15 : i32
    %convert_element_type3A_17 = arith.extui %eq3A_16 : i1 to i32
    %cond3A_18 = arith.constant 0 : i32
    %cond3A_19 = arith.cmpi ne, %convert_element_type3A_17, %cond3A_18 : i32
    scf.if %cond3A_19 {
      %scan3A = arith.constant 0 : i32
      %scan3A_49 = arith.constant 0 : i32
      %scan3A_50 = arith.constant 79 : i32
      %scan3A_51 = arith.addi %scan3A_49, %scan3A_50 : i32
      %scan3A_52 = arith.constant 1 : i32
      scf.for %scan3A_54 = %scan3A_49 to %scan3A_51 step %scan3A_52  : i32 {
        %dma_start3A = arith.constant 0 : i32
        %dma_start3A_55 = tpu.memref_slice %arg11[%scan3A_54, %dma_start3A] : memref<79x128xi32, #tpu.memory_space<vmem>> -> memref<1x128xi32, #tpu.memory_space<vmem>>
        %dma_start3A_56 = tpu.memref_squeeze %dma_start3A_55 : memref<1x128xi32, #tpu.memory_space<vmem>> -> memref<128xi32, #tpu.memory_space<vmem>>
        %dma_start3A_57 = arith.constant 0 : i32
        %dma_start3A_58 = arith.constant 0 : i32
        %dma_start3A_59 = tpu.memref_slice %arg3[%dma_start3A_57, %dma_start3A_58] : memref<10000x128xf32, #tpu.memory_space<hbm>> -> memref<10000x128xf32, #tpu.memory_space<hbm>>
        tpu.enqueue_indirect_dma source(%dma_start3A_59 : memref<10000x128xf32, #tpu.memory_space<hbm>>) target(%arg13 : memref<128x128xf32, #tpu.memory_space<vmem>>) offsets(%dma_start3A_56 : memref<128xi32, #tpu.memory_space<vmem>>) semaphore(%arg14 : memref<!tpu.dma_semaphore, #tpu.memory_space<semaphore_mem>>)
        %dma_wait3A = arith.constant 0 : i32
        %dma_wait3A_60 = tpu.memref_slice %arg11[%scan3A_54, %dma_wait3A] : memref<79x128xi32, #tpu.memory_space<vmem>> -> memref<1x128xi32, #tpu.memory_space<vmem>>
        %dma_wait3A_61 = tpu.memref_squeeze %dma_wait3A_60 : memref<1x128xi32, #tpu.memory_space<vmem>> -> memref<128xi32, #tpu.memory_space<vmem>>
        %dma_wait3A_62 = arith.constant 0 : i32
        %dma_wait3A_63 = arith.constant 0 : i32
        %dma_wait3A_64 = tpu.memref_slice %arg3[%dma_wait3A_62, %dma_wait3A_63] : memref<10000x128xf32, #tpu.memory_space<hbm>> -> memref<10000x128xf32, #tpu.memory_space<hbm>>
        tpu.wait_indirect_dma semaphore(%arg14 : memref<!tpu.dma_semaphore, #tpu.memory_space<semaphore_mem>>) src(%dma_wait3A_64 : memref<10000x128xf32, #tpu.memory_space<hbm>>) dst(%arg13 : memref<128x128xf32, #tpu.memory_space<vmem>>)
        "tpu.region"() ({
          %run_scoped3A = tpu.sem_alloc : memref<!tpu.dma_semaphore, #tpu.memory_space<semaphore_mem>>
          %dma_start3A_65 = arith.constant 0 : i32
          %dma_start3A_66 = tpu.memref_slice %arg12[%scan3A_54, %dma_start3A_65] : memref<79x128xi32, #tpu.memory_space<vmem>> -> memref<1x128xi32, #tpu.memory_space<vmem>>
          %dma_start3A_67 = tpu.memref_squeeze %dma_start3A_66 : memref<1x128xi32, #tpu.memory_space<vmem>> -> memref<128xi32, #tpu.memory_space<vmem>>
          %dma_start3A_68 = arith.constant 0 : i32
          %dma_start3A_69 = arith.constant 0 : i32
          %dma_start3A_70 = tpu.memref_slice %arg10[%dma_start3A_68, %dma_start3A_69] : memref<10112x128xf32, #tpu.memory_space<vmem_shared>> -> memref<10112x128xf32, #tpu.memory_space<vmem_shared>>
          tpu.enqueue_indirect_dma source(%arg13 : memref<128x128xf32, #tpu.memory_space<vmem>>) target(%dma_start3A_70 : memref<10112x128xf32, #tpu.memory_space<vmem_shared>>) offsets(%dma_start3A_67 : memref<128xi32, #tpu.memory_space<vmem>>) semaphore(%run_scoped3A : memref<!tpu.dma_semaphore, #tpu.memory_space<semaphore_mem>>) {add = true}
          %dma_wait3A_71 = arith.constant 0 : i32
          %dma_wait3A_72 = tpu.memref_slice %arg12[%scan3A_54, %dma_wait3A_71] : memref<79x128xi32, #tpu.memory_space<vmem>> -> memref<1x128xi32, #tpu.memory_space<vmem>>
          %dma_wait3A_73 = tpu.memref_squeeze %dma_wait3A_72 : memref<1x128xi32, #tpu.memory_space<vmem>> -> memref<128xi32, #tpu.memory_space<vmem>>
          %dma_wait3A_74 = arith.constant 0 : i32
          %dma_wait3A_75 = arith.constant 0 : i32
          %dma_wait3A_76 = tpu.memref_slice %arg10[%dma_wait3A_74, %dma_wait3A_75] : memref<10112x128xf32, #tpu.memory_space<vmem_shared>> -> memref<10112x128xf32, #tpu.memory_space<vmem_shared>>
          tpu.wait_indirect_dma semaphore(%run_scoped3A : memref<!tpu.dma_semaphore, #tpu.memory_space<semaphore_mem>>) src(%arg13 : memref<128x128xf32, #tpu.memory_space<vmem>>) dst(%dma_wait3A_76 : memref<10112x128xf32, #tpu.memory_space<vmem_shared>>)
          tpu.yield
        }) : () -> ()
      }
      %scan3A_53 = arith.constant 79 : i32
    } else {
    }
    %barrier3A_20 = arith.constant 0 : index
    tpu.barrier barrier_id(%barrier3A_20)
    %mul3A_21 = arith.constant 624 : i32
    %mul3A_22 = arith.muli %arg1, %mul3A_21 : i32
    %eq3A_23 = arith.constant 0 : i32
    %eq3A_24 = arith.cmpi eq, %arg0, %eq3A_23 : i32
    %not3A = arith.constant true
    %not3A_25 = arith.xori %eq3A_1, %not3A : i1
    %and3A = arith.andi %eq3A_24, %not3A_25 : i1
    %convert_element_type3A_26 = arith.extui %and3A : i1 to i32
    %cond3A_27 = arith.constant 0 : i32
    %cond3A_28 = arith.cmpi ne, %convert_element_type3A_26, %cond3A_27 : i32
    scf.if %cond3A_28 {
      "tpu.region"() ({
        %run_scoped3A = tpu.sem_alloc : memref<!tpu.dma_semaphore, #tpu.memory_space<semaphore_mem>>
        %dma_start3A = arith.constant 0 : i32
        %dma_start3A_49 = tpu.memref_slice %arg8[%mul3A_22, %dma_start3A] : memref<10000x128xf32, #tpu.memory_space<hbm>> -> memref<624x128xf32, #tpu.memory_space<hbm>>
        %dma_start3A_50 = arith.constant 0 : i32
        %dma_start3A_51 = tpu.memref_slice %arg10[%mul3A_22, %dma_start3A_50] : memref<10112x128xf32, #tpu.memory_space<vmem_shared>> -> memref<624x128xf32, #tpu.memory_space<vmem_shared>>
        tpu.enqueue_dma source(%dma_start3A_51 : memref<624x128xf32, #tpu.memory_space<vmem_shared>>) target(%dma_start3A_49 : memref<624x128xf32, #tpu.memory_space<hbm>>) target_semaphore(%run_scoped3A : memref<!tpu.dma_semaphore, #tpu.memory_space<semaphore_mem>>)
        %dma_wait3A = arith.constant 0 : i32
        %dma_wait3A_52 = tpu.memref_slice %arg8[%mul3A_22, %dma_wait3A] : memref<10000x128xf32, #tpu.memory_space<hbm>> -> memref<624x128xf32, #tpu.memory_space<hbm>>
        %dma_wait3A_53 = arith.constant 0 : i32
        %dma_wait3A_54 = tpu.memref_slice %arg10[%mul3A_22, %dma_wait3A_53] : memref<10112x128xf32, #tpu.memory_space<vmem_shared>> -> memref<624x128xf32, #tpu.memory_space<vmem_shared>>
        tpu.wait_dma2 semaphore(%run_scoped3A : memref<!tpu.dma_semaphore, #tpu.memory_space<semaphore_mem>>) src(%dma_wait3A_54 : memref<624x128xf32, #tpu.memory_space<vmem_shared>>) dst(%dma_wait3A_52 : memref<624x128xf32, #tpu.memory_space<hbm>>)
        tpu.yield
      }) : () -> ()
    } else {
    }
    %eq3A_29 = arith.constant 0 : i32
    %eq3A_30 = arith.cmpi eq, %arg0, %eq3A_29 : i32
    %and3A_31 = arith.andi %eq3A_30, %eq3A_1 : i1
    %convert_element_type3A_32 = arith.extui %and3A_31 : i1 to i32
    %cond3A_33 = arith.constant 0 : i32
    %cond3A_34 = arith.cmpi ne, %convert_element_type3A_32, %cond3A_33 : i32
    scf.if %cond3A_34 {
      "tpu.region"() ({
        %run_scoped3A = tpu.sem_alloc : memref<!tpu.dma_semaphore, #tpu.memory_space<semaphore_mem>>
        %dma_start3A = arith.constant 0 : i32
        %dma_start3A_49 = tpu.memref_slice %arg8[%mul3A_22, %dma_start3A] : memref<10000x128xf32, #tpu.memory_space<hbm>> -> memref<640x128xf32, #tpu.memory_space<hbm>>
        %dma_start3A_50 = arith.constant 0 : i32
        %dma_start3A_51 = tpu.memref_slice %arg10[%mul3A_22, %dma_start3A_50] : memref<10112x128xf32, #tpu.memory_space<vmem_shared>> -> memref<640x128xf32, #tpu.memory_space<vmem_shared>>
        tpu.enqueue_dma source(%dma_start3A_51 : memref<640x128xf32, #tpu.memory_space<vmem_shared>>) target(%dma_start3A_49 : memref<640x128xf32, #tpu.memory_space<hbm>>) target_semaphore(%run_scoped3A : memref<!tpu.dma_semaphore, #tpu.memory_space<semaphore_mem>>)
        %dma_wait3A = arith.constant 0 : i32
        %dma_wait3A_52 = tpu.memref_slice %arg8[%mul3A_22, %dma_wait3A] : memref<10000x128xf32, #tpu.memory_space<hbm>> -> memref<640x128xf32, #tpu.memory_space<hbm>>
        %dma_wait3A_53 = arith.constant 0 : i32
        %dma_wait3A_54 = tpu.memref_slice %arg10[%mul3A_22, %dma_wait3A_53] : memref<10112x128xf32, #tpu.memory_space<vmem_shared>> -> memref<640x128xf32, #tpu.memory_space<vmem_shared>>
        tpu.wait_dma2 semaphore(%run_scoped3A : memref<!tpu.dma_semaphore, #tpu.memory_space<semaphore_mem>>) src(%dma_wait3A_54 : memref<640x128xf32, #tpu.memory_space<vmem_shared>>) dst(%dma_wait3A_52 : memref<640x128xf32, #tpu.memory_space<hbm>>)
        tpu.yield
      }) : () -> ()
    } else {
    }
    %eq3A_35 = arith.constant 1 : i32
    %eq3A_36 = arith.cmpi eq, %arg0, %eq3A_35 : i32
    %not3A_37 = arith.constant true
    %not3A_38 = arith.xori %eq3A_1, %not3A_37 : i1
    %and3A_39 = arith.andi %eq3A_36, %not3A_38 : i1
    %convert_element_type3A_40 = arith.extui %and3A_39 : i1 to i32
    %cond3A_41 = arith.constant 0 : i32
    %cond3A_42 = arith.cmpi ne, %convert_element_type3A_40, %cond3A_41 : i32
    scf.if %cond3A_42 {
      "tpu.region"() ({
        %run_scoped3A = tpu.sem_alloc : memref<!tpu.dma_semaphore, #tpu.memory_space<semaphore_mem>>
        %dma_start3A = arith.constant 0 : i32
        %dma_start3A_49 = tpu.memref_slice %arg9[%mul3A_22, %dma_start3A] : memref<10000x128xf32, #tpu.memory_space<hbm>> -> memref<624x128xf32, #tpu.memory_space<hbm>>
        %dma_start3A_50 = arith.constant 0 : i32
        %dma_start3A_51 = tpu.memref_slice %arg10[%mul3A_22, %dma_start3A_50] : memref<10112x128xf32, #tpu.memory_space<vmem_shared>> -> memref<624x128xf32, #tpu.memory_space<vmem_shared>>
        tpu.enqueue_dma source(%dma_start3A_51 : memref<624x128xf32, #tpu.memory_space<vmem_shared>>) target(%dma_start3A_49 : memref<624x128xf32, #tpu.memory_space<hbm>>) target_semaphore(%run_scoped3A : memref<!tpu.dma_semaphore, #tpu.memory_space<semaphore_mem>>)
        %dma_wait3A = arith.constant 0 : i32
        %dma_wait3A_52 = tpu.memref_slice %arg9[%mul3A_22, %dma_wait3A] : memref<10000x128xf32, #tpu.memory_space<hbm>> -> memref<624x128xf32, #tpu.memory_space<hbm>>
        %dma_wait3A_53 = arith.constant 0 : i32
        %dma_wait3A_54 = tpu.memref_slice %arg10[%mul3A_22, %dma_wait3A_53] : memref<10112x128xf32, #tpu.memory_space<vmem_shared>> -> memref<624x128xf32, #tpu.memory_space<vmem_shared>>
        tpu.wait_dma2 semaphore(%run_scoped3A : memref<!tpu.dma_semaphore, #tpu.memory_space<semaphore_mem>>) src(%dma_wait3A_54 : memref<624x128xf32, #tpu.memory_space<vmem_shared>>) dst(%dma_wait3A_52 : memref<624x128xf32, #tpu.memory_space<hbm>>)
        tpu.yield
      }) : () -> ()
    } else {
    }
    %eq3A_43 = arith.constant 1 : i32
    %eq3A_44 = arith.cmpi eq, %arg0, %eq3A_43 : i32
    %and3A_45 = arith.andi %eq3A_44, %eq3A_1 : i1
    %convert_element_type3A_46 = arith.extui %and3A_45 : i1 to i32
    %cond3A_47 = arith.constant 0 : i32
    %cond3A_48 = arith.cmpi ne, %convert_element_type3A_46, %cond3A_47 : i32
    scf.if %cond3A_48 {
      "tpu.region"() ({
        %run_scoped3A = tpu.sem_alloc : memref<!tpu.dma_semaphore, #tpu.memory_space<semaphore_mem>>
        %dma_start3A = arith.constant 0 : i32
        %dma_start3A_49 = tpu.memref_slice %arg9[%mul3A_22, %dma_start3A] : memref<10000x128xf32, #tpu.memory_space<hbm>> -> memref<640x128xf32, #tpu.memory_space<hbm>>
        %dma_start3A_50 = arith.constant 0 : i32
        %dma_start3A_51 = tpu.memref_slice %arg10[%mul3A_22, %dma_start3A_50] : memref<10112x128xf32, #tpu.memory_space<vmem_shared>> -> memref<640x128xf32, #tpu.memory_space<vmem_shared>>
        tpu.enqueue_dma source(%dma_start3A_51 : memref<640x128xf32, #tpu.memory_space<vmem_shared>>) target(%dma_start3A_49 : memref<640x128xf32, #tpu.memory_space<hbm>>) target_semaphore(%run_scoped3A : memref<!tpu.dma_semaphore, #tpu.memory_space<semaphore_mem>>)
        %dma_wait3A = arith.constant 0 : i32
        %dma_wait3A_52 = tpu.memref_slice %arg9[%mul3A_22, %dma_wait3A] : memref<10000x128xf32, #tpu.memory_space<hbm>> -> memref<640x128xf32, #tpu.memory_space<hbm>>
        %dma_wait3A_53 = arith.constant 0 : i32
        %dma_wait3A_54 = tpu.memref_slice %arg10[%mul3A_22, %dma_wait3A_53] : memref<10112x128xf32, #tpu.memory_space<vmem_shared>> -> memref<640x128xf32, #tpu.memory_space<vmem_shared>>
        tpu.wait_dma2 semaphore(%run_scoped3A : memref<!tpu.dma_semaphore, #tpu.memory_space<semaphore_mem>>) src(%dma_wait3A_54 : memref<640x128xf32, #tpu.memory_space<vmem_shared>>) dst(%dma_wait3A_52 : memref<640x128xf32, #tpu.memory_space<hbm>>)
        tpu.yield
      }) : () -> ()
    } else {
    }
    return
  }
}

#map = affine_map<(d0, d1) -> (0, 0)>
#map1 = affine_map<(d0, d1) -> (0, 0, 0)>
module attributes {stable_mosaic.version = 14 : i64} {
  func.func @_segsum_body(%arg0: i32, %arg1: i32, %arg2: memref<10000x128xf32, #tpu.memory_space<hbm>>, %arg3: memref<10000x128xf32, #tpu.memory_space<hbm>>, %arg4: memref<10000x128xf32, #tpu.memory_space<hbm>>, %arg5: memref<10000x128xf32, #tpu.memory_space<hbm>>, %arg6: memref<16x79x128xi32, #tpu.memory_space<hbm>>, %arg7: memref<16x79x128xi32, #tpu.memory_space<hbm>>, %arg8: memref<10000x128xf32, #tpu.memory_space<hbm>>, %arg9: memref<10000x128xf32, #tpu.memory_space<hbm>>, %arg10: memref<10112x128xf32, #tpu.memory_space<vmem_shared>>, %arg11: memref<79x128xi32, #tpu.memory_space<vmem>>, %arg12: memref<79x128xi32, #tpu.memory_space<vmem>>, %arg13: memref<128x128xf32, #tpu.memory_space<vmem>>, %arg14: memref<!tpu.dma_semaphore, #tpu.memory_space<semaphore_mem>>) attributes {dimension_semantics = [#tpu.dimension_semantics<core_parallel>, #tpu.dimension_semantics<subcore_parallel>], iteration_bounds = array<i64: 2, 16>, scalar_prefetch = 0 : i64, scratch_operands = 5 : i64, tpu.core_type = #tpu.core_type<sc_vector_subcore>, window_params = [{transform_indices = #map}, {transform_indices = #map}, {transform_indices = #map}, {transform_indices = #map}, {transform_indices = #map1}, {transform_indices = #map1}, {transform_indices = #map}, {transform_indices = #map}]} {
    %mul3A = arith.constant 624 : i32
    %mul3A_0 = arith.muli %arg1, %mul3A : i32
    %eq3A = arith.constant 15 : i32
    %eq3A_1 = arith.cmpi eq, %arg1, %eq3A : i32
    %eq3A_2 = arith.constant 0 : i32
    %eq3A_3 = arith.cmpi eq, %arg0, %eq3A_2 : i32
    %convert_element_type3A = arith.extui %eq3A_3 : i1 to i32
    %cond3A = arith.constant 0 : i32
    %cond3A_4 = arith.cmpi ne, %convert_element_type3A, %cond3A : i32
    scf.if %cond3A_4 {
      %not3A_49 = arith.constant true
      %not3A_50 = arith.xori %eq3A_1, %not3A_49 : i1
      %convert_element_type3A_51 = arith.extui %not3A_50 : i1 to i32
      %cond3A_52 = arith.constant 0 : i32
      %cond3A_53 = arith.cmpi ne, %convert_element_type3A_51, %cond3A_52 : i32
      scf.if %cond3A_53 {
        "tpu.region"() ({
          %run_scoped3A = tpu.sem_alloc : memref<!tpu.dma_semaphore, #tpu.memory_space<semaphore_mem>>
          %dma_start3A = arith.constant 0 : i32
          %dma_start3A_57 = tpu.memref_slice %arg10[%mul3A_0, %dma_start3A] : memref<10112x128xf32, #tpu.memory_space<vmem_shared>> -> memref<624x128xf32, #tpu.memory_space<vmem_shared>>
          %dma_start3A_58 = arith.constant 0 : i32
          %dma_start3A_59 = tpu.memref_slice %arg4[%mul3A_0, %dma_start3A_58] : memref<10000x128xf32, #tpu.memory_space<hbm>> -> memref<624x128xf32, #tpu.memory_space<hbm>>
          tpu.enqueue_dma source(%dma_start3A_59 : memref<624x128xf32, #tpu.memory_space<hbm>>) target(%dma_start3A_57 : memref<624x128xf32, #tpu.memory_space<vmem_shared>>) target_semaphore(%run_scoped3A : memref<!tpu.dma_semaphore, #tpu.memory_space<semaphore_mem>>)
          %dma_wait3A = arith.constant 0 : i32
          %dma_wait3A_60 = tpu.memref_slice %arg10[%mul3A_0, %dma_wait3A] : memref<10112x128xf32, #tpu.memory_space<vmem_shared>> -> memref<624x128xf32, #tpu.memory_space<vmem_shared>>
          %dma_wait3A_61 = arith.constant 0 : i32
          %dma_wait3A_62 = tpu.memref_slice %arg4[%mul3A_0, %dma_wait3A_61] : memref<10000x128xf32, #tpu.memory_space<hbm>> -> memref<624x128xf32, #tpu.memory_space<hbm>>
          tpu.wait_dma2 semaphore(%run_scoped3A : memref<!tpu.dma_semaphore, #tpu.memory_space<semaphore_mem>>) src(%dma_wait3A_62 : memref<624x128xf32, #tpu.memory_space<hbm>>) dst(%dma_wait3A_60 : memref<624x128xf32, #tpu.memory_space<vmem_shared>>)
          tpu.yield
        }) : () -> ()
      } else {
      }
      %convert_element_type3A_54 = arith.extui %eq3A_1 : i1 to i32
      %cond3A_55 = arith.constant 0 : i32
      %cond3A_56 = arith.cmpi ne, %convert_element_type3A_54, %cond3A_55 : i32
      scf.if %cond3A_56 {
        "tpu.region"() ({
          %run_scoped3A = tpu.sem_alloc : memref<!tpu.dma_semaphore, #tpu.memory_space<semaphore_mem>>
          %dma_start3A = arith.constant 0 : i32
          %dma_start3A_58 = tpu.memref_slice %arg10[%mul3A_0, %dma_start3A] : memref<10112x128xf32, #tpu.memory_space<vmem_shared>> -> memref<640x128xf32, #tpu.memory_space<vmem_shared>>
          %dma_start3A_59 = arith.constant 0 : i32
          %dma_start3A_60 = tpu.memref_slice %arg4[%mul3A_0, %dma_start3A_59] : memref<10000x128xf32, #tpu.memory_space<hbm>> -> memref<640x128xf32, #tpu.memory_space<hbm>>
          tpu.enqueue_dma source(%dma_start3A_60 : memref<640x128xf32, #tpu.memory_space<hbm>>) target(%dma_start3A_58 : memref<640x128xf32, #tpu.memory_space<vmem_shared>>) target_semaphore(%run_scoped3A : memref<!tpu.dma_semaphore, #tpu.memory_space<semaphore_mem>>)
          %dma_wait3A = arith.constant 0 : i32
          %dma_wait3A_61 = tpu.memref_slice %arg10[%mul3A_0, %dma_wait3A] : memref<10112x128xf32, #tpu.memory_space<vmem_shared>> -> memref<640x128xf32, #tpu.memory_space<vmem_shared>>
          %dma_wait3A_62 = arith.constant 0 : i32
          %dma_wait3A_63 = tpu.memref_slice %arg4[%mul3A_0, %dma_wait3A_62] : memref<10000x128xf32, #tpu.memory_space<hbm>> -> memref<640x128xf32, #tpu.memory_space<hbm>>
          tpu.wait_dma2 semaphore(%run_scoped3A : memref<!tpu.dma_semaphore, #tpu.memory_space<semaphore_mem>>) src(%dma_wait3A_63 : memref<640x128xf32, #tpu.memory_space<hbm>>) dst(%dma_wait3A_61 : memref<640x128xf32, #tpu.memory_space<vmem_shared>>)
          tpu.yield
        }) : () -> ()
        %add3A = arith.constant 640 : i32
        %add3A_57 = arith.addi %mul3A_0, %add3A : i32
        "tpu.region"() ({
          %run_scoped3A = tpu.sem_alloc : memref<!tpu.dma_semaphore, #tpu.memory_space<semaphore_mem>>
          %dma_start3A = arith.constant 0 : i32
          %dma_start3A_58 = tpu.memref_slice %arg10[%add3A_57, %dma_start3A] : memref<10112x128xf32, #tpu.memory_space<vmem_shared>> -> memref<112x128xf32, #tpu.memory_space<vmem_shared>>
          %dma_start3A_59 = arith.constant 0 : i32
          %dma_start3A_60 = arith.constant 0 : i32
          %dma_start3A_61 = tpu.memref_slice %arg4[%dma_start3A_59, %dma_start3A_60] : memref<10000x128xf32, #tpu.memory_space<hbm>> -> memref<112x128xf32, #tpu.memory_space<hbm>>
          tpu.enqueue_dma source(%dma_start3A_61 : memref<112x128xf32, #tpu.memory_space<hbm>>) target(%dma_start3A_58 : memref<112x128xf32, #tpu.memory_space<vmem_shared>>) target_semaphore(%run_scoped3A : memref<!tpu.dma_semaphore, #tpu.memory_space<semaphore_mem>>)
          %dma_wait3A = arith.constant 0 : i32
          %dma_wait3A_62 = tpu.memref_slice %arg10[%add3A_57, %dma_wait3A] : memref<10112x128xf32, #tpu.memory_space<vmem_shared>> -> memref<112x128xf32, #tpu.memory_space<vmem_shared>>
          %dma_wait3A_63 = arith.constant 0 : i32
          %dma_wait3A_64 = arith.constant 0 : i32
          %dma_wait3A_65 = tpu.memref_slice %arg4[%dma_wait3A_63, %dma_wait3A_64] : memref<10000x128xf32, #tpu.memory_space<hbm>> -> memref<112x128xf32, #tpu.memory_space<hbm>>
          tpu.wait_dma2 semaphore(%run_scoped3A : memref<!tpu.dma_semaphore, #tpu.memory_space<semaphore_mem>>) src(%dma_wait3A_65 : memref<112x128xf32, #tpu.memory_space<hbm>>) dst(%dma_wait3A_62 : memref<112x128xf32, #tpu.memory_space<vmem_shared>>)
          tpu.yield
        }) : () -> ()
      } else {
      }
    } else {
    }
    %eq3A_5 = arith.constant 1 : i32
    %eq3A_6 = arith.cmpi eq, %arg0, %eq3A_5 : i32
    %convert_element_type3A_7 = arith.extui %eq3A_6 : i1 to i32
    %cond3A_8 = arith.constant 0 : i32
    %cond3A_9 = arith.cmpi ne, %convert_element_type3A_7, %cond3A_8 : i32
    scf.if %cond3A_9 {
      %not3A_49 = arith.constant true
      %not3A_50 = arith.xori %eq3A_1, %not3A_49 : i1
      %convert_element_type3A_51 = arith.extui %not3A_50 : i1 to i32
      %cond3A_52 = arith.constant 0 : i32
      %cond3A_53 = arith.cmpi ne, %convert_element_type3A_51, %cond3A_52 : i32
      scf.if %cond3A_53 {
        "tpu.region"() ({
          %run_scoped3A = tpu.sem_alloc : memref<!tpu.dma_semaphore, #tpu.memory_space<semaphore_mem>>
          %dma_start3A = arith.constant 0 : i32
          %dma_start3A_57 = tpu.memref_slice %arg10[%mul3A_0, %dma_start3A] : memref<10112x128xf32, #tpu.memory_space<vmem_shared>> -> memref<624x128xf32, #tpu.memory_space<vmem_shared>>
          %dma_start3A_58 = arith.constant 0 : i32
          %dma_start3A_59 = tpu.memref_slice %arg5[%mul3A_0, %dma_start3A_58] : memref<10000x128xf32, #tpu.memory_space<hbm>> -> memref<624x128xf32, #tpu.memory_space<hbm>>
          tpu.enqueue_dma source(%dma_start3A_59 : memref<624x128xf32, #tpu.memory_space<hbm>>) target(%dma_start3A_57 : memref<624x128xf32, #tpu.memory_space<vmem_shared>>) target_semaphore(%run_scoped3A : memref<!tpu.dma_semaphore, #tpu.memory_space<semaphore_mem>>)
          %dma_wait3A = arith.constant 0 : i32
          %dma_wait3A_60 = tpu.memref_slice %arg10[%mul3A_0, %dma_wait3A] : memref<10112x128xf32, #tpu.memory_space<vmem_shared>> -> memref<624x128xf32, #tpu.memory_space<vmem_shared>>
          %dma_wait3A_61 = arith.constant 0 : i32
          %dma_wait3A_62 = tpu.memref_slice %arg5[%mul3A_0, %dma_wait3A_61] : memref<10000x128xf32, #tpu.memory_space<hbm>> -> memref<624x128xf32, #tpu.memory_space<hbm>>
          tpu.wait_dma2 semaphore(%run_scoped3A : memref<!tpu.dma_semaphore, #tpu.memory_space<semaphore_mem>>) src(%dma_wait3A_62 : memref<624x128xf32, #tpu.memory_space<hbm>>) dst(%dma_wait3A_60 : memref<624x128xf32, #tpu.memory_space<vmem_shared>>)
          tpu.yield
        }) : () -> ()
      } else {
      }
      %convert_element_type3A_54 = arith.extui %eq3A_1 : i1 to i32
      %cond3A_55 = arith.constant 0 : i32
      %cond3A_56 = arith.cmpi ne, %convert_element_type3A_54, %cond3A_55 : i32
      scf.if %cond3A_56 {
        "tpu.region"() ({
          %run_scoped3A = tpu.sem_alloc : memref<!tpu.dma_semaphore, #tpu.memory_space<semaphore_mem>>
          %dma_start3A = arith.constant 0 : i32
          %dma_start3A_58 = tpu.memref_slice %arg10[%mul3A_0, %dma_start3A] : memref<10112x128xf32, #tpu.memory_space<vmem_shared>> -> memref<640x128xf32, #tpu.memory_space<vmem_shared>>
          %dma_start3A_59 = arith.constant 0 : i32
          %dma_start3A_60 = tpu.memref_slice %arg5[%mul3A_0, %dma_start3A_59] : memref<10000x128xf32, #tpu.memory_space<hbm>> -> memref<640x128xf32, #tpu.memory_space<hbm>>
          tpu.enqueue_dma source(%dma_start3A_60 : memref<640x128xf32, #tpu.memory_space<hbm>>) target(%dma_start3A_58 : memref<640x128xf32, #tpu.memory_space<vmem_shared>>) target_semaphore(%run_scoped3A : memref<!tpu.dma_semaphore, #tpu.memory_space<semaphore_mem>>)
          %dma_wait3A = arith.constant 0 : i32
          %dma_wait3A_61 = tpu.memref_slice %arg10[%mul3A_0, %dma_wait3A] : memref<10112x128xf32, #tpu.memory_space<vmem_shared>> -> memref<640x128xf32, #tpu.memory_space<vmem_shared>>
          %dma_wait3A_62 = arith.constant 0 : i32
          %dma_wait3A_63 = tpu.memref_slice %arg5[%mul3A_0, %dma_wait3A_62] : memref<10000x128xf32, #tpu.memory_space<hbm>> -> memref<640x128xf32, #tpu.memory_space<hbm>>
          tpu.wait_dma2 semaphore(%run_scoped3A : memref<!tpu.dma_semaphore, #tpu.memory_space<semaphore_mem>>) src(%dma_wait3A_63 : memref<640x128xf32, #tpu.memory_space<hbm>>) dst(%dma_wait3A_61 : memref<640x128xf32, #tpu.memory_space<vmem_shared>>)
          tpu.yield
        }) : () -> ()
        %add3A = arith.constant 640 : i32
        %add3A_57 = arith.addi %mul3A_0, %add3A : i32
        "tpu.region"() ({
          %run_scoped3A = tpu.sem_alloc : memref<!tpu.dma_semaphore, #tpu.memory_space<semaphore_mem>>
          %dma_start3A = arith.constant 0 : i32
          %dma_start3A_58 = tpu.memref_slice %arg10[%add3A_57, %dma_start3A] : memref<10112x128xf32, #tpu.memory_space<vmem_shared>> -> memref<112x128xf32, #tpu.memory_space<vmem_shared>>
          %dma_start3A_59 = arith.constant 0 : i32
          %dma_start3A_60 = arith.constant 0 : i32
          %dma_start3A_61 = tpu.memref_slice %arg5[%dma_start3A_59, %dma_start3A_60] : memref<10000x128xf32, #tpu.memory_space<hbm>> -> memref<112x128xf32, #tpu.memory_space<hbm>>
          tpu.enqueue_dma source(%dma_start3A_61 : memref<112x128xf32, #tpu.memory_space<hbm>>) target(%dma_start3A_58 : memref<112x128xf32, #tpu.memory_space<vmem_shared>>) target_semaphore(%run_scoped3A : memref<!tpu.dma_semaphore, #tpu.memory_space<semaphore_mem>>)
          %dma_wait3A = arith.constant 0 : i32
          %dma_wait3A_62 = tpu.memref_slice %arg10[%add3A_57, %dma_wait3A] : memref<10112x128xf32, #tpu.memory_space<vmem_shared>> -> memref<112x128xf32, #tpu.memory_space<vmem_shared>>
          %dma_wait3A_63 = arith.constant 0 : i32
          %dma_wait3A_64 = arith.constant 0 : i32
          %dma_wait3A_65 = tpu.memref_slice %arg5[%dma_wait3A_63, %dma_wait3A_64] : memref<10000x128xf32, #tpu.memory_space<hbm>> -> memref<112x128xf32, #tpu.memory_space<hbm>>
          tpu.wait_dma2 semaphore(%run_scoped3A : memref<!tpu.dma_semaphore, #tpu.memory_space<semaphore_mem>>) src(%dma_wait3A_65 : memref<112x128xf32, #tpu.memory_space<hbm>>) dst(%dma_wait3A_62 : memref<112x128xf32, #tpu.memory_space<vmem_shared>>)
          tpu.yield
        }) : () -> ()
      } else {
      }
    } else {
    }
    "tpu.region"() ({
      %run_scoped3A = tpu.sem_alloc : memref<!tpu.dma_semaphore, #tpu.memory_space<semaphore_mem>>
      %dma_start3A = arith.constant 0 : i32
      %dma_start3A_49 = arith.constant 0 : i32
      %dma_start3A_50 = tpu.memref_slice %arg6[%arg1, %dma_start3A, %dma_start3A_49] : memref<16x79x128xi32, #tpu.memory_space<hbm>> -> memref<1x79x128xi32, #tpu.memory_space<hbm>>
      %dma_start3A_51 = tpu.memref_squeeze %dma_start3A_50 : memref<1x79x128xi32, #tpu.memory_space<hbm>> -> memref<79x128xi32, #tpu.memory_space<hbm>>
      %dma_start3A_52 = arith.constant 0 : i32
      %dma_start3A_53 = arith.constant 0 : i32
      %dma_start3A_54 = tpu.memref_slice %arg6[%arg1, %dma_start3A_52, %dma_start3A_53] : memref<16x79x128xi32, #tpu.memory_space<hbm>> -> memref<1x79x128xi32, #tpu.memory_space<hbm>>
      %dma_start3A_55 = tpu.memref_squeeze %dma_start3A_54 : memref<1x79x128xi32, #tpu.memory_space<hbm>> -> memref<79x128xi32, #tpu.memory_space<hbm>>
      tpu.enqueue_dma source(%dma_start3A_55 : memref<79x128xi32, #tpu.memory_space<hbm>>) target(%arg11 : memref<79x128xi32, #tpu.memory_space<vmem>>) target_semaphore(%run_scoped3A : memref<!tpu.dma_semaphore, #tpu.memory_space<semaphore_mem>>)
      %dma_wait3A = arith.constant 0 : i32
      %dma_wait3A_56 = arith.constant 0 : i32
      %dma_wait3A_57 = tpu.memref_slice %arg6[%arg1, %dma_wait3A, %dma_wait3A_56] : memref<16x79x128xi32, #tpu.memory_space<hbm>> -> memref<1x79x128xi32, #tpu.memory_space<hbm>>
      %dma_wait3A_58 = tpu.memref_squeeze %dma_wait3A_57 : memref<1x79x128xi32, #tpu.memory_space<hbm>> -> memref<79x128xi32, #tpu.memory_space<hbm>>
      %dma_wait3A_59 = arith.constant 0 : i32
      %dma_wait3A_60 = arith.constant 0 : i32
      %dma_wait3A_61 = tpu.memref_slice %arg6[%arg1, %dma_wait3A_59, %dma_wait3A_60] : memref<16x79x128xi32, #tpu.memory_space<hbm>> -> memref<1x79x128xi32, #tpu.memory_space<hbm>>
      %dma_wait3A_62 = tpu.memref_squeeze %dma_wait3A_61 : memref<1x79x128xi32, #tpu.memory_space<hbm>> -> memref<79x128xi32, #tpu.memory_space<hbm>>
      tpu.wait_dma2 semaphore(%run_scoped3A : memref<!tpu.dma_semaphore, #tpu.memory_space<semaphore_mem>>) src(%dma_wait3A_62 : memref<79x128xi32, #tpu.memory_space<hbm>>) dst(%arg11 : memref<79x128xi32, #tpu.memory_space<vmem>>)
      tpu.yield
    }) : () -> ()
    "tpu.region"() ({
      %run_scoped3A = tpu.sem_alloc : memref<!tpu.dma_semaphore, #tpu.memory_space<semaphore_mem>>
      %dma_start3A = arith.constant 0 : i32
      %dma_start3A_49 = arith.constant 0 : i32
      %dma_start3A_50 = tpu.memref_slice %arg7[%arg1, %dma_start3A, %dma_start3A_49] : memref<16x79x128xi32, #tpu.memory_space<hbm>> -> memref<1x79x128xi32, #tpu.memory_space<hbm>>
      %dma_start3A_51 = tpu.memref_squeeze %dma_start3A_50 : memref<1x79x128xi32, #tpu.memory_space<hbm>> -> memref<79x128xi32, #tpu.memory_space<hbm>>
      %dma_start3A_52 = arith.constant 0 : i32
      %dma_start3A_53 = arith.constant 0 : i32
      %dma_start3A_54 = tpu.memref_slice %arg7[%arg1, %dma_start3A_52, %dma_start3A_53] : memref<16x79x128xi32, #tpu.memory_space<hbm>> -> memref<1x79x128xi32, #tpu.memory_space<hbm>>
      %dma_start3A_55 = tpu.memref_squeeze %dma_start3A_54 : memref<1x79x128xi32, #tpu.memory_space<hbm>> -> memref<79x128xi32, #tpu.memory_space<hbm>>
      tpu.enqueue_dma source(%dma_start3A_55 : memref<79x128xi32, #tpu.memory_space<hbm>>) target(%arg12 : memref<79x128xi32, #tpu.memory_space<vmem>>) target_semaphore(%run_scoped3A : memref<!tpu.dma_semaphore, #tpu.memory_space<semaphore_mem>>)
      %dma_wait3A = arith.constant 0 : i32
      %dma_wait3A_56 = arith.constant 0 : i32
      %dma_wait3A_57 = tpu.memref_slice %arg7[%arg1, %dma_wait3A, %dma_wait3A_56] : memref<16x79x128xi32, #tpu.memory_space<hbm>> -> memref<1x79x128xi32, #tpu.memory_space<hbm>>
      %dma_wait3A_58 = tpu.memref_squeeze %dma_wait3A_57 : memref<1x79x128xi32, #tpu.memory_space<hbm>> -> memref<79x128xi32, #tpu.memory_space<hbm>>
      %dma_wait3A_59 = arith.constant 0 : i32
      %dma_wait3A_60 = arith.constant 0 : i32
      %dma_wait3A_61 = tpu.memref_slice %arg7[%arg1, %dma_wait3A_59, %dma_wait3A_60] : memref<16x79x128xi32, #tpu.memory_space<hbm>> -> memref<1x79x128xi32, #tpu.memory_space<hbm>>
      %dma_wait3A_62 = tpu.memref_squeeze %dma_wait3A_61 : memref<1x79x128xi32, #tpu.memory_space<hbm>> -> memref<79x128xi32, #tpu.memory_space<hbm>>
      tpu.wait_dma2 semaphore(%run_scoped3A : memref<!tpu.dma_semaphore, #tpu.memory_space<semaphore_mem>>) src(%dma_wait3A_62 : memref<79x128xi32, #tpu.memory_space<hbm>>) dst(%arg12 : memref<79x128xi32, #tpu.memory_space<vmem>>)
      tpu.yield
    }) : () -> ()
    %barrier3A = arith.constant 0 : index
    tpu.barrier barrier_id(%barrier3A)
    %eq3A_10 = arith.constant 0 : i32
    %eq3A_11 = arith.cmpi eq, %arg0, %eq3A_10 : i32
    %convert_element_type3A_12 = arith.extui %eq3A_11 : i1 to i32
    %cond3A_13 = arith.constant 0 : i32
    %cond3A_14 = arith.cmpi ne, %convert_element_type3A_12, %cond3A_13 : i32
    scf.if %cond3A_14 {
      %scan3A = arith.constant 0 : i32
      %scan3A_49 = arith.constant 0 : i32
      %scan3A_50 = arith.constant 79 : i32
      %scan3A_51 = arith.addi %scan3A_49, %scan3A_50 : i32
      %scan3A_52 = arith.constant 1 : i32
      scf.for %scan3A_54 = %scan3A_49 to %scan3A_51 step %scan3A_52  : i32 {
        %dma_start3A = arith.constant 0 : i32
        %dma_start3A_55 = tpu.memref_slice %arg11[%scan3A_54, %dma_start3A] : memref<79x128xi32, #tpu.memory_space<vmem>> -> memref<1x128xi32, #tpu.memory_space<vmem>>
        %dma_start3A_56 = tpu.memref_squeeze %dma_start3A_55 : memref<1x128xi32, #tpu.memory_space<vmem>> -> memref<128xi32, #tpu.memory_space<vmem>>
        %dma_start3A_57 = arith.constant 0 : i32
        %dma_start3A_58 = arith.constant 0 : i32
        %dma_start3A_59 = tpu.memref_slice %arg2[%dma_start3A_57, %dma_start3A_58] : memref<10000x128xf32, #tpu.memory_space<hbm>> -> memref<10000x128xf32, #tpu.memory_space<hbm>>
        tpu.enqueue_indirect_dma source(%dma_start3A_59 : memref<10000x128xf32, #tpu.memory_space<hbm>>) target(%arg13 : memref<128x128xf32, #tpu.memory_space<vmem>>) offsets(%dma_start3A_56 : memref<128xi32, #tpu.memory_space<vmem>>) semaphore(%arg14 : memref<!tpu.dma_semaphore, #tpu.memory_space<semaphore_mem>>)
        %dma_wait3A = arith.constant 0 : i32
        %dma_wait3A_60 = tpu.memref_slice %arg11[%scan3A_54, %dma_wait3A] : memref<79x128xi32, #tpu.memory_space<vmem>> -> memref<1x128xi32, #tpu.memory_space<vmem>>
        %dma_wait3A_61 = tpu.memref_squeeze %dma_wait3A_60 : memref<1x128xi32, #tpu.memory_space<vmem>> -> memref<128xi32, #tpu.memory_space<vmem>>
        %dma_wait3A_62 = arith.constant 0 : i32
        %dma_wait3A_63 = arith.constant 0 : i32
        %dma_wait3A_64 = tpu.memref_slice %arg2[%dma_wait3A_62, %dma_wait3A_63] : memref<10000x128xf32, #tpu.memory_space<hbm>> -> memref<10000x128xf32, #tpu.memory_space<hbm>>
        tpu.wait_indirect_dma semaphore(%arg14 : memref<!tpu.dma_semaphore, #tpu.memory_space<semaphore_mem>>) src(%dma_wait3A_64 : memref<10000x128xf32, #tpu.memory_space<hbm>>) dst(%arg13 : memref<128x128xf32, #tpu.memory_space<vmem>>)
        "tpu.region"() ({
          %run_scoped3A = tpu.sem_alloc : memref<!tpu.dma_semaphore, #tpu.memory_space<semaphore_mem>>
          %dma_start3A_65 = arith.constant 0 : i32
          %dma_start3A_66 = tpu.memref_slice %arg12[%scan3A_54, %dma_start3A_65] : memref<79x128xi32, #tpu.memory_space<vmem>> -> memref<1x128xi32, #tpu.memory_space<vmem>>
          %dma_start3A_67 = tpu.memref_squeeze %dma_start3A_66 : memref<1x128xi32, #tpu.memory_space<vmem>> -> memref<128xi32, #tpu.memory_space<vmem>>
          %dma_start3A_68 = arith.constant 0 : i32
          %dma_start3A_69 = arith.constant 0 : i32
          %dma_start3A_70 = tpu.memref_slice %arg10[%dma_start3A_68, %dma_start3A_69] : memref<10112x128xf32, #tpu.memory_space<vmem_shared>> -> memref<10112x128xf32, #tpu.memory_space<vmem_shared>>
          tpu.enqueue_indirect_dma source(%arg13 : memref<128x128xf32, #tpu.memory_space<vmem>>) target(%dma_start3A_70 : memref<10112x128xf32, #tpu.memory_space<vmem_shared>>) offsets(%dma_start3A_67 : memref<128xi32, #tpu.memory_space<vmem>>) semaphore(%run_scoped3A : memref<!tpu.dma_semaphore, #tpu.memory_space<semaphore_mem>>) {add = true}
          %dma_wait3A_71 = arith.constant 0 : i32
          %dma_wait3A_72 = tpu.memref_slice %arg12[%scan3A_54, %dma_wait3A_71] : memref<79x128xi32, #tpu.memory_space<vmem>> -> memref<1x128xi32, #tpu.memory_space<vmem>>
          %dma_wait3A_73 = tpu.memref_squeeze %dma_wait3A_72 : memref<1x128xi32, #tpu.memory_space<vmem>> -> memref<128xi32, #tpu.memory_space<vmem>>
          %dma_wait3A_74 = arith.constant 0 : i32
          %dma_wait3A_75 = arith.constant 0 : i32
          %dma_wait3A_76 = tpu.memref_slice %arg10[%dma_wait3A_74, %dma_wait3A_75] : memref<10112x128xf32, #tpu.memory_space<vmem_shared>> -> memref<10112x128xf32, #tpu.memory_space<vmem_shared>>
          tpu.wait_indirect_dma semaphore(%run_scoped3A : memref<!tpu.dma_semaphore, #tpu.memory_space<semaphore_mem>>) src(%arg13 : memref<128x128xf32, #tpu.memory_space<vmem>>) dst(%dma_wait3A_76 : memref<10112x128xf32, #tpu.memory_space<vmem_shared>>)
          tpu.yield
        }) : () -> ()
      }
      %scan3A_53 = arith.constant 79 : i32
    } else {
    }
    %eq3A_15 = arith.constant 1 : i32
    %eq3A_16 = arith.cmpi eq, %arg0, %eq3A_15 : i32
    %convert_element_type3A_17 = arith.extui %eq3A_16 : i1 to i32
    %cond3A_18 = arith.constant 0 : i32
    %cond3A_19 = arith.cmpi ne, %convert_element_type3A_17, %cond3A_18 : i32
    scf.if %cond3A_19 {
      %scan3A = arith.constant 0 : i32
      %scan3A_49 = arith.constant 0 : i32
      %scan3A_50 = arith.constant 79 : i32
      %scan3A_51 = arith.addi %scan3A_49, %scan3A_50 : i32
      %scan3A_52 = arith.constant 1 : i32
      scf.for %scan3A_54 = %scan3A_49 to %scan3A_51 step %scan3A_52  : i32 {
        %dma_start3A = arith.constant 0 : i32
        %dma_start3A_55 = tpu.memref_slice %arg11[%scan3A_54, %dma_start3A] : memref<79x128xi32, #tpu.memory_space<vmem>> -> memref<1x128xi32, #tpu.memory_space<vmem>>
        %dma_start3A_56 = tpu.memref_squeeze %dma_start3A_55 : memref<1x128xi32, #tpu.memory_space<vmem>> -> memref<128xi32, #tpu.memory_space<vmem>>
        %dma_start3A_57 = arith.constant 0 : i32
        %dma_start3A_58 = arith.constant 0 : i32
        %dma_start3A_59 = tpu.memref_slice %arg3[%dma_start3A_57, %dma_start3A_58] : memref<10000x128xf32, #tpu.memory_space<hbm>> -> memref<10000x128xf32, #tpu.memory_space<hbm>>
        tpu.enqueue_indirect_dma source(%dma_start3A_59 : memref<10000x128xf32, #tpu.memory_space<hbm>>) target(%arg13 : memref<128x128xf32, #tpu.memory_space<vmem>>) offsets(%dma_start3A_56 : memref<128xi32, #tpu.memory_space<vmem>>) semaphore(%arg14 : memref<!tpu.dma_semaphore, #tpu.memory_space<semaphore_mem>>)
        %dma_wait3A = arith.constant 0 : i32
        %dma_wait3A_60 = tpu.memref_slice %arg11[%scan3A_54, %dma_wait3A] : memref<79x128xi32, #tpu.memory_space<vmem>> -> memref<1x128xi32, #tpu.memory_space<vmem>>
        %dma_wait3A_61 = tpu.memref_squeeze %dma_wait3A_60 : memref<1x128xi32, #tpu.memory_space<vmem>> -> memref<128xi32, #tpu.memory_space<vmem>>
        %dma_wait3A_62 = arith.constant 0 : i32
        %dma_wait3A_63 = arith.constant 0 : i32
        %dma_wait3A_64 = tpu.memref_slice %arg3[%dma_wait3A_62, %dma_wait3A_63] : memref<10000x128xf32, #tpu.memory_space<hbm>> -> memref<10000x128xf32, #tpu.memory_space<hbm>>
        tpu.wait_indirect_dma semaphore(%arg14 : memref<!tpu.dma_semaphore, #tpu.memory_space<semaphore_mem>>) src(%dma_wait3A_64 : memref<10000x128xf32, #tpu.memory_space<hbm>>) dst(%arg13 : memref<128x128xf32, #tpu.memory_space<vmem>>)
        "tpu.region"() ({
          %run_scoped3A = tpu.sem_alloc : memref<!tpu.dma_semaphore, #tpu.memory_space<semaphore_mem>>
          %dma_start3A_65 = arith.constant 0 : i32
          %dma_start3A_66 = tpu.memref_slice %arg12[%scan3A_54, %dma_start3A_65] : memref<79x128xi32, #tpu.memory_space<vmem>> -> memref<1x128xi32, #tpu.memory_space<vmem>>
          %dma_start3A_67 = tpu.memref_squeeze %dma_start3A_66 : memref<1x128xi32, #tpu.memory_space<vmem>> -> memref<128xi32, #tpu.memory_space<vmem>>
          %dma_start3A_68 = arith.constant 0 : i32
          %dma_start3A_69 = arith.constant 0 : i32
          %dma_start3A_70 = tpu.memref_slice %arg10[%dma_start3A_68, %dma_start3A_69] : memref<10112x128xf32, #tpu.memory_space<vmem_shared>> -> memref<10112x128xf32, #tpu.memory_space<vmem_shared>>
          tpu.enqueue_indirect_dma source(%arg13 : memref<128x128xf32, #tpu.memory_space<vmem>>) target(%dma_start3A_70 : memref<10112x128xf32, #tpu.memory_space<vmem_shared>>) offsets(%dma_start3A_67 : memref<128xi32, #tpu.memory_space<vmem>>) semaphore(%run_scoped3A : memref<!tpu.dma_semaphore, #tpu.memory_space<semaphore_mem>>) {add = true}
          %dma_wait3A_71 = arith.constant 0 : i32
          %dma_wait3A_72 = tpu.memref_slice %arg12[%scan3A_54, %dma_wait3A_71] : memref<79x128xi32, #tpu.memory_space<vmem>> -> memref<1x128xi32, #tpu.memory_space<vmem>>
          %dma_wait3A_73 = tpu.memref_squeeze %dma_wait3A_72 : memref<1x128xi32, #tpu.memory_space<vmem>> -> memref<128xi32, #tpu.memory_space<vmem>>
          %dma_wait3A_74 = arith.constant 0 : i32
          %dma_wait3A_75 = arith.constant 0 : i32
          %dma_wait3A_76 = tpu.memref_slice %arg10[%dma_wait3A_74, %dma_wait3A_75] : memref<10112x128xf32, #tpu.memory_space<vmem_shared>> -> memref<10112x128xf32, #tpu.memory_space<vmem_shared>>
          tpu.wait_indirect_dma semaphore(%run_scoped3A : memref<!tpu.dma_semaphore, #tpu.memory_space<semaphore_mem>>) src(%arg13 : memref<128x128xf32, #tpu.memory_space<vmem>>) dst(%dma_wait3A_76 : memref<10112x128xf32, #tpu.memory_space<vmem_shared>>)
          tpu.yield
        }) : () -> ()
      }
      %scan3A_53 = arith.constant 79 : i32
    } else {
    }
    %barrier3A_20 = arith.constant 0 : index
    tpu.barrier barrier_id(%barrier3A_20)
    %mul3A_21 = arith.constant 624 : i32
    %mul3A_22 = arith.muli %arg1, %mul3A_21 : i32
    %eq3A_23 = arith.constant 0 : i32
    %eq3A_24 = arith.cmpi eq, %arg0, %eq3A_23 : i32
    %not3A = arith.constant true
    %not3A_25 = arith.xori %eq3A_1, %not3A : i1
    %and3A = arith.andi %eq3A_24, %not3A_25 : i1
    %convert_element_type3A_26 = arith.extui %and3A : i1 to i32
    %cond3A_27 = arith.constant 0 : i32
    %cond3A_28 = arith.cmpi ne, %convert_element_type3A_26, %cond3A_27 : i32
    scf.if %cond3A_28 {
      "tpu.region"() ({
        %run_scoped3A = tpu.sem_alloc : memref<!tpu.dma_semaphore, #tpu.memory_space<semaphore_mem>>
        %dma_start3A = arith.constant 0 : i32
        %dma_start3A_49 = tpu.memref_slice %arg8[%mul3A_22, %dma_start3A] : memref<10000x128xf32, #tpu.memory_space<hbm>> -> memref<624x128xf32, #tpu.memory_space<hbm>>
        %dma_start3A_50 = arith.constant 0 : i32
        %dma_start3A_51 = tpu.memref_slice %arg10[%mul3A_22, %dma_start3A_50] : memref<10112x128xf32, #tpu.memory_space<vmem_shared>> -> memref<624x128xf32, #tpu.memory_space<vmem_shared>>
        tpu.enqueue_dma source(%dma_start3A_51 : memref<624x128xf32, #tpu.memory_space<vmem_shared>>) target(%dma_start3A_49 : memref<624x128xf32, #tpu.memory_space<hbm>>) target_semaphore(%run_scoped3A : memref<!tpu.dma_semaphore, #tpu.memory_space<semaphore_mem>>)
        %dma_wait3A = arith.constant 0 : i32
        %dma_wait3A_52 = tpu.memref_slice %arg8[%mul3A_22, %dma_wait3A] : memref<10000x128xf32, #tpu.memory_space<hbm>> -> memref<624x128xf32, #tpu.memory_space<hbm>>
        %dma_wait3A_53 = arith.constant 0 : i32
        %dma_wait3A_54 = tpu.memref_slice %arg10[%mul3A_22, %dma_wait3A_53] : memref<10112x128xf32, #tpu.memory_space<vmem_shared>> -> memref<624x128xf32, #tpu.memory_space<vmem_shared>>
        tpu.wait_dma2 semaphore(%run_scoped3A : memref<!tpu.dma_semaphore, #tpu.memory_space<semaphore_mem>>) src(%dma_wait3A_54 : memref<624x128xf32, #tpu.memory_space<vmem_shared>>) dst(%dma_wait3A_52 : memref<624x128xf32, #tpu.memory_space<hbm>>)
        tpu.yield
      }) : () -> ()
    } else {
    }
    %eq3A_29 = arith.constant 0 : i32
    %eq3A_30 = arith.cmpi eq, %arg0, %eq3A_29 : i32
    %and3A_31 = arith.andi %eq3A_30, %eq3A_1 : i1
    %convert_element_type3A_32 = arith.extui %and3A_31 : i1 to i32
    %cond3A_33 = arith.constant 0 : i32
    %cond3A_34 = arith.cmpi ne, %convert_element_type3A_32, %cond3A_33 : i32
    scf.if %cond3A_34 {
      "tpu.region"() ({
        %run_scoped3A = tpu.sem_alloc : memref<!tpu.dma_semaphore, #tpu.memory_space<semaphore_mem>>
        %dma_start3A = arith.constant 0 : i32
        %dma_start3A_49 = tpu.memref_slice %arg8[%mul3A_22, %dma_start3A] : memref<10000x128xf32, #tpu.memory_space<hbm>> -> memref<640x128xf32, #tpu.memory_space<hbm>>
        %dma_start3A_50 = arith.constant 0 : i32
        %dma_start3A_51 = tpu.memref_slice %arg10[%mul3A_22, %dma_start3A_50] : memref<10112x128xf32, #tpu.memory_space<vmem_shared>> -> memref<640x128xf32, #tpu.memory_space<vmem_shared>>
        tpu.enqueue_dma source(%dma_start3A_51 : memref<640x128xf32, #tpu.memory_space<vmem_shared>>) target(%dma_start3A_49 : memref<640x128xf32, #tpu.memory_space<hbm>>) target_semaphore(%run_scoped3A : memref<!tpu.dma_semaphore, #tpu.memory_space<semaphore_mem>>)
        %dma_wait3A = arith.constant 0 : i32
        %dma_wait3A_52 = tpu.memref_slice %arg8[%mul3A_22, %dma_wait3A] : memref<10000x128xf32, #tpu.memory_space<hbm>> -> memref<640x128xf32, #tpu.memory_space<hbm>>
        %dma_wait3A_53 = arith.constant 0 : i32
        %dma_wait3A_54 = tpu.memref_slice %arg10[%mul3A_22, %dma_wait3A_53] : memref<10112x128xf32, #tpu.memory_space<vmem_shared>> -> memref<640x128xf32, #tpu.memory_space<vmem_shared>>
        tpu.wait_dma2 semaphore(%run_scoped3A : memref<!tpu.dma_semaphore, #tpu.memory_space<semaphore_mem>>) src(%dma_wait3A_54 : memref<640x128xf32, #tpu.memory_space<vmem_shared>>) dst(%dma_wait3A_52 : memref<640x128xf32, #tpu.memory_space<hbm>>)
        tpu.yield
      }) : () -> ()
    } else {
    }
    %eq3A_35 = arith.constant 1 : i32
    %eq3A_36 = arith.cmpi eq, %arg0, %eq3A_35 : i32
    %not3A_37 = arith.constant true
    %not3A_38 = arith.xori %eq3A_1, %not3A_37 : i1
    %and3A_39 = arith.andi %eq3A_36, %not3A_38 : i1
    %convert_element_type3A_40 = arith.extui %and3A_39 : i1 to i32
    %cond3A_41 = arith.constant 0 : i32
    %cond3A_42 = arith.cmpi ne, %convert_element_type3A_40, %cond3A_41 : i32
    scf.if %cond3A_42 {
      "tpu.region"() ({
        %run_scoped3A = tpu.sem_alloc : memref<!tpu.dma_semaphore, #tpu.memory_space<semaphore_mem>>
        %dma_start3A = arith.constant 0 : i32
        %dma_start3A_49 = tpu.memref_slice %arg9[%mul3A_22, %dma_start3A] : memref<10000x128xf32, #tpu.memory_space<hbm>> -> memref<624x128xf32, #tpu.memory_space<hbm>>
        %dma_start3A_50 = arith.constant 0 : i32
        %dma_start3A_51 = tpu.memref_slice %arg10[%mul3A_22, %dma_start3A_50] : memref<10112x128xf32, #tpu.memory_space<vmem_shared>> -> memref<624x128xf32, #tpu.memory_space<vmem_shared>>
        tpu.enqueue_dma source(%dma_start3A_51 : memref<624x128xf32, #tpu.memory_space<vmem_shared>>) target(%dma_start3A_49 : memref<624x128xf32, #tpu.memory_space<hbm>>) target_semaphore(%run_scoped3A : memref<!tpu.dma_semaphore, #tpu.memory_space<semaphore_mem>>)
        %dma_wait3A = arith.constant 0 : i32
        %dma_wait3A_52 = tpu.memref_slice %arg9[%mul3A_22, %dma_wait3A] : memref<10000x128xf32, #tpu.memory_space<hbm>> -> memref<624x128xf32, #tpu.memory_space<hbm>>
        %dma_wait3A_53 = arith.constant 0 : i32
        %dma_wait3A_54 = tpu.memref_slice %arg10[%mul3A_22, %dma_wait3A_53] : memref<10112x128xf32, #tpu.memory_space<vmem_shared>> -> memref<624x128xf32, #tpu.memory_space<vmem_shared>>
        tpu.wait_dma2 semaphore(%run_scoped3A : memref<!tpu.dma_semaphore, #tpu.memory_space<semaphore_mem>>) src(%dma_wait3A_54 : memref<624x128xf32, #tpu.memory_space<vmem_shared>>) dst(%dma_wait3A_52 : memref<624x128xf32, #tpu.memory_space<hbm>>)
        tpu.yield
      }) : () -> ()
    } else {
    }
    %eq3A_43 = arith.constant 1 : i32
    %eq3A_44 = arith.cmpi eq, %arg0, %eq3A_43 : i32
    %and3A_45 = arith.andi %eq3A_44, %eq3A_1 : i1
    %convert_element_type3A_46 = arith.extui %and3A_45 : i1 to i32
    %cond3A_47 = arith.constant 0 : i32
    %cond3A_48 = arith.cmpi ne, %convert_element_type3A_46, %cond3A_47 : i32
    scf.if %cond3A_48 {
      "tpu.region"() ({
        %run_scoped3A = tpu.sem_alloc : memref<!tpu.dma_semaphore, #tpu.memory_space<semaphore_mem>>
        %dma_start3A = arith.constant 0 : i32
        %dma_start3A_49 = tpu.memref_slice %arg9[%mul3A_22, %dma_start3A] : memref<10000x128xf32, #tpu.memory_space<hbm>> -> memref<640x128xf32, #tpu.memory_space<hbm>>
        %dma_start3A_50 = arith.constant 0 : i32
        %dma_start3A_51 = tpu.memref_slice %arg10[%mul3A_22, %dma_start3A_50] : memref<10112x128xf32, #tpu.memory_space<vmem_shared>> -> memref<640x128xf32, #tpu.memory_space<vmem_shared>>
        tpu.enqueue_dma source(%dma_start3A_51 : memref<640x128xf32, #tpu.memory_space<vmem_shared>>) target(%dma_start3A_49 : memref<640x128xf32, #tpu.memory_space<hbm>>) target_semaphore(%run_scoped3A : memref<!tpu.dma_semaphore, #tpu.memory_space<semaphore_mem>>)
        %dma_wait3A = arith.constant 0 : i32
        %dma_wait3A_52 = tpu.memref_slice %arg9[%mul3A_22, %dma_wait3A] : memref<10000x128xf32, #tpu.memory_space<hbm>> -> memref<640x128xf32, #tpu.memory_space<hbm>>
        %dma_wait3A_53 = arith.constant 0 : i32
        %dma_wait3A_54 = tpu.memref_slice %arg10[%mul3A_22, %dma_wait3A_53] : memref<10112x128xf32, #tpu.memory_space<vmem_shared>> -> memref<640x128xf32, #tpu.memory_space<vmem_shared>>
        tpu.wait_dma2 semaphore(%run_scoped3A : memref<!tpu.dma_semaphore, #tpu.memory_space<semaphore_mem>>) src(%dma_wait3A_54 : memref<640x128xf32, #tpu.memory_space<vmem_shared>>) dst(%dma_wait3A_52 : memref<640x128xf32, #tpu.memory_space<hbm>>)
        tpu.yield
      }) : () -> ()
    } else {
    }
    return
  }
}

#map = affine_map<(d0, d1) -> (0, 0)>
#map1 = affine_map<(d0, d1) -> (0, 0, 0)>
module attributes {stable_mosaic.version = 14 : i64} {
  func.func @_segsum_body(%arg0: i32, %arg1: i32, %arg2: memref<10000x128xf32, #tpu.memory_space<hbm>>, %arg3: memref<10000x128xf32, #tpu.memory_space<hbm>>, %arg4: memref<10000x128xf32, #tpu.memory_space<hbm>>, %arg5: memref<10000x128xf32, #tpu.memory_space<hbm>>, %arg6: memref<16x79x128xi32, #tpu.memory_space<hbm>>, %arg7: memref<16x79x128xi32, #tpu.memory_space<hbm>>, %arg8: memref<10000x128xf32, #tpu.memory_space<hbm>>, %arg9: memref<10000x128xf32, #tpu.memory_space<hbm>>, %arg10: memref<10112x128xf32, #tpu.memory_space<vmem_shared>>, %arg11: memref<79x128xi32, #tpu.memory_space<vmem>>, %arg12: memref<79x128xi32, #tpu.memory_space<vmem>>, %arg13: memref<128x128xf32, #tpu.memory_space<vmem>>, %arg14: memref<!tpu.dma_semaphore, #tpu.memory_space<semaphore_mem>>) attributes {dimension_semantics = [#tpu.dimension_semantics<core_parallel>, #tpu.dimension_semantics<subcore_parallel>], iteration_bounds = array<i64: 2, 16>, scalar_prefetch = 0 : i64, scratch_operands = 5 : i64, tpu.core_type = #tpu.core_type<sc_vector_subcore>, window_params = [{transform_indices = #map}, {transform_indices = #map}, {transform_indices = #map}, {transform_indices = #map}, {transform_indices = #map1}, {transform_indices = #map1}, {transform_indices = #map}, {transform_indices = #map}]} {
    %mul3A = arith.constant 624 : i32
    %mul3A_0 = arith.muli %arg1, %mul3A : i32
    %eq3A = arith.constant 15 : i32
    %eq3A_1 = arith.cmpi eq, %arg1, %eq3A : i32
    %eq3A_2 = arith.constant 0 : i32
    %eq3A_3 = arith.cmpi eq, %arg0, %eq3A_2 : i32
    %convert_element_type3A = arith.extui %eq3A_3 : i1 to i32
    %cond3A = arith.constant 0 : i32
    %cond3A_4 = arith.cmpi ne, %convert_element_type3A, %cond3A : i32
    scf.if %cond3A_4 {
      %not3A_49 = arith.constant true
      %not3A_50 = arith.xori %eq3A_1, %not3A_49 : i1
      %convert_element_type3A_51 = arith.extui %not3A_50 : i1 to i32
      %cond3A_52 = arith.constant 0 : i32
      %cond3A_53 = arith.cmpi ne, %convert_element_type3A_51, %cond3A_52 : i32
      scf.if %cond3A_53 {
        "tpu.region"() ({
          %run_scoped3A = tpu.sem_alloc : memref<!tpu.dma_semaphore, #tpu.memory_space<semaphore_mem>>
          %dma_start3A = arith.constant 0 : i32
          %dma_start3A_57 = tpu.memref_slice %arg10[%mul3A_0, %dma_start3A] : memref<10112x128xf32, #tpu.memory_space<vmem_shared>> -> memref<624x128xf32, #tpu.memory_space<vmem_shared>>
          %dma_start3A_58 = arith.constant 0 : i32
          %dma_start3A_59 = tpu.memref_slice %arg4[%mul3A_0, %dma_start3A_58] : memref<10000x128xf32, #tpu.memory_space<hbm>> -> memref<624x128xf32, #tpu.memory_space<hbm>>
          tpu.enqueue_dma source(%dma_start3A_59 : memref<624x128xf32, #tpu.memory_space<hbm>>) target(%dma_start3A_57 : memref<624x128xf32, #tpu.memory_space<vmem_shared>>) target_semaphore(%run_scoped3A : memref<!tpu.dma_semaphore, #tpu.memory_space<semaphore_mem>>)
          %dma_wait3A = arith.constant 0 : i32
          %dma_wait3A_60 = tpu.memref_slice %arg10[%mul3A_0, %dma_wait3A] : memref<10112x128xf32, #tpu.memory_space<vmem_shared>> -> memref<624x128xf32, #tpu.memory_space<vmem_shared>>
          %dma_wait3A_61 = arith.constant 0 : i32
          %dma_wait3A_62 = tpu.memref_slice %arg4[%mul3A_0, %dma_wait3A_61] : memref<10000x128xf32, #tpu.memory_space<hbm>> -> memref<624x128xf32, #tpu.memory_space<hbm>>
          tpu.wait_dma2 semaphore(%run_scoped3A : memref<!tpu.dma_semaphore, #tpu.memory_space<semaphore_mem>>) src(%dma_wait3A_62 : memref<624x128xf32, #tpu.memory_space<hbm>>) dst(%dma_wait3A_60 : memref<624x128xf32, #tpu.memory_space<vmem_shared>>)
          tpu.yield
        }) : () -> ()
      } else {
      }
      %convert_element_type3A_54 = arith.extui %eq3A_1 : i1 to i32
      %cond3A_55 = arith.constant 0 : i32
      %cond3A_56 = arith.cmpi ne, %convert_element_type3A_54, %cond3A_55 : i32
      scf.if %cond3A_56 {
        "tpu.region"() ({
          %run_scoped3A = tpu.sem_alloc : memref<!tpu.dma_semaphore, #tpu.memory_space<semaphore_mem>>
          %dma_start3A = arith.constant 0 : i32
          %dma_start3A_58 = tpu.memref_slice %arg10[%mul3A_0, %dma_start3A] : memref<10112x128xf32, #tpu.memory_space<vmem_shared>> -> memref<640x128xf32, #tpu.memory_space<vmem_shared>>
          %dma_start3A_59 = arith.constant 0 : i32
          %dma_start3A_60 = tpu.memref_slice %arg4[%mul3A_0, %dma_start3A_59] : memref<10000x128xf32, #tpu.memory_space<hbm>> -> memref<640x128xf32, #tpu.memory_space<hbm>>
          tpu.enqueue_dma source(%dma_start3A_60 : memref<640x128xf32, #tpu.memory_space<hbm>>) target(%dma_start3A_58 : memref<640x128xf32, #tpu.memory_space<vmem_shared>>) target_semaphore(%run_scoped3A : memref<!tpu.dma_semaphore, #tpu.memory_space<semaphore_mem>>)
          %dma_wait3A = arith.constant 0 : i32
          %dma_wait3A_61 = tpu.memref_slice %arg10[%mul3A_0, %dma_wait3A] : memref<10112x128xf32, #tpu.memory_space<vmem_shared>> -> memref<640x128xf32, #tpu.memory_space<vmem_shared>>
          %dma_wait3A_62 = arith.constant 0 : i32
          %dma_wait3A_63 = tpu.memref_slice %arg4[%mul3A_0, %dma_wait3A_62] : memref<10000x128xf32, #tpu.memory_space<hbm>> -> memref<640x128xf32, #tpu.memory_space<hbm>>
          tpu.wait_dma2 semaphore(%run_scoped3A : memref<!tpu.dma_semaphore, #tpu.memory_space<semaphore_mem>>) src(%dma_wait3A_63 : memref<640x128xf32, #tpu.memory_space<hbm>>) dst(%dma_wait3A_61 : memref<640x128xf32, #tpu.memory_space<vmem_shared>>)
          tpu.yield
        }) : () -> ()
        %add3A = arith.constant 640 : i32
        %add3A_57 = arith.addi %mul3A_0, %add3A : i32
        "tpu.region"() ({
          %run_scoped3A = tpu.sem_alloc : memref<!tpu.dma_semaphore, #tpu.memory_space<semaphore_mem>>
          %dma_start3A = arith.constant 0 : i32
          %dma_start3A_58 = tpu.memref_slice %arg10[%add3A_57, %dma_start3A] : memref<10112x128xf32, #tpu.memory_space<vmem_shared>> -> memref<112x128xf32, #tpu.memory_space<vmem_shared>>
          %dma_start3A_59 = arith.constant 0 : i32
          %dma_start3A_60 = arith.constant 0 : i32
          %dma_start3A_61 = tpu.memref_slice %arg4[%dma_start3A_59, %dma_start3A_60] : memref<10000x128xf32, #tpu.memory_space<hbm>> -> memref<112x128xf32, #tpu.memory_space<hbm>>
          tpu.enqueue_dma source(%dma_start3A_61 : memref<112x128xf32, #tpu.memory_space<hbm>>) target(%dma_start3A_58 : memref<112x128xf32, #tpu.memory_space<vmem_shared>>) target_semaphore(%run_scoped3A : memref<!tpu.dma_semaphore, #tpu.memory_space<semaphore_mem>>)
          %dma_wait3A = arith.constant 0 : i32
          %dma_wait3A_62 = tpu.memref_slice %arg10[%add3A_57, %dma_wait3A] : memref<10112x128xf32, #tpu.memory_space<vmem_shared>> -> memref<112x128xf32, #tpu.memory_space<vmem_shared>>
          %dma_wait3A_63 = arith.constant 0 : i32
          %dma_wait3A_64 = arith.constant 0 : i32
          %dma_wait3A_65 = tpu.memref_slice %arg4[%dma_wait3A_63, %dma_wait3A_64] : memref<10000x128xf32, #tpu.memory_space<hbm>> -> memref<112x128xf32, #tpu.memory_space<hbm>>
          tpu.wait_dma2 semaphore(%run_scoped3A : memref<!tpu.dma_semaphore, #tpu.memory_space<semaphore_mem>>) src(%dma_wait3A_65 : memref<112x128xf32, #tpu.memory_space<hbm>>) dst(%dma_wait3A_62 : memref<112x128xf32, #tpu.memory_space<vmem_shared>>)
          tpu.yield
        }) : () -> ()
      } else {
      }
    } else {
    }
    %eq3A_5 = arith.constant 1 : i32
    %eq3A_6 = arith.cmpi eq, %arg0, %eq3A_5 : i32
    %convert_element_type3A_7 = arith.extui %eq3A_6 : i1 to i32
    %cond3A_8 = arith.constant 0 : i32
    %cond3A_9 = arith.cmpi ne, %convert_element_type3A_7, %cond3A_8 : i32
    scf.if %cond3A_9 {
      %not3A_49 = arith.constant true
      %not3A_50 = arith.xori %eq3A_1, %not3A_49 : i1
      %convert_element_type3A_51 = arith.extui %not3A_50 : i1 to i32
      %cond3A_52 = arith.constant 0 : i32
      %cond3A_53 = arith.cmpi ne, %convert_element_type3A_51, %cond3A_52 : i32
      scf.if %cond3A_53 {
        "tpu.region"() ({
          %run_scoped3A = tpu.sem_alloc : memref<!tpu.dma_semaphore, #tpu.memory_space<semaphore_mem>>
          %dma_start3A = arith.constant 0 : i32
          %dma_start3A_57 = tpu.memref_slice %arg10[%mul3A_0, %dma_start3A] : memref<10112x128xf32, #tpu.memory_space<vmem_shared>> -> memref<624x128xf32, #tpu.memory_space<vmem_shared>>
          %dma_start3A_58 = arith.constant 0 : i32
          %dma_start3A_59 = tpu.memref_slice %arg5[%mul3A_0, %dma_start3A_58] : memref<10000x128xf32, #tpu.memory_space<hbm>> -> memref<624x128xf32, #tpu.memory_space<hbm>>
          tpu.enqueue_dma source(%dma_start3A_59 : memref<624x128xf32, #tpu.memory_space<hbm>>) target(%dma_start3A_57 : memref<624x128xf32, #tpu.memory_space<vmem_shared>>) target_semaphore(%run_scoped3A : memref<!tpu.dma_semaphore, #tpu.memory_space<semaphore_mem>>)
          %dma_wait3A = arith.constant 0 : i32
          %dma_wait3A_60 = tpu.memref_slice %arg10[%mul3A_0, %dma_wait3A] : memref<10112x128xf32, #tpu.memory_space<vmem_shared>> -> memref<624x128xf32, #tpu.memory_space<vmem_shared>>
          %dma_wait3A_61 = arith.constant 0 : i32
          %dma_wait3A_62 = tpu.memref_slice %arg5[%mul3A_0, %dma_wait3A_61] : memref<10000x128xf32, #tpu.memory_space<hbm>> -> memref<624x128xf32, #tpu.memory_space<hbm>>
          tpu.wait_dma2 semaphore(%run_scoped3A : memref<!tpu.dma_semaphore, #tpu.memory_space<semaphore_mem>>) src(%dma_wait3A_62 : memref<624x128xf32, #tpu.memory_space<hbm>>) dst(%dma_wait3A_60 : memref<624x128xf32, #tpu.memory_space<vmem_shared>>)
          tpu.yield
        }) : () -> ()
      } else {
      }
      %convert_element_type3A_54 = arith.extui %eq3A_1 : i1 to i32
      %cond3A_55 = arith.constant 0 : i32
      %cond3A_56 = arith.cmpi ne, %convert_element_type3A_54, %cond3A_55 : i32
      scf.if %cond3A_56 {
        "tpu.region"() ({
          %run_scoped3A = tpu.sem_alloc : memref<!tpu.dma_semaphore, #tpu.memory_space<semaphore_mem>>
          %dma_start3A = arith.constant 0 : i32
          %dma_start3A_58 = tpu.memref_slice %arg10[%mul3A_0, %dma_start3A] : memref<10112x128xf32, #tpu.memory_space<vmem_shared>> -> memref<640x128xf32, #tpu.memory_space<vmem_shared>>
          %dma_start3A_59 = arith.constant 0 : i32
          %dma_start3A_60 = tpu.memref_slice %arg5[%mul3A_0, %dma_start3A_59] : memref<10000x128xf32, #tpu.memory_space<hbm>> -> memref<640x128xf32, #tpu.memory_space<hbm>>
          tpu.enqueue_dma source(%dma_start3A_60 : memref<640x128xf32, #tpu.memory_space<hbm>>) target(%dma_start3A_58 : memref<640x128xf32, #tpu.memory_space<vmem_shared>>) target_semaphore(%run_scoped3A : memref<!tpu.dma_semaphore, #tpu.memory_space<semaphore_mem>>)
          %dma_wait3A = arith.constant 0 : i32
          %dma_wait3A_61 = tpu.memref_slice %arg10[%mul3A_0, %dma_wait3A] : memref<10112x128xf32, #tpu.memory_space<vmem_shared>> -> memref<640x128xf32, #tpu.memory_space<vmem_shared>>
          %dma_wait3A_62 = arith.constant 0 : i32
          %dma_wait3A_63 = tpu.memref_slice %arg5[%mul3A_0, %dma_wait3A_62] : memref<10000x128xf32, #tpu.memory_space<hbm>> -> memref<640x128xf32, #tpu.memory_space<hbm>>
          tpu.wait_dma2 semaphore(%run_scoped3A : memref<!tpu.dma_semaphore, #tpu.memory_space<semaphore_mem>>) src(%dma_wait3A_63 : memref<640x128xf32, #tpu.memory_space<hbm>>) dst(%dma_wait3A_61 : memref<640x128xf32, #tpu.memory_space<vmem_shared>>)
          tpu.yield
        }) : () -> ()
        %add3A = arith.constant 640 : i32
        %add3A_57 = arith.addi %mul3A_0, %add3A : i32
        "tpu.region"() ({
          %run_scoped3A = tpu.sem_alloc : memref<!tpu.dma_semaphore, #tpu.memory_space<semaphore_mem>>
          %dma_start3A = arith.constant 0 : i32
          %dma_start3A_58 = tpu.memref_slice %arg10[%add3A_57, %dma_start3A] : memref<10112x128xf32, #tpu.memory_space<vmem_shared>> -> memref<112x128xf32, #tpu.memory_space<vmem_shared>>
          %dma_start3A_59 = arith.constant 0 : i32
          %dma_start3A_60 = arith.constant 0 : i32
          %dma_start3A_61 = tpu.memref_slice %arg5[%dma_start3A_59, %dma_start3A_60] : memref<10000x128xf32, #tpu.memory_space<hbm>> -> memref<112x128xf32, #tpu.memory_space<hbm>>
          tpu.enqueue_dma source(%dma_start3A_61 : memref<112x128xf32, #tpu.memory_space<hbm>>) target(%dma_start3A_58 : memref<112x128xf32, #tpu.memory_space<vmem_shared>>) target_semaphore(%run_scoped3A : memref<!tpu.dma_semaphore, #tpu.memory_space<semaphore_mem>>)
          %dma_wait3A = arith.constant 0 : i32
          %dma_wait3A_62 = tpu.memref_slice %arg10[%add3A_57, %dma_wait3A] : memref<10112x128xf32, #tpu.memory_space<vmem_shared>> -> memref<112x128xf32, #tpu.memory_space<vmem_shared>>
          %dma_wait3A_63 = arith.constant 0 : i32
          %dma_wait3A_64 = arith.constant 0 : i32
          %dma_wait3A_65 = tpu.memref_slice %arg5[%dma_wait3A_63, %dma_wait3A_64] : memref<10000x128xf32, #tpu.memory_space<hbm>> -> memref<112x128xf32, #tpu.memory_space<hbm>>
          tpu.wait_dma2 semaphore(%run_scoped3A : memref<!tpu.dma_semaphore, #tpu.memory_space<semaphore_mem>>) src(%dma_wait3A_65 : memref<112x128xf32, #tpu.memory_space<hbm>>) dst(%dma_wait3A_62 : memref<112x128xf32, #tpu.memory_space<vmem_shared>>)
          tpu.yield
        }) : () -> ()
      } else {
      }
    } else {
    }
    "tpu.region"() ({
      %run_scoped3A = tpu.sem_alloc : memref<!tpu.dma_semaphore, #tpu.memory_space<semaphore_mem>>
      %dma_start3A = arith.constant 0 : i32
      %dma_start3A_49 = arith.constant 0 : i32
      %dma_start3A_50 = tpu.memref_slice %arg6[%arg1, %dma_start3A, %dma_start3A_49] : memref<16x79x128xi32, #tpu.memory_space<hbm>> -> memref<1x79x128xi32, #tpu.memory_space<hbm>>
      %dma_start3A_51 = tpu.memref_squeeze %dma_start3A_50 : memref<1x79x128xi32, #tpu.memory_space<hbm>> -> memref<79x128xi32, #tpu.memory_space<hbm>>
      %dma_start3A_52 = arith.constant 0 : i32
      %dma_start3A_53 = arith.constant 0 : i32
      %dma_start3A_54 = tpu.memref_slice %arg6[%arg1, %dma_start3A_52, %dma_start3A_53] : memref<16x79x128xi32, #tpu.memory_space<hbm>> -> memref<1x79x128xi32, #tpu.memory_space<hbm>>
      %dma_start3A_55 = tpu.memref_squeeze %dma_start3A_54 : memref<1x79x128xi32, #tpu.memory_space<hbm>> -> memref<79x128xi32, #tpu.memory_space<hbm>>
      tpu.enqueue_dma source(%dma_start3A_55 : memref<79x128xi32, #tpu.memory_space<hbm>>) target(%arg11 : memref<79x128xi32, #tpu.memory_space<vmem>>) target_semaphore(%run_scoped3A : memref<!tpu.dma_semaphore, #tpu.memory_space<semaphore_mem>>)
      %dma_wait3A = arith.constant 0 : i32
      %dma_wait3A_56 = arith.constant 0 : i32
      %dma_wait3A_57 = tpu.memref_slice %arg6[%arg1, %dma_wait3A, %dma_wait3A_56] : memref<16x79x128xi32, #tpu.memory_space<hbm>> -> memref<1x79x128xi32, #tpu.memory_space<hbm>>
      %dma_wait3A_58 = tpu.memref_squeeze %dma_wait3A_57 : memref<1x79x128xi32, #tpu.memory_space<hbm>> -> memref<79x128xi32, #tpu.memory_space<hbm>>
      %dma_wait3A_59 = arith.constant 0 : i32
      %dma_wait3A_60 = arith.constant 0 : i32
      %dma_wait3A_61 = tpu.memref_slice %arg6[%arg1, %dma_wait3A_59, %dma_wait3A_60] : memref<16x79x128xi32, #tpu.memory_space<hbm>> -> memref<1x79x128xi32, #tpu.memory_space<hbm>>
      %dma_wait3A_62 = tpu.memref_squeeze %dma_wait3A_61 : memref<1x79x128xi32, #tpu.memory_space<hbm>> -> memref<79x128xi32, #tpu.memory_space<hbm>>
      tpu.wait_dma2 semaphore(%run_scoped3A : memref<!tpu.dma_semaphore, #tpu.memory_space<semaphore_mem>>) src(%dma_wait3A_62 : memref<79x128xi32, #tpu.memory_space<hbm>>) dst(%arg11 : memref<79x128xi32, #tpu.memory_space<vmem>>)
      tpu.yield
    }) : () -> ()
    "tpu.region"() ({
      %run_scoped3A = tpu.sem_alloc : memref<!tpu.dma_semaphore, #tpu.memory_space<semaphore_mem>>
      %dma_start3A = arith.constant 0 : i32
      %dma_start3A_49 = arith.constant 0 : i32
      %dma_start3A_50 = tpu.memref_slice %arg7[%arg1, %dma_start3A, %dma_start3A_49] : memref<16x79x128xi32, #tpu.memory_space<hbm>> -> memref<1x79x128xi32, #tpu.memory_space<hbm>>
      %dma_start3A_51 = tpu.memref_squeeze %dma_start3A_50 : memref<1x79x128xi32, #tpu.memory_space<hbm>> -> memref<79x128xi32, #tpu.memory_space<hbm>>
      %dma_start3A_52 = arith.constant 0 : i32
      %dma_start3A_53 = arith.constant 0 : i32
      %dma_start3A_54 = tpu.memref_slice %arg7[%arg1, %dma_start3A_52, %dma_start3A_53] : memref<16x79x128xi32, #tpu.memory_space<hbm>> -> memref<1x79x128xi32, #tpu.memory_space<hbm>>
      %dma_start3A_55 = tpu.memref_squeeze %dma_start3A_54 : memref<1x79x128xi32, #tpu.memory_space<hbm>> -> memref<79x128xi32, #tpu.memory_space<hbm>>
      tpu.enqueue_dma source(%dma_start3A_55 : memref<79x128xi32, #tpu.memory_space<hbm>>) target(%arg12 : memref<79x128xi32, #tpu.memory_space<vmem>>) target_semaphore(%run_scoped3A : memref<!tpu.dma_semaphore, #tpu.memory_space<semaphore_mem>>)
      %dma_wait3A = arith.constant 0 : i32
      %dma_wait3A_56 = arith.constant 0 : i32
      %dma_wait3A_57 = tpu.memref_slice %arg7[%arg1, %dma_wait3A, %dma_wait3A_56] : memref<16x79x128xi32, #tpu.memory_space<hbm>> -> memref<1x79x128xi32, #tpu.memory_space<hbm>>
      %dma_wait3A_58 = tpu.memref_squeeze %dma_wait3A_57 : memref<1x79x128xi32, #tpu.memory_space<hbm>> -> memref<79x128xi32, #tpu.memory_space<hbm>>
      %dma_wait3A_59 = arith.constant 0 : i32
      %dma_wait3A_60 = arith.constant 0 : i32
      %dma_wait3A_61 = tpu.memref_slice %arg7[%arg1, %dma_wait3A_59, %dma_wait3A_60] : memref<16x79x128xi32, #tpu.memory_space<hbm>> -> memref<1x79x128xi32, #tpu.memory_space<hbm>>
      %dma_wait3A_62 = tpu.memref_squeeze %dma_wait3A_61 : memref<1x79x128xi32, #tpu.memory_space<hbm>> -> memref<79x128xi32, #tpu.memory_space<hbm>>
      tpu.wait_dma2 semaphore(%run_scoped3A : memref<!tpu.dma_semaphore, #tpu.memory_space<semaphore_mem>>) src(%dma_wait3A_62 : memref<79x128xi32, #tpu.memory_space<hbm>>) dst(%arg12 : memref<79x128xi32, #tpu.memory_space<vmem>>)
      tpu.yield
    }) : () -> ()
    %barrier3A = arith.constant 0 : index
    tpu.barrier barrier_id(%barrier3A)
    %eq3A_10 = arith.constant 0 : i32
    %eq3A_11 = arith.cmpi eq, %arg0, %eq3A_10 : i32
    %convert_element_type3A_12 = arith.extui %eq3A_11 : i1 to i32
    %cond3A_13 = arith.constant 0 : i32
    %cond3A_14 = arith.cmpi ne, %convert_element_type3A_12, %cond3A_13 : i32
    scf.if %cond3A_14 {
      %scan3A = arith.constant 0 : i32
      %scan3A_49 = arith.constant 0 : i32
      %scan3A_50 = arith.constant 79 : i32
      %scan3A_51 = arith.addi %scan3A_49, %scan3A_50 : i32
      %scan3A_52 = arith.constant 1 : i32
      scf.for %scan3A_54 = %scan3A_49 to %scan3A_51 step %scan3A_52  : i32 {
        %dma_start3A = arith.constant 0 : i32
        %dma_start3A_55 = tpu.memref_slice %arg11[%scan3A_54, %dma_start3A] : memref<79x128xi32, #tpu.memory_space<vmem>> -> memref<1x128xi32, #tpu.memory_space<vmem>>
        %dma_start3A_56 = tpu.memref_squeeze %dma_start3A_55 : memref<1x128xi32, #tpu.memory_space<vmem>> -> memref<128xi32, #tpu.memory_space<vmem>>
        %dma_start3A_57 = arith.constant 0 : i32
        %dma_start3A_58 = arith.constant 0 : i32
        %dma_start3A_59 = tpu.memref_slice %arg2[%dma_start3A_57, %dma_start3A_58] : memref<10000x128xf32, #tpu.memory_space<hbm>> -> memref<10000x128xf32, #tpu.memory_space<hbm>>
        tpu.enqueue_indirect_dma source(%dma_start3A_59 : memref<10000x128xf32, #tpu.memory_space<hbm>>) target(%arg13 : memref<128x128xf32, #tpu.memory_space<vmem>>) offsets(%dma_start3A_56 : memref<128xi32, #tpu.memory_space<vmem>>) semaphore(%arg14 : memref<!tpu.dma_semaphore, #tpu.memory_space<semaphore_mem>>)
        %dma_wait3A = arith.constant 0 : i32
        %dma_wait3A_60 = tpu.memref_slice %arg11[%scan3A_54, %dma_wait3A] : memref<79x128xi32, #tpu.memory_space<vmem>> -> memref<1x128xi32, #tpu.memory_space<vmem>>
        %dma_wait3A_61 = tpu.memref_squeeze %dma_wait3A_60 : memref<1x128xi32, #tpu.memory_space<vmem>> -> memref<128xi32, #tpu.memory_space<vmem>>
        %dma_wait3A_62 = arith.constant 0 : i32
        %dma_wait3A_63 = arith.constant 0 : i32
        %dma_wait3A_64 = tpu.memref_slice %arg2[%dma_wait3A_62, %dma_wait3A_63] : memref<10000x128xf32, #tpu.memory_space<hbm>> -> memref<10000x128xf32, #tpu.memory_space<hbm>>
        tpu.wait_indirect_dma semaphore(%arg14 : memref<!tpu.dma_semaphore, #tpu.memory_space<semaphore_mem>>) src(%dma_wait3A_64 : memref<10000x128xf32, #tpu.memory_space<hbm>>) dst(%arg13 : memref<128x128xf32, #tpu.memory_space<vmem>>)
        "tpu.region"() ({
          %run_scoped3A = tpu.sem_alloc : memref<!tpu.dma_semaphore, #tpu.memory_space<semaphore_mem>>
          %dma_start3A_65 = arith.constant 0 : i32
          %dma_start3A_66 = tpu.memref_slice %arg12[%scan3A_54, %dma_start3A_65] : memref<79x128xi32, #tpu.memory_space<vmem>> -> memref<1x128xi32, #tpu.memory_space<vmem>>
          %dma_start3A_67 = tpu.memref_squeeze %dma_start3A_66 : memref<1x128xi32, #tpu.memory_space<vmem>> -> memref<128xi32, #tpu.memory_space<vmem>>
          %dma_start3A_68 = arith.constant 0 : i32
          %dma_start3A_69 = arith.constant 0 : i32
          %dma_start3A_70 = tpu.memref_slice %arg10[%dma_start3A_68, %dma_start3A_69] : memref<10112x128xf32, #tpu.memory_space<vmem_shared>> -> memref<10112x128xf32, #tpu.memory_space<vmem_shared>>
          tpu.enqueue_indirect_dma source(%arg13 : memref<128x128xf32, #tpu.memory_space<vmem>>) target(%dma_start3A_70 : memref<10112x128xf32, #tpu.memory_space<vmem_shared>>) offsets(%dma_start3A_67 : memref<128xi32, #tpu.memory_space<vmem>>) semaphore(%run_scoped3A : memref<!tpu.dma_semaphore, #tpu.memory_space<semaphore_mem>>) {add = true}
          %dma_wait3A_71 = arith.constant 0 : i32
          %dma_wait3A_72 = tpu.memref_slice %arg12[%scan3A_54, %dma_wait3A_71] : memref<79x128xi32, #tpu.memory_space<vmem>> -> memref<1x128xi32, #tpu.memory_space<vmem>>
          %dma_wait3A_73 = tpu.memref_squeeze %dma_wait3A_72 : memref<1x128xi32, #tpu.memory_space<vmem>> -> memref<128xi32, #tpu.memory_space<vmem>>
          %dma_wait3A_74 = arith.constant 0 : i32
          %dma_wait3A_75 = arith.constant 0 : i32
          %dma_wait3A_76 = tpu.memref_slice %arg10[%dma_wait3A_74, %dma_wait3A_75] : memref<10112x128xf32, #tpu.memory_space<vmem_shared>> -> memref<10112x128xf32, #tpu.memory_space<vmem_shared>>
          tpu.wait_indirect_dma semaphore(%run_scoped3A : memref<!tpu.dma_semaphore, #tpu.memory_space<semaphore_mem>>) src(%arg13 : memref<128x128xf32, #tpu.memory_space<vmem>>) dst(%dma_wait3A_76 : memref<10112x128xf32, #tpu.memory_space<vmem_shared>>)
          tpu.yield
        }) : () -> ()
      }
      %scan3A_53 = arith.constant 79 : i32
    } else {
    }
    %eq3A_15 = arith.constant 1 : i32
    %eq3A_16 = arith.cmpi eq, %arg0, %eq3A_15 : i32
    %convert_element_type3A_17 = arith.extui %eq3A_16 : i1 to i32
    %cond3A_18 = arith.constant 0 : i32
    %cond3A_19 = arith.cmpi ne, %convert_element_type3A_17, %cond3A_18 : i32
    scf.if %cond3A_19 {
      %scan3A = arith.constant 0 : i32
      %scan3A_49 = arith.constant 0 : i32
      %scan3A_50 = arith.constant 79 : i32
      %scan3A_51 = arith.addi %scan3A_49, %scan3A_50 : i32
      %scan3A_52 = arith.constant 1 : i32
      scf.for %scan3A_54 = %scan3A_49 to %scan3A_51 step %scan3A_52  : i32 {
        %dma_start3A = arith.constant 0 : i32
        %dma_start3A_55 = tpu.memref_slice %arg11[%scan3A_54, %dma_start3A] : memref<79x128xi32, #tpu.memory_space<vmem>> -> memref<1x128xi32, #tpu.memory_space<vmem>>
        %dma_start3A_56 = tpu.memref_squeeze %dma_start3A_55 : memref<1x128xi32, #tpu.memory_space<vmem>> -> memref<128xi32, #tpu.memory_space<vmem>>
        %dma_start3A_57 = arith.constant 0 : i32
        %dma_start3A_58 = arith.constant 0 : i32
        %dma_start3A_59 = tpu.memref_slice %arg3[%dma_start3A_57, %dma_start3A_58] : memref<10000x128xf32, #tpu.memory_space<hbm>> -> memref<10000x128xf32, #tpu.memory_space<hbm>>
        tpu.enqueue_indirect_dma source(%dma_start3A_59 : memref<10000x128xf32, #tpu.memory_space<hbm>>) target(%arg13 : memref<128x128xf32, #tpu.memory_space<vmem>>) offsets(%dma_start3A_56 : memref<128xi32, #tpu.memory_space<vmem>>) semaphore(%arg14 : memref<!tpu.dma_semaphore, #tpu.memory_space<semaphore_mem>>)
        %dma_wait3A = arith.constant 0 : i32
        %dma_wait3A_60 = tpu.memref_slice %arg11[%scan3A_54, %dma_wait3A] : memref<79x128xi32, #tpu.memory_space<vmem>> -> memref<1x128xi32, #tpu.memory_space<vmem>>
        %dma_wait3A_61 = tpu.memref_squeeze %dma_wait3A_60 : memref<1x128xi32, #tpu.memory_space<vmem>> -> memref<128xi32, #tpu.memory_space<vmem>>
        %dma_wait3A_62 = arith.constant 0 : i32
        %dma_wait3A_63 = arith.constant 0 : i32
        %dma_wait3A_64 = tpu.memref_slice %arg3[%dma_wait3A_62, %dma_wait3A_63] : memref<10000x128xf32, #tpu.memory_space<hbm>> -> memref<10000x128xf32, #tpu.memory_space<hbm>>
        tpu.wait_indirect_dma semaphore(%arg14 : memref<!tpu.dma_semaphore, #tpu.memory_space<semaphore_mem>>) src(%dma_wait3A_64 : memref<10000x128xf32, #tpu.memory_space<hbm>>) dst(%arg13 : memref<128x128xf32, #tpu.memory_space<vmem>>)
        "tpu.region"() ({
          %run_scoped3A = tpu.sem_alloc : memref<!tpu.dma_semaphore, #tpu.memory_space<semaphore_mem>>
          %dma_start3A_65 = arith.constant 0 : i32
          %dma_start3A_66 = tpu.memref_slice %arg12[%scan3A_54, %dma_start3A_65] : memref<79x128xi32, #tpu.memory_space<vmem>> -> memref<1x128xi32, #tpu.memory_space<vmem>>
          %dma_start3A_67 = tpu.memref_squeeze %dma_start3A_66 : memref<1x128xi32, #tpu.memory_space<vmem>> -> memref<128xi32, #tpu.memory_space<vmem>>
          %dma_start3A_68 = arith.constant 0 : i32
          %dma_start3A_69 = arith.constant 0 : i32
          %dma_start3A_70 = tpu.memref_slice %arg10[%dma_start3A_68, %dma_start3A_69] : memref<10112x128xf32, #tpu.memory_space<vmem_shared>> -> memref<10112x128xf32, #tpu.memory_space<vmem_shared>>
          tpu.enqueue_indirect_dma source(%arg13 : memref<128x128xf32, #tpu.memory_space<vmem>>) target(%dma_start3A_70 : memref<10112x128xf32, #tpu.memory_space<vmem_shared>>) offsets(%dma_start3A_67 : memref<128xi32, #tpu.memory_space<vmem>>) semaphore(%run_scoped3A : memref<!tpu.dma_semaphore, #tpu.memory_space<semaphore_mem>>) {add = true}
          %dma_wait3A_71 = arith.constant 0 : i32
          %dma_wait3A_72 = tpu.memref_slice %arg12[%scan3A_54, %dma_wait3A_71] : memref<79x128xi32, #tpu.memory_space<vmem>> -> memref<1x128xi32, #tpu.memory_space<vmem>>
          %dma_wait3A_73 = tpu.memref_squeeze %dma_wait3A_72 : memref<1x128xi32, #tpu.memory_space<vmem>> -> memref<128xi32, #tpu.memory_space<vmem>>
          %dma_wait3A_74 = arith.constant 0 : i32
          %dma_wait3A_75 = arith.constant 0 : i32
          %dma_wait3A_76 = tpu.memref_slice %arg10[%dma_wait3A_74, %dma_wait3A_75] : memref<10112x128xf32, #tpu.memory_space<vmem_shared>> -> memref<10112x128xf32, #tpu.memory_space<vmem_shared>>
          tpu.wait_indirect_dma semaphore(%run_scoped3A : memref<!tpu.dma_semaphore, #tpu.memory_space<semaphore_mem>>) src(%arg13 : memref<128x128xf32, #tpu.memory_space<vmem>>) dst(%dma_wait3A_76 : memref<10112x128xf32, #tpu.memory_space<vmem_shared>>)
          tpu.yield
        }) : () -> ()
      }
      %scan3A_53 = arith.constant 79 : i32
    } else {
    }
    %barrier3A_20 = arith.constant 0 : index
    tpu.barrier barrier_id(%barrier3A_20)
    %mul3A_21 = arith.constant 624 : i32
    %mul3A_22 = arith.muli %arg1, %mul3A_21 : i32
    %eq3A_23 = arith.constant 0 : i32
    %eq3A_24 = arith.cmpi eq, %arg0, %eq3A_23 : i32
    %not3A = arith.constant true
    %not3A_25 = arith.xori %eq3A_1, %not3A : i1
    %and3A = arith.andi %eq3A_24, %not3A_25 : i1
    %convert_element_type3A_26 = arith.extui %and3A : i1 to i32
    %cond3A_27 = arith.constant 0 : i32
    %cond3A_28 = arith.cmpi ne, %convert_element_type3A_26, %cond3A_27 : i32
    scf.if %cond3A_28 {
      "tpu.region"() ({
        %run_scoped3A = tpu.sem_alloc : memref<!tpu.dma_semaphore, #tpu.memory_space<semaphore_mem>>
        %dma_start3A = arith.constant 0 : i32
        %dma_start3A_49 = tpu.memref_slice %arg8[%mul3A_22, %dma_start3A] : memref<10000x128xf32, #tpu.memory_space<hbm>> -> memref<624x128xf32, #tpu.memory_space<hbm>>
        %dma_start3A_50 = arith.constant 0 : i32
        %dma_start3A_51 = tpu.memref_slice %arg10[%mul3A_22, %dma_start3A_50] : memref<10112x128xf32, #tpu.memory_space<vmem_shared>> -> memref<624x128xf32, #tpu.memory_space<vmem_shared>>
        tpu.enqueue_dma source(%dma_start3A_51 : memref<624x128xf32, #tpu.memory_space<vmem_shared>>) target(%dma_start3A_49 : memref<624x128xf32, #tpu.memory_space<hbm>>) target_semaphore(%run_scoped3A : memref<!tpu.dma_semaphore, #tpu.memory_space<semaphore_mem>>)
        %dma_wait3A = arith.constant 0 : i32
        %dma_wait3A_52 = tpu.memref_slice %arg8[%mul3A_22, %dma_wait3A] : memref<10000x128xf32, #tpu.memory_space<hbm>> -> memref<624x128xf32, #tpu.memory_space<hbm>>
        %dma_wait3A_53 = arith.constant 0 : i32
        %dma_wait3A_54 = tpu.memref_slice %arg10[%mul3A_22, %dma_wait3A_53] : memref<10112x128xf32, #tpu.memory_space<vmem_shared>> -> memref<624x128xf32, #tpu.memory_space<vmem_shared>>
        tpu.wait_dma2 semaphore(%run_scoped3A : memref<!tpu.dma_semaphore, #tpu.memory_space<semaphore_mem>>) src(%dma_wait3A_54 : memref<624x128xf32, #tpu.memory_space<vmem_shared>>) dst(%dma_wait3A_52 : memref<624x128xf32, #tpu.memory_space<hbm>>)
        tpu.yield
      }) : () -> ()
    } else {
    }
    %eq3A_29 = arith.constant 0 : i32
    %eq3A_30 = arith.cmpi eq, %arg0, %eq3A_29 : i32
    %and3A_31 = arith.andi %eq3A_30, %eq3A_1 : i1
    %convert_element_type3A_32 = arith.extui %and3A_31 : i1 to i32
    %cond3A_33 = arith.constant 0 : i32
    %cond3A_34 = arith.cmpi ne, %convert_element_type3A_32, %cond3A_33 : i32
    scf.if %cond3A_34 {
      "tpu.region"() ({
        %run_scoped3A = tpu.sem_alloc : memref<!tpu.dma_semaphore, #tpu.memory_space<semaphore_mem>>
        %dma_start3A = arith.constant 0 : i32
        %dma_start3A_49 = tpu.memref_slice %arg8[%mul3A_22, %dma_start3A] : memref<10000x128xf32, #tpu.memory_space<hbm>> -> memref<640x128xf32, #tpu.memory_space<hbm>>
        %dma_start3A_50 = arith.constant 0 : i32
        %dma_start3A_51 = tpu.memref_slice %arg10[%mul3A_22, %dma_start3A_50] : memref<10112x128xf32, #tpu.memory_space<vmem_shared>> -> memref<640x128xf32, #tpu.memory_space<vmem_shared>>
        tpu.enqueue_dma source(%dma_start3A_51 : memref<640x128xf32, #tpu.memory_space<vmem_shared>>) target(%dma_start3A_49 : memref<640x128xf32, #tpu.memory_space<hbm>>) target_semaphore(%run_scoped3A : memref<!tpu.dma_semaphore, #tpu.memory_space<semaphore_mem>>)
        %dma_wait3A = arith.constant 0 : i32
        %dma_wait3A_52 = tpu.memref_slice %arg8[%mul3A_22, %dma_wait3A] : memref<10000x128xf32, #tpu.memory_space<hbm>> -> memref<640x128xf32, #tpu.memory_space<hbm>>
        %dma_wait3A_53 = arith.constant 0 : i32
        %dma_wait3A_54 = tpu.memref_slice %arg10[%mul3A_22, %dma_wait3A_53] : memref<10112x128xf32, #tpu.memory_space<vmem_shared>> -> memref<640x128xf32, #tpu.memory_space<vmem_shared>>
        tpu.wait_dma2 semaphore(%run_scoped3A : memref<!tpu.dma_semaphore, #tpu.memory_space<semaphore_mem>>) src(%dma_wait3A_54 : memref<640x128xf32, #tpu.memory_space<vmem_shared>>) dst(%dma_wait3A_52 : memref<640x128xf32, #tpu.memory_space<hbm>>)
        tpu.yield
      }) : () -> ()
    } else {
    }
    %eq3A_35 = arith.constant 1 : i32
    %eq3A_36 = arith.cmpi eq, %arg0, %eq3A_35 : i32
    %not3A_37 = arith.constant true
    %not3A_38 = arith.xori %eq3A_1, %not3A_37 : i1
    %and3A_39 = arith.andi %eq3A_36, %not3A_38 : i1
    %convert_element_type3A_40 = arith.extui %and3A_39 : i1 to i32
    %cond3A_41 = arith.constant 0 : i32
    %cond3A_42 = arith.cmpi ne, %convert_element_type3A_40, %cond3A_41 : i32
    scf.if %cond3A_42 {
      "tpu.region"() ({
        %run_scoped3A = tpu.sem_alloc : memref<!tpu.dma_semaphore, #tpu.memory_space<semaphore_mem>>
        %dma_start3A = arith.constant 0 : i32
        %dma_start3A_49 = tpu.memref_slice %arg9[%mul3A_22, %dma_start3A] : memref<10000x128xf32, #tpu.memory_space<hbm>> -> memref<624x128xf32, #tpu.memory_space<hbm>>
        %dma_start3A_50 = arith.constant 0 : i32
        %dma_start3A_51 = tpu.memref_slice %arg10[%mul3A_22, %dma_start3A_50] : memref<10112x128xf32, #tpu.memory_space<vmem_shared>> -> memref<624x128xf32, #tpu.memory_space<vmem_shared>>
        tpu.enqueue_dma source(%dma_start3A_51 : memref<624x128xf32, #tpu.memory_space<vmem_shared>>) target(%dma_start3A_49 : memref<624x128xf32, #tpu.memory_space<hbm>>) target_semaphore(%run_scoped3A : memref<!tpu.dma_semaphore, #tpu.memory_space<semaphore_mem>>)
        %dma_wait3A = arith.constant 0 : i32
        %dma_wait3A_52 = tpu.memref_slice %arg9[%mul3A_22, %dma_wait3A] : memref<10000x128xf32, #tpu.memory_space<hbm>> -> memref<624x128xf32, #tpu.memory_space<hbm>>
        %dma_wait3A_53 = arith.constant 0 : i32
        %dma_wait3A_54 = tpu.memref_slice %arg10[%mul3A_22, %dma_wait3A_53] : memref<10112x128xf32, #tpu.memory_space<vmem_shared>> -> memref<624x128xf32, #tpu.memory_space<vmem_shared>>
        tpu.wait_dma2 semaphore(%run_scoped3A : memref<!tpu.dma_semaphore, #tpu.memory_space<semaphore_mem>>) src(%dma_wait3A_54 : memref<624x128xf32, #tpu.memory_space<vmem_shared>>) dst(%dma_wait3A_52 : memref<624x128xf32, #tpu.memory_space<hbm>>)
        tpu.yield
      }) : () -> ()
    } else {
    }
    %eq3A_43 = arith.constant 1 : i32
    %eq3A_44 = arith.cmpi eq, %arg0, %eq3A_43 : i32
    %and3A_45 = arith.andi %eq3A_44, %eq3A_1 : i1
    %convert_element_type3A_46 = arith.extui %and3A_45 : i1 to i32
    %cond3A_47 = arith.constant 0 : i32
    %cond3A_48 = arith.cmpi ne, %convert_element_type3A_46, %cond3A_47 : i32
    scf.if %cond3A_48 {
      "tpu.region"() ({
        %run_scoped3A = tpu.sem_alloc : memref<!tpu.dma_semaphore, #tpu.memory_space<semaphore_mem>>
        %dma_start3A = arith.constant 0 : i32
        %dma_start3A_49 = tpu.memref_slice %arg9[%mul3A_22, %dma_start3A] : memref<10000x128xf32, #tpu.memory_space<hbm>> -> memref<640x128xf32, #tpu.memory_space<hbm>>
        %dma_start3A_50 = arith.constant 0 : i32
        %dma_start3A_51 = tpu.memref_slice %arg10[%mul3A_22, %dma_start3A_50] : memref<10112x128xf32, #tpu.memory_space<vmem_shared>> -> memref<640x128xf32, #tpu.memory_space<vmem_shared>>
        tpu.enqueue_dma source(%dma_start3A_51 : memref<640x128xf32, #tpu.memory_space<vmem_shared>>) target(%dma_start3A_49 : memref<640x128xf32, #tpu.memory_space<hbm>>) target_semaphore(%run_scoped3A : memref<!tpu.dma_semaphore, #tpu.memory_space<semaphore_mem>>)
        %dma_wait3A = arith.constant 0 : i32
        %dma_wait3A_52 = tpu.memref_slice %arg9[%mul3A_22, %dma_wait3A] : memref<10000x128xf32, #tpu.memory_space<hbm>> -> memref<640x128xf32, #tpu.memory_space<hbm>>
        %dma_wait3A_53 = arith.constant 0 : i32
        %dma_wait3A_54 = tpu.memref_slice %arg10[%mul3A_22, %dma_wait3A_53] : memref<10112x128xf32, #tpu.memory_space<vmem_shared>> -> memref<640x128xf32, #tpu.memory_space<vmem_shared>>
        tpu.wait_dma2 semaphore(%run_scoped3A : memref<!tpu.dma_semaphore, #tpu.memory_space<semaphore_mem>>) src(%dma_wait3A_54 : memref<640x128xf32, #tpu.memory_space<vmem_shared>>) dst(%dma_wait3A_52 : memref<640x128xf32, #tpu.memory_space<hbm>>)
        tpu.yield
      }) : () -> ()
    } else {
    }
    return
  }
}

#map = affine_map<(d0, d1) -> (0, 0)>
#map1 = affine_map<(d0, d1) -> (0, 0, 0)>
module attributes {stable_mosaic.version = 14 : i64} {
  func.func @_segsum_body(%arg0: i32, %arg1: i32, %arg2: memref<10000x128xf32, #tpu.memory_space<hbm>>, %arg3: memref<10000x128xf32, #tpu.memory_space<hbm>>, %arg4: memref<10000x128xf32, #tpu.memory_space<hbm>>, %arg5: memref<10000x128xf32, #tpu.memory_space<hbm>>, %arg6: memref<16x79x128xi32, #tpu.memory_space<hbm>>, %arg7: memref<16x79x128xi32, #tpu.memory_space<hbm>>, %arg8: memref<10000x128xf32, #tpu.memory_space<hbm>>, %arg9: memref<10000x128xf32, #tpu.memory_space<hbm>>, %arg10: memref<10112x128xf32, #tpu.memory_space<vmem_shared>>, %arg11: memref<79x128xi32, #tpu.memory_space<vmem>>, %arg12: memref<79x128xi32, #tpu.memory_space<vmem>>, %arg13: memref<128x128xf32, #tpu.memory_space<vmem>>, %arg14: memref<!tpu.dma_semaphore, #tpu.memory_space<semaphore_mem>>) attributes {dimension_semantics = [#tpu.dimension_semantics<core_parallel>, #tpu.dimension_semantics<subcore_parallel>], iteration_bounds = array<i64: 2, 16>, scalar_prefetch = 0 : i64, scratch_operands = 5 : i64, tpu.core_type = #tpu.core_type<sc_vector_subcore>, window_params = [{transform_indices = #map}, {transform_indices = #map}, {transform_indices = #map}, {transform_indices = #map}, {transform_indices = #map1}, {transform_indices = #map1}, {transform_indices = #map}, {transform_indices = #map}]} {
    %mul3A = arith.constant 624 : i32
    %mul3A_0 = arith.muli %arg1, %mul3A : i32
    %eq3A = arith.constant 15 : i32
    %eq3A_1 = arith.cmpi eq, %arg1, %eq3A : i32
    %eq3A_2 = arith.constant 0 : i32
    %eq3A_3 = arith.cmpi eq, %arg0, %eq3A_2 : i32
    %convert_element_type3A = arith.extui %eq3A_3 : i1 to i32
    %cond3A = arith.constant 0 : i32
    %cond3A_4 = arith.cmpi ne, %convert_element_type3A, %cond3A : i32
    scf.if %cond3A_4 {
      %not3A_49 = arith.constant true
      %not3A_50 = arith.xori %eq3A_1, %not3A_49 : i1
      %convert_element_type3A_51 = arith.extui %not3A_50 : i1 to i32
      %cond3A_52 = arith.constant 0 : i32
      %cond3A_53 = arith.cmpi ne, %convert_element_type3A_51, %cond3A_52 : i32
      scf.if %cond3A_53 {
        "tpu.region"() ({
          %run_scoped3A = tpu.sem_alloc : memref<!tpu.dma_semaphore, #tpu.memory_space<semaphore_mem>>
          %dma_start3A = arith.constant 0 : i32
          %dma_start3A_57 = tpu.memref_slice %arg10[%mul3A_0, %dma_start3A] : memref<10112x128xf32, #tpu.memory_space<vmem_shared>> -> memref<624x128xf32, #tpu.memory_space<vmem_shared>>
          %dma_start3A_58 = arith.constant 0 : i32
          %dma_start3A_59 = tpu.memref_slice %arg4[%mul3A_0, %dma_start3A_58] : memref<10000x128xf32, #tpu.memory_space<hbm>> -> memref<624x128xf32, #tpu.memory_space<hbm>>
          tpu.enqueue_dma source(%dma_start3A_59 : memref<624x128xf32, #tpu.memory_space<hbm>>) target(%dma_start3A_57 : memref<624x128xf32, #tpu.memory_space<vmem_shared>>) target_semaphore(%run_scoped3A : memref<!tpu.dma_semaphore, #tpu.memory_space<semaphore_mem>>)
          %dma_wait3A = arith.constant 0 : i32
          %dma_wait3A_60 = tpu.memref_slice %arg10[%mul3A_0, %dma_wait3A] : memref<10112x128xf32, #tpu.memory_space<vmem_shared>> -> memref<624x128xf32, #tpu.memory_space<vmem_shared>>
          %dma_wait3A_61 = arith.constant 0 : i32
          %dma_wait3A_62 = tpu.memref_slice %arg4[%mul3A_0, %dma_wait3A_61] : memref<10000x128xf32, #tpu.memory_space<hbm>> -> memref<624x128xf32, #tpu.memory_space<hbm>>
          tpu.wait_dma2 semaphore(%run_scoped3A : memref<!tpu.dma_semaphore, #tpu.memory_space<semaphore_mem>>) src(%dma_wait3A_62 : memref<624x128xf32, #tpu.memory_space<hbm>>) dst(%dma_wait3A_60 : memref<624x128xf32, #tpu.memory_space<vmem_shared>>)
          tpu.yield
        }) : () -> ()
      } else {
      }
      %convert_element_type3A_54 = arith.extui %eq3A_1 : i1 to i32
      %cond3A_55 = arith.constant 0 : i32
      %cond3A_56 = arith.cmpi ne, %convert_element_type3A_54, %cond3A_55 : i32
      scf.if %cond3A_56 {
        "tpu.region"() ({
          %run_scoped3A = tpu.sem_alloc : memref<!tpu.dma_semaphore, #tpu.memory_space<semaphore_mem>>
          %dma_start3A = arith.constant 0 : i32
          %dma_start3A_58 = tpu.memref_slice %arg10[%mul3A_0, %dma_start3A] : memref<10112x128xf32, #tpu.memory_space<vmem_shared>> -> memref<640x128xf32, #tpu.memory_space<vmem_shared>>
          %dma_start3A_59 = arith.constant 0 : i32
          %dma_start3A_60 = tpu.memref_slice %arg4[%mul3A_0, %dma_start3A_59] : memref<10000x128xf32, #tpu.memory_space<hbm>> -> memref<640x128xf32, #tpu.memory_space<hbm>>
          tpu.enqueue_dma source(%dma_start3A_60 : memref<640x128xf32, #tpu.memory_space<hbm>>) target(%dma_start3A_58 : memref<640x128xf32, #tpu.memory_space<vmem_shared>>) target_semaphore(%run_scoped3A : memref<!tpu.dma_semaphore, #tpu.memory_space<semaphore_mem>>)
          %dma_wait3A = arith.constant 0 : i32
          %dma_wait3A_61 = tpu.memref_slice %arg10[%mul3A_0, %dma_wait3A] : memref<10112x128xf32, #tpu.memory_space<vmem_shared>> -> memref<640x128xf32, #tpu.memory_space<vmem_shared>>
          %dma_wait3A_62 = arith.constant 0 : i32
          %dma_wait3A_63 = tpu.memref_slice %arg4[%mul3A_0, %dma_wait3A_62] : memref<10000x128xf32, #tpu.memory_space<hbm>> -> memref<640x128xf32, #tpu.memory_space<hbm>>
          tpu.wait_dma2 semaphore(%run_scoped3A : memref<!tpu.dma_semaphore, #tpu.memory_space<semaphore_mem>>) src(%dma_wait3A_63 : memref<640x128xf32, #tpu.memory_space<hbm>>) dst(%dma_wait3A_61 : memref<640x128xf32, #tpu.memory_space<vmem_shared>>)
          tpu.yield
        }) : () -> ()
        %add3A = arith.constant 640 : i32
        %add3A_57 = arith.addi %mul3A_0, %add3A : i32
        "tpu.region"() ({
          %run_scoped3A = tpu.sem_alloc : memref<!tpu.dma_semaphore, #tpu.memory_space<semaphore_mem>>
          %dma_start3A = arith.constant 0 : i32
          %dma_start3A_58 = tpu.memref_slice %arg10[%add3A_57, %dma_start3A] : memref<10112x128xf32, #tpu.memory_space<vmem_shared>> -> memref<112x128xf32, #tpu.memory_space<vmem_shared>>
          %dma_start3A_59 = arith.constant 0 : i32
          %dma_start3A_60 = arith.constant 0 : i32
          %dma_start3A_61 = tpu.memref_slice %arg4[%dma_start3A_59, %dma_start3A_60] : memref<10000x128xf32, #tpu.memory_space<hbm>> -> memref<112x128xf32, #tpu.memory_space<hbm>>
          tpu.enqueue_dma source(%dma_start3A_61 : memref<112x128xf32, #tpu.memory_space<hbm>>) target(%dma_start3A_58 : memref<112x128xf32, #tpu.memory_space<vmem_shared>>) target_semaphore(%run_scoped3A : memref<!tpu.dma_semaphore, #tpu.memory_space<semaphore_mem>>)
          %dma_wait3A = arith.constant 0 : i32
          %dma_wait3A_62 = tpu.memref_slice %arg10[%add3A_57, %dma_wait3A] : memref<10112x128xf32, #tpu.memory_space<vmem_shared>> -> memref<112x128xf32, #tpu.memory_space<vmem_shared>>
          %dma_wait3A_63 = arith.constant 0 : i32
          %dma_wait3A_64 = arith.constant 0 : i32
          %dma_wait3A_65 = tpu.memref_slice %arg4[%dma_wait3A_63, %dma_wait3A_64] : memref<10000x128xf32, #tpu.memory_space<hbm>> -> memref<112x128xf32, #tpu.memory_space<hbm>>
          tpu.wait_dma2 semaphore(%run_scoped3A : memref<!tpu.dma_semaphore, #tpu.memory_space<semaphore_mem>>) src(%dma_wait3A_65 : memref<112x128xf32, #tpu.memory_space<hbm>>) dst(%dma_wait3A_62 : memref<112x128xf32, #tpu.memory_space<vmem_shared>>)
          tpu.yield
        }) : () -> ()
      } else {
      }
    } else {
    }
    %eq3A_5 = arith.constant 1 : i32
    %eq3A_6 = arith.cmpi eq, %arg0, %eq3A_5 : i32
    %convert_element_type3A_7 = arith.extui %eq3A_6 : i1 to i32
    %cond3A_8 = arith.constant 0 : i32
    %cond3A_9 = arith.cmpi ne, %convert_element_type3A_7, %cond3A_8 : i32
    scf.if %cond3A_9 {
      %not3A_49 = arith.constant true
      %not3A_50 = arith.xori %eq3A_1, %not3A_49 : i1
      %convert_element_type3A_51 = arith.extui %not3A_50 : i1 to i32
      %cond3A_52 = arith.constant 0 : i32
      %cond3A_53 = arith.cmpi ne, %convert_element_type3A_51, %cond3A_52 : i32
      scf.if %cond3A_53 {
        "tpu.region"() ({
          %run_scoped3A = tpu.sem_alloc : memref<!tpu.dma_semaphore, #tpu.memory_space<semaphore_mem>>
          %dma_start3A = arith.constant 0 : i32
          %dma_start3A_57 = tpu.memref_slice %arg10[%mul3A_0, %dma_start3A] : memref<10112x128xf32, #tpu.memory_space<vmem_shared>> -> memref<624x128xf32, #tpu.memory_space<vmem_shared>>
          %dma_start3A_58 = arith.constant 0 : i32
          %dma_start3A_59 = tpu.memref_slice %arg5[%mul3A_0, %dma_start3A_58] : memref<10000x128xf32, #tpu.memory_space<hbm>> -> memref<624x128xf32, #tpu.memory_space<hbm>>
          tpu.enqueue_dma source(%dma_start3A_59 : memref<624x128xf32, #tpu.memory_space<hbm>>) target(%dma_start3A_57 : memref<624x128xf32, #tpu.memory_space<vmem_shared>>) target_semaphore(%run_scoped3A : memref<!tpu.dma_semaphore, #tpu.memory_space<semaphore_mem>>)
          %dma_wait3A = arith.constant 0 : i32
          %dma_wait3A_60 = tpu.memref_slice %arg10[%mul3A_0, %dma_wait3A] : memref<10112x128xf32, #tpu.memory_space<vmem_shared>> -> memref<624x128xf32, #tpu.memory_space<vmem_shared>>
          %dma_wait3A_61 = arith.constant 0 : i32
          %dma_wait3A_62 = tpu.memref_slice %arg5[%mul3A_0, %dma_wait3A_61] : memref<10000x128xf32, #tpu.memory_space<hbm>> -> memref<624x128xf32, #tpu.memory_space<hbm>>
          tpu.wait_dma2 semaphore(%run_scoped3A : memref<!tpu.dma_semaphore, #tpu.memory_space<semaphore_mem>>) src(%dma_wait3A_62 : memref<624x128xf32, #tpu.memory_space<hbm>>) dst(%dma_wait3A_60 : memref<624x128xf32, #tpu.memory_space<vmem_shared>>)
          tpu.yield
        }) : () -> ()
      } else {
      }
      %convert_element_type3A_54 = arith.extui %eq3A_1 : i1 to i32
      %cond3A_55 = arith.constant 0 : i32
      %cond3A_56 = arith.cmpi ne, %convert_element_type3A_54, %cond3A_55 : i32
      scf.if %cond3A_56 {
        "tpu.region"() ({
          %run_scoped3A = tpu.sem_alloc : memref<!tpu.dma_semaphore, #tpu.memory_space<semaphore_mem>>
          %dma_start3A = arith.constant 0 : i32
          %dma_start3A_58 = tpu.memref_slice %arg10[%mul3A_0, %dma_start3A] : memref<10112x128xf32, #tpu.memory_space<vmem_shared>> -> memref<640x128xf32, #tpu.memory_space<vmem_shared>>
          %dma_start3A_59 = arith.constant 0 : i32
          %dma_start3A_60 = tpu.memref_slice %arg5[%mul3A_0, %dma_start3A_59] : memref<10000x128xf32, #tpu.memory_space<hbm>> -> memref<640x128xf32, #tpu.memory_space<hbm>>
          tpu.enqueue_dma source(%dma_start3A_60 : memref<640x128xf32, #tpu.memory_space<hbm>>) target(%dma_start3A_58 : memref<640x128xf32, #tpu.memory_space<vmem_shared>>) target_semaphore(%run_scoped3A : memref<!tpu.dma_semaphore, #tpu.memory_space<semaphore_mem>>)
          %dma_wait3A = arith.constant 0 : i32
          %dma_wait3A_61 = tpu.memref_slice %arg10[%mul3A_0, %dma_wait3A] : memref<10112x128xf32, #tpu.memory_space<vmem_shared>> -> memref<640x128xf32, #tpu.memory_space<vmem_shared>>
          %dma_wait3A_62 = arith.constant 0 : i32
          %dma_wait3A_63 = tpu.memref_slice %arg5[%mul3A_0, %dma_wait3A_62] : memref<10000x128xf32, #tpu.memory_space<hbm>> -> memref<640x128xf32, #tpu.memory_space<hbm>>
          tpu.wait_dma2 semaphore(%run_scoped3A : memref<!tpu.dma_semaphore, #tpu.memory_space<semaphore_mem>>) src(%dma_wait3A_63 : memref<640x128xf32, #tpu.memory_space<hbm>>) dst(%dma_wait3A_61 : memref<640x128xf32, #tpu.memory_space<vmem_shared>>)
          tpu.yield
        }) : () -> ()
        %add3A = arith.constant 640 : i32
        %add3A_57 = arith.addi %mul3A_0, %add3A : i32
        "tpu.region"() ({
          %run_scoped3A = tpu.sem_alloc : memref<!tpu.dma_semaphore, #tpu.memory_space<semaphore_mem>>
          %dma_start3A = arith.constant 0 : i32
          %dma_start3A_58 = tpu.memref_slice %arg10[%add3A_57, %dma_start3A] : memref<10112x128xf32, #tpu.memory_space<vmem_shared>> -> memref<112x128xf32, #tpu.memory_space<vmem_shared>>
          %dma_start3A_59 = arith.constant 0 : i32
          %dma_start3A_60 = arith.constant 0 : i32
          %dma_start3A_61 = tpu.memref_slice %arg5[%dma_start3A_59, %dma_start3A_60] : memref<10000x128xf32, #tpu.memory_space<hbm>> -> memref<112x128xf32, #tpu.memory_space<hbm>>
          tpu.enqueue_dma source(%dma_start3A_61 : memref<112x128xf32, #tpu.memory_space<hbm>>) target(%dma_start3A_58 : memref<112x128xf32, #tpu.memory_space<vmem_shared>>) target_semaphore(%run_scoped3A : memref<!tpu.dma_semaphore, #tpu.memory_space<semaphore_mem>>)
          %dma_wait3A = arith.constant 0 : i32
          %dma_wait3A_62 = tpu.memref_slice %arg10[%add3A_57, %dma_wait3A] : memref<10112x128xf32, #tpu.memory_space<vmem_shared>> -> memref<112x128xf32, #tpu.memory_space<vmem_shared>>
          %dma_wait3A_63 = arith.constant 0 : i32
          %dma_wait3A_64 = arith.constant 0 : i32
          %dma_wait3A_65 = tpu.memref_slice %arg5[%dma_wait3A_63, %dma_wait3A_64] : memref<10000x128xf32, #tpu.memory_space<hbm>> -> memref<112x128xf32, #tpu.memory_space<hbm>>
          tpu.wait_dma2 semaphore(%run_scoped3A : memref<!tpu.dma_semaphore, #tpu.memory_space<semaphore_mem>>) src(%dma_wait3A_65 : memref<112x128xf32, #tpu.memory_space<hbm>>) dst(%dma_wait3A_62 : memref<112x128xf32, #tpu.memory_space<vmem_shared>>)
          tpu.yield
        }) : () -> ()
      } else {
      }
    } else {
    }
    "tpu.region"() ({
      %run_scoped3A = tpu.sem_alloc : memref<!tpu.dma_semaphore, #tpu.memory_space<semaphore_mem>>
      %dma_start3A = arith.constant 0 : i32
      %dma_start3A_49 = arith.constant 0 : i32
      %dma_start3A_50 = tpu.memref_slice %arg6[%arg1, %dma_start3A, %dma_start3A_49] : memref<16x79x128xi32, #tpu.memory_space<hbm>> -> memref<1x79x128xi32, #tpu.memory_space<hbm>>
      %dma_start3A_51 = tpu.memref_squeeze %dma_start3A_50 : memref<1x79x128xi32, #tpu.memory_space<hbm>> -> memref<79x128xi32, #tpu.memory_space<hbm>>
      %dma_start3A_52 = arith.constant 0 : i32
      %dma_start3A_53 = arith.constant 0 : i32
      %dma_start3A_54 = tpu.memref_slice %arg6[%arg1, %dma_start3A_52, %dma_start3A_53] : memref<16x79x128xi32, #tpu.memory_space<hbm>> -> memref<1x79x128xi32, #tpu.memory_space<hbm>>
      %dma_start3A_55 = tpu.memref_squeeze %dma_start3A_54 : memref<1x79x128xi32, #tpu.memory_space<hbm>> -> memref<79x128xi32, #tpu.memory_space<hbm>>
      tpu.enqueue_dma source(%dma_start3A_55 : memref<79x128xi32, #tpu.memory_space<hbm>>) target(%arg11 : memref<79x128xi32, #tpu.memory_space<vmem>>) target_semaphore(%run_scoped3A : memref<!tpu.dma_semaphore, #tpu.memory_space<semaphore_mem>>)
      %dma_wait3A = arith.constant 0 : i32
      %dma_wait3A_56 = arith.constant 0 : i32
      %dma_wait3A_57 = tpu.memref_slice %arg6[%arg1, %dma_wait3A, %dma_wait3A_56] : memref<16x79x128xi32, #tpu.memory_space<hbm>> -> memref<1x79x128xi32, #tpu.memory_space<hbm>>
      %dma_wait3A_58 = tpu.memref_squeeze %dma_wait3A_57 : memref<1x79x128xi32, #tpu.memory_space<hbm>> -> memref<79x128xi32, #tpu.memory_space<hbm>>
      %dma_wait3A_59 = arith.constant 0 : i32
      %dma_wait3A_60 = arith.constant 0 : i32
      %dma_wait3A_61 = tpu.memref_slice %arg6[%arg1, %dma_wait3A_59, %dma_wait3A_60] : memref<16x79x128xi32, #tpu.memory_space<hbm>> -> memref<1x79x128xi32, #tpu.memory_space<hbm>>
      %dma_wait3A_62 = tpu.memref_squeeze %dma_wait3A_61 : memref<1x79x128xi32, #tpu.memory_space<hbm>> -> memref<79x128xi32, #tpu.memory_space<hbm>>
      tpu.wait_dma2 semaphore(%run_scoped3A : memref<!tpu.dma_semaphore, #tpu.memory_space<semaphore_mem>>) src(%dma_wait3A_62 : memref<79x128xi32, #tpu.memory_space<hbm>>) dst(%arg11 : memref<79x128xi32, #tpu.memory_space<vmem>>)
      tpu.yield
    }) : () -> ()
    "tpu.region"() ({
      %run_scoped3A = tpu.sem_alloc : memref<!tpu.dma_semaphore, #tpu.memory_space<semaphore_mem>>
      %dma_start3A = arith.constant 0 : i32
      %dma_start3A_49 = arith.constant 0 : i32
      %dma_start3A_50 = tpu.memref_slice %arg7[%arg1, %dma_start3A, %dma_start3A_49] : memref<16x79x128xi32, #tpu.memory_space<hbm>> -> memref<1x79x128xi32, #tpu.memory_space<hbm>>
      %dma_start3A_51 = tpu.memref_squeeze %dma_start3A_50 : memref<1x79x128xi32, #tpu.memory_space<hbm>> -> memref<79x128xi32, #tpu.memory_space<hbm>>
      %dma_start3A_52 = arith.constant 0 : i32
      %dma_start3A_53 = arith.constant 0 : i32
      %dma_start3A_54 = tpu.memref_slice %arg7[%arg1, %dma_start3A_52, %dma_start3A_53] : memref<16x79x128xi32, #tpu.memory_space<hbm>> -> memref<1x79x128xi32, #tpu.memory_space<hbm>>
      %dma_start3A_55 = tpu.memref_squeeze %dma_start3A_54 : memref<1x79x128xi32, #tpu.memory_space<hbm>> -> memref<79x128xi32, #tpu.memory_space<hbm>>
      tpu.enqueue_dma source(%dma_start3A_55 : memref<79x128xi32, #tpu.memory_space<hbm>>) target(%arg12 : memref<79x128xi32, #tpu.memory_space<vmem>>) target_semaphore(%run_scoped3A : memref<!tpu.dma_semaphore, #tpu.memory_space<semaphore_mem>>)
      %dma_wait3A = arith.constant 0 : i32
      %dma_wait3A_56 = arith.constant 0 : i32
      %dma_wait3A_57 = tpu.memref_slice %arg7[%arg1, %dma_wait3A, %dma_wait3A_56] : memref<16x79x128xi32, #tpu.memory_space<hbm>> -> memref<1x79x128xi32, #tpu.memory_space<hbm>>
      %dma_wait3A_58 = tpu.memref_squeeze %dma_wait3A_57 : memref<1x79x128xi32, #tpu.memory_space<hbm>> -> memref<79x128xi32, #tpu.memory_space<hbm>>
      %dma_wait3A_59 = arith.constant 0 : i32
      %dma_wait3A_60 = arith.constant 0 : i32
      %dma_wait3A_61 = tpu.memref_slice %arg7[%arg1, %dma_wait3A_59, %dma_wait3A_60] : memref<16x79x128xi32, #tpu.memory_space<hbm>> -> memref<1x79x128xi32, #tpu.memory_space<hbm>>
      %dma_wait3A_62 = tpu.memref_squeeze %dma_wait3A_61 : memref<1x79x128xi32, #tpu.memory_space<hbm>> -> memref<79x128xi32, #tpu.memory_space<hbm>>
      tpu.wait_dma2 semaphore(%run_scoped3A : memref<!tpu.dma_semaphore, #tpu.memory_space<semaphore_mem>>) src(%dma_wait3A_62 : memref<79x128xi32, #tpu.memory_space<hbm>>) dst(%arg12 : memref<79x128xi32, #tpu.memory_space<vmem>>)
      tpu.yield
    }) : () -> ()
    %barrier3A = arith.constant 0 : index
    tpu.barrier barrier_id(%barrier3A)
    %eq3A_10 = arith.constant 0 : i32
    %eq3A_11 = arith.cmpi eq, %arg0, %eq3A_10 : i32
    %convert_element_type3A_12 = arith.extui %eq3A_11 : i1 to i32
    %cond3A_13 = arith.constant 0 : i32
    %cond3A_14 = arith.cmpi ne, %convert_element_type3A_12, %cond3A_13 : i32
    scf.if %cond3A_14 {
      %scan3A = arith.constant 0 : i32
      %scan3A_49 = arith.constant 0 : i32
      %scan3A_50 = arith.constant 79 : i32
      %scan3A_51 = arith.addi %scan3A_49, %scan3A_50 : i32
      %scan3A_52 = arith.constant 1 : i32
      scf.for %scan3A_54 = %scan3A_49 to %scan3A_51 step %scan3A_52  : i32 {
        %dma_start3A = arith.constant 0 : i32
        %dma_start3A_55 = tpu.memref_slice %arg11[%scan3A_54, %dma_start3A] : memref<79x128xi32, #tpu.memory_space<vmem>> -> memref<1x128xi32, #tpu.memory_space<vmem>>
        %dma_start3A_56 = tpu.memref_squeeze %dma_start3A_55 : memref<1x128xi32, #tpu.memory_space<vmem>> -> memref<128xi32, #tpu.memory_space<vmem>>
        %dma_start3A_57 = arith.constant 0 : i32
        %dma_start3A_58 = arith.constant 0 : i32
        %dma_start3A_59 = tpu.memref_slice %arg2[%dma_start3A_57, %dma_start3A_58] : memref<10000x128xf32, #tpu.memory_space<hbm>> -> memref<10000x128xf32, #tpu.memory_space<hbm>>
        tpu.enqueue_indirect_dma source(%dma_start3A_59 : memref<10000x128xf32, #tpu.memory_space<hbm>>) target(%arg13 : memref<128x128xf32, #tpu.memory_space<vmem>>) offsets(%dma_start3A_56 : memref<128xi32, #tpu.memory_space<vmem>>) semaphore(%arg14 : memref<!tpu.dma_semaphore, #tpu.memory_space<semaphore_mem>>)
        %dma_wait3A = arith.constant 0 : i32
        %dma_wait3A_60 = tpu.memref_slice %arg11[%scan3A_54, %dma_wait3A] : memref<79x128xi32, #tpu.memory_space<vmem>> -> memref<1x128xi32, #tpu.memory_space<vmem>>
        %dma_wait3A_61 = tpu.memref_squeeze %dma_wait3A_60 : memref<1x128xi32, #tpu.memory_space<vmem>> -> memref<128xi32, #tpu.memory_space<vmem>>
        %dma_wait3A_62 = arith.constant 0 : i32
        %dma_wait3A_63 = arith.constant 0 : i32
        %dma_wait3A_64 = tpu.memref_slice %arg2[%dma_wait3A_62, %dma_wait3A_63] : memref<10000x128xf32, #tpu.memory_space<hbm>> -> memref<10000x128xf32, #tpu.memory_space<hbm>>
        tpu.wait_indirect_dma semaphore(%arg14 : memref<!tpu.dma_semaphore, #tpu.memory_space<semaphore_mem>>) src(%dma_wait3A_64 : memref<10000x128xf32, #tpu.memory_space<hbm>>) dst(%arg13 : memref<128x128xf32, #tpu.memory_space<vmem>>)
        "tpu.region"() ({
          %run_scoped3A = tpu.sem_alloc : memref<!tpu.dma_semaphore, #tpu.memory_space<semaphore_mem>>
          %dma_start3A_65 = arith.constant 0 : i32
          %dma_start3A_66 = tpu.memref_slice %arg12[%scan3A_54, %dma_start3A_65] : memref<79x128xi32, #tpu.memory_space<vmem>> -> memref<1x128xi32, #tpu.memory_space<vmem>>
          %dma_start3A_67 = tpu.memref_squeeze %dma_start3A_66 : memref<1x128xi32, #tpu.memory_space<vmem>> -> memref<128xi32, #tpu.memory_space<vmem>>
          %dma_start3A_68 = arith.constant 0 : i32
          %dma_start3A_69 = arith.constant 0 : i32
          %dma_start3A_70 = tpu.memref_slice %arg10[%dma_start3A_68, %dma_start3A_69] : memref<10112x128xf32, #tpu.memory_space<vmem_shared>> -> memref<10112x128xf32, #tpu.memory_space<vmem_shared>>
          tpu.enqueue_indirect_dma source(%arg13 : memref<128x128xf32, #tpu.memory_space<vmem>>) target(%dma_start3A_70 : memref<10112x128xf32, #tpu.memory_space<vmem_shared>>) offsets(%dma_start3A_67 : memref<128xi32, #tpu.memory_space<vmem>>) semaphore(%run_scoped3A : memref<!tpu.dma_semaphore, #tpu.memory_space<semaphore_mem>>) {add = true}
          %dma_wait3A_71 = arith.constant 0 : i32
          %dma_wait3A_72 = tpu.memref_slice %arg12[%scan3A_54, %dma_wait3A_71] : memref<79x128xi32, #tpu.memory_space<vmem>> -> memref<1x128xi32, #tpu.memory_space<vmem>>
          %dma_wait3A_73 = tpu.memref_squeeze %dma_wait3A_72 : memref<1x128xi32, #tpu.memory_space<vmem>> -> memref<128xi32, #tpu.memory_space<vmem>>
          %dma_wait3A_74 = arith.constant 0 : i32
          %dma_wait3A_75 = arith.constant 0 : i32
          %dma_wait3A_76 = tpu.memref_slice %arg10[%dma_wait3A_74, %dma_wait3A_75] : memref<10112x128xf32, #tpu.memory_space<vmem_shared>> -> memref<10112x128xf32, #tpu.memory_space<vmem_shared>>
          tpu.wait_indirect_dma semaphore(%run_scoped3A : memref<!tpu.dma_semaphore, #tpu.memory_space<semaphore_mem>>) src(%arg13 : memref<128x128xf32, #tpu.memory_space<vmem>>) dst(%dma_wait3A_76 : memref<10112x128xf32, #tpu.memory_space<vmem_shared>>)
          tpu.yield
        }) : () -> ()
      }
      %scan3A_53 = arith.constant 79 : i32
    } else {
    }
    %eq3A_15 = arith.constant 1 : i32
    %eq3A_16 = arith.cmpi eq, %arg0, %eq3A_15 : i32
    %convert_element_type3A_17 = arith.extui %eq3A_16 : i1 to i32
    %cond3A_18 = arith.constant 0 : i32
    %cond3A_19 = arith.cmpi ne, %convert_element_type3A_17, %cond3A_18 : i32
    scf.if %cond3A_19 {
      %scan3A = arith.constant 0 : i32
      %scan3A_49 = arith.constant 0 : i32
      %scan3A_50 = arith.constant 79 : i32
      %scan3A_51 = arith.addi %scan3A_49, %scan3A_50 : i32
      %scan3A_52 = arith.constant 1 : i32
      scf.for %scan3A_54 = %scan3A_49 to %scan3A_51 step %scan3A_52  : i32 {
        %dma_start3A = arith.constant 0 : i32
        %dma_start3A_55 = tpu.memref_slice %arg11[%scan3A_54, %dma_start3A] : memref<79x128xi32, #tpu.memory_space<vmem>> -> memref<1x128xi32, #tpu.memory_space<vmem>>
        %dma_start3A_56 = tpu.memref_squeeze %dma_start3A_55 : memref<1x128xi32, #tpu.memory_space<vmem>> -> memref<128xi32, #tpu.memory_space<vmem>>
        %dma_start3A_57 = arith.constant 0 : i32
        %dma_start3A_58 = arith.constant 0 : i32
        %dma_start3A_59 = tpu.memref_slice %arg3[%dma_start3A_57, %dma_start3A_58] : memref<10000x128xf32, #tpu.memory_space<hbm>> -> memref<10000x128xf32, #tpu.memory_space<hbm>>
        tpu.enqueue_indirect_dma source(%dma_start3A_59 : memref<10000x128xf32, #tpu.memory_space<hbm>>) target(%arg13 : memref<128x128xf32, #tpu.memory_space<vmem>>) offsets(%dma_start3A_56 : memref<128xi32, #tpu.memory_space<vmem>>) semaphore(%arg14 : memref<!tpu.dma_semaphore, #tpu.memory_space<semaphore_mem>>)
        %dma_wait3A = arith.constant 0 : i32
        %dma_wait3A_60 = tpu.memref_slice %arg11[%scan3A_54, %dma_wait3A] : memref<79x128xi32, #tpu.memory_space<vmem>> -> memref<1x128xi32, #tpu.memory_space<vmem>>
        %dma_wait3A_61 = tpu.memref_squeeze %dma_wait3A_60 : memref<1x128xi32, #tpu.memory_space<vmem>> -> memref<128xi32, #tpu.memory_space<vmem>>
        %dma_wait3A_62 = arith.constant 0 : i32
        %dma_wait3A_63 = arith.constant 0 : i32
        %dma_wait3A_64 = tpu.memref_slice %arg3[%dma_wait3A_62, %dma_wait3A_63] : memref<10000x128xf32, #tpu.memory_space<hbm>> -> memref<10000x128xf32, #tpu.memory_space<hbm>>
        tpu.wait_indirect_dma semaphore(%arg14 : memref<!tpu.dma_semaphore, #tpu.memory_space<semaphore_mem>>) src(%dma_wait3A_64 : memref<10000x128xf32, #tpu.memory_space<hbm>>) dst(%arg13 : memref<128x128xf32, #tpu.memory_space<vmem>>)
        "tpu.region"() ({
          %run_scoped3A = tpu.sem_alloc : memref<!tpu.dma_semaphore, #tpu.memory_space<semaphore_mem>>
          %dma_start3A_65 = arith.constant 0 : i32
          %dma_start3A_66 = tpu.memref_slice %arg12[%scan3A_54, %dma_start3A_65] : memref<79x128xi32, #tpu.memory_space<vmem>> -> memref<1x128xi32, #tpu.memory_space<vmem>>
          %dma_start3A_67 = tpu.memref_squeeze %dma_start3A_66 : memref<1x128xi32, #tpu.memory_space<vmem>> -> memref<128xi32, #tpu.memory_space<vmem>>
          %dma_start3A_68 = arith.constant 0 : i32
          %dma_start3A_69 = arith.constant 0 : i32
          %dma_start3A_70 = tpu.memref_slice %arg10[%dma_start3A_68, %dma_start3A_69] : memref<10112x128xf32, #tpu.memory_space<vmem_shared>> -> memref<10112x128xf32, #tpu.memory_space<vmem_shared>>
          tpu.enqueue_indirect_dma source(%arg13 : memref<128x128xf32, #tpu.memory_space<vmem>>) target(%dma_start3A_70 : memref<10112x128xf32, #tpu.memory_space<vmem_shared>>) offsets(%dma_start3A_67 : memref<128xi32, #tpu.memory_space<vmem>>) semaphore(%run_scoped3A : memref<!tpu.dma_semaphore, #tpu.memory_space<semaphore_mem>>) {add = true}
          %dma_wait3A_71 = arith.constant 0 : i32
          %dma_wait3A_72 = tpu.memref_slice %arg12[%scan3A_54, %dma_wait3A_71] : memref<79x128xi32, #tpu.memory_space<vmem>> -> memref<1x128xi32, #tpu.memory_space<vmem>>
          %dma_wait3A_73 = tpu.memref_squeeze %dma_wait3A_72 : memref<1x128xi32, #tpu.memory_space<vmem>> -> memref<128xi32, #tpu.memory_space<vmem>>
          %dma_wait3A_74 = arith.constant 0 : i32
          %dma_wait3A_75 = arith.constant 0 : i32
          %dma_wait3A_76 = tpu.memref_slice %arg10[%dma_wait3A_74, %dma_wait3A_75] : memref<10112x128xf32, #tpu.memory_space<vmem_shared>> -> memref<10112x128xf32, #tpu.memory_space<vmem_shared>>
          tpu.wait_indirect_dma semaphore(%run_scoped3A : memref<!tpu.dma_semaphore, #tpu.memory_space<semaphore_mem>>) src(%arg13 : memref<128x128xf32, #tpu.memory_space<vmem>>) dst(%dma_wait3A_76 : memref<10112x128xf32, #tpu.memory_space<vmem_shared>>)
          tpu.yield
        }) : () -> ()
      }
      %scan3A_53 = arith.constant 79 : i32
    } else {
    }
    %barrier3A_20 = arith.constant 0 : index
    tpu.barrier barrier_id(%barrier3A_20)
    %mul3A_21 = arith.constant 624 : i32
    %mul3A_22 = arith.muli %arg1, %mul3A_21 : i32
    %eq3A_23 = arith.constant 0 : i32
    %eq3A_24 = arith.cmpi eq, %arg0, %eq3A_23 : i32
    %not3A = arith.constant true
    %not3A_25 = arith.xori %eq3A_1, %not3A : i1
    %and3A = arith.andi %eq3A_24, %not3A_25 : i1
    %convert_element_type3A_26 = arith.extui %and3A : i1 to i32
    %cond3A_27 = arith.constant 0 : i32
    %cond3A_28 = arith.cmpi ne, %convert_element_type3A_26, %cond3A_27 : i32
    scf.if %cond3A_28 {
      "tpu.region"() ({
        %run_scoped3A = tpu.sem_alloc : memref<!tpu.dma_semaphore, #tpu.memory_space<semaphore_mem>>
        %dma_start3A = arith.constant 0 : i32
        %dma_start3A_49 = tpu.memref_slice %arg8[%mul3A_22, %dma_start3A] : memref<10000x128xf32, #tpu.memory_space<hbm>> -> memref<624x128xf32, #tpu.memory_space<hbm>>
        %dma_start3A_50 = arith.constant 0 : i32
        %dma_start3A_51 = tpu.memref_slice %arg10[%mul3A_22, %dma_start3A_50] : memref<10112x128xf32, #tpu.memory_space<vmem_shared>> -> memref<624x128xf32, #tpu.memory_space<vmem_shared>>
        tpu.enqueue_dma source(%dma_start3A_51 : memref<624x128xf32, #tpu.memory_space<vmem_shared>>) target(%dma_start3A_49 : memref<624x128xf32, #tpu.memory_space<hbm>>) target_semaphore(%run_scoped3A : memref<!tpu.dma_semaphore, #tpu.memory_space<semaphore_mem>>)
        %dma_wait3A = arith.constant 0 : i32
        %dma_wait3A_52 = tpu.memref_slice %arg8[%mul3A_22, %dma_wait3A] : memref<10000x128xf32, #tpu.memory_space<hbm>> -> memref<624x128xf32, #tpu.memory_space<hbm>>
        %dma_wait3A_53 = arith.constant 0 : i32
        %dma_wait3A_54 = tpu.memref_slice %arg10[%mul3A_22, %dma_wait3A_53] : memref<10112x128xf32, #tpu.memory_space<vmem_shared>> -> memref<624x128xf32, #tpu.memory_space<vmem_shared>>
        tpu.wait_dma2 semaphore(%run_scoped3A : memref<!tpu.dma_semaphore, #tpu.memory_space<semaphore_mem>>) src(%dma_wait3A_54 : memref<624x128xf32, #tpu.memory_space<vmem_shared>>) dst(%dma_wait3A_52 : memref<624x128xf32, #tpu.memory_space<hbm>>)
        tpu.yield
      }) : () -> ()
    } else {
    }
    %eq3A_29 = arith.constant 0 : i32
    %eq3A_30 = arith.cmpi eq, %arg0, %eq3A_29 : i32
    %and3A_31 = arith.andi %eq3A_30, %eq3A_1 : i1
    %convert_element_type3A_32 = arith.extui %and3A_31 : i1 to i32
    %cond3A_33 = arith.constant 0 : i32
    %cond3A_34 = arith.cmpi ne, %convert_element_type3A_32, %cond3A_33 : i32
    scf.if %cond3A_34 {
      "tpu.region"() ({
        %run_scoped3A = tpu.sem_alloc : memref<!tpu.dma_semaphore, #tpu.memory_space<semaphore_mem>>
        %dma_start3A = arith.constant 0 : i32
        %dma_start3A_49 = tpu.memref_slice %arg8[%mul3A_22, %dma_start3A] : memref<10000x128xf32, #tpu.memory_space<hbm>> -> memref<640x128xf32, #tpu.memory_space<hbm>>
        %dma_start3A_50 = arith.constant 0 : i32
        %dma_start3A_51 = tpu.memref_slice %arg10[%mul3A_22, %dma_start3A_50] : memref<10112x128xf32, #tpu.memory_space<vmem_shared>> -> memref<640x128xf32, #tpu.memory_space<vmem_shared>>
        tpu.enqueue_dma source(%dma_start3A_51 : memref<640x128xf32, #tpu.memory_space<vmem_shared>>) target(%dma_start3A_49 : memref<640x128xf32, #tpu.memory_space<hbm>>) target_semaphore(%run_scoped3A : memref<!tpu.dma_semaphore, #tpu.memory_space<semaphore_mem>>)
        %dma_wait3A = arith.constant 0 : i32
        %dma_wait3A_52 = tpu.memref_slice %arg8[%mul3A_22, %dma_wait3A] : memref<10000x128xf32, #tpu.memory_space<hbm>> -> memref<640x128xf32, #tpu.memory_space<hbm>>
        %dma_wait3A_53 = arith.constant 0 : i32
        %dma_wait3A_54 = tpu.memref_slice %arg10[%mul3A_22, %dma_wait3A_53] : memref<10112x128xf32, #tpu.memory_space<vmem_shared>> -> memref<640x128xf32, #tpu.memory_space<vmem_shared>>
        tpu.wait_dma2 semaphore(%run_scoped3A : memref<!tpu.dma_semaphore, #tpu.memory_space<semaphore_mem>>) src(%dma_wait3A_54 : memref<640x128xf32, #tpu.memory_space<vmem_shared>>) dst(%dma_wait3A_52 : memref<640x128xf32, #tpu.memory_space<hbm>>)
        tpu.yield
      }) : () -> ()
    } else {
    }
    %eq3A_35 = arith.constant 1 : i32
    %eq3A_36 = arith.cmpi eq, %arg0, %eq3A_35 : i32
    %not3A_37 = arith.constant true
    %not3A_38 = arith.xori %eq3A_1, %not3A_37 : i1
    %and3A_39 = arith.andi %eq3A_36, %not3A_38 : i1
    %convert_element_type3A_40 = arith.extui %and3A_39 : i1 to i32
    %cond3A_41 = arith.constant 0 : i32
    %cond3A_42 = arith.cmpi ne, %convert_element_type3A_40, %cond3A_41 : i32
    scf.if %cond3A_42 {
      "tpu.region"() ({
        %run_scoped3A = tpu.sem_alloc : memref<!tpu.dma_semaphore, #tpu.memory_space<semaphore_mem>>
        %dma_start3A = arith.constant 0 : i32
        %dma_start3A_49 = tpu.memref_slice %arg9[%mul3A_22, %dma_start3A] : memref<10000x128xf32, #tpu.memory_space<hbm>> -> memref<624x128xf32, #tpu.memory_space<hbm>>
        %dma_start3A_50 = arith.constant 0 : i32
        %dma_start3A_51 = tpu.memref_slice %arg10[%mul3A_22, %dma_start3A_50] : memref<10112x128xf32, #tpu.memory_space<vmem_shared>> -> memref<624x128xf32, #tpu.memory_space<vmem_shared>>
        tpu.enqueue_dma source(%dma_start3A_51 : memref<624x128xf32, #tpu.memory_space<vmem_shared>>) target(%dma_start3A_49 : memref<624x128xf32, #tpu.memory_space<hbm>>) target_semaphore(%run_scoped3A : memref<!tpu.dma_semaphore, #tpu.memory_space<semaphore_mem>>)
        %dma_wait3A = arith.constant 0 : i32
        %dma_wait3A_52 = tpu.memref_slice %arg9[%mul3A_22, %dma_wait3A] : memref<10000x128xf32, #tpu.memory_space<hbm>> -> memref<624x128xf32, #tpu.memory_space<hbm>>
        %dma_wait3A_53 = arith.constant 0 : i32
        %dma_wait3A_54 = tpu.memref_slice %arg10[%mul3A_22, %dma_wait3A_53] : memref<10112x128xf32, #tpu.memory_space<vmem_shared>> -> memref<624x128xf32, #tpu.memory_space<vmem_shared>>
        tpu.wait_dma2 semaphore(%run_scoped3A : memref<!tpu.dma_semaphore, #tpu.memory_space<semaphore_mem>>) src(%dma_wait3A_54 : memref<624x128xf32, #tpu.memory_space<vmem_shared>>) dst(%dma_wait3A_52 : memref<624x128xf32, #tpu.memory_space<hbm>>)
        tpu.yield
      }) : () -> ()
    } else {
    }
    %eq3A_43 = arith.constant 1 : i32
    %eq3A_44 = arith.cmpi eq, %arg0, %eq3A_43 : i32
    %and3A_45 = arith.andi %eq3A_44, %eq3A_1 : i1
    %convert_element_type3A_46 = arith.extui %and3A_45 : i1 to i32
    %cond3A_47 = arith.constant 0 : i32
    %cond3A_48 = arith.cmpi ne, %convert_element_type3A_46, %cond3A_47 : i32
    scf.if %cond3A_48 {
      "tpu.region"() ({
        %run_scoped3A = tpu.sem_alloc : memref<!tpu.dma_semaphore, #tpu.memory_space<semaphore_mem>>
        %dma_start3A = arith.constant 0 : i32
        %dma_start3A_49 = tpu.memref_slice %arg9[%mul3A_22, %dma_start3A] : memref<10000x128xf32, #tpu.memory_space<hbm>> -> memref<640x128xf32, #tpu.memory_space<hbm>>
        %dma_start3A_50 = arith.constant 0 : i32
        %dma_start3A_51 = tpu.memref_slice %arg10[%mul3A_22, %dma_start3A_50] : memref<10112x128xf32, #tpu.memory_space<vmem_shared>> -> memref<640x128xf32, #tpu.memory_space<vmem_shared>>
        tpu.enqueue_dma source(%dma_start3A_51 : memref<640x128xf32, #tpu.memory_space<vmem_shared>>) target(%dma_start3A_49 : memref<640x128xf32, #tpu.memory_space<hbm>>) target_semaphore(%run_scoped3A : memref<!tpu.dma_semaphore, #tpu.memory_space<semaphore_mem>>)
        %dma_wait3A = arith.constant 0 : i32
        %dma_wait3A_52 = tpu.memref_slice %arg9[%mul3A_22, %dma_wait3A] : memref<10000x128xf32, #tpu.memory_space<hbm>> -> memref<640x128xf32, #tpu.memory_space<hbm>>
        %dma_wait3A_53 = arith.constant 0 : i32
        %dma_wait3A_54 = tpu.memref_slice %arg10[%mul3A_22, %dma_wait3A_53] : memref<10112x128xf32, #tpu.memory_space<vmem_shared>> -> memref<640x128xf32, #tpu.memory_space<vmem_shared>>
        tpu.wait_dma2 semaphore(%run_scoped3A : memref<!tpu.dma_semaphore, #tpu.memory_space<semaphore_mem>>) src(%dma_wait3A_54 : memref<640x128xf32, #tpu.memory_space<vmem_shared>>) dst(%dma_wait3A_52 : memref<640x128xf32, #tpu.memory_space<hbm>>)
        tpu.yield
      }) : () -> ()
    } else {
    }
    return
  }
}

module attributes {stable_mosaic.version = 14 : i64} {
  func.func @_linear_body(%arg0: i32, %arg1: memref<5000x256xf32, #tpu.memory_space<vmem>>, %arg2: memref<256x256xf32, #tpu.memory_space<vmem>>, %arg3: memref<1x256xf32, #tpu.memory_space<vmem>>, %arg4: memref<5000x128xf32, #tpu.memory_space<vmem>>, %arg5: memref<5000x128xf32, #tpu.memory_space<vmem>>, %arg6: memref<5000x128xf32, #tpu.memory_space<vmem>>, %arg7: memref<5000x128xf32, #tpu.memory_space<vmem>>) attributes {dimension_semantics = [#tpu.dimension_semantics<arbitrary>], iteration_bounds = array<i64: 2>, scalar_prefetch = 0 : i64, scratch_operands = 0 : i64, tpu.core_type = #tpu.core_type<tc>, window_params = [{transform_indices = @transform_0, window_bounds = array<i64: 5000, 256>}, {pipeline_mode = #tpu.pipeline_mode<synchronous>, transform_indices = @transform_1, window_bounds = array<i64: 256, 256>}, {pipeline_mode = #tpu.pipeline_mode<synchronous>, transform_indices = @transform_2, window_bounds = array<i64: 1, 256>}, {transform_indices = @transform_3, window_bounds = array<i64: 5000, 128>}, {transform_indices = @transform_4, window_bounds = array<i64: 5000, 128>}, {transform_indices = @transform_5, window_bounds = array<i64: 5000, 128>}, {transform_indices = @transform_6, window_bounds = array<i64: 5000, 128>}]} {
    %get3A = arith.constant 0 : index
    %get3A_0 = arith.constant 0 : index
    %get3A_1 = vector.load %arg1[%get3A, %get3A_0] : memref<5000x256xf32, #tpu.memory_space<vmem>>, vector<5000x256xf32>
    %get3A_2 = arith.constant 0 : index
    %get3A_3 = arith.constant 0 : index
    %get3A_4 = vector.load %arg2[%get3A_2, %get3A_3] : memref<256x256xf32, #tpu.memory_space<vmem>>, vector<256x256xf32>
    %dot_general3A = arith.constant dense<0.000000e+00> : vector<5000x256xf32>
    %dot_general3A_5 = tpu.matmul %get3A_1, %get3A_4, %dot_general3A {dimension_numbers = #tpu.dot_dimension_numbers<[1], [0], [0], [1], [0, 0, 1, 1], [], []>, precision = #tpu.contract_precision<fp32>, transpose_lhs_hint = false} : vector<5000x256xf32>, vector<256x256xf32>, vector<5000x256xf32> -> vector<5000x256xf32>
    %get3A_6 = arith.constant 0 : index
    %get3A_7 = arith.constant 0 : index
    %get3A_8 = vector.load %arg3[%get3A_6, %get3A_7] : memref<1x256xf32, #tpu.memory_space<vmem>>, vector<1x256xf32>
    %add3A = vector.broadcast %get3A_8 : vector<1x256xf32> to vector<5000x256xf32>
    %add3A_9 = arith.addf %dot_general3A_5, %add3A : vector<5000x256xf32>
    %slice3A = vector.extract_strided_slice %add3A_9 {offsets = [0, 0], sizes = [5000, 128], strides = [1, 1]} : vector<5000x256xf32> to vector<5000x128xf32>
    %swap3A = arith.constant 0 : index
    %swap3A_10 = arith.constant 0 : index
    %swap3A_11 = vector.load %arg4[%swap3A, %swap3A_10] : memref<5000x128xf32, #tpu.memory_space<vmem>>, vector<5000x128xf32>
    tpu.vector_store %arg4[%swap3A, %swap3A_10], %slice3A {strides = array<i32>} : memref<5000x128xf32, #tpu.memory_space<vmem>>, vector<5000x128xf32>,
    %slice3A_12 = vector.extract_strided_slice %add3A_9 {offsets = [0, 128], sizes = [5000, 128], strides = [1, 1]} : vector<5000x256xf32> to vector<5000x128xf32>
    %swap3A_13 = arith.constant 0 : index
    %swap3A_14 = arith.constant 0 : index
    %swap3A_15 = vector.load %arg5[%swap3A_13, %swap3A_14] : memref<5000x128xf32, #tpu.memory_space<vmem>>, vector<5000x128xf32>
    tpu.vector_store %arg5[%swap3A_13, %swap3A_14], %slice3A_12 {strides = array<i32>} : memref<5000x128xf32, #tpu.memory_space<vmem>>, vector<5000x128xf32>,
    %mul3A = arith.constant 0.111111112 : f32
    %mul3A_16 = vector.broadcast %mul3A : f32 to vector<5000x256xf32>
    %mul3A_17 = arith.mulf %mul3A_16, %add3A_9 : vector<5000x256xf32>
    %slice3A_18 = vector.extract_strided_slice %mul3A_17 {offsets = [0, 0], sizes = [5000, 128], strides = [1, 1]} : vector<5000x256xf32> to vector<5000x128xf32>
    %swap3A_19 = arith.constant 0 : index
    %swap3A_20 = arith.constant 0 : index
    %swap3A_21 = vector.load %arg6[%swap3A_19, %swap3A_20] : memref<5000x128xf32, #tpu.memory_space<vmem>>, vector<5000x128xf32>
    tpu.vector_store %arg6[%swap3A_19, %swap3A_20], %slice3A_18 {strides = array<i32>} : memref<5000x128xf32, #tpu.memory_space<vmem>>, vector<5000x128xf32>,
    %slice3A_22 = vector.extract_strided_slice %mul3A_17 {offsets = [0, 128], sizes = [5000, 128], strides = [1, 1]} : vector<5000x256xf32> to vector<5000x128xf32>
    %swap3A_23 = arith.constant 0 : index
    %swap3A_24 = arith.constant 0 : index
    %swap3A_25 = vector.load %arg7[%swap3A_23, %swap3A_24] : memref<5000x128xf32, #tpu.memory_space<vmem>>, vector<5000x128xf32>
    tpu.vector_store %arg7[%swap3A_23, %swap3A_24], %slice3A_22 {strides = array<i32>} : memref<5000x128xf32, #tpu.memory_space<vmem>>, vector<5000x128xf32>,
    return
  }
  func.func @transform_0(%arg0: i32) -> (i32, i32) {
    %c0_i32 = arith.constant 0 : i32
    %c0_i32_0 = arith.constant 0 : i32
    return %arg0, %c0_i32 : i32, i32
  }
  func.func @transform_1(%arg0: i32) -> (i32, i32) {
    %c0_i32 = arith.constant 0 : i32
    %c0_i32_0 = arith.constant 0 : i32
    %c0_i32_1 = arith.constant 0 : i32
    return %c0_i32, %c0_i32_0 : i32, i32
  }
  func.func @transform_2(%arg0: i32) -> (i32, i32) {
    %c0_i32 = arith.constant 0 : i32
    %c0_i32_0 = arith.constant 0 : i32
    %c0_i32_1 = arith.constant 0 : i32
    return %c0_i32, %c0_i32_0 : i32, i32
  }
  func.func @transform_3(%arg0: i32) -> (i32, i32) {
    %c0_i32 = arith.constant 0 : i32
    %c0_i32_0 = arith.constant 0 : i32
    return %arg0, %c0_i32 : i32, i32
  }
  func.func @transform_4(%arg0: i32) -> (i32, i32) {
    %c0_i32 = arith.constant 0 : i32
    %c0_i32_0 = arith.constant 0 : i32
    return %arg0, %c0_i32 : i32, i32
  }
  func.func @transform_5(%arg0: i32) -> (i32, i32) {
    %c0_i32 = arith.constant 0 : i32
    %c0_i32_0 = arith.constant 0 : i32
    return %arg0, %c0_i32 : i32, i32
  }
  func.func @transform_6(%arg0: i32) -> (i32, i32) {
    %c0_i32 = arith.constant 0 : i32
    %c0_i32_0 = arith.constant 0 : i32
    return %arg0, %c0_i32 : i32, i32
  }
}

module attributes {stable_mosaic.version = 14 : i64} {
  func.func @_dense_bn_body(%arg0: i32, %arg1: i32, %arg2: memref<5000x128xf32, #tpu.memory_space<vmem>>, %arg3: memref<5000x128xf32, #tpu.memory_space<vmem>>, %arg4: memref<256x256xf32, #tpu.memory_space<vmem>>, %arg5: memref<1x256xf32, #tpu.memory_space<vmem>>, %arg6: memref<1x256xf32, #tpu.memory_space<vmem>>, %arg7: memref<5000x128xf32, #tpu.memory_space<vmem>>, %arg8: memref<5000x128xf32, #tpu.memory_space<vmem>>, %arg9: memref<256x256xf32, #tpu.memory_space<vmem>>, %arg10: memref<1x256xf32, #tpu.memory_space<vmem>>, %arg11: memref<2x256xf32, #tpu.memory_space<vmem>>) attributes {dimension_semantics = [#tpu.dimension_semantics<arbitrary>, #tpu.dimension_semantics<arbitrary>], iteration_bounds = array<i64: 2, 2>, scalar_prefetch = 0 : i64, scratch_operands = 3 : i64, tpu.core_type = #tpu.core_type<tc>, window_params = [{transform_indices = @transform_0, window_bounds = array<i64: 5000, 128>}, {transform_indices = @transform_1, window_bounds = array<i64: 5000, 128>}, {pipeline_mode = #tpu.pipeline_mode<synchronous>, transform_indices = @transform_2, window_bounds = array<i64: 256, 256>}, {pipeline_mode = #tpu.pipeline_mode<synchronous>, transform_indices = @transform_3, window_bounds = array<i64: 1, 256>}, {pipeline_mode = #tpu.pipeline_mode<synchronous>, transform_indices = @transform_4, window_bounds = array<i64: 1, 256>}, {transform_indices = @transform_5, window_bounds = array<i64: 5000, 128>}, {transform_indices = @transform_6, window_bounds = array<i64: 5000, 128>}]} {
    %get3A = arith.constant 0 : index
    %get3A_0 = arith.constant 0 : index
    %get3A_1 = vector.load %arg2[%get3A, %get3A_0] : memref<5000x128xf32, #tpu.memory_space<vmem>>, vector<5000x128xf32>
    %get3A_2 = arith.constant 0 : index
    %get3A_3 = arith.constant 0 : index
    %get3A_4 = vector.load %arg3[%get3A_2, %get3A_3] : memref<5000x128xf32, #tpu.memory_space<vmem>>, vector<5000x128xf32>
    %concatenate3A = tpu.concatenate %get3A_1, %get3A_4 in 1 : vector<5000x128xf32>, vector<5000x128xf32> -> vector<5000x256xf32>
    %eq3A = arith.constant 0 : i32
    %eq3A_5 = arith.cmpi eq, %arg0, %eq3A : i32
    %eq3A_6 = arith.constant 0 : i32
    %eq3A_7 = arith.cmpi eq, %arg1, %eq3A_6 : i32
    %and3A = arith.andi %eq3A_5, %eq3A_7 : i1
    %convert_element_type3A = arith.extui %and3A : i1 to i32
    %cond3A = arith.constant 0 : i32
    %cond3A_8 = arith.cmpi ne, %convert_element_type3A, %cond3A : i32
    scf.if %cond3A_8 {
      %broadcast_in_dim3A = arith.constant 0.000000e+00 : f32
      %broadcast_in_dim3A_19 = vector.broadcast %broadcast_in_dim3A : f32 to vector<256x256xf32>
      %swap3A = arith.constant 0 : index
      %swap3A_20 = arith.constant 0 : index
      %swap3A_21 = vector.load %arg9[%swap3A, %swap3A_20] : memref<256x256xf32, #tpu.memory_space<vmem>>, vector<256x256xf32>
      tpu.vector_store %arg9[%swap3A, %swap3A_20], %broadcast_in_dim3A_19 {strides = array<i32>} : memref<256x256xf32, #tpu.memory_space<vmem>>, vector<256x256xf32>,
      %broadcast_in_dim3A_22 = arith.constant 0.000000e+00 : f32
      %broadcast_in_dim3A_23 = vector.broadcast %broadcast_in_dim3A_22 : f32 to vector<1x256xf32>
      %swap3A_24 = arith.constant 0 : index
      %swap3A_25 = arith.constant 0 : index
      %swap3A_26 = vector.load %arg10[%swap3A_24, %swap3A_25] : memref<1x256xf32, #tpu.memory_space<vmem>>, vector<1x256xf32>
      tpu.vector_store %arg10[%swap3A_24, %swap3A_25], %broadcast_in_dim3A_23 {strides = array<i32>} : memref<1x256xf32, #tpu.memory_space<vmem>>, vector<1x256xf32>,
    } else {
    }
    %eq3A_9 = arith.constant 0 : i32
    %eq3A_10 = arith.cmpi eq, %arg0, %eq3A_9 : i32
    %convert_element_type3A_11 = arith.extui %eq3A_10 : i1 to i32
    %cond3A_12 = arith.constant 0 : i32
    %cond3A_13 = arith.cmpi ne, %convert_element_type3A_11, %cond3A_12 : i32
    scf.if %cond3A_13 {
      %get3A_19 = arith.constant 0 : index
      %get3A_20 = arith.constant 0 : index
      %get3A_21 = vector.load %arg9[%get3A_19, %get3A_20] : memref<256x256xf32, #tpu.memory_space<vmem>>, vector<256x256xf32>
      %dot_general3A = arith.constant dense<0.000000e+00> : vector<256x256xf32>
      %dot_general3A_22 = tpu.matmul %concatenate3A, %concatenate3A, %dot_general3A {dimension_numbers = #tpu.dot_dimension_numbers<[0], [0], [1], [1], [0, 1, 1, 1], [], []>, precision = #tpu.contract_precision<fp32>, transpose_lhs_hint = false} : vector<5000x256xf32>, vector<5000x256xf32>, vector<256x256xf32> -> vector<256x256xf32>
      %add3A = arith.addf %get3A_21, %dot_general3A_22 : vector<256x256xf32>
      %swap3A = arith.constant 0 : index
      %swap3A_23 = arith.constant 0 : index
      %swap3A_24 = vector.load %arg9[%swap3A, %swap3A_23] : memref<256x256xf32, #tpu.memory_space<vmem>>, vector<256x256xf32>
      tpu.vector_store %arg9[%swap3A, %swap3A_23], %add3A {strides = array<i32>} : memref<256x256xf32, #tpu.memory_space<vmem>>, vector<256x256xf32>,
      %get3A_25 = arith.constant 0 : index
      %get3A_26 = arith.constant 0 : index
      %get3A_27 = vector.load %arg10[%get3A_25, %get3A_26] : memref<1x256xf32, #tpu.memory_space<vmem>>, vector<1x256xf32>
      %reduce_sum3A = arith.constant dense<0.000000e+00> : vector<256xf32>
      %reduce_sum3A_28 = vector.multi_reduction <add>, %concatenate3A, %reduce_sum3A [0] : vector<5000x256xf32> to vector<256xf32>
      %broadcast_in_dim3A = vector.shape_cast %reduce_sum3A_28 : vector<256xf32> to vector<1x256xf32>
      %add3A_29 = arith.addf %get3A_27, %broadcast_in_dim3A : vector<1x256xf32>
      %swap3A_30 = arith.constant 0 : index
      %swap3A_31 = arith.constant 0 : index
      %swap3A_32 = vector.load %arg10[%swap3A_30, %swap3A_31] : memref<1x256xf32, #tpu.memory_space<vmem>>, vector<1x256xf32>
      tpu.vector_store %arg10[%swap3A_30, %swap3A_31], %add3A_29 {strides = array<i32>} : memref<1x256xf32, #tpu.memory_space<vmem>>, vector<1x256xf32>,
      %eq3A_33 = arith.constant 1 : i32
      %eq3A_34 = arith.cmpi eq, %arg1, %eq3A_33 : i32
      %convert_element_type3A_35 = arith.extui %eq3A_34 : i1 to i32
      %cond3A_36 = arith.constant 0 : i32
      %cond3A_37 = arith.cmpi ne, %convert_element_type3A_35, %cond3A_36 : i32
      scf.if %cond3A_37 {
        %get3A_38 = arith.constant 0 : index
        %get3A_39 = arith.constant 0 : index
        %get3A_40 = vector.load %arg4[%get3A_38, %get3A_39] : memref<256x256xf32, #tpu.memory_space<vmem>>, vector<256x256xf32>
        %get3A_41 = arith.constant 0 : index
        %get3A_42 = arith.constant 0 : index
        %get3A_43 = vector.load %arg10[%get3A_41, %get3A_42] : memref<1x256xf32, #tpu.memory_space<vmem>>, vector<1x256xf32>
        %dot_general3A_44 = arith.constant dense<0.000000e+00> : vector<1x256xf32>
        %dot_general3A_45 = tpu.matmul %get3A_43, %get3A_40, %dot_general3A_44 {dimension_numbers = #tpu.dot_dimension_numbers<[1], [0], [0], [1], [0, 0, 1, 1], [], []>, precision = #tpu.contract_precision<fp32>, transpose_lhs_hint = false} : vector<1x256xf32>, vector<256x256xf32>, vector<1x256xf32> -> vector<1x256xf32>
        %div3A = arith.constant 1.000000e+04 : f32
        %div3A_46 = vector.broadcast %div3A : f32 to vector<1x256xf32>
        %div3A_47 = arith.divf %dot_general3A_45, %div3A_46 : vector<1x256xf32>
        %get3A_48 = arith.constant 0 : index
        %get3A_49 = arith.constant 0 : index
        %get3A_50 = vector.load %arg9[%get3A_48, %get3A_49] : memref<256x256xf32, #tpu.memory_space<vmem>>, vector<256x256xf32>
        %dot_general3A_51 = arith.constant dense<0.000000e+00> : vector<256x256xf32>
        %dot_general3A_52 = tpu.matmul %get3A_50, %get3A_40, %dot_general3A_51 {dimension_numbers = #tpu.dot_dimension_numbers<[1], [0], [0], [1], [0, 0, 1, 1], [], []>, precision = #tpu.contract_precision<fp32>, transpose_lhs_hint = false} : vector<256x256xf32>, vector<256x256xf32>, vector<256x256xf32> -> vector<256x256xf32>
        %mul3A = arith.mulf %get3A_40, %dot_general3A_52 : vector<256x256xf32>
        %reduce_sum3A_53 = arith.constant dense<0.000000e+00> : vector<256xf32>
        %reduce_sum3A_54 = vector.multi_reduction <add>, %mul3A, %reduce_sum3A_53 [0] : vector<256x256xf32> to vector<256xf32>
        %broadcast_in_dim3A_55 = vector.shape_cast %reduce_sum3A_54 : vector<256xf32> to vector<1x256xf32>
        %div3A_56 = arith.constant 1.000000e+04 : f32
        %div3A_57 = vector.broadcast %div3A_56 : f32 to vector<1x256xf32>
        %div3A_58 = arith.divf %broadcast_in_dim3A_55, %div3A_57 : vector<1x256xf32>
        %mul3A_59 = arith.mulf %div3A_47, %div3A_47 : vector<1x256xf32>
        %sub3A = arith.subf %div3A_58, %mul3A_59 : vector<1x256xf32>
        %get3A_60 = arith.constant 0 : index
        %get3A_61 = arith.constant 0 : index
        %get3A_62 = vector.load %arg5[%get3A_60, %get3A_61] : memref<1x256xf32, #tpu.memory_space<vmem>>, vector<1x256xf32>
        %add3A_63 = arith.constant 9.99999974E-6 : f32
        %add3A_64 = vector.broadcast %add3A_63 : f32 to vector<1x256xf32>
        %add3A_65 = arith.addf %sub3A, %add3A_64 : vector<1x256xf32>
        %rsqrt3A = math.rsqrt %add3A_65 : vector<1x256xf32>
        %mul3A_66 = arith.mulf %get3A_62, %rsqrt3A : vector<1x256xf32>
        %swap3A_67 = arith.constant 0 : index
        %swap3A_68 = arith.constant 0 : index
        %swap3A_69 = vector.load %arg11[%swap3A_67, %swap3A_68] : memref<2x256xf32, #tpu.memory_space<vmem>>, vector<1x256xf32>
        tpu.vector_store %arg11[%swap3A_67, %swap3A_68], %mul3A_66 {strides = array<i32>} : memref<2x256xf32, #tpu.memory_space<vmem>>, vector<1x256xf32>,
        %get3A_70 = arith.constant 0 : index
        %get3A_71 = arith.constant 0 : index
        %get3A_72 = vector.load %arg6[%get3A_70, %get3A_71] : memref<1x256xf32, #tpu.memory_space<vmem>>, vector<1x256xf32>
        %mul3A_73 = arith.mulf %div3A_47, %mul3A_66 : vector<1x256xf32>
        %sub3A_74 = arith.subf %get3A_72, %mul3A_73 : vector<1x256xf32>
        %swap3A_75 = arith.constant 1 : index
        %swap3A_76 = arith.constant 0 : index
        %swap3A_77 = vector.load %arg11[%swap3A_75, %swap3A_76] : memref<2x256xf32, #tpu.memory_space<vmem>>, vector<1x256xf32>
        tpu.vector_store %arg11[%swap3A_75, %swap3A_76], %sub3A_74 {strides = array<i32>} : memref<2x256xf32, #tpu.memory_space<vmem>>, vector<1x256xf32>,
      } else {
      }
    } else {
    }
    %eq3A_14 = arith.constant 1 : i32
    %eq3A_15 = arith.cmpi eq, %arg0, %eq3A_14 : i32
    %convert_element_type3A_16 = arith.extui %eq3A_15 : i1 to i32
    %cond3A_17 = arith.constant 0 : i32
    %cond3A_18 = arith.cmpi ne, %convert_element_type3A_16, %cond3A_17 : i32
    scf.if %cond3A_18 {
      %get3A_19 = arith.constant 0 : index
      %get3A_20 = arith.constant 0 : index
      %get3A_21 = vector.load %arg4[%get3A_19, %get3A_20] : memref<256x256xf32, #tpu.memory_space<vmem>>, vector<256x256xf32>
      %dot_general3A = arith.constant dense<0.000000e+00> : vector<5000x256xf32>
      %dot_general3A_22 = tpu.matmul %concatenate3A, %get3A_21, %dot_general3A {dimension_numbers = #tpu.dot_dimension_numbers<[1], [0], [0], [1], [0, 0, 1, 1], [], []>, precision = #tpu.contract_precision<fp32>, transpose_lhs_hint = false} : vector<5000x256xf32>, vector<256x256xf32>, vector<5000x256xf32> -> vector<5000x256xf32>
      %get3A_23 = arith.constant 0 : index
      %get3A_24 = arith.constant 0 : index
      %get3A_25 = vector.load %arg11[%get3A_23, %get3A_24] : memref<2x256xf32, #tpu.memory_space<vmem>>, vector<1x256xf32>
      %mul3A = vector.broadcast %get3A_25 : vector<1x256xf32> to vector<5000x256xf32>
      %mul3A_26 = arith.mulf %dot_general3A_22, %mul3A : vector<5000x256xf32>
      %get3A_27 = arith.constant 1 : index
      %get3A_28 = arith.constant 0 : index
      %get3A_29 = vector.load %arg11[%get3A_27, %get3A_28] : memref<2x256xf32, #tpu.memory_space<vmem>>, vector<1x256xf32>
      %add3A = vector.broadcast %get3A_29 : vector<1x256xf32> to vector<5000x256xf32>
      %add3A_30 = arith.addf %mul3A_26, %add3A : vector<5000x256xf32>
      %max3A = arith.constant 0.000000e+00 : f32
      %max3A_31 = vector.broadcast %max3A : f32 to vector<5000x256xf32>
      %max3A_32 = arith.maximumf %add3A_30, %max3A_31 : vector<5000x256xf32>
      %slice3A = vector.extract_strided_slice %max3A_32 {offsets = [0, 0], sizes = [5000, 128], strides = [1, 1]} : vector<5000x256xf32> to vector<5000x128xf32>
      %swap3A = arith.constant 0 : index
      %swap3A_33 = arith.constant 0 : index
      %swap3A_34 = vector.load %arg7[%swap3A, %swap3A_33] : memref<5000x128xf32, #tpu.memory_space<vmem>>, vector<5000x128xf32>
      tpu.vector_store %arg7[%swap3A, %swap3A_33], %slice3A {strides = array<i32>} : memref<5000x128xf32, #tpu.memory_space<vmem>>, vector<5000x128xf32>,
      %slice3A_35 = vector.extract_strided_slice %max3A_32 {offsets = [0, 128], sizes = [5000, 128], strides = [1, 1]} : vector<5000x256xf32> to vector<5000x128xf32>
      %swap3A_36 = arith.constant 0 : index
      %swap3A_37 = arith.constant 0 : index
      %swap3A_38 = vector.load %arg8[%swap3A_36, %swap3A_37] : memref<5000x128xf32, #tpu.memory_space<vmem>>, vector<5000x128xf32>
      tpu.vector_store %arg8[%swap3A_36, %swap3A_37], %slice3A_35 {strides = array<i32>} : memref<5000x128xf32, #tpu.memory_space<vmem>>, vector<5000x128xf32>,
    } else {
    }
    return
  }
  func.func @transform_0(%arg0: i32, %arg1: i32) -> (i32, i32) {
    %c0_i32 = arith.constant 0 : i32
    %c0_i32_0 = arith.constant 0 : i32
    return %arg1, %c0_i32 : i32, i32
  }
  func.func @transform_1(%arg0: i32, %arg1: i32) -> (i32, i32) {
    %c0_i32 = arith.constant 0 : i32
    %c0_i32_0 = arith.constant 0 : i32
    return %arg1, %c0_i32 : i32, i32
  }
  func.func @transform_2(%arg0: i32, %arg1: i32) -> (i32, i32) {
    %c0_i32 = arith.constant 0 : i32
    %c0_i32_0 = arith.constant 0 : i32
    %c0_i32_1 = arith.constant 0 : i32
    return %c0_i32, %c0_i32_0 : i32, i32
  }
  func.func @transform_3(%arg0: i32, %arg1: i32) -> (i32, i32) {
    %c0_i32 = arith.constant 0 : i32
    %c0_i32_0 = arith.constant 0 : i32
    %c0_i32_1 = arith.constant 0 : i32
    return %c0_i32, %c0_i32_0 : i32, i32
  }
  func.func @transform_4(%arg0: i32, %arg1: i32) -> (i32, i32) {
    %c0_i32 = arith.constant 0 : i32
    %c0_i32_0 = arith.constant 0 : i32
    %c0_i32_1 = arith.constant 0 : i32
    return %c0_i32, %c0_i32_0 : i32, i32
  }
  func.func @transform_5(%arg0: i32, %arg1: i32) -> (i32, i32) {
    %c0_i32 = arith.constant 0 : i32
    %c0_i32_0 = arith.constant 0 : i32
    return %arg1, %c0_i32 : i32, i32
  }
  func.func @transform_6(%arg0: i32, %arg1: i32) -> (i32, i32) {
    %c0_i32 = arith.constant 0 : i32
    %c0_i32_0 = arith.constant 0 : i32
    return %arg1, %c0_i32 : i32, i32
  }
}

module attributes {stable_mosaic.version = 14 : i64} {
  func.func @_dense_final_body(%arg0: i32, %arg1: memref<5000x128xf32, #tpu.memory_space<vmem>>, %arg2: memref<5000x128xf32, #tpu.memory_space<vmem>>, %arg3: memref<256x256xf32, #tpu.memory_space<vmem>>, %arg4: memref<5000x256xf32, #tpu.memory_space<vmem>>) attributes {dimension_semantics = [#tpu.dimension_semantics<arbitrary>], iteration_bounds = array<i64: 2>, scalar_prefetch = 0 : i64, scratch_operands = 0 : i64, tpu.core_type = #tpu.core_type<tc>, window_params = [{transform_indices = @transform_0, window_bounds = array<i64: 5000, 128>}, {transform_indices = @transform_1, window_bounds = array<i64: 5000, 128>}, {pipeline_mode = #tpu.pipeline_mode<synchronous>, transform_indices = @transform_2, window_bounds = array<i64: 256, 256>}, {transform_indices = @transform_3, window_bounds = array<i64: 5000, 256>}]} {
    %get3A = arith.constant 0 : index
    %get3A_0 = arith.constant 0 : index
    %get3A_1 = vector.load %arg1[%get3A, %get3A_0] : memref<5000x128xf32, #tpu.memory_space<vmem>>, vector<5000x128xf32>
    %get3A_2 = arith.constant 0 : index
    %get3A_3 = arith.constant 0 : index
    %get3A_4 = vector.load %arg2[%get3A_2, %get3A_3] : memref<5000x128xf32, #tpu.memory_space<vmem>>, vector<5000x128xf32>
    %concatenate3A = tpu.concatenate %get3A_1, %get3A_4 in 1 : vector<5000x128xf32>, vector<5000x128xf32> -> vector<5000x256xf32>
    %get3A_5 = arith.constant 0 : index
    %get3A_6 = arith.constant 0 : index
    %get3A_7 = vector.load %arg3[%get3A_5, %get3A_6] : memref<256x256xf32, #tpu.memory_space<vmem>>, vector<256x256xf32>
    %dot_general3A = arith.constant dense<0.000000e+00> : vector<5000x256xf32>
    %dot_general3A_8 = tpu.matmul %concatenate3A, %get3A_7, %dot_general3A {dimension_numbers = #tpu.dot_dimension_numbers<[1], [0], [0], [1], [0, 0, 1, 1], [], []>, precision = #tpu.contract_precision<fp32>, transpose_lhs_hint = false} : vector<5000x256xf32>, vector<256x256xf32>, vector<5000x256xf32> -> vector<5000x256xf32>
    %swap3A = arith.constant 0 : index
    %swap3A_9 = arith.constant 0 : index
    %swap3A_10 = vector.load %arg4[%swap3A, %swap3A_9] : memref<5000x256xf32, #tpu.memory_space<vmem>>, vector<5000x256xf32>
    tpu.vector_store %arg4[%swap3A, %swap3A_9], %dot_general3A_8 {strides = array<i32>} : memref<5000x256xf32, #tpu.memory_space<vmem>>, vector<5000x256xf32>,
    return
  }
  func.func @transform_0(%arg0: i32) -> (i32, i32) {
    %c0_i32 = arith.constant 0 : i32
    %c0_i32_0 = arith.constant 0 : i32
    return %arg0, %c0_i32 : i32, i32
  }
  func.func @transform_1(%arg0: i32) -> (i32, i32) {
    %c0_i32 = arith.constant 0 : i32
    %c0_i32_0 = arith.constant 0 : i32
    return %arg0, %c0_i32 : i32, i32
  }
  func.func @transform_2(%arg0: i32) -> (i32, i32) {
    %c0_i32 = arith.constant 0 : i32
    %c0_i32_0 = arith.constant 0 : i32
    %c0_i32_1 = arith.constant 0 : i32
    return %c0_i32, %c0_i32_0 : i32, i32
  }
  func.func @transform_3(%arg0: i32) -> (i32, i32) {
    %c0_i32 = arith.constant 0 : i32
    %c0_i32_0 = arith.constant 0 : i32
    return %arg0, %c0_i32 : i32, i32
  }
}

</mosaic_0001>

<sc_bundles>
// kernel: kernel.19.cloned.1.call-start
scs
__scs_entry_jumppad:
0x0: {  	(pc) =	sbr.rel $0x88, $3  }
0x1: {  	(tag) =	ssettag $0x0;
	lr =	simm.s32 $0x1  }
0x2: {  	[smem:$0x3F9A] =	sst lr;
	_ =	strace $0xD0000000  }
0x3: {  	_ = 	snop  }
0x4: {  	_ = 	snop  }
0x5: {  	_ = 	snop  }
0x6: {  	_ = 	snop  }
0x7: {  	_ = 	snop  }
__scs_overlays_trampoline_lowered:
0x8: {  	[smem:$0x3FA9] =	sst s0  }
0x9: {  	[smem:$0x3FAA] =	sst s1  }
0xa: {  	[smem:$0x3FAB] =	sst s2  }
0xb: {  	[smem:$0x3FAC] =	sst s3  }
0xc: {  	[smem:$0x3FAD] =	sst s4  }
0xd: {  	[smem:$0x3FAE] =	sst s5  }
0xe: {  	[smem:$0x3FAF] =	sst s6  }
0xf: {  	[smem:$0x3FB0] =	sst s7  }
0x10: {  	[smem:$0x3FB1] =	sst s8  }
0x11: {  	[smem:$0x3FB2] =	sst s9;
	s0 =	simm.s32 @!p0 $0x0  }
0x12: {  	s1 =	sld [smem:$0x3F98];
	s0 =	simm.s32 @p0 $0x1  }
0x13: {  	[smem:$0x3FB3] =	sst s0;
	s0 =	simm.s32 @!p1 $0x0  }
0x14: {  	s2 =	sld [smem:$0x3F97];
	s0 =	simm.s32 @p1 $0x1  }
0x15: {  	[smem:$0x3FB4] =	sst s0;
	s0 =	simm.s32 @!p2 $0x0  }
0x16: {  	s3 =	sld [smem:$0x3FDB];
	s0 =	simm.s32 @p2 $0x1  }
0x17: {  	s4 =	simm.s32 $0x1BF5;
	[smem:$0x3FB6] =	sst s0  }
0x18: {  	s0 =	sld [smem:$0x3F99];
	_ =	swait.ge [sflag:s4], $0x0  }
0x19: {  	s7 =	sld [smem:$0x3F9A]  }
0x1a: {  	s8 =	sadd.s32 $0xFFFFE003, lr  }
0x1b: {  	s9 =	sadd.s32 $0xFFFFFEF7, lr;
	s5 =	simm.s32 $0xFFFFFFFF;
	p2 =	slt.u32 s8, $0xFFFFF086  }
0x1c: {  	p1 =	slt.u32 s9, $0xF7A;
	s5 =	simm.s32 @!p2 $0x0  }
0x1d: {  	s5 =	simm.s32 @p1 $0x1;
	p0 =	seq.s32 s7, s2  }
0x1e: {  	s7 =	smul.u32 @!p0 $0xF7A, s2;
	p2 =	seq.s32 @!p0 s5, $0x0  }
0x1f: {  	s9 =	smul.u32 $0xF7A, s1;
	s8 =	simm.s32 @!p0 $0x1BF5;
	p2 =	por !p2, p0  }
0x20: {  	[sflag:s8] =	ssyncset.s32 @!p0 $0xFFFFF086;
	s6 =	sadd.s32 @!p0 s3, s7;
	s7 =	simm.s32 @!p0 $0x108  }
0x21: {  	s3 =	sadd.s32 s3, s9;
	s6 =	sadd.s32 @!p0 $0x88, s6;
	s7 =	simm.s32 @p2 $0x1082  }
0x22: {  	[simem:s7], [sflag:s8] =	dma.local @!p0 [hbm:s6], $0xF7A  }
0x23: {  	s9 =	sor.u32 $0xD0000000, s2;
	s6 =	simm.s32 $0x108;
	_ =	swait.ge @!p0 [sflag:s8], $0x0  }
0x24: {  	s3 =	sadd.s32 $0x88, s3;
	s6 =	simm.s32 @!p1 $0x1082;
	[sflag:s4] =	ssyncset.s32 $0xFFFFF086  }
0x25: {  	[simem:s6], [sflag:s4] =	dma.local [hbm:s3], $0xF7A  }
0x26: {  	[smem:$0x3F9A] =	sst s1;
	(tag) =	ssettag s2;
	_ =	strace s9  }
0x27: {  	s1 =	sld [smem:$0x3FAA]  }
0x28: {  	s2 =	sld [smem:$0x3FAB]  }
0x29: {  	s4 =	sld [smem:$0x3FAD]  }
0x2a: {  	p0 =	seq.s32 s5, $0x0;
	s5 =	sld [smem:$0x3FAE]  }
0x2b: {  	s6 =	sld [smem:$0x3FAF]  }
0x2c: {  	s7 =	sld [smem:$0x3FB0]  }
0x2d: {  	s3 =	simm.s32 $0x108;
	s8 =	sld [smem:$0x3FB1]  }
0x2e: {  	s3 =	simm.s32 @!p0 $0x1082;
	s9 =	sld [smem:$0x3FB2]  }
0x2f: {  	lr =	sadd.s32 s0, s3;
	s0 =	sld [smem:$0x3FA9]  }
0x30: {  	s3 =	sld [smem:$0x3FAC]  }
0x31: {  	[smem:$0x3FB5] =	sst s10  }
0x32: {  	s10 =	sld [smem:$0x3FB3];
	_ =	sdelay $0x3  }
0x33: {  	p0 =	seq.s32 s10, $0x1;
	s10 =	sld [smem:$0x3FB5];
	_ =	sdelay $0x3  }
0x34: {  	[smem:$0x3FB5] =	sst s10  }
0x35: {  	s10 =	sld [smem:$0x3FB4];
	_ =	sdelay $0x3  }
0x36: {  	p1 =	seq.s32 s10, $0x1;
	s10 =	sld [smem:$0x3FB5];
	_ =	sdelay $0x3  }
0x37: {  	[smem:$0x3FB5] =	sst s10  }
0x38: {  	s10 =	sld [smem:$0x3FB6]  }
0x39: {  	_ = 	snop;
	(pc) =	sbr.ind lr, $3  }
0x3a: {  	_ = 	snop  }
0x3b: {  	_ = 	snop  }
0x3c: {  	p2 =	seq.s32 s10, $0x1;
	s10 =	sld [smem:$0x3FB5]  }
0x3d: {  	_ =	shalt  }
0x3e: {  	_ =	shalt  }
0x3f: {  	_ =	shalt  }
0x40: {  	_ =	shalt  }
0x41: {  	_ =	shalt  }
0x42: {  	_ =	shalt  }
0x43: {  	_ =	shalt  }
0x44: {  	_ =	shalt  }
0x45: {  	_ =	shalt  }
0x46: {  	_ =	shalt  }
0x47: {  	_ =	shalt  }
0x48: {  	_ =	shalt  }
0x49: {  	_ =	shalt  }
0x4a: {  	_ =	shalt  }
0x4b: {  	_ =	shalt  }
0x4c: {  	_ =	shalt  }
0x4d: {  	_ =	shalt  }
0x4e: {  	_ =	shalt  }
0x4f: {  	_ =	shalt  }
0x50: {  	_ =	shalt  }
0x51: {  	_ =	shalt  }
0x52: {  	_ =	shalt  }
0x53: {  	_ =	shalt  }
0x54: {  	_ =	shalt  }
0x55: {  	_ =	shalt  }
0x56: {  	_ =	shalt  }
0x57: {  	_ =	shalt  }
0x58: {  	_ =	shalt  }
0x59: {  	_ =	shalt  }
0x5a: {  	_ =	shalt  }
0x5b: {  	_ =	shalt  }
0x5c: {  	_ =	shalt  }
0x5d: {  	_ =	shalt  }
0x5e: {  	_ =	shalt  }
0x5f: {  	_ =	shalt  }
0x60: {  	_ =	shalt  }
0x61: {  	_ =	shalt  }
0x62: {  	_ =	shalt  }
0x63: {  	_ =	shalt  }
0x64: {  	_ =	shalt  }
0x65: {  	_ =	shalt  }
0x66: {  	_ =	shalt  }
0x67: {  	_ =	shalt  }
0x68: {  	_ =	shalt  }
0x69: {  	_ =	shalt  }
0x6a: {  	_ =	shalt  }
0x6b: {  	_ =	shalt  }
0x6c: {  	_ =	shalt  }
0x6d: {  	_ =	shalt  }
0x6e: {  	_ =	shalt  }
0x6f: {  	_ =	shalt  }
0x70: {  	_ =	shalt  }
0x71: {  	_ =	shalt  }
0x72: {  	_ =	shalt  }
0x73: {  	_ =	shalt  }
0x74: {  	_ =	shalt  }
0x75: {  	_ =	shalt  }
0x76: {  	_ =	shalt  }
0x77: {  	_ =	shalt  }
0x78: {  	_ =	shalt  }
0x79: {  	_ =	shalt  }
0x7a: {  	_ =	shalt  }
0x7b: {  	_ =	shalt  }
0x7c: {  	_ =	shalt  }
0x7d: {  	_ =	shalt  }
0x7e: {  	_ =	shalt  }
0x7f: {  	_ =	shalt  }
0x80: {  	_ =	shalt  }
0x81: {  	_ =	shalt  }
0x82: {  	_ =	shalt  }
0x83: {  	_ =	shalt  }
0x84: {  	_ =	shalt  }
0x85: {  	_ =	shalt  }
0x86: {  	_ =	shalt  }
0x87: {  	_ =	shalt  }
.Lfunc_end0:
.L_simem_size_0:
called_computation_lowered:
.L_overlay_start_0:
0x88: {  	s2 =	sld [smem:$0x3FD9]  }
0x89: {  	s3 =	sld [smem:$0x3FFE];
	_ =	sdelay $0x1  }
0x8a: {  	s1 =	srdreg.scid  }
0x8b: {  	s0 =	sand.u32 $0x1, s1  }
0x8c: {  	s17 =	sshll.u32 s0, $0xA;
	s2 =	sadd.s32 s3, s2  }
0x8d: {  	s2 =	sadd.s32 s2, s17  }
0x8e: {  	[smem:$0x3FC1] =	sst s2  }
0x8f: {  	_ = 	snop  }
0x90: {  	s2 =	sld [smem:$0x3FD0];
	(tm) =	ssettm $0x1  }
0x91: {  	s18 =	sld [smem:$0x3FFB];
	_ =	sdelay $0x3  }
0x92: {  	_ =	strace s18  }
0x93: {  	s3 =	sld [smem:$0x3FFC];
	_ =	sdelay $0x3  }
0x94: {  	_ =	strace s3  }
0x95: {  	s3 =	sld [smem:$0x3FFD];
	_ =	sdelay $0x3  }
0x96: {  	_ =	strace s3  }
0x97: {  	_ =	strace $0x8FFFFFFF  }
0x98: {  	s19 =	sld [smem:$0x3FDB];
	_ =	sdelay $0x1  }
0x99: {  	s4 =	simm.s32 $_scs_section_size  }
0x9a: {  	s5 =	simm.s32 $_size__tile_overlayer_lowered;
	s6 =	simm.s32 $_tile_overlayer_lowered  }
0x9b: {  	s22 =	simm.s32 $0x1BFF;
	s21 =	sshll.u32 s6, $0x1;
	s3 =	sadd.s32 s4, s19  }
0x9c: {  	s7 =	simm.s32 $0x0;
	s20 =	sshll.u32 s5, $0x1;
	s5 =	sadd.s32 s21, s3  }
0x9d: {  	[timem:s7], [sflag:s22] =	dma.local [hbm:s5], s20  }
0x9e: {  	_ =	swait.ge [sflag:s22], s20  }
0x9f: {  	s4 =	ssub.s32 $0x0, s20;
	[sflag:s22] =	ssyncset.done $0x0  }
0xa0: {  	[sflag:s22] =	ssyncadd.s32 s4;
	_ =	sdelay $0x1  }
0xa1: {  	s23 =	simm.s32 $0x1B8B  }
0xa2: {  	_ =	swait.ge [sflag:s23], $0x1  }
0xa3: {  	[sflag:s23] =	ssyncset.done $0x0  }
0xa4: {  	s25 =	simm.s32 $0x1B8E;
	s24 =	sld [smem:$0x3FFE];
	[sflag:s23] =	ssyncadd.s32 $0xFFFFFFFF  }
0xa5: {  	s26 =	simm.s32 $execute0_lowered;
	[smem:$0x3FD2] =	sst s25  }
0xa6: {  	s5 =	sshll.u32 s26, $0x1;
	_ =	strace $0x80000046;
	[dreg:$0x1] =	wrdreg $0xFFFFFFFF  }
0xa7: {  	s28 =	simm.s32 $_size_execute0_lowered;
	s3 =	sadd.s32 s3, s5;
	[dreg:$0x0] =	wrdreg $0x0  }
0xa8: {  	s5 =	sshll.u32 s28, $0x1;
	[dreg:$0x2] =	wrdreg s3  }
0xa9: {  	[dreg:$0x3] =	wrdreg s5  }
0xaa: {  	[dreg:$0x4] =	wrdreg $0xC0  }
0xab: {  	_ =	task [dreg:s7], $0x5FFFF  }
0xac: {  	[dreg:$0x1] =	wrdreg $0xFFFFFFFF  }
0xad: {  	[dreg:$0x0] =	wrdreg $0x60  }
0xae: {  	[dreg:$0x2] =	wrdreg s2  }
0xaf: {  	[dreg:$0x3] =	wrdreg s24  }
0xb0: {  	[dreg:$0x4] =	wrdreg $0x0  }
0xb1: {  	[dreg:$0x5] =	wrdreg $0x9  }
0xb2: {  	_ =	task.clear_ibuf [dreg:s7], $0x6FFFF;
	_ =	strace $0x90000046  }
0xb3: {  	s29 =	simm.s32 $0x9;
	_ =	strace $0x80000048  }
0xb4: {  	_ =	swait.ge [sflag:s29], $0x1  }
0xb5: {  	[sflag:s29] =	ssyncadd.s32 $0xFFFFFFFF  }
0xb6: {  	_ =	strace $0x90000048  }
0xb7: {  	_ =	sfence  }
0xb8: {  	s30 =	sld [smem:$0x0];
	_ =	sdelay $0x2  }
0xb9: {  	s31 =	sshll.u32 s1, $0xD;
	s1 =	sshrl.u32 s1, $0x2  }
0xba: {  	s3 =	sand.u32 $0x4000, s31;
	s1 =	sadd.s32 s1, s30  }
0xbb: {  	s0 =	sor.u32 s3, s0;
	s1 =	sshll.u32 s1, $0x11  }
0xbc: {  	s0 =	sor.u32 s1, s0  }
0xbd: {  	s0 =	sadd.s32 $0x8F2B, s0  }
0xbe: {  	[sflag:s0] =	ssyncadd.remote.s32 $0x1  }
0xbf: {  	_ =	sfence.sel $0xFFFF  }
0xc0: {  	[dreg:$0x0] =	wrdreg $0xFFFFFFFF;
	(pc) =	sbr.abs _section_cstart, $3  }
0xc1: {  	[dreg:$0x1] =	wrdreg $0xFFFFFFFF  }
0xc2: {  	_ =	task.clear_ibuf [dreg:s7], $0x2FFFF;
	_ =	strace $0x9FFFFFFF  }
0xc3: {  	(tm) =	ssettm $0x7FFFFFFF  }
tec
execute0_lowered:
.L_overlay_start_1:
0x0: {  	(tag) =	ssettag $0x1  }
0x1: {  	s1 =	rddreg [dreg:$0x0]  }
0x2: {  	s0 =	rddreg [dreg:$0x1]  }
0x3: {  	s2 =	rddreg [dreg:$0x2];
	s4 =	simm.s32 $0x0;
	s3 =	stileid.u32  }
0x4: {  	s6 =	srdreg.scid;
	s28 =	simm.s32 $0x80;
	s29 =	simm.s32 $0x18C00  }
0x5: {  	s30 =	simm.s32 $0x1;
	s31 =	simm.s32 $0x0;
	[smem:$0x7FF] =	sst s4  }
0x6: {  	s5 =	sadd.s32 $0x62200, s0;
	s8 =	smul.u32 $0x500, s3;
	s17 =	sand.u32 $0x1, s6  }
0x7: {  	s6 =	sadd.s32 $0x13E00, s0;
	s13 =	smul.u32 $0x2700, s3;
	s7 =	sadd.s32 $0x3B000, s0  }
0x8: {  	s11 =	smul.u32 $0x4E000, s3;
	p6 =	seq.s32 s3, $0xF;
	s12 =	sadd.s32 $0x138800, s2  }
0x9: {  	s14 =	sadd.s32 $0x38700, s0;
	p3 =	sne.s32 s3, $0xF;
	s25 =	sadd.s32 $0xADD00, s0  }
0xa: {  	_ =	strace $0x80000047;
	s9 =	ssub.s32 $0x2, s17;
	p2 =	seq.s32 s17, $0x1  }
0xb: {  	p0 =	seq.s32 s17, $0x0;
	[dreg:$0x4] =	wrdreg s25;
	s25 =	simm.s32 $0x2  }
0xc: {  	s10 =	sshrl.u32 s9, $0x1;
	s16 =	sadd.s32 s8, s0;
	s20 =	sadd.s32 s13, s0  }
0xd: {  	s24 =	sshrl.u32 s11, $0x2;
	s11 =	sadd.s32 $0x5F900, s0;
	p4 =	por !p0, !p3  }
0xe: {  	p5 =	por !p0, !p6;
	s0 =	sadd.s32 $0xD4F00, s0;
	p3 =	por !p3, !p2  }
0xf: {  	p6 =	por !p6, !p2;
	s21 =	ssub.s32 s9, s10;
	s8 =	sadd.s32 s24, s2  }
0x10: {  	p1 =	por !p5, !p5;
	s26 =	sadd.s32 $0x89400, s20;
	[dreg:$0x6] =	wrdreg s0  }
0x11: {  	p2 =	por !p3, !p3;
	p3 =	por !p6, !p6;
	s18 =	simm.s32 @!p1 $0x0  }
0x12: {  	[dreg:$0x5] =	wrdreg s26;
	s0 =	simm.s32 @!p3 $0x0;
	s18 =	simm.s32 @p1 $0x1  }
0x13: {  	s9 =	sadd.s32 $0x124800, s2;
	s0 =	simm.s32 @p3 $0x1;
	[smem:$0x7FA] =	sst s18  }
0x14: {  	p0 =	por !p4, !p4;
	p1 =	sne.s32 s17, $0x0;
	[smem:$0x7FC] =	sst s0  }
0x15: {  	s19 =	sadd.s32 $0xB0600, s20;
	p4 =	seq.s32 @p1 s3, $0xF;
	s20 =	sld [smem:$0x7FA]  }
0x16: {  	p6 =	sne.s32 @!p1 s3, $0xF;
	s0 =	simm.s32 @!p1 $0x0;
	p3 =	por !p4, !p1  }
0x17: {  	p4 =	por p4, !p1;
	p5 =	por !p6, p1;
	s0 =	simm.s32 @p1 $0x1  }
0x18: {  	p6 =	por p6, p1;
	s26 =	sld [smem:$0x7FC];
	p1 =	seq.s32 s20, $0x1  }
0x19: {  	s10 =	sadd.s32 s7, s13;
	s13 =	sadd.s32 s6, s13;
	p1 =	por !p1, p0  }
0x1a: {  	s15 =	sadd.s32 $0xEE00, s16;
	[smem:$0x7F9] =	sst s0;
	s0 =	simm.s32 @!p1 $0x0  }
.Ltmp0:
0x1b: {  	s0 =	simm.s32 @p1 $0x1;
	p1 =	seq.s32 s26, $0x1;
	(pc) =	sbr.rel .LBB2_1-.Ltmp0, $4  }
0x1c: {  	s16 =	sadd.s32 $0x9E00, s16;
	[dreg:$0x7] =	wrdreg s19;
	p1 =	por !p1, p2  }
0x1d: {  	s24 =	simm.s32 $0x13C00;
	[smem:$0x7FB] =	sst s0;
	s0 =	simm.s32 @!p1 $0x0  }
0x1e: {  	s21 =	smax.u32 s21, $0x1;
	s22 =	sshrl.u32 @!p3 s9, $0x3;
	s0 =	simm.s32 @p1 $0x1  }
0x1f: {  	s23 =	sshrl.u32 @!p3 s12, $0x3;
	s26 =	simm.s32 $0x16400;
	[smem:$0x7FD] =	sst s0  }
.LBB2_7:
0x20: {  	s17 =	sadd.s32 $0x13C00, s0;
	[sflag:s25] =	ssyncadd.s32 $0xFFFFC000  }
0x21: {  	[tilespmem:s29], [sflag:$0x1] =	stream.indirect.gather [hbm4b:s5+s28], $0x80, s17, s28, $0xb8;
	[tilespmem:$0x1CC00] =	vst v63  }
0x22: {  	_ =	swait.ge [sflag:s30], $0x4000  }
0x23: {  	[sflag:s30] =	ssyncset.done $0x0  }
0x24: {  	s19 =	sadd.s32 $0x16400, s0;
	[sflag:s30] =	ssyncadd.s32 $0xFFFFC000  }
0x25: {  	[spmem:s2] =	stream.indirect.scatter.add.f32 [tilespmem:s29], [sflag:$0x2], $0x80, s19, s28, $0xb8;
	[tilespmem:$0x1CC00] =	vst v63  }
0x26: {  	_ =	swait.ge [sflag:s25], $0x4000  }
0x27: {  	[sflag:s25] =	ssyncset.done $0x0  }
0x28: {  	[sflag:s25] =	ssyncadd.s32 $0xFFFFC000  }
0x29: {  	[bflag:$0x0] =	sbarrier.arrive $0xFFFF  }
0x2a: {  	s20 =	sld [smem:$0x7FD];
	_ =	sdelay $0x2  }
0x2b: {  	p1 =	seq.s32 s20, $0x1  }
0x2c: {  	s18 =	rddreg [dreg:$0x6];
	s0 =	sshrl.u32 @!p1 s9, $0x3;
	s17 =	simm.s32 @!p1 $0x1FC2  }
0x2d: {  	[hbm:s18], [sflag:s17] =	dma.local @!p1 [spmem:s0], $0x2800  }
0x2e: {  	s0 =	simm.s32 @!p1 $0x2  }
0x2f: {  	_ =	swait.ge @!p1 [sflag:s0], $0x2800  }
0x30: {  	s17 =	sshll.u32 @p2 s3, $0x6;
	[sflag:s0] =	ssyncset.done @!p1 $0x0;
	s18 =	rddreg [dreg:$0x7]  }
0x31: {  	[sflag:s0] =	ssyncadd.s32 @!p1 $0xFFFFD800;
	s0 =	sor.u32 @p2 $0x1C02, s17;
	s17 =	sshrl.u32 @p2 s8, $0x3  }
0x32: {  	[hbm:s18], [sflag:s0] =	dma.local @p2 [spmem:s17], $0x2700  }
0x33: {  	s0 =	simm.s32 @p2 $0x2  }
0x34: {  	_ =	swait.ge @p2 [sflag:s0], $0x2700  }
0x35: {  	[sflag:s0] =	ssyncset.done @p2 $0x0  }
0x36: {  	[sflag:s0] =	ssyncadd.s32 @p2 $0xFFFFD900  }
.LBB2_8:
0x37: {  	s31 =	sadd.s32 $0x1, s31  }
0x38: {  	p1 =	sne.s32 s31, s21  }
.Ltmp1:
0x39: {  	_ = 	snop;
	(pc) =	sbr.rel @!p1 .LBB2_9-.Ltmp1, $1  }
0x3a: {  	_ =	sdelay $0x3  }
.LBB2_1:
0x3b: {  	s0 =	simm.s32 @!p3 $0x1FC2;
	s17 =	simm.s32 @!p3 $0x2  }
0x3c: {  	[spmem:s22], [sflag:s0] =	dma.local @!p3 [hbm:s11], $0x2800  }
0x3d: {  	_ =	swait.ge @!p3 [sflag:s17], $0x2800  }
0x3e: {  	[sflag:s17] =	ssyncset.done @!p3 $0x0  }
0x3f: {  	[sflag:s17] =	ssyncadd.s32 @!p3 $0xFFFFD800  }
0x40: {  	[spmem:s23], [sflag:s0] =	dma.local @!p3 [hbm:s7], $0x700  }
0x41: {  	_ =	swait.ge @!p3 [sflag:s17], $0x700  }
0x42: {  	s0 =	sshll.u32 @!p4 s3, $0x6;
	[sflag:s17] =	ssyncset.done @!p3 $0x0  }
0x43: {  	s0 =	sor.u32 @!p4 $0x1C02, s0;
	[sflag:s17] =	ssyncadd.s32 @!p3 $0xFFFFF900;
	s17 =	sshrl.u32 @!p4 s8, $0x3  }
0x44: {  	[spmem:s17], [sflag:s0] =	dma.local @!p4 [hbm:s10], $0x2700  }
0x45: {  	s0 =	simm.s32 @!p4 $0x2  }
0x46: {  	_ =	swait.ge @!p4 [sflag:s0], $0x2700  }
0x47: {  	s17 =	sshll.u32 @!p5 s3, $0x6;
	[sflag:s0] =	ssyncset.done @!p4 $0x0  }
0x48: {  	[sflag:s0] =	ssyncadd.s32 @!p4 $0xFFFFD900;
	s0 =	sor.u32 @!p5 $0x1C02, s17;
	s17 =	sshrl.u32 @!p5 s8, $0x3  }
0x49: {  	[spmem:s17], [sflag:s0] =	dma.local @!p5 [hbm:s13], $0x2700  }
0x4a: {  	s0 =	simm.s32 @!p5 $0x2  }
0x4b: {  	_ =	swait.ge @!p5 [sflag:s0], $0x2700  }
0x4c: {  	[sflag:s0] =	ssyncset.done @!p5 $0x0  }
0x4d: {  	s17 =	simm.s32 @!p6 $0x1FC2;
	[sflag:s0] =	ssyncadd.s32 @!p5 $0xFFFFD900;
	s0 =	sshrl.u32 @!p6 s9, $0x3  }
0x4e: {  	[spmem:s0], [sflag:s17] =	dma.local @!p6 [hbm:s14], $0x2800  }
0x4f: {  	s0 =	simm.s32 @!p6 $0x2  }
0x50: {  	_ =	swait.ge @!p6 [sflag:s0], $0x2800  }
0x51: {  	[sflag:s0] =	ssyncset.done @!p6 $0x0  }
0x52: {  	s18 =	sshrl.u32 @!p6 s12, $0x3;
	[sflag:s0] =	ssyncadd.s32 @!p6 $0xFFFFD800  }
0x53: {  	[spmem:s18], [sflag:s17] =	dma.local @!p6 [hbm:s6], $0x700  }
0x54: {  	_ =	swait.ge @!p6 [sflag:s0], $0x700  }
0x55: {  	[sflag:s0] =	ssyncset.done @!p6 $0x0  }
0x56: {  	[sflag:s0] =	ssyncadd.s32 @!p6 $0xFFFFF900  }
0x57: {  	[tilespmem:s24], [sflag:$0x2] =	stream.linear.gather [hbm4b:s15+s4], $0x2780, $0x38;
	[tilespmem:$0x1CC00] =	vst v63  }
0x58: {  	_ =	swait.ge [sflag:s25], $0x2780  }
0x59: {  	[sflag:s25] =	ssyncset.done $0x0  }
0x5a: {  	[sflag:s25] =	ssyncadd.s32 $0xFFFFD880  }
0x5b: {  	[tilespmem:s26], [sflag:$0x2] =	stream.linear.gather [hbm4b:s16+s4], $0x2780, $0x38;
	[tilespmem:$0x1CC00] =	vst v63  }
0x5c: {  	_ =	swait.ge [sflag:s25], $0x2780  }
0x5d: {  	[sflag:s25] =	ssyncset.done $0x0  }
0x5e: {  	[sflag:s25] =	ssyncadd.s32 $0xFFFFD880  }
0x5f: {  	[bflag:$0x0] =	sbarrier.arrive $0xFFFF  }
0x60: {  	s20 =	sld [smem:$0x7F9];
	_ =	sdelay $0x2  }
0x61: {  	p1 =	seq.s32 s20, $0x1  }
.Ltmp2:
0x62: {  	_ = 	snop;
	(pc) =	sbr.rel @p1 .LBB2_5-.Ltmp2, $1  }
0x63: {  	_ =	sdelay $0x3  }
0x64: {  	s0 =	simm.s32 $0x13C00  }
0x65: {  	[tilespmem:s29], [sflag:$0x1] =	stream.indirect.gather [hbm4b:s1+s28], $0x80, s0, s28, $0xb8;
	[tilespmem:$0x1CC00] =	vst v63  }
0x66: {  	_ =	swait.ge [sflag:s30], $0x4000  }
0x67: {  	[sflag:s30] =	ssyncset.done $0x0  }
0x68: {  	s20 =	simm.s32 $0x16400;
	[sflag:s30] =	ssyncadd.s32 $0xFFFFC000  }
0x69: {  	[spmem:s2] =	stream.indirect.scatter.add.f32 [tilespmem:s29], [sflag:$0x2], $0x80, s20, s28, $0xb8;
	[tilespmem:$0x1CC00] =	vst v63  }
0x6a: {  	_ =	swait.ge [sflag:s25], $0x4000  }
0x6b: {  	s17 =	simm.s32 $0x400;
	s0 =	simm.s32 $0x80;
	[sflag:s25] =	ssyncset.done $0x0  }
.LBB2_3:
0x6c: {  	s18 =	sadd.s32 $0x13C00, s0  }
0x6d: {  	[sflag:s25] =	ssyncadd.s32 $0xFFFFC000;
	s19 =	smov.u32 s17;
	s20 =	sadd.s32 $0x200, s17  }
0x6e: {  	[tilespmem:s29], [sflag:$0x1] =	stream.indirect.gather [hbm4b:s1+s28], $0x80, s18, s28, $0xb8;
	[tilespmem:$0x1CC00] =	vst v63  }
0x6f: {  	p1 =	seq.s32 s17, $0x9C00;
	_ =	swait.ge [sflag:s30], $0x4000  }
.Ltmp3:
0x70: {  	[sflag:s30] =	ssyncset.done $0x0;
	(pc) =	sbr.rel @!p1 .LBB2_3-.Ltmp3, $4  }
0x71: {  	s0 =	sadd.s32 $0x16400, s0;
	[sflag:s30] =	ssyncadd.s32 $0xFFFFC000  }
0x72: {  	[spmem:s2] =	stream.indirect.scatter.add.f32 [tilespmem:s29], [sflag:$0x2], $0x80, s0, s28, $0xb8;
	[tilespmem:$0x1CC00] =	vst v63  }
0x73: {  	_ =	swait.ge [sflag:s25], $0x4000  }
0x74: {  	s17 =	smov.u32 s20;
	s0 =	sshra.s32 s19, $0x2;
	[sflag:s25] =	ssyncset.done $0x0  }
0x75: {  	s17 =	sadd.s32 $0x13C00, s0;
	[sflag:s25] =	ssyncadd.s32 $0xFFFFC000  }
0x76: {  	[tilespmem:s29], [sflag:$0x1] =	stream.indirect.gather [hbm4b:s1+s28], $0x80, s17, s28, $0xb8;
	[tilespmem:$0x1CC00] =	vst v63  }
0x77: {  	_ =	swait.ge [sflag:s30], $0x4000  }
0x78: {  	[sflag:s30] =	ssyncset.done $0x0  }
0x79: {  	s19 =	sadd.s32 $0x16400, s0;
	[sflag:s30] =	ssyncadd.s32 $0xFFFFC000  }
0x7a: {  	[spmem:s2] =	stream.indirect.scatter.add.f32 [tilespmem:s29], [sflag:$0x2], $0x80, s19, s28, $0xb8;
	[tilespmem:$0x1CC00] =	vst v63  }
0x7b: {  	_ =	swait.ge [sflag:s25], $0x4000  }
0x7c: {  	[sflag:s25] =	ssyncset.done $0x0  }
0x7d: {  	[sflag:s25] =	ssyncadd.s32 $0xFFFFC000  }
0x7e: {  	[bflag:$0x0] =	sbarrier.arrive $0xFFFF  }
0x7f: {  	s20 =	sld [smem:$0x7FB];
	_ =	sdelay $0x2  }
0x80: {  	p1 =	seq.s32 s20, $0x1  }
0x81: {  	s18 =	rddreg [dreg:$0x4];
	s0 =	sshrl.u32 @!p1 s9, $0x3;
	s17 =	simm.s32 @!p1 $0x1FC2  }
0x82: {  	[hbm:s18], [sflag:s17] =	dma.local @!p1 [spmem:s0], $0x2800  }
0x83: {  	s0 =	simm.s32 @!p1 $0x2  }
0x84: {  	_ =	swait.ge @!p1 [sflag:s0], $0x2800  }
0x85: {  	s17 =	sshll.u32 @p0 s3, $0x6;
	[sflag:s0] =	ssyncset.done @!p1 $0x0;
	s18 =	rddreg [dreg:$0x5]  }
0x86: {  	[sflag:s0] =	ssyncadd.s32 @!p1 $0xFFFFD800;
	s0 =	sor.u32 @p0 $0x1C02, s17;
	s17 =	sshrl.u32 @p0 s8, $0x3  }
0x87: {  	[hbm:s18], [sflag:s0] =	dma.local @p0 [spmem:s17], $0x2700  }
.Ltmp4:
0x88: {  	_ = 	snop;
	(pc) =	sbr.rel .LBB2_8-.Ltmp4, $4  }
0x89: {  	s0 =	simm.s32 @p0 $0x2  }
0x8a: {  	_ =	swait.ge @p0 [sflag:s0], $0x2700  }
0x8b: {  	[sflag:s0] =	ssyncset.done @p0 $0x0  }
0x8c: {  	[sflag:s0] =	ssyncadd.s32 @p0 $0xFFFFD900  }
.LBB2_5:
0x8d: {  	s0 =	simm.s32 $0x13C00  }
0x8e: {  	[tilespmem:s29], [sflag:$0x1] =	stream.indirect.gather [hbm4b:s5+s28], $0x80, s0, s28, $0xb8;
	[tilespmem:$0x1CC00] =	vst v63  }
0x8f: {  	_ =	swait.ge [sflag:s30], $0x4000  }
0x90: {  	[sflag:s30] =	ssyncset.done $0x0  }
0x91: {  	s20 =	simm.s32 $0x16400;
	[sflag:s30] =	ssyncadd.s32 $0xFFFFC000  }
0x92: {  	[spmem:s2] =	stream.indirect.scatter.add.f32 [tilespmem:s29], [sflag:$0x2], $0x80, s20, s28, $0xb8;
	[tilespmem:$0x1CC00] =	vst v63  }
0x93: {  	_ =	swait.ge [sflag:s25], $0x4000  }
0x94: {  	s17 =	simm.s32 $0x400;
	s0 =	simm.s32 $0x80;
	[sflag:s25] =	ssyncset.done $0x0  }
.LBB2_6:
0x95: {  	s18 =	sadd.s32 $0x13C00, s0  }
0x96: {  	[sflag:s25] =	ssyncadd.s32 $0xFFFFC000;
	s19 =	smov.u32 s17;
	s20 =	sadd.s32 $0x200, s17  }
0x97: {  	[tilespmem:s29], [sflag:$0x1] =	stream.indirect.gather [hbm4b:s5+s28], $0x80, s18, s28, $0xb8;
	[tilespmem:$0x1CC00] =	vst v63  }
0x98: {  	p1 =	seq.s32 s17, $0x9C00;
	_ =	swait.ge [sflag:s30], $0x4000  }
.Ltmp5:
0x99: {  	[sflag:s30] =	ssyncset.done $0x0;
	(pc) =	sbr.rel @!p1 .LBB2_6-.Ltmp5, $4  }
0x9a: {  	s0 =	sadd.s32 $0x16400, s0;
	[sflag:s30] =	ssyncadd.s32 $0xFFFFC000  }
0x9b: {  	[spmem:s2] =	stream.indirect.scatter.add.f32 [tilespmem:s29], [sflag:$0x2], $0x80, s0, s28, $0xb8;
	[tilespmem:$0x1CC00] =	vst v63  }
0x9c: {  	_ =	swait.ge [sflag:s25], $0x4000  }
0x9d: {  	s17 =	smov.u32 s20;
	s0 =	sshra.s32 s19, $0x2;
	[sflag:s25] =	ssyncset.done $0x0  }
.Ltmp6:
0x9e: {  	_ = 	snop;
	(pc) =	sbr.rel .LBB2_7-.Ltmp6, $1  }
0x9f: {  	_ =	sdelay $0x3  }
.LBB2_9:
0xa0: {  	_ =	sfence.sel $0x180000  }
0xa1: {  	[bflag:$0x0] =	sbarrier.arrive $0xFFFF  }
0xa2: {  	_ =	strace $0x90000047  }
0xa3: {  	[bflag:$0x2] =	sbarrier.arrive $0xFFFF  }
0xa4: {  	p0 =	sne.s32 s3, $0x0;
	s0 =	rddreg [dreg:$0x3]  }
0xa5: {  	s0 =	sadd.s32 @!p0 $0x100000, s0  }
0xa6: {  	[sflag:s0] =	ssyncadd.tile.s32 @!p0 $0x1;
	_ =	shalt  }
.Lfunc_end2:
_tile_overlayer_lowered:
.L_overlay_start_2:
0xa7: {  	(tag) =	ssettag $0x2  }
0xa8: {  	s0 =	rddreg [dreg:$0x0];
	s2 =	stileid.u32  }
0xa9: {  	s1 =	rddreg [dreg:$0x1];
	p0 =	sne.s32 s2, $0x0  }
0xaa: {  	s3 =	rddreg [dreg:$0x2];
	[bflag:$0x3] =	sbarrier.arrive $0xFFFF;
	s2 =	simm.s32 @!p0 $0x1C02  }
0xab: {  	[timem:s3], [sflag:s2] =	dma.local @!p0 [hbm:s0], s1  }
0xac: {  	s0 =	simm.s32 @!p0 $0x2  }
0xad: {  	_ =	swait.ge @!p0 [sflag:s0], s1  }
0xae: {  	s1 =	ssub.s32 @!p0 $0x0, s1;
	[sflag:s0] =	ssyncset.done @!p0 $0x0  }
0xaf: {  	[sflag:s0] =	ssyncadd.s32 @!p0 s1  }
0xb0: {  	[bflag:$0x3] =	sbarrier.arrive $0xFFFF  }
0xb1: {  	_ =	shalt  }

// kernel: kernel.22.cloned.1.call-start
scs
__scs_entry_jumppad:
0x0: {  	(pc) =	sbr.rel $0x88, $3  }
0x1: {  	(tag) =	ssettag $0x0;
	lr =	simm.s32 $0x1  }
0x2: {  	[smem:$0x3F9A] =	sst lr;
	_ =	strace $0xD0000000  }
0x3: {  	_ = 	snop  }
0x4: {  	_ = 	snop  }
0x5: {  	_ = 	snop  }
0x6: {  	_ = 	snop  }
0x7: {  	_ = 	snop  }
__scs_overlays_trampoline_lowered:
0x8: {  	[smem:$0x3FA9] =	sst s0  }
0x9: {  	[smem:$0x3FAA] =	sst s1  }
0xa: {  	[smem:$0x3FAB] =	sst s2  }
0xb: {  	[smem:$0x3FAC] =	sst s3  }
0xc: {  	[smem:$0x3FAD] =	sst s4  }
0xd: {  	[smem:$0x3FAE] =	sst s5  }
0xe: {  	[smem:$0x3FAF] =	sst s6  }
0xf: {  	[smem:$0x3FB0] =	sst s7  }
0x10: {  	[smem:$0x3FB1] =	sst s8  }
0x11: {  	[smem:$0x3FB2] =	sst s9;
	s0 =	simm.s32 @!p0 $0x0  }
0x12: {  	s1 =	sld [smem:$0x3F98];
	s0 =	simm.s32 @p0 $0x1  }
0x13: {  	[smem:$0x3FB3] =	sst s0;
	s0 =	simm.s32 @!p1 $0x0  }
0x14: {  	s2 =	sld [smem:$0x3F97];
	s0 =	simm.s32 @p1 $0x1  }
0x15: {  	[smem:$0x3FB4] =	sst s0;
	s0 =	simm.s32 @!p2 $0x0  }
0x16: {  	s3 =	sld [smem:$0x3FDB];
	s0 =	simm.s32 @p2 $0x1  }
0x17: {  	s4 =	simm.s32 $0x1BF5;
	[smem:$0x3FB6] =	sst s0  }
0x18: {  	s0 =	sld [smem:$0x3F99];
	_ =	swait.ge [sflag:s4], $0x0  }
0x19: {  	s7 =	sld [smem:$0x3F9A]  }
0x1a: {  	s8 =	sadd.s32 $0xFFFFE003, lr  }
0x1b: {  	s9 =	sadd.s32 $0xFFFFFEF7, lr;
	s5 =	simm.s32 $0xFFFFFFFF;
	p2 =	slt.u32 s8, $0xFFFFF086  }
0x1c: {  	p1 =	slt.u32 s9, $0xF7A;
	s5 =	simm.s32 @!p2 $0x0  }
0x1d: {  	s5 =	simm.s32 @p1 $0x1;
	p0 =	seq.s32 s7, s2  }
0x1e: {  	s7 =	smul.u32 @!p0 $0xF7A, s2;
	p2 =	seq.s32 @!p0 s5, $0x0  }
0x1f: {  	s9 =	smul.u32 $0xF7A, s1;
	s8 =	simm.s32 @!p0 $0x1BF5;
	p2 =	por !p2, p0  }
0x20: {  	[sflag:s8] =	ssyncset.s32 @!p0 $0xFFFFF086;
	s6 =	sadd.s32 @!p0 s3, s7;
	s7 =	simm.s32 @!p0 $0x108  }
0x21: {  	s3 =	sadd.s32 s3, s9;
	s6 =	sadd.s32 @!p0 $0x88, s6;
	s7 =	simm.s32 @p2 $0x1082  }
0x22: {  	[simem:s7], [sflag:s8] =	dma.local @!p0 [hbm:s6], $0xF7A  }
0x23: {  	s9 =	sor.u32 $0xD0000000, s2;
	s6 =	simm.s32 $0x108;
	_ =	swait.ge @!p0 [sflag:s8], $0x0  }
0x24: {  	s3 =	sadd.s32 $0x88, s3;
	s6 =	simm.s32 @!p1 $0x1082;
	[sflag:s4] =	ssyncset.s32 $0xFFFFF086  }
0x25: {  	[simem:s6], [sflag:s4] =	dma.local [hbm:s3], $0xF7A  }
0x26: {  	[smem:$0x3F9A] =	sst s1;
	(tag) =	ssettag s2;
	_ =	strace s9  }
0x27: {  	s1 =	sld [smem:$0x3FAA]  }
0x28: {  	s2 =	sld [smem:$0x3FAB]  }
0x29: {  	s4 =	sld [smem:$0x3FAD]  }
0x2a: {  	p0 =	seq.s32 s5, $0x0;
	s5 =	sld [smem:$0x3FAE]  }
0x2b: {  	s6 =	sld [smem:$0x3FAF]  }
0x2c: {  	s7 =	sld [smem:$0x3FB0]  }
0x2d: {  	s3 =	simm.s32 $0x108;
	s8 =	sld [smem:$0x3FB1]  }
0x2e: {  	s3 =	simm.s32 @!p0 $0x1082;
	s9 =	sld [smem:$0x3FB2]  }
0x2f: {  	lr =	sadd.s32 s0, s3;
	s0 =	sld [smem:$0x3FA9]  }
0x30: {  	s3 =	sld [smem:$0x3FAC]  }
0x31: {  	[smem:$0x3FB5] =	sst s10  }
0x32: {  	s10 =	sld [smem:$0x3FB3];
	_ =	sdelay $0x3  }
0x33: {  	p0 =	seq.s32 s10, $0x1;
	s10 =	sld [smem:$0x3FB5];
	_ =	sdelay $0x3  }
0x34: {  	[smem:$0x3FB5] =	sst s10  }
0x35: {  	s10 =	sld [smem:$0x3FB4];
	_ =	sdelay $0x3  }
0x36: {  	p1 =	seq.s32 s10, $0x1;
	s10 =	sld [smem:$0x3FB5];
	_ =	sdelay $0x3  }
0x37: {  	[smem:$0x3FB5] =	sst s10  }
0x38: {  	s10 =	sld [smem:$0x3FB6]  }
0x39: {  	_ = 	snop;
	(pc) =	sbr.ind lr, $3  }
0x3a: {  	_ = 	snop  }
0x3b: {  	_ = 	snop  }
0x3c: {  	p2 =	seq.s32 s10, $0x1;
	s10 =	sld [smem:$0x3FB5]  }
0x3d: {  	_ =	shalt  }
0x3e: {  	_ =	shalt  }
0x3f: {  	_ =	shalt  }
0x40: {  	_ =	shalt  }
0x41: {  	_ =	shalt  }
0x42: {  	_ =	shalt  }
0x43: {  	_ =	shalt  }
0x44: {  	_ =	shalt  }
0x45: {  	_ =	shalt  }
0x46: {  	_ =	shalt  }
0x47: {  	_ =	shalt  }
0x48: {  	_ =	shalt  }
0x49: {  	_ =	shalt  }
0x4a: {  	_ =	shalt  }
0x4b: {  	_ =	shalt  }
0x4c: {  	_ =	shalt  }
0x4d: {  	_ =	shalt  }
0x4e: {  	_ =	shalt  }
0x4f: {  	_ =	shalt  }
0x50: {  	_ =	shalt  }
0x51: {  	_ =	shalt  }
0x52: {  	_ =	shalt  }
0x53: {  	_ =	shalt  }
0x54: {  	_ =	shalt  }
0x55: {  	_ =	shalt  }
0x56: {  	_ =	shalt  }
0x57: {  	_ =	shalt  }
0x58: {  	_ =	shalt  }
0x59: {  	_ =	shalt  }
0x5a: {  	_ =	shalt  }
0x5b: {  	_ =	shalt  }
0x5c: {  	_ =	shalt  }
0x5d: {  	_ =	shalt  }
0x5e: {  	_ =	shalt  }
0x5f: {  	_ =	shalt  }
0x60: {  	_ =	shalt  }
0x61: {  	_ =	shalt  }
0x62: {  	_ =	shalt  }
0x63: {  	_ =	shalt  }
0x64: {  	_ =	shalt  }
0x65: {  	_ =	shalt  }
0x66: {  	_ =	shalt  }
0x67: {  	_ =	shalt  }
0x68: {  	_ =	shalt  }
0x69: {  	_ =	shalt  }
0x6a: {  	_ =	shalt  }
0x6b: {  	_ =	shalt  }
0x6c: {  	_ =	shalt  }
0x6d: {  	_ =	shalt  }
0x6e: {  	_ =	shalt  }
0x6f: {  	_ =	shalt  }
0x70: {  	_ =	shalt  }
0x71: {  	_ =	shalt  }
0x72: {  	_ =	shalt  }
0x73: {  	_ =	shalt  }
0x74: {  	_ =	shalt  }
0x75: {  	_ =	shalt  }
0x76: {  	_ =	shalt  }
0x77: {  	_ =	shalt  }
0x78: {  	_ =	shalt  }
0x79: {  	_ =	shalt  }
0x7a: {  	_ =	shalt  }
0x7b: {  	_ =	shalt  }
0x7c: {  	_ =	shalt  }
0x7d: {  	_ =	shalt  }
0x7e: {  	_ =	shalt  }
0x7f: {  	_ =	shalt  }
0x80: {  	_ =	shalt  }
0x81: {  	_ =	shalt  }
0x82: {  	_ =	shalt  }
0x83: {  	_ =	shalt  }
0x84: {  	_ =	shalt  }
0x85: {  	_ =	shalt  }
0x86: {  	_ =	shalt  }
0x87: {  	_ =	shalt  }
.Lfunc_end0:
.L_simem_size_0:
called_computation.1_lowered:
.L_overlay_start_0:
0x88: {  	s2 =	sld [smem:$0x3FD9]  }
0x89: {  	s3 =	sld [smem:$0x3FFE];
	_ =	sdelay $0x1  }
0x8a: {  	s1 =	srdreg.scid  }
0x8b: {  	s0 =	sand.u32 $0x1, s1  }
0x8c: {  	s17 =	sshll.u32 s0, $0xA;
	s2 =	sadd.s32 s3, s2  }
0x8d: {  	s2 =	sadd.s32 s2, s17  }
0x8e: {  	[smem:$0x3FC1] =	sst s2  }
0x8f: {  	_ = 	snop  }
0x90: {  	s2 =	sld [smem:$0x3FD0];
	(tm) =	ssettm $0x1  }
0x91: {  	s18 =	sld [smem:$0x3FFB];
	_ =	sdelay $0x3  }
0x92: {  	_ =	strace s18  }
0x93: {  	s3 =	sld [smem:$0x3FFC];
	_ =	sdelay $0x3  }
0x94: {  	_ =	strace s3  }
0x95: {  	s3 =	sld [smem:$0x3FFD];
	_ =	sdelay $0x3  }
0x96: {  	_ =	strace s3  }
0x97: {  	_ =	strace $0x8FFFFFFF  }
0x98: {  	s19 =	sld [smem:$0x3FDB];
	_ =	sdelay $0x1  }
0x99: {  	s4 =	simm.s32 $_scs_section_size  }
0x9a: {  	s5 =	simm.s32 $_size__tile_overlayer_lowered;
	s6 =	simm.s32 $_tile_overlayer_lowered  }
0x9b: {  	s22 =	simm.s32 $0x1BFF;
	s21 =	sshll.u32 s6, $0x1;
	s3 =	sadd.s32 s4, s19  }
0x9c: {  	s7 =	simm.s32 $0x0;
	s20 =	sshll.u32 s5, $0x1;
	s5 =	sadd.s32 s21, s3  }
0x9d: {  	[timem:s7], [sflag:s22] =	dma.local [hbm:s5], s20  }
0x9e: {  	_ =	swait.ge [sflag:s22], s20  }
0x9f: {  	s4 =	ssub.s32 $0x0, s20;
	[sflag:s22] =	ssyncset.done $0x0  }
0xa0: {  	[sflag:s22] =	ssyncadd.s32 s4;
	_ =	sdelay $0x1  }
0xa1: {  	s23 =	simm.s32 $0x1B8B  }
0xa2: {  	_ =	swait.ge [sflag:s23], $0x1  }
0xa3: {  	[sflag:s23] =	ssyncset.done $0x0  }
0xa4: {  	s25 =	simm.s32 $0x1B8E;
	s24 =	sld [smem:$0x3FFE];
	[sflag:s23] =	ssyncadd.s32 $0xFFFFFFFF  }
0xa5: {  	s26 =	simm.s32 $execute0_lowered;
	[smem:$0x3FD2] =	sst s25  }
0xa6: {  	s5 =	sshll.u32 s26, $0x1;
	_ =	strace $0x80000049;
	[dreg:$0x1] =	wrdreg $0xFFFFFFFF  }
0xa7: {  	s28 =	simm.s32 $_size_execute0_lowered;
	s3 =	sadd.s32 s3, s5;
	[dreg:$0x0] =	wrdreg $0x0  }
0xa8: {  	s5 =	sshll.u32 s28, $0x1;
	[dreg:$0x2] =	wrdreg s3  }
0xa9: {  	[dreg:$0x3] =	wrdreg s5  }
0xaa: {  	[dreg:$0x4] =	wrdreg $0xC0  }
0xab: {  	_ =	task [dreg:s7], $0x5FFFF  }
0xac: {  	[dreg:$0x1] =	wrdreg $0xFFFFFFFF  }
0xad: {  	[dreg:$0x0] =	wrdreg $0x60  }
0xae: {  	[dreg:$0x2] =	wrdreg s2  }
0xaf: {  	[dreg:$0x3] =	wrdreg s24  }
0xb0: {  	[dreg:$0x4] =	wrdreg $0x0  }
0xb1: {  	[dreg:$0x5] =	wrdreg $0x9  }
0xb2: {  	_ =	task.clear_ibuf [dreg:s7], $0x6FFFF;
	_ =	strace $0x90000049  }
0xb3: {  	s29 =	simm.s32 $0x9;
	_ =	strace $0x8000004B  }
0xb4: {  	_ =	swait.ge [sflag:s29], $0x1  }
0xb5: {  	[sflag:s29] =	ssyncadd.s32 $0xFFFFFFFF  }
0xb6: {  	_ =	strace $0x9000004B  }
0xb7: {  	_ =	sfence  }
0xb8: {  	s30 =	sld [smem:$0x0];
	_ =	sdelay $0x2  }
0xb9: {  	s31 =	sshll.u32 s1, $0xD;
	s1 =	sshrl.u32 s1, $0x2  }
0xba: {  	s3 =	sand.u32 $0x4000, s31;
	s1 =	sadd.s32 s1, s30  }
0xbb: {  	s0 =	sor.u32 s3, s0;
	s1 =	sshll.u32 s1, $0x11  }
0xbc: {  	s0 =	sor.u32 s1, s0  }
0xbd: {  	s0 =	sadd.s32 $0x8F2B, s0  }
0xbe: {  	[sflag:s0] =	ssyncadd.remote.s32 $0x1  }
0xbf: {  	_ =	sfence.sel $0xFFFF  }
0xc0: {  	[dreg:$0x0] =	wrdreg $0xFFFFFFFF;
	(pc) =	sbr.abs _section_cstart, $3  }
0xc1: {  	[dreg:$0x1] =	wrdreg $0xFFFFFFFF  }
0xc2: {  	_ =	task.clear_ibuf [dreg:s7], $0x2FFFF;
	_ =	strace $0x9FFFFFFF  }
0xc3: {  	(tm) =	ssettm $0x7FFFFFFF  }
tec
execute0_lowered:
.L_overlay_start_1:
0x0: {  	(tag) =	ssettag $0x1  }
0x1: {  	s1 =	rddreg [dreg:$0x0]  }
0x2: {  	s0 =	rddreg [dreg:$0x1]  }
0x3: {  	s2 =	rddreg [dreg:$0x2];
	s4 =	simm.s32 $0x0;
	s3 =	stileid.u32  }
0x4: {  	s6 =	srdreg.scid;
	s28 =	simm.s32 $0x80;
	s29 =	simm.s32 $0x18C00  }
0x5: {  	s30 =	simm.s32 $0x1;
	s31 =	simm.s32 $0x0;
	[smem:$0x7FF] =	sst s4  }
0x6: {  	s5 =	sadd.s32 $0x62200, s0;
	s8 =	smul.u32 $0x500, s3;
	s17 =	sand.u32 $0x1, s6  }
0x7: {  	s6 =	sadd.s32 $0x13E00, s0;
	s13 =	smul.u32 $0x2700, s3;
	s7 =	sadd.s32 $0x3B000, s0  }
0x8: {  	s11 =	smul.u32 $0x4E000, s3;
	p6 =	seq.s32 s3, $0xF;
	s12 =	sadd.s32 $0x138800, s2  }
0x9: {  	s14 =	sadd.s32 $0x38700, s0;
	p3 =	sne.s32 s3, $0xF;
	s25 =	sadd.s32 $0xADD00, s0  }
0xa: {  	_ =	strace $0x8000004A;
	s9 =	ssub.s32 $0x2, s17;
	p2 =	seq.s32 s17, $0x1  }
0xb: {  	p0 =	seq.s32 s17, $0x0;
	[dreg:$0x4] =	wrdreg s25;
	s25 =	simm.s32 $0x2  }
0xc: {  	s10 =	sshrl.u32 s9, $0x1;
	s16 =	sadd.s32 s8, s0;
	s20 =	sadd.s32 s13, s0  }
0xd: {  	s24 =	sshrl.u32 s11, $0x2;
	s11 =	sadd.s32 $0x5F900, s0;
	p4 =	por !p0, !p3  }
0xe: {  	p5 =	por !p0, !p6;
	s0 =	sadd.s32 $0xD4F00, s0;
	p3 =	por !p3, !p2  }
0xf: {  	p6 =	por !p6, !p2;
	s21 =	ssub.s32 s9, s10;
	s8 =	sadd.s32 s24, s2  }
0x10: {  	p1 =	por !p5, !p5;
	s26 =	sadd.s32 $0x89400, s20;
	[dreg:$0x6] =	wrdreg s0  }
0x11: {  	p2 =	por !p3, !p3;
	p3 =	por !p6, !p6;
	s18 =	simm.s32 @!p1 $0x0  }
0x12: {  	[dreg:$0x5] =	wrdreg s26;
	s0 =	simm.s32 @!p3 $0x0;
	s18 =	simm.s32 @p1 $0x1  }
0x13: {  	s9 =	sadd.s32 $0x124800, s2;
	s0 =	simm.s32 @p3 $0x1;
	[smem:$0x7FA] =	sst s18  }
0x14: {  	p0 =	por !p4, !p4;
	p1 =	sne.s32 s17, $0x0;
	[smem:$0x7FC] =	sst s0  }
0x15: {  	s19 =	sadd.s32 $0xB0600, s20;
	p4 =	seq.s32 @p1 s3, $0xF;
	s20 =	sld [smem:$0x7FA]  }
0x16: {  	p6 =	sne.s32 @!p1 s3, $0xF;
	s0 =	simm.s32 @!p1 $0x0;
	p3 =	por !p4, !p1  }
0x17: {  	p4 =	por p4, !p1;
	p5 =	por !p6, p1;
	s0 =	simm.s32 @p1 $0x1  }
0x18: {  	p6 =	por p6, p1;
	s26 =	sld [smem:$0x7FC];
	p1 =	seq.s32 s20, $0x1  }
0x19: {  	s10 =	sadd.s32 s7, s13;
	s13 =	sadd.s32 s6, s13;
	p1 =	por !p1, p0  }
0x1a: {  	s15 =	sadd.s32 $0xEE00, s16;
	[smem:$0x7F9] =	sst s0;
	s0 =	simm.s32 @!p1 $0x0  }
.Ltmp0:
0x1b: {  	s0 =	simm.s32 @p1 $0x1;
	p1 =	seq.s32 s26, $0x1;
	(pc) =	sbr.rel .LBB2_1-.Ltmp0, $4  }
0x1c: {  	s16 =	sadd.s32 $0x9E00, s16;
	[dreg:$0x7] =	wrdreg s19;
	p1 =	por !p1, p2  }
0x1d: {  	s24 =	simm.s32 $0x13C00;
	[smem:$0x7FB] =	sst s0;
	s0 =	simm.s32 @!p1 $0x0  }
0x1e: {  	s21 =	smax.u32 s21, $0x1;
	s22 =	sshrl.u32 @!p3 s9, $0x3;
	s0 =	simm.s32 @p1 $0x1  }
0x1f: {  	s23 =	sshrl.u32 @!p3 s12, $0x3;
	s26 =	simm.s32 $0x16400;
	[smem:$0x7FD] =	sst s0  }
.LBB2_7:
0x20: {  	s17 =	sadd.s32 $0x13C00, s0;
	[sflag:s25] =	ssyncadd.s32 $0xFFFFC000  }
0x21: {  	[tilespmem:s29], [sflag:$0x1] =	stream.indirect.gather [hbm4b:s5+s28], $0x80, s17, s28, $0xb8;
	[tilespmem:$0x1CC00] =	vst v63  }
0x22: {  	_ =	swait.ge [sflag:s30], $0x4000  }
0x23: {  	[sflag:s30] =	ssyncset.done $0x0  }
0x24: {  	s19 =	sadd.s32 $0x16400, s0;
	[sflag:s30] =	ssyncadd.s32 $0xFFFFC000  }
0x25: {  	[spmem:s2] =	stream.indirect.scatter.add.f32 [tilespmem:s29], [sflag:$0x2], $0x80, s19, s28, $0xb8;
	[tilespmem:$0x1CC00] =	vst v63  }
0x26: {  	_ =	swait.ge [sflag:s25], $0x4000  }
0x27: {  	[sflag:s25] =	ssyncset.done $0x0  }
0x28: {  	[sflag:s25] =	ssyncadd.s32 $0xFFFFC000  }
0x29: {  	[bflag:$0x0] =	sbarrier.arrive $0xFFFF  }
0x2a: {  	s20 =	sld [smem:$0x7FD];
	_ =	sdelay $0x2  }
0x2b: {  	p1 =	seq.s32 s20, $0x1  }
0x2c: {  	s18 =	rddreg [dreg:$0x6];
	s0 =	sshrl.u32 @!p1 s9, $0x3;
	s17 =	simm.s32 @!p1 $0x1FC2  }
0x2d: {  	[hbm:s18], [sflag:s17] =	dma.local @!p1 [spmem:s0], $0x2800  }
0x2e: {  	s0 =	simm.s32 @!p1 $0x2  }
0x2f: {  	_ =	swait.ge @!p1 [sflag:s0], $0x2800  }
0x30: {  	s17 =	sshll.u32 @p2 s3, $0x6;
	[sflag:s0] =	ssyncset.done @!p1 $0x0;
	s18 =	rddreg [dreg:$0x7]  }
0x31: {  	[sflag:s0] =	ssyncadd.s32 @!p1 $0xFFFFD800;
	s0 =	sor.u32 @p2 $0x1C02, s17;
	s17 =	sshrl.u32 @p2 s8, $0x3  }
0x32: {  	[hbm:s18], [sflag:s0] =	dma.local @p2 [spmem:s17], $0x2700  }
0x33: {  	s0 =	simm.s32 @p2 $0x2  }
0x34: {  	_ =	swait.ge @p2 [sflag:s0], $0x2700  }
0x35: {  	[sflag:s0] =	ssyncset.done @p2 $0x0  }
0x36: {  	[sflag:s0] =	ssyncadd.s32 @p2 $0xFFFFD900  }
.LBB2_8:
0x37: {  	s31 =	sadd.s32 $0x1, s31  }
0x38: {  	p1 =	sne.s32 s31, s21  }
.Ltmp1:
0x39: {  	_ = 	snop;
	(pc) =	sbr.rel @!p1 .LBB2_9-.Ltmp1, $1  }
0x3a: {  	_ =	sdelay $0x3  }
.LBB2_1:
0x3b: {  	s0 =	simm.s32 @!p3 $0x1FC2;
	s17 =	simm.s32 @!p3 $0x2  }
0x3c: {  	[spmem:s22], [sflag:s0] =	dma.local @!p3 [hbm:s11], $0x2800  }
0x3d: {  	_ =	swait.ge @!p3 [sflag:s17], $0x2800  }
0x3e: {  	[sflag:s17] =	ssyncset.done @!p3 $0x0  }
0x3f: {  	[sflag:s17] =	ssyncadd.s32 @!p3 $0xFFFFD800  }
0x40: {  	[spmem:s23], [sflag:s0] =	dma.local @!p3 [hbm:s7], $0x700  }
0x41: {  	_ =	swait.ge @!p3 [sflag:s17], $0x700  }
0x42: {  	s0 =	sshll.u32 @!p4 s3, $0x6;
	[sflag:s17] =	ssyncset.done @!p3 $0x0  }
0x43: {  	s0 =	sor.u32 @!p4 $0x1C02, s0;
	[sflag:s17] =	ssyncadd.s32 @!p3 $0xFFFFF900;
	s17 =	sshrl.u32 @!p4 s8, $0x3  }
0x44: {  	[spmem:s17], [sflag:s0] =	dma.local @!p4 [hbm:s10], $0x2700  }
0x45: {  	s0 =	simm.s32 @!p4 $0x2  }
0x46: {  	_ =	swait.ge @!p4 [sflag:s0], $0x2700  }
0x47: {  	s17 =	sshll.u32 @!p5 s3, $0x6;
	[sflag:s0] =	ssyncset.done @!p4 $0x0  }
0x48: {  	[sflag:s0] =	ssyncadd.s32 @!p4 $0xFFFFD900;
	s0 =	sor.u32 @!p5 $0x1C02, s17;
	s17 =	sshrl.u32 @!p5 s8, $0x3  }
0x49: {  	[spmem:s17], [sflag:s0] =	dma.local @!p5 [hbm:s13], $0x2700  }
0x4a: {  	s0 =	simm.s32 @!p5 $0x2  }
0x4b: {  	_ =	swait.ge @!p5 [sflag:s0], $0x2700  }
0x4c: {  	[sflag:s0] =	ssyncset.done @!p5 $0x0  }
0x4d: {  	s17 =	simm.s32 @!p6 $0x1FC2;
	[sflag:s0] =	ssyncadd.s32 @!p5 $0xFFFFD900;
	s0 =	sshrl.u32 @!p6 s9, $0x3  }
0x4e: {  	[spmem:s0], [sflag:s17] =	dma.local @!p6 [hbm:s14], $0x2800  }
0x4f: {  	s0 =	simm.s32 @!p6 $0x2  }
0x50: {  	_ =	swait.ge @!p6 [sflag:s0], $0x2800  }
0x51: {  	[sflag:s0] =	ssyncset.done @!p6 $0x0  }
0x52: {  	s18 =	sshrl.u32 @!p6 s12, $0x3;
	[sflag:s0] =	ssyncadd.s32 @!p6 $0xFFFFD800  }
0x53: {  	[spmem:s18], [sflag:s17] =	dma.local @!p6 [hbm:s6], $0x700  }
0x54: {  	_ =	swait.ge @!p6 [sflag:s0], $0x700  }
0x55: {  	[sflag:s0] =	ssyncset.done @!p6 $0x0  }
0x56: {  	[sflag:s0] =	ssyncadd.s32 @!p6 $0xFFFFF900  }
0x57: {  	[tilespmem:s24], [sflag:$0x2] =	stream.linear.gather [hbm4b:s15+s4], $0x2780, $0x38;
	[tilespmem:$0x1CC00] =	vst v63  }
0x58: {  	_ =	swait.ge [sflag:s25], $0x2780  }
0x59: {  	[sflag:s25] =	ssyncset.done $0x0  }
0x5a: {  	[sflag:s25] =	ssyncadd.s32 $0xFFFFD880  }
0x5b: {  	[tilespmem:s26], [sflag:$0x2] =	stream.linear.gather [hbm4b:s16+s4], $0x2780, $0x38;
	[tilespmem:$0x1CC00] =	vst v63  }
0x5c: {  	_ =	swait.ge [sflag:s25], $0x2780  }
0x5d: {  	[sflag:s25] =	ssyncset.done $0x0  }
0x5e: {  	[sflag:s25] =	ssyncadd.s32 $0xFFFFD880  }
0x5f: {  	[bflag:$0x0] =	sbarrier.arrive $0xFFFF  }
0x60: {  	s20 =	sld [smem:$0x7F9];
	_ =	sdelay $0x2  }
0x61: {  	p1 =	seq.s32 s20, $0x1  }
.Ltmp2:
0x62: {  	_ = 	snop;
	(pc) =	sbr.rel @p1 .LBB2_5-.Ltmp2, $1  }
0x63: {  	_ =	sdelay $0x3  }
0x64: {  	s0 =	simm.s32 $0x13C00  }
0x65: {  	[tilespmem:s29], [sflag:$0x1] =	stream.indirect.gather [hbm4b:s1+s28], $0x80, s0, s28, $0xb8;
	[tilespmem:$0x1CC00] =	vst v63  }
0x66: {  	_ =	swait.ge [sflag:s30], $0x4000  }
0x67: {  	[sflag:s30] =	ssyncset.done $0x0  }
0x68: {  	s20 =	simm.s32 $0x16400;
	[sflag:s30] =	ssyncadd.s32 $0xFFFFC000  }
0x69: {  	[spmem:s2] =	stream.indirect.scatter.add.f32 [tilespmem:s29], [sflag:$0x2], $0x80, s20, s28, $0xb8;
	[tilespmem:$0x1CC00] =	vst v63  }
0x6a: {  	_ =	swait.ge [sflag:s25], $0x4000  }
0x6b: {  	s17 =	simm.s32 $0x400;
	s0 =	simm.s32 $0x80;
	[sflag:s25] =	ssyncset.done $0x0  }
.LBB2_3:
0x6c: {  	s18 =	sadd.s32 $0x13C00, s0  }
0x6d: {  	[sflag:s25] =	ssyncadd.s32 $0xFFFFC000;
	s19 =	smov.u32 s17;
	s20 =	sadd.s32 $0x200, s17  }
0x6e: {  	[tilespmem:s29], [sflag:$0x1] =	stream.indirect.gather [hbm4b:s1+s28], $0x80, s18, s28, $0xb8;
	[tilespmem:$0x1CC00] =	vst v63  }
0x6f: {  	p1 =	seq.s32 s17, $0x9C00;
	_ =	swait.ge [sflag:s30], $0x4000  }
.Ltmp3:
0x70: {  	[sflag:s30] =	ssyncset.done $0x0;
	(pc) =	sbr.rel @!p1 .LBB2_3-.Ltmp3, $4  }
0x71: {  	s0 =	sadd.s32 $0x16400, s0;
	[sflag:s30] =	ssyncadd.s32 $0xFFFFC000  }
0x72: {  	[spmem:s2] =	stream.indirect.scatter.add.f32 [tilespmem:s29], [sflag:$0x2], $0x80, s0, s28, $0xb8;
	[tilespmem:$0x1CC00] =	vst v63  }
0x73: {  	_ =	swait.ge [sflag:s25], $0x4000  }
0x74: {  	s17 =	smov.u32 s20;
	s0 =	sshra.s32 s19, $0x2;
	[sflag:s25] =	ssyncset.done $0x0  }
0x75: {  	s17 =	sadd.s32 $0x13C00, s0;
	[sflag:s25] =	ssyncadd.s32 $0xFFFFC000  }
0x76: {  	[tilespmem:s29], [sflag:$0x1] =	stream.indirect.gather [hbm4b:s1+s28], $0x80, s17, s28, $0xb8;
	[tilespmem:$0x1CC00] =	vst v63  }
0x77: {  	_ =	swait.ge [sflag:s30], $0x4000  }
0x78: {  	[sflag:s30] =	ssyncset.done $0x0  }
0x79: {  	s19 =	sadd.s32 $0x16400, s0;
	[sflag:s30] =	ssyncadd.s32 $0xFFFFC000  }
0x7a: {  	[spmem:s2] =	stream.indirect.scatter.add.f32 [tilespmem:s29], [sflag:$0x2], $0x80, s19, s28, $0xb8;
	[tilespmem:$0x1CC00] =	vst v63  }
0x7b: {  	_ =	swait.ge [sflag:s25], $0x4000  }
0x7c: {  	[sflag:s25] =	ssyncset.done $0x0  }
0x7d: {  	[sflag:s25] =	ssyncadd.s32 $0xFFFFC000  }
0x7e: {  	[bflag:$0x0] =	sbarrier.arrive $0xFFFF  }
0x7f: {  	s20 =	sld [smem:$0x7FB];
	_ =	sdelay $0x2  }
0x80: {  	p1 =	seq.s32 s20, $0x1  }
0x81: {  	s18 =	rddreg [dreg:$0x4];
	s0 =	sshrl.u32 @!p1 s9, $0x3;
	s17 =	simm.s32 @!p1 $0x1FC2  }
0x82: {  	[hbm:s18], [sflag:s17] =	dma.local @!p1 [spmem:s0], $0x2800  }
0x83: {  	s0 =	simm.s32 @!p1 $0x2  }
0x84: {  	_ =	swait.ge @!p1 [sflag:s0], $0x2800  }
0x85: {  	s17 =	sshll.u32 @p0 s3, $0x6;
	[sflag:s0] =	ssyncset.done @!p1 $0x0;
	s18 =	rddreg [dreg:$0x5]  }
0x86: {  	[sflag:s0] =	ssyncadd.s32 @!p1 $0xFFFFD800;
	s0 =	sor.u32 @p0 $0x1C02, s17;
	s17 =	sshrl.u32 @p0 s8, $0x3  }
0x87: {  	[hbm:s18], [sflag:s0] =	dma.local @p0 [spmem:s17], $0x2700  }
.Ltmp4:
0x88: {  	_ = 	snop;
	(pc) =	sbr.rel .LBB2_8-.Ltmp4, $4  }
0x89: {  	s0 =	simm.s32 @p0 $0x2  }
0x8a: {  	_ =	swait.ge @p0 [sflag:s0], $0x2700  }
0x8b: {  	[sflag:s0] =	ssyncset.done @p0 $0x0  }
0x8c: {  	[sflag:s0] =	ssyncadd.s32 @p0 $0xFFFFD900  }
.LBB2_5:
0x8d: {  	s0 =	simm.s32 $0x13C00  }
0x8e: {  	[tilespmem:s29], [sflag:$0x1] =	stream.indirect.gather [hbm4b:s5+s28], $0x80, s0, s28, $0xb8;
	[tilespmem:$0x1CC00] =	vst v63  }
0x8f: {  	_ =	swait.ge [sflag:s30], $0x4000  }
0x90: {  	[sflag:s30] =	ssyncset.done $0x0  }
0x91: {  	s20 =	simm.s32 $0x16400;
	[sflag:s30] =	ssyncadd.s32 $0xFFFFC000  }
0x92: {  	[spmem:s2] =	stream.indirect.scatter.add.f32 [tilespmem:s29], [sflag:$0x2], $0x80, s20, s28, $0xb8;
	[tilespmem:$0x1CC00] =	vst v63  }
0x93: {  	_ =	swait.ge [sflag:s25], $0x4000  }
0x94: {  	s17 =	simm.s32 $0x400;
	s0 =	simm.s32 $0x80;
	[sflag:s25] =	ssyncset.done $0x0  }
.LBB2_6:
0x95: {  	s18 =	sadd.s32 $0x13C00, s0  }
0x96: {  	[sflag:s25] =	ssyncadd.s32 $0xFFFFC000;
	s19 =	smov.u32 s17;
	s20 =	sadd.s32 $0x200, s17  }
0x97: {  	[tilespmem:s29], [sflag:$0x1] =	stream.indirect.gather [hbm4b:s5+s28], $0x80, s18, s28, $0xb8;
	[tilespmem:$0x1CC00] =	vst v63  }
0x98: {  	p1 =	seq.s32 s17, $0x9C00;
	_ =	swait.ge [sflag:s30], $0x4000  }
.Ltmp5:
0x99: {  	[sflag:s30] =	ssyncset.done $0x0;
	(pc) =	sbr.rel @!p1 .LBB2_6-.Ltmp5, $4  }
0x9a: {  	s0 =	sadd.s32 $0x16400, s0;
	[sflag:s30] =	ssyncadd.s32 $0xFFFFC000  }
0x9b: {  	[spmem:s2] =	stream.indirect.scatter.add.f32 [tilespmem:s29], [sflag:$0x2], $0x80, s0, s28, $0xb8;
	[tilespmem:$0x1CC00] =	vst v63  }
0x9c: {  	_ =	swait.ge [sflag:s25], $0x4000  }
0x9d: {  	s17 =	smov.u32 s20;
	s0 =	sshra.s32 s19, $0x2;
	[sflag:s25] =	ssyncset.done $0x0  }
.Ltmp6:
0x9e: {  	_ = 	snop;
	(pc) =	sbr.rel .LBB2_7-.Ltmp6, $1  }
0x9f: {  	_ =	sdelay $0x3  }
.LBB2_9:
0xa0: {  	_ =	sfence.sel $0x180000  }
0xa1: {  	[bflag:$0x0] =	sbarrier.arrive $0xFFFF  }
0xa2: {  	_ =	strace $0x9000004A  }
0xa3: {  	[bflag:$0x2] =	sbarrier.arrive $0xFFFF  }
0xa4: {  	p0 =	sne.s32 s3, $0x0;
	s0 =	rddreg [dreg:$0x3]  }
0xa5: {  	s0 =	sadd.s32 @!p0 $0x100000, s0  }
0xa6: {  	[sflag:s0] =	ssyncadd.tile.s32 @!p0 $0x1;
	_ =	shalt  }
.Lfunc_end2:
_tile_overlayer_lowered:
.L_overlay_start_2:
0xa7: {  	(tag) =	ssettag $0x2  }
0xa8: {  	s0 =	rddreg [dreg:$0x0];
	s2 =	stileid.u32  }
0xa9: {  	s1 =	rddreg [dreg:$0x1];
	p0 =	sne.s32 s2, $0x0  }
0xaa: {  	s3 =	rddreg [dreg:$0x2];
	[bflag:$0x3] =	sbarrier.arrive $0xFFFF;
	s2 =	simm.s32 @!p0 $0x1C02  }
0xab: {  	[timem:s3], [sflag:s2] =	dma.local @!p0 [hbm:s0], s1  }
0xac: {  	s0 =	simm.s32 @!p0 $0x2  }
0xad: {  	_ =	swait.ge @!p0 [sflag:s0], s1  }
0xae: {  	s1 =	ssub.s32 @!p0 $0x0, s1;
	[sflag:s0] =	ssyncset.done @!p0 $0x0  }
0xaf: {  	[sflag:s0] =	ssyncadd.s32 @!p0 s1  }
0xb0: {  	[bflag:$0x3] =	sbarrier.arrive $0xFFFF  }
0xb1: {  	_ =	shalt  }

// kernel: kernel.25.cloned.1.call-start
scs
__scs_entry_jumppad:
0x0: {  	(pc) =	sbr.rel $0x88, $3  }
0x1: {  	(tag) =	ssettag $0x0;
	lr =	simm.s32 $0x1  }
0x2: {  	[smem:$0x3F9A] =	sst lr;
	_ =	strace $0xD0000000  }
0x3: {  	_ = 	snop  }
0x4: {  	_ = 	snop  }
0x5: {  	_ = 	snop  }
0x6: {  	_ = 	snop  }
0x7: {  	_ = 	snop  }
__scs_overlays_trampoline_lowered:
0x8: {  	[smem:$0x3FA9] =	sst s0  }
0x9: {  	[smem:$0x3FAA] =	sst s1  }
0xa: {  	[smem:$0x3FAB] =	sst s2  }
0xb: {  	[smem:$0x3FAC] =	sst s3  }
0xc: {  	[smem:$0x3FAD] =	sst s4  }
0xd: {  	[smem:$0x3FAE] =	sst s5  }
0xe: {  	[smem:$0x3FAF] =	sst s6  }
0xf: {  	[smem:$0x3FB0] =	sst s7  }
0x10: {  	[smem:$0x3FB1] =	sst s8  }
0x11: {  	[smem:$0x3FB2] =	sst s9;
	s0 =	simm.s32 @!p0 $0x0  }
0x12: {  	s1 =	sld [smem:$0x3F98];
	s0 =	simm.s32 @p0 $0x1  }
0x13: {  	[smem:$0x3FB3] =	sst s0;
	s0 =	simm.s32 @!p1 $0x0  }
0x14: {  	s2 =	sld [smem:$0x3F97];
	s0 =	simm.s32 @p1 $0x1  }
0x15: {  	[smem:$0x3FB4] =	sst s0;
	s0 =	simm.s32 @!p2 $0x0  }
0x16: {  	s3 =	sld [smem:$0x3FDB];
	s0 =	simm.s32 @p2 $0x1  }
0x17: {  	s4 =	simm.s32 $0x1BF5;
	[smem:$0x3FB6] =	sst s0  }
0x18: {  	s0 =	sld [smem:$0x3F99];
	_ =	swait.ge [sflag:s4], $0x0  }
0x19: {  	s7 =	sld [smem:$0x3F9A]  }
0x1a: {  	s8 =	sadd.s32 $0xFFFFE003, lr  }
0x1b: {  	s9 =	sadd.s32 $0xFFFFFEF7, lr;
	s5 =	simm.s32 $0xFFFFFFFF;
	p2 =	slt.u32 s8, $0xFFFFF086  }
0x1c: {  	p1 =	slt.u32 s9, $0xF7A;
	s5 =	simm.s32 @!p2 $0x0  }
0x1d: {  	s5 =	simm.s32 @p1 $0x1;
	p0 =	seq.s32 s7, s2  }
0x1e: {  	s7 =	smul.u32 @!p0 $0xF7A, s2;
	p2 =	seq.s32 @!p0 s5, $0x0  }
0x1f: {  	s9 =	smul.u32 $0xF7A, s1;
	s8 =	simm.s32 @!p0 $0x1BF5;
	p2 =	por !p2, p0  }
0x20: {  	[sflag:s8] =	ssyncset.s32 @!p0 $0xFFFFF086;
	s6 =	sadd.s32 @!p0 s3, s7;
	s7 =	simm.s32 @!p0 $0x108  }
0x21: {  	s3 =	sadd.s32 s3, s9;
	s6 =	sadd.s32 @!p0 $0x88, s6;
	s7 =	simm.s32 @p2 $0x1082  }
0x22: {  	[simem:s7], [sflag:s8] =	dma.local @!p0 [hbm:s6], $0xF7A  }
0x23: {  	s9 =	sor.u32 $0xD0000000, s2;
	s6 =	simm.s32 $0x108;
	_ =	swait.ge @!p0 [sflag:s8], $0x0  }
0x24: {  	s3 =	sadd.s32 $0x88, s3;
	s6 =	simm.s32 @!p1 $0x1082;
	[sflag:s4] =	ssyncset.s32 $0xFFFFF086  }
0x25: {  	[simem:s6], [sflag:s4] =	dma.local [hbm:s3], $0xF7A  }
0x26: {  	[smem:$0x3F9A] =	sst s1;
	(tag) =	ssettag s2;
	_ =	strace s9  }
0x27: {  	s1 =	sld [smem:$0x3FAA]  }
0x28: {  	s2 =	sld [smem:$0x3FAB]  }
0x29: {  	s4 =	sld [smem:$0x3FAD]  }
0x2a: {  	p0 =	seq.s32 s5, $0x0;
	s5 =	sld [smem:$0x3FAE]  }
0x2b: {  	s6 =	sld [smem:$0x3FAF]  }
0x2c: {  	s7 =	sld [smem:$0x3FB0]  }
0x2d: {  	s3 =	simm.s32 $0x108;
	s8 =	sld [smem:$0x3FB1]  }
0x2e: {  	s3 =	simm.s32 @!p0 $0x1082;
	s9 =	sld [smem:$0x3FB2]  }
0x2f: {  	lr =	sadd.s32 s0, s3;
	s0 =	sld [smem:$0x3FA9]  }
0x30: {  	s3 =	sld [smem:$0x3FAC]  }
0x31: {  	[smem:$0x3FB5] =	sst s10  }
0x32: {  	s10 =	sld [smem:$0x3FB3];
	_ =	sdelay $0x3  }
0x33: {  	p0 =	seq.s32 s10, $0x1;
	s10 =	sld [smem:$0x3FB5];
	_ =	sdelay $0x3  }
0x34: {  	[smem:$0x3FB5] =	sst s10  }
0x35: {  	s10 =	sld [smem:$0x3FB4];
	_ =	sdelay $0x3  }
0x36: {  	p1 =	seq.s32 s10, $0x1;
	s10 =	sld [smem:$0x3FB5];
	_ =	sdelay $0x3  }
0x37: {  	[smem:$0x3FB5] =	sst s10  }
0x38: {  	s10 =	sld [smem:$0x3FB6]  }
0x39: {  	_ = 	snop;
	(pc) =	sbr.ind lr, $3  }
0x3a: {  	_ = 	snop  }
0x3b: {  	_ = 	snop  }
0x3c: {  	p2 =	seq.s32 s10, $0x1;
	s10 =	sld [smem:$0x3FB5]  }
0x3d: {  	_ =	shalt  }
0x3e: {  	_ =	shalt  }
0x3f: {  	_ =	shalt  }
0x40: {  	_ =	shalt  }
0x41: {  	_ =	shalt  }
0x42: {  	_ =	shalt  }
0x43: {  	_ =	shalt  }
0x44: {  	_ =	shalt  }
0x45: {  	_ =	shalt  }
0x46: {  	_ =	shalt  }
0x47: {  	_ =	shalt  }
0x48: {  	_ =	shalt  }
0x49: {  	_ =	shalt  }
0x4a: {  	_ =	shalt  }
0x4b: {  	_ =	shalt  }
0x4c: {  	_ =	shalt  }
0x4d: {  	_ =	shalt  }
0x4e: {  	_ =	shalt  }
0x4f: {  	_ =	shalt  }
0x50: {  	_ =	shalt  }
0x51: {  	_ =	shalt  }
0x52: {  	_ =	shalt  }
0x53: {  	_ =	shalt  }
0x54: {  	_ =	shalt  }
0x55: {  	_ =	shalt  }
0x56: {  	_ =	shalt  }
0x57: {  	_ =	shalt  }
0x58: {  	_ =	shalt  }
0x59: {  	_ =	shalt  }
0x5a: {  	_ =	shalt  }
0x5b: {  	_ =	shalt  }
0x5c: {  	_ =	shalt  }
0x5d: {  	_ =	shalt  }
0x5e: {  	_ =	shalt  }
0x5f: {  	_ =	shalt  }
0x60: {  	_ =	shalt  }
0x61: {  	_ =	shalt  }
0x62: {  	_ =	shalt  }
0x63: {  	_ =	shalt  }
0x64: {  	_ =	shalt  }
0x65: {  	_ =	shalt  }
0x66: {  	_ =	shalt  }
0x67: {  	_ =	shalt  }
0x68: {  	_ =	shalt  }
0x69: {  	_ =	shalt  }
0x6a: {  	_ =	shalt  }
0x6b: {  	_ =	shalt  }
0x6c: {  	_ =	shalt  }
0x6d: {  	_ =	shalt  }
0x6e: {  	_ =	shalt  }
0x6f: {  	_ =	shalt  }
0x70: {  	_ =	shalt  }
0x71: {  	_ =	shalt  }
0x72: {  	_ =	shalt  }
0x73: {  	_ =	shalt  }
0x74: {  	_ =	shalt  }
0x75: {  	_ =	shalt  }
0x76: {  	_ =	shalt  }
0x77: {  	_ =	shalt  }
0x78: {  	_ =	shalt  }
0x79: {  	_ =	shalt  }
0x7a: {  	_ =	shalt  }
0x7b: {  	_ =	shalt  }
0x7c: {  	_ =	shalt  }
0x7d: {  	_ =	shalt  }
0x7e: {  	_ =	shalt  }
0x7f: {  	_ =	shalt  }
0x80: {  	_ =	shalt  }
0x81: {  	_ =	shalt  }
0x82: {  	_ =	shalt  }
0x83: {  	_ =	shalt  }
0x84: {  	_ =	shalt  }
0x85: {  	_ =	shalt  }
0x86: {  	_ =	shalt  }
0x87: {  	_ =	shalt  }
.Lfunc_end0:
.L_simem_size_0:
called_computation.2_lowered:
.L_overlay_start_0:
0x88: {  	s2 =	sld [smem:$0x3FD9]  }
0x89: {  	s3 =	sld [smem:$0x3FFE];
	_ =	sdelay $0x1  }
0x8a: {  	s1 =	srdreg.scid  }
0x8b: {  	s0 =	sand.u32 $0x1, s1  }
0x8c: {  	s17 =	sshll.u32 s0, $0xA;
	s2 =	sadd.s32 s3, s2  }
0x8d: {  	s2 =	sadd.s32 s2, s17  }
0x8e: {  	[smem:$0x3FC1] =	sst s2  }
0x8f: {  	_ = 	snop  }
0x90: {  	s2 =	sld [smem:$0x3FD0];
	(tm) =	ssettm $0x1  }
0x91: {  	s18 =	sld [smem:$0x3FFB];
	_ =	sdelay $0x3  }
0x92: {  	_ =	strace s18  }
0x93: {  	s3 =	sld [smem:$0x3FFC];
	_ =	sdelay $0x3  }
0x94: {  	_ =	strace s3  }
0x95: {  	s3 =	sld [smem:$0x3FFD];
	_ =	sdelay $0x3  }
0x96: {  	_ =	strace s3  }
0x97: {  	_ =	strace $0x8FFFFFFF  }
0x98: {  	s19 =	sld [smem:$0x3FDB];
	_ =	sdelay $0x1  }
0x99: {  	s4 =	simm.s32 $_scs_section_size  }
0x9a: {  	s5 =	simm.s32 $_size__tile_overlayer_lowered;
	s6 =	simm.s32 $_tile_overlayer_lowered  }
0x9b: {  	s22 =	simm.s32 $0x1BFF;
	s21 =	sshll.u32 s6, $0x1;
	s3 =	sadd.s32 s4, s19  }
0x9c: {  	s7 =	simm.s32 $0x0;
	s20 =	sshll.u32 s5, $0x1;
	s5 =	sadd.s32 s21, s3  }
0x9d: {  	[timem:s7], [sflag:s22] =	dma.local [hbm:s5], s20  }
0x9e: {  	_ =	swait.ge [sflag:s22], s20  }
0x9f: {  	s4 =	ssub.s32 $0x0, s20;
	[sflag:s22] =	ssyncset.done $0x0  }
0xa0: {  	[sflag:s22] =	ssyncadd.s32 s4;
	_ =	sdelay $0x1  }
0xa1: {  	s23 =	simm.s32 $0x1B8B  }
0xa2: {  	_ =	swait.ge [sflag:s23], $0x1  }
0xa3: {  	[sflag:s23] =	ssyncset.done $0x0  }
0xa4: {  	s25 =	simm.s32 $0x1B8E;
	s24 =	sld [smem:$0x3FFE];
	[sflag:s23] =	ssyncadd.s32 $0xFFFFFFFF  }
0xa5: {  	s26 =	simm.s32 $execute0_lowered;
	[smem:$0x3FD2] =	sst s25  }
0xa6: {  	s5 =	sshll.u32 s26, $0x1;
	_ =	strace $0x8000004C;
	[dreg:$0x1] =	wrdreg $0xFFFFFFFF  }
0xa7: {  	s28 =	simm.s32 $_size_execute0_lowered;
	s3 =	sadd.s32 s3, s5;
	[dreg:$0x0] =	wrdreg $0x0  }
0xa8: {  	s5 =	sshll.u32 s28, $0x1;
	[dreg:$0x2] =	wrdreg s3  }
0xa9: {  	[dreg:$0x3] =	wrdreg s5  }
0xaa: {  	[dreg:$0x4] =	wrdreg $0xC0  }
0xab: {  	_ =	task [dreg:s7], $0x5FFFF  }
0xac: {  	[dreg:$0x1] =	wrdreg $0xFFFFFFFF  }
0xad: {  	[dreg:$0x0] =	wrdreg $0x60  }
0xae: {  	[dreg:$0x2] =	wrdreg s2  }
0xaf: {  	[dreg:$0x3] =	wrdreg s24  }
0xb0: {  	[dreg:$0x4] =	wrdreg $0x0  }
0xb1: {  	[dreg:$0x5] =	wrdreg $0x9  }
0xb2: {  	_ =	task.clear_ibuf [dreg:s7], $0x6FFFF;
	_ =	strace $0x9000004C  }
0xb3: {  	s29 =	simm.s32 $0x9;
	_ =	strace $0x8000004E  }
0xb4: {  	_ =	swait.ge [sflag:s29], $0x1  }
0xb5: {  	[sflag:s29] =	ssyncadd.s32 $0xFFFFFFFF  }
0xb6: {  	_ =	strace $0x9000004E  }
0xb7: {  	_ =	sfence  }
0xb8: {  	s30 =	sld [smem:$0x0];
	_ =	sdelay $0x2  }
0xb9: {  	s31 =	sshll.u32 s1, $0xD;
	s1 =	sshrl.u32 s1, $0x2  }
0xba: {  	s3 =	sand.u32 $0x4000, s31;
	s1 =	sadd.s32 s1, s30  }
0xbb: {  	s0 =	sor.u32 s3, s0;
	s1 =	sshll.u32 s1, $0x11  }
0xbc: {  	s0 =	sor.u32 s1, s0  }
0xbd: {  	s0 =	sadd.s32 $0x8F2B, s0  }
0xbe: {  	[sflag:s0] =	ssyncadd.remote.s32 $0x1  }
0xbf: {  	_ =	sfence.sel $0xFFFF  }
0xc0: {  	[dreg:$0x0] =	wrdreg $0xFFFFFFFF;
	(pc) =	sbr.abs _section_cstart, $3  }
0xc1: {  	[dreg:$0x1] =	wrdreg $0xFFFFFFFF  }
0xc2: {  	_ =	task.clear_ibuf [dreg:s7], $0x2FFFF;
	_ =	strace $0x9FFFFFFF  }
0xc3: {  	(tm) =	ssettm $0x7FFFFFFF  }
tec
execute0_lowered:
.L_overlay_start_1:
0x0: {  	(tag) =	ssettag $0x1  }
0x1: {  	s1 =	rddreg [dreg:$0x0]  }
0x2: {  	s0 =	rddreg [dreg:$0x1]  }
0x3: {  	s2 =	rddreg [dreg:$0x2];
	s4 =	simm.s32 $0x0;
	s3 =	stileid.u32  }
0x4: {  	s6 =	srdreg.scid;
	s28 =	simm.s32 $0x80;
	s29 =	simm.s32 $0x18C00  }
0x5: {  	s30 =	simm.s32 $0x1;
	s31 =	simm.s32 $0x0;
	[smem:$0x7FF] =	sst s4  }
0x6: {  	s5 =	sadd.s32 $0x62200, s0;
	s8 =	smul.u32 $0x500, s3;
	s17 =	sand.u32 $0x1, s6  }
0x7: {  	s6 =	sadd.s32 $0x13E00, s0;
	s13 =	smul.u32 $0x2700, s3;
	s7 =	sadd.s32 $0x3B000, s0  }
0x8: {  	s11 =	smul.u32 $0x4E000, s3;
	p6 =	seq.s32 s3, $0xF;
	s12 =	sadd.s32 $0x138800, s2  }
0x9: {  	s14 =	sadd.s32 $0x38700, s0;
	p3 =	sne.s32 s3, $0xF;
	s25 =	sadd.s32 $0xADD00, s0  }
0xa: {  	_ =	strace $0x8000004D;
	s9 =	ssub.s32 $0x2, s17;
	p2 =	seq.s32 s17, $0x1  }
0xb: {  	p0 =	seq.s32 s17, $0x0;
	[dreg:$0x4] =	wrdreg s25;
	s25 =	simm.s32 $0x2  }
0xc: {  	s10 =	sshrl.u32 s9, $0x1;
	s16 =	sadd.s32 s8, s0;
	s20 =	sadd.s32 s13, s0  }
0xd: {  	s24 =	sshrl.u32 s11, $0x2;
	s11 =	sadd.s32 $0x5F900, s0;
	p4 =	por !p0, !p3  }
0xe: {  	p5 =	por !p0, !p6;
	s0 =	sadd.s32 $0xD4F00, s0;
	p3 =	por !p3, !p2  }
0xf: {  	p6 =	por !p6, !p2;
	s21 =	ssub.s32 s9, s10;
	s8 =	sadd.s32 s24, s2  }
0x10: {  	p1 =	por !p5, !p5;
	s26 =	sadd.s32 $0x89400, s20;
	[dreg:$0x6] =	wrdreg s0  }
0x11: {  	p2 =	por !p3, !p3;
	p3 =	por !p6, !p6;
	s18 =	simm.s32 @!p1 $0x0  }
0x12: {  	[dreg:$0x5] =	wrdreg s26;
	s0 =	simm.s32 @!p3 $0x0;
	s18 =	simm.s32 @p1 $0x1  }
0x13: {  	s9 =	sadd.s32 $0x124800, s2;
	s0 =	simm.s32 @p3 $0x1;
	[smem:$0x7FA] =	sst s18  }
0x14: {  	p0 =	por !p4, !p4;
	p1 =	sne.s32 s17, $0x0;
	[smem:$0x7FC] =	sst s0  }
0x15: {  	s19 =	sadd.s32 $0xB0600, s20;
	p4 =	seq.s32 @p1 s3, $0xF;
	s20 =	sld [smem:$0x7FA]  }
0x16: {  	p6 =	sne.s32 @!p1 s3, $0xF;
	s0 =	simm.s32 @!p1 $0x0;
	p3 =	por !p4, !p1  }
0x17: {  	p4 =	por p4, !p1;
	p5 =	por !p6, p1;
	s0 =	simm.s32 @p1 $0x1  }
0x18: {  	p6 =	por p6, p1;
	s26 =	sld [smem:$0x7FC];
	p1 =	seq.s32 s20, $0x1  }
0x19: {  	s10 =	sadd.s32 s7, s13;
	s13 =	sadd.s32 s6, s13;
	p1 =	por !p1, p0  }
0x1a: {  	s15 =	sadd.s32 $0xEE00, s16;
	[smem:$0x7F9] =	sst s0;
	s0 =	simm.s32 @!p1 $0x0  }
.Ltmp0:
0x1b: {  	s0 =	simm.s32 @p1 $0x1;
	p1 =	seq.s32 s26, $0x1;
	(pc) =	sbr.rel .LBB2_1-.Ltmp0, $4  }
0x1c: {  	s16 =	sadd.s32 $0x9E00, s16;
	[dreg:$0x7] =	wrdreg s19;
	p1 =	por !p1, p2  }
0x1d: {  	s24 =	simm.s32 $0x13C00;
	[smem:$0x7FB] =	sst s0;
	s0 =	simm.s32 @!p1 $0x0  }
0x1e: {  	s21 =	smax.u32 s21, $0x1;
	s22 =	sshrl.u32 @!p3 s9, $0x3;
	s0 =	simm.s32 @p1 $0x1  }
0x1f: {  	s23 =	sshrl.u32 @!p3 s12, $0x3;
	s26 =	simm.s32 $0x16400;
	[smem:$0x7FD] =	sst s0  }
.LBB2_7:
0x20: {  	s17 =	sadd.s32 $0x13C00, s0;
	[sflag:s25] =	ssyncadd.s32 $0xFFFFC000  }
0x21: {  	[tilespmem:s29], [sflag:$0x1] =	stream.indirect.gather [hbm4b:s5+s28], $0x80, s17, s28, $0xb8;
	[tilespmem:$0x1CC00] =	vst v63  }
0x22: {  	_ =	swait.ge [sflag:s30], $0x4000  }
0x23: {  	[sflag:s30] =	ssyncset.done $0x0  }
0x24: {  	s19 =	sadd.s32 $0x16400, s0;
	[sflag:s30] =	ssyncadd.s32 $0xFFFFC000  }
0x25: {  	[spmem:s2] =	stream.indirect.scatter.add.f32 [tilespmem:s29], [sflag:$0x2], $0x80, s19, s28, $0xb8;
	[tilespmem:$0x1CC00] =	vst v63  }
0x26: {  	_ =	swait.ge [sflag:s25], $0x4000  }
0x27: {  	[sflag:s25] =	ssyncset.done $0x0  }
0x28: {  	[sflag:s25] =	ssyncadd.s32 $0xFFFFC000  }
0x29: {  	[bflag:$0x0] =	sbarrier.arrive $0xFFFF  }
0x2a: {  	s20 =	sld [smem:$0x7FD];
	_ =	sdelay $0x2  }
0x2b: {  	p1 =	seq.s32 s20, $0x1  }
0x2c: {  	s18 =	rddreg [dreg:$0x6];
	s0 =	sshrl.u32 @!p1 s9, $0x3;
	s17 =	simm.s32 @!p1 $0x1FC2  }
0x2d: {  	[hbm:s18], [sflag:s17] =	dma.local @!p1 [spmem:s0], $0x2800  }
0x2e: {  	s0 =	simm.s32 @!p1 $0x2  }
0x2f: {  	_ =	swait.ge @!p1 [sflag:s0], $0x2800  }
0x30: {  	s17 =	sshll.u32 @p2 s3, $0x6;
	[sflag:s0] =	ssyncset.done @!p1 $0x0;
	s18 =	rddreg [dreg:$0x7]  }
0x31: {  	[sflag:s0] =	ssyncadd.s32 @!p1 $0xFFFFD800;
	s0 =	sor.u32 @p2 $0x1C02, s17;
	s17 =	sshrl.u32 @p2 s8, $0x3  }
0x32: {  	[hbm:s18], [sflag:s0] =	dma.local @p2 [spmem:s17], $0x2700  }
0x33: {  	s0 =	simm.s32 @p2 $0x2  }
0x34: {  	_ =	swait.ge @p2 [sflag:s0], $0x2700  }
0x35: {  	[sflag:s0] =	ssyncset.done @p2 $0x0  }
0x36: {  	[sflag:s0] =	ssyncadd.s32 @p2 $0xFFFFD900  }
.LBB2_8:
0x37: {  	s31 =	sadd.s32 $0x1, s31  }
0x38: {  	p1 =	sne.s32 s31, s21  }
.Ltmp1:
0x39: {  	_ = 	snop;
	(pc) =	sbr.rel @!p1 .LBB2_9-.Ltmp1, $1  }
0x3a: {  	_ =	sdelay $0x3  }
.LBB2_1:
0x3b: {  	s0 =	simm.s32 @!p3 $0x1FC2;
	s17 =	simm.s32 @!p3 $0x2  }
0x3c: {  	[spmem:s22], [sflag:s0] =	dma.local @!p3 [hbm:s11], $0x2800  }
0x3d: {  	_ =	swait.ge @!p3 [sflag:s17], $0x2800  }
0x3e: {  	[sflag:s17] =	ssyncset.done @!p3 $0x0  }
0x3f: {  	[sflag:s17] =	ssyncadd.s32 @!p3 $0xFFFFD800  }
0x40: {  	[spmem:s23], [sflag:s0] =	dma.local @!p3 [hbm:s7], $0x700  }
0x41: {  	_ =	swait.ge @!p3 [sflag:s17], $0x700  }
0x42: {  	s0 =	sshll.u32 @!p4 s3, $0x6;
	[sflag:s17] =	ssyncset.done @!p3 $0x0  }
0x43: {  	s0 =	sor.u32 @!p4 $0x1C02, s0;
	[sflag:s17] =	ssyncadd.s32 @!p3 $0xFFFFF900;
	s17 =	sshrl.u32 @!p4 s8, $0x3  }
0x44: {  	[spmem:s17], [sflag:s0] =	dma.local @!p4 [hbm:s10], $0x2700  }
0x45: {  	s0 =	simm.s32 @!p4 $0x2  }
0x46: {  	_ =	swait.ge @!p4 [sflag:s0], $0x2700  }
0x47: {  	s17 =	sshll.u32 @!p5 s3, $0x6;
	[sflag:s0] =	ssyncset.done @!p4 $0x0  }
0x48: {  	[sflag:s0] =	ssyncadd.s32 @!p4 $0xFFFFD900;
	s0 =	sor.u32 @!p5 $0x1C02, s17;
	s17 =	sshrl.u32 @!p5 s8, $0x3  }
0x49: {  	[spmem:s17], [sflag:s0] =	dma.local @!p5 [hbm:s13], $0x2700  }
0x4a: {  	s0 =	simm.s32 @!p5 $0x2  }
0x4b: {  	_ =	swait.ge @!p5 [sflag:s0], $0x2700  }
0x4c: {  	[sflag:s0] =	ssyncset.done @!p5 $0x0  }
0x4d: {  	s17 =	simm.s32 @!p6 $0x1FC2;
	[sflag:s0] =	ssyncadd.s32 @!p5 $0xFFFFD900;
	s0 =	sshrl.u32 @!p6 s9, $0x3  }
0x4e: {  	[spmem:s0], [sflag:s17] =	dma.local @!p6 [hbm:s14], $0x2800  }
0x4f: {  	s0 =	simm.s32 @!p6 $0x2  }
0x50: {  	_ =	swait.ge @!p6 [sflag:s0], $0x2800  }
0x51: {  	[sflag:s0] =	ssyncset.done @!p6 $0x0  }
0x52: {  	s18 =	sshrl.u32 @!p6 s12, $0x3;
	[sflag:s0] =	ssyncadd.s32 @!p6 $0xFFFFD800  }
0x53: {  	[spmem:s18], [sflag:s17] =	dma.local @!p6 [hbm:s6], $0x700  }
0x54: {  	_ =	swait.ge @!p6 [sflag:s0], $0x700  }
0x55: {  	[sflag:s0] =	ssyncset.done @!p6 $0x0  }
0x56: {  	[sflag:s0] =	ssyncadd.s32 @!p6 $0xFFFFF900  }
0x57: {  	[tilespmem:s24], [sflag:$0x2] =	stream.linear.gather [hbm4b:s15+s4], $0x2780, $0x38;
	[tilespmem:$0x1CC00] =	vst v63  }
0x58: {  	_ =	swait.ge [sflag:s25], $0x2780  }
0x59: {  	[sflag:s25] =	ssyncset.done $0x0  }
0x5a: {  	[sflag:s25] =	ssyncadd.s32 $0xFFFFD880  }
0x5b: {  	[tilespmem:s26], [sflag:$0x2] =	stream.linear.gather [hbm4b:s16+s4], $0x2780, $0x38;
	[tilespmem:$0x1CC00] =	vst v63  }
0x5c: {  	_ =	swait.ge [sflag:s25], $0x2780  }
0x5d: {  	[sflag:s25] =	ssyncset.done $0x0  }
0x5e: {  	[sflag:s25] =	ssyncadd.s32 $0xFFFFD880  }
0x5f: {  	[bflag:$0x0] =	sbarrier.arrive $0xFFFF  }
0x60: {  	s20 =	sld [smem:$0x7F9];
	_ =	sdelay $0x2  }
0x61: {  	p1 =	seq.s32 s20, $0x1  }
.Ltmp2:
0x62: {  	_ = 	snop;
	(pc) =	sbr.rel @p1 .LBB2_5-.Ltmp2, $1  }
0x63: {  	_ =	sdelay $0x3  }
0x64: {  	s0 =	simm.s32 $0x13C00  }
0x65: {  	[tilespmem:s29], [sflag:$0x1] =	stream.indirect.gather [hbm4b:s1+s28], $0x80, s0, s28, $0xb8;
	[tilespmem:$0x1CC00] =	vst v63  }
0x66: {  	_ =	swait.ge [sflag:s30], $0x4000  }
0x67: {  	[sflag:s30] =	ssyncset.done $0x0  }
0x68: {  	s20 =	simm.s32 $0x16400;
	[sflag:s30] =	ssyncadd.s32 $0xFFFFC000  }
0x69: {  	[spmem:s2] =	stream.indirect.scatter.add.f32 [tilespmem:s29], [sflag:$0x2], $0x80, s20, s28, $0xb8;
	[tilespmem:$0x1CC00] =	vst v63  }
0x6a: {  	_ =	swait.ge [sflag:s25], $0x4000  }
0x6b: {  	s17 =	simm.s32 $0x400;
	s0 =	simm.s32 $0x80;
	[sflag:s25] =	ssyncset.done $0x0  }
.LBB2_3:
0x6c: {  	s18 =	sadd.s32 $0x13C00, s0  }
0x6d: {  	[sflag:s25] =	ssyncadd.s32 $0xFFFFC000;
	s19 =	smov.u32 s17;
	s20 =	sadd.s32 $0x200, s17  }
0x6e: {  	[tilespmem:s29], [sflag:$0x1] =	stream.indirect.gather [hbm4b:s1+s28], $0x80, s18, s28, $0xb8;
	[tilespmem:$0x1CC00] =	vst v63  }
0x6f: {  	p1 =	seq.s32 s17, $0x9C00;
	_ =	swait.ge [sflag:s30], $0x4000  }
.Ltmp3:
0x70: {  	[sflag:s30] =	ssyncset.done $0x0;
	(pc) =	sbr.rel @!p1 .LBB2_3-.Ltmp3, $4  }
0x71: {  	s0 =	sadd.s32 $0x16400, s0;
	[sflag:s30] =	ssyncadd.s32 $0xFFFFC000  }
0x72: {  	[spmem:s2] =	stream.indirect.scatter.add.f32 [tilespmem:s29], [sflag:$0x2], $0x80, s0, s28, $0xb8;
	[tilespmem:$0x1CC00] =	vst v63  }
0x73: {  	_ =	swait.ge [sflag:s25], $0x4000  }
0x74: {  	s17 =	smov.u32 s20;
	s0 =	sshra.s32 s19, $0x2;
	[sflag:s25] =	ssyncset.done $0x0  }
0x75: {  	s17 =	sadd.s32 $0x13C00, s0;
	[sflag:s25] =	ssyncadd.s32 $0xFFFFC000  }
0x76: {  	[tilespmem:s29], [sflag:$0x1] =	stream.indirect.gather [hbm4b:s1+s28], $0x80, s17, s28, $0xb8;
	[tilespmem:$0x1CC00] =	vst v63  }
0x77: {  	_ =	swait.ge [sflag:s30], $0x4000  }
0x78: {  	[sflag:s30] =	ssyncset.done $0x0  }
0x79: {  	s19 =	sadd.s32 $0x16400, s0;
	[sflag:s30] =	ssyncadd.s32 $0xFFFFC000  }
0x7a: {  	[spmem:s2] =	stream.indirect.scatter.add.f32 [tilespmem:s29], [sflag:$0x2], $0x80, s19, s28, $0xb8;
	[tilespmem:$0x1CC00] =	vst v63  }
0x7b: {  	_ =	swait.ge [sflag:s25], $0x4000  }
0x7c: {  	[sflag:s25] =	ssyncset.done $0x0  }
0x7d: {  	[sflag:s25] =	ssyncadd.s32 $0xFFFFC000  }
0x7e: {  	[bflag:$0x0] =	sbarrier.arrive $0xFFFF  }
0x7f: {  	s20 =	sld [smem:$0x7FB];
	_ =	sdelay $0x2  }
0x80: {  	p1 =	seq.s32 s20, $0x1  }
0x81: {  	s18 =	rddreg [dreg:$0x4];
	s0 =	sshrl.u32 @!p1 s9, $0x3;
	s17 =	simm.s32 @!p1 $0x1FC2  }
0x82: {  	[hbm:s18], [sflag:s17] =	dma.local @!p1 [spmem:s0], $0x2800  }
0x83: {  	s0 =	simm.s32 @!p1 $0x2  }
0x84: {  	_ =	swait.ge @!p1 [sflag:s0], $0x2800  }
0x85: {  	s17 =	sshll.u32 @p0 s3, $0x6;
	[sflag:s0] =	ssyncset.done @!p1 $0x0;
	s18 =	rddreg [dreg:$0x5]  }
0x86: {  	[sflag:s0] =	ssyncadd.s32 @!p1 $0xFFFFD800;
	s0 =	sor.u32 @p0 $0x1C02, s17;
	s17 =	sshrl.u32 @p0 s8, $0x3  }
0x87: {  	[hbm:s18], [sflag:s0] =	dma.local @p0 [spmem:s17], $0x2700  }
.Ltmp4:
0x88: {  	_ = 	snop;
	(pc) =	sbr.rel .LBB2_8-.Ltmp4, $4  }
0x89: {  	s0 =	simm.s32 @p0 $0x2  }
0x8a: {  	_ =	swait.ge @p0 [sflag:s0], $0x2700  }
0x8b: {  	[sflag:s0] =	ssyncset.done @p0 $0x0  }
0x8c: {  	[sflag:s0] =	ssyncadd.s32 @p0 $0xFFFFD900  }
.LBB2_5:
0x8d: {  	s0 =	simm.s32 $0x13C00  }
0x8e: {  	[tilespmem:s29], [sflag:$0x1] =	stream.indirect.gather [hbm4b:s5+s28], $0x80, s0, s28, $0xb8;
	[tilespmem:$0x1CC00] =	vst v63  }
0x8f: {  	_ =	swait.ge [sflag:s30], $0x4000  }
0x90: {  	[sflag:s30] =	ssyncset.done $0x0  }
0x91: {  	s20 =	simm.s32 $0x16400;
	[sflag:s30] =	ssyncadd.s32 $0xFFFFC000  }
0x92: {  	[spmem:s2] =	stream.indirect.scatter.add.f32 [tilespmem:s29], [sflag:$0x2], $0x80, s20, s28, $0xb8;
	[tilespmem:$0x1CC00] =	vst v63  }
0x93: {  	_ =	swait.ge [sflag:s25], $0x4000  }
0x94: {  	s17 =	simm.s32 $0x400;
	s0 =	simm.s32 $0x80;
	[sflag:s25] =	ssyncset.done $0x0  }
.LBB2_6:
0x95: {  	s18 =	sadd.s32 $0x13C00, s0  }
0x96: {  	[sflag:s25] =	ssyncadd.s32 $0xFFFFC000;
	s19 =	smov.u32 s17;
	s20 =	sadd.s32 $0x200, s17  }
0x97: {  	[tilespmem:s29], [sflag:$0x1] =	stream.indirect.gather [hbm4b:s5+s28], $0x80, s18, s28, $0xb8;
	[tilespmem:$0x1CC00] =	vst v63  }
0x98: {  	p1 =	seq.s32 s17, $0x9C00;
	_ =	swait.ge [sflag:s30], $0x4000  }
.Ltmp5:
0x99: {  	[sflag:s30] =	ssyncset.done $0x0;
	(pc) =	sbr.rel @!p1 .LBB2_6-.Ltmp5, $4  }
0x9a: {  	s0 =	sadd.s32 $0x16400, s0;
	[sflag:s30] =	ssyncadd.s32 $0xFFFFC000  }
0x9b: {  	[spmem:s2] =	stream.indirect.scatter.add.f32 [tilespmem:s29], [sflag:$0x2], $0x80, s0, s28, $0xb8;
	[tilespmem:$0x1CC00] =	vst v63  }
0x9c: {  	_ =	swait.ge [sflag:s25], $0x4000  }
0x9d: {  	s17 =	smov.u32 s20;
	s0 =	sshra.s32 s19, $0x2;
	[sflag:s25] =	ssyncset.done $0x0  }
.Ltmp6:
0x9e: {  	_ = 	snop;
	(pc) =	sbr.rel .LBB2_7-.Ltmp6, $1  }
0x9f: {  	_ =	sdelay $0x3  }
.LBB2_9:
0xa0: {  	_ =	sfence.sel $0x180000  }
0xa1: {  	[bflag:$0x0] =	sbarrier.arrive $0xFFFF  }
0xa2: {  	_ =	strace $0x9000004D  }
0xa3: {  	[bflag:$0x2] =	sbarrier.arrive $0xFFFF  }
0xa4: {  	p0 =	sne.s32 s3, $0x0;
	s0 =	rddreg [dreg:$0x3]  }
0xa5: {  	s0 =	sadd.s32 @!p0 $0x100000, s0  }
0xa6: {  	[sflag:s0] =	ssyncadd.tile.s32 @!p0 $0x1;
	_ =	shalt  }
.Lfunc_end2:
_tile_overlayer_lowered:
.L_overlay_start_2:
0xa7: {  	(tag) =	ssettag $0x2  }
0xa8: {  	s0 =	rddreg [dreg:$0x0];
	s2 =	stileid.u32  }
0xa9: {  	s1 =	rddreg [dreg:$0x1];
	p0 =	sne.s32 s2, $0x0  }
0xaa: {  	s3 =	rddreg [dreg:$0x2];
	[bflag:$0x3] =	sbarrier.arrive $0xFFFF;
	s2 =	simm.s32 @!p0 $0x1C02  }
0xab: {  	[timem:s3], [sflag:s2] =	dma.local @!p0 [hbm:s0], s1  }
0xac: {  	s0 =	simm.s32 @!p0 $0x2  }
0xad: {  	_ =	swait.ge @!p0 [sflag:s0], s1  }
0xae: {  	s1 =	ssub.s32 @!p0 $0x0, s1;
	[sflag:s0] =	ssyncset.done @!p0 $0x0  }
0xaf: {  	[sflag:s0] =	ssyncadd.s32 @!p0 s1  }
0xb0: {  	[bflag:$0x3] =	sbarrier.arrive $0xFFFF  }
0xb1: {  	_ =	shalt  }

// kernel: kernel.28.cloned.1.call-start
scs
__scs_entry_jumppad:
0x0: {  	(pc) =	sbr.rel $0x88, $3  }
0x1: {  	(tag) =	ssettag $0x0;
	lr =	simm.s32 $0x1  }
0x2: {  	[smem:$0x3F9A] =	sst lr;
	_ =	strace $0xD0000000  }
0x3: {  	_ = 	snop  }
0x4: {  	_ = 	snop  }
0x5: {  	_ = 	snop  }
0x6: {  	_ = 	snop  }
0x7: {  	_ = 	snop  }
__scs_overlays_trampoline_lowered:
0x8: {  	[smem:$0x3FA9] =	sst s0  }
0x9: {  	[smem:$0x3FAA] =	sst s1  }
0xa: {  	[smem:$0x3FAB] =	sst s2  }
0xb: {  	[smem:$0x3FAC] =	sst s3  }
0xc: {  	[smem:$0x3FAD] =	sst s4  }
0xd: {  	[smem:$0x3FAE] =	sst s5  }
0xe: {  	[smem:$0x3FAF] =	sst s6  }
0xf: {  	[smem:$0x3FB0] =	sst s7  }
0x10: {  	[smem:$0x3FB1] =	sst s8  }
0x11: {  	[smem:$0x3FB2] =	sst s9;
	s0 =	simm.s32 @!p0 $0x0  }
0x12: {  	s1 =	sld [smem:$0x3F98];
	s0 =	simm.s32 @p0 $0x1  }
0x13: {  	[smem:$0x3FB3] =	sst s0;
	s0 =	simm.s32 @!p1 $0x0  }
0x14: {  	s2 =	sld [smem:$0x3F97];
	s0 =	simm.s32 @p1 $0x1  }
0x15: {  	[smem:$0x3FB4] =	sst s0;
	s0 =	simm.s32 @!p2 $0x0  }
0x16: {  	s3 =	sld [smem:$0x3FDB];
	s0 =	simm.s32 @p2 $0x1  }
0x17: {  	s4 =	simm.s32 $0x1BF5;
	[smem:$0x3FB6] =	sst s0  }
0x18: {  	s0 =	sld [smem:$0x3F99];
	_ =	swait.ge [sflag:s4], $0x0  }
0x19: {  	s7 =	sld [smem:$0x3F9A]  }
0x1a: {  	s8 =	sadd.s32 $0xFFFFE003, lr  }
0x1b: {  	s9 =	sadd.s32 $0xFFFFFEF7, lr;
	s5 =	simm.s32 $0xFFFFFFFF;
	p2 =	slt.u32 s8, $0xFFFFF086  }
0x1c: {  	p1 =	slt.u32 s9, $0xF7A;
	s5 =	simm.s32 @!p2 $0x0  }
0x1d: {  	s5 =	simm.s32 @p1 $0x1;
	p0 =	seq.s32 s7, s2  }
0x1e: {  	s7 =	smul.u32 @!p0 $0xF7A, s2;
	p2 =	seq.s32 @!p0 s5, $0x0  }
0x1f: {  	s9 =	smul.u32 $0xF7A, s1;
	s8 =	simm.s32 @!p0 $0x1BF5;
	p2 =	por !p2, p0  }
0x20: {  	[sflag:s8] =	ssyncset.s32 @!p0 $0xFFFFF086;
	s6 =	sadd.s32 @!p0 s3, s7;
	s7 =	simm.s32 @!p0 $0x108  }
0x21: {  	s3 =	sadd.s32 s3, s9;
	s6 =	sadd.s32 @!p0 $0x88, s6;
	s7 =	simm.s32 @p2 $0x1082  }
0x22: {  	[simem:s7], [sflag:s8] =	dma.local @!p0 [hbm:s6], $0xF7A  }
0x23: {  	s9 =	sor.u32 $0xD0000000, s2;
	s6 =	simm.s32 $0x108;
	_ =	swait.ge @!p0 [sflag:s8], $0x0  }
0x24: {  	s3 =	sadd.s32 $0x88, s3;
	s6 =	simm.s32 @!p1 $0x1082;
	[sflag:s4] =	ssyncset.s32 $0xFFFFF086  }
0x25: {  	[simem:s6], [sflag:s4] =	dma.local [hbm:s3], $0xF7A  }
0x26: {  	[smem:$0x3F9A] =	sst s1;
	(tag) =	ssettag s2;
	_ =	strace s9  }
0x27: {  	s1 =	sld [smem:$0x3FAA]  }
0x28: {  	s2 =	sld [smem:$0x3FAB]  }
0x29: {  	s4 =	sld [smem:$0x3FAD]  }
0x2a: {  	p0 =	seq.s32 s5, $0x0;
	s5 =	sld [smem:$0x3FAE]  }
0x2b: {  	s6 =	sld [smem:$0x3FAF]  }
0x2c: {  	s7 =	sld [smem:$0x3FB0]  }
0x2d: {  	s3 =	simm.s32 $0x108;
	s8 =	sld [smem:$0x3FB1]  }
0x2e: {  	s3 =	simm.s32 @!p0 $0x1082;
	s9 =	sld [smem:$0x3FB2]  }
0x2f: {  	lr =	sadd.s32 s0, s3;
	s0 =	sld [smem:$0x3FA9]  }
0x30: {  	s3 =	sld [smem:$0x3FAC]  }
0x31: {  	[smem:$0x3FB5] =	sst s10  }
0x32: {  	s10 =	sld [smem:$0x3FB3];
	_ =	sdelay $0x3  }
0x33: {  	p0 =	seq.s32 s10, $0x1;
	s10 =	sld [smem:$0x3FB5];
	_ =	sdelay $0x3  }
0x34: {  	[smem:$0x3FB5] =	sst s10  }
0x35: {  	s10 =	sld [smem:$0x3FB4];
	_ =	sdelay $0x3  }
0x36: {  	p1 =	seq.s32 s10, $0x1;
	s10 =	sld [smem:$0x3FB5];
	_ =	sdelay $0x3  }
0x37: {  	[smem:$0x3FB5] =	sst s10  }
0x38: {  	s10 =	sld [smem:$0x3FB6]  }
0x39: {  	_ = 	snop;
	(pc) =	sbr.ind lr, $3  }
0x3a: {  	_ = 	snop  }
0x3b: {  	_ = 	snop  }
0x3c: {  	p2 =	seq.s32 s10, $0x1;
	s10 =	sld [smem:$0x3FB5]  }
0x3d: {  	_ =	shalt  }
0x3e: {  	_ =	shalt  }
0x3f: {  	_ =	shalt  }
0x40: {  	_ =	shalt  }
0x41: {  	_ =	shalt  }
0x42: {  	_ =	shalt  }
0x43: {  	_ =	shalt  }
0x44: {  	_ =	shalt  }
0x45: {  	_ =	shalt  }
0x46: {  	_ =	shalt  }
0x47: {  	_ =	shalt  }
0x48: {  	_ =	shalt  }
0x49: {  	_ =	shalt  }
0x4a: {  	_ =	shalt  }
0x4b: {  	_ =	shalt  }
0x4c: {  	_ =	shalt  }
0x4d: {  	_ =	shalt  }
0x4e: {  	_ =	shalt  }
0x4f: {  	_ =	shalt  }
0x50: {  	_ =	shalt  }
0x51: {  	_ =	shalt  }
0x52: {  	_ =	shalt  }
0x53: {  	_ =	shalt  }
0x54: {  	_ =	shalt  }
0x55: {  	_ =	shalt  }
0x56: {  	_ =	shalt  }
0x57: {  	_ =	shalt  }
0x58: {  	_ =	shalt  }
0x59: {  	_ =	shalt  }
0x5a: {  	_ =	shalt  }
0x5b: {  	_ =	shalt  }
0x5c: {  	_ =	shalt  }
0x5d: {  	_ =	shalt  }
0x5e: {  	_ =	shalt  }
0x5f: {  	_ =	shalt  }
0x60: {  	_ =	shalt  }
0x61: {  	_ =	shalt  }
0x62: {  	_ =	shalt  }
0x63: {  	_ =	shalt  }
0x64: {  	_ =	shalt  }
0x65: {  	_ =	shalt  }
0x66: {  	_ =	shalt  }
0x67: {  	_ =	shalt  }
0x68: {  	_ =	shalt  }
0x69: {  	_ =	shalt  }
0x6a: {  	_ =	shalt  }
0x6b: {  	_ =	shalt  }
0x6c: {  	_ =	shalt  }
0x6d: {  	_ =	shalt  }
0x6e: {  	_ =	shalt  }
0x6f: {  	_ =	shalt  }
0x70: {  	_ =	shalt  }
0x71: {  	_ =	shalt  }
0x72: {  	_ =	shalt  }
0x73: {  	_ =	shalt  }
0x74: {  	_ =	shalt  }
0x75: {  	_ =	shalt  }
0x76: {  	_ =	shalt  }
0x77: {  	_ =	shalt  }
0x78: {  	_ =	shalt  }
0x79: {  	_ =	shalt  }
0x7a: {  	_ =	shalt  }
0x7b: {  	_ =	shalt  }
0x7c: {  	_ =	shalt  }
0x7d: {  	_ =	shalt  }
0x7e: {  	_ =	shalt  }
0x7f: {  	_ =	shalt  }
0x80: {  	_ =	shalt  }
0x81: {  	_ =	shalt  }
0x82: {  	_ =	shalt  }
0x83: {  	_ =	shalt  }
0x84: {  	_ =	shalt  }
0x85: {  	_ =	shalt  }
0x86: {  	_ =	shalt  }
0x87: {  	_ =	shalt  }
.Lfunc_end0:
.L_simem_size_0:
called_computation.3_lowered:
.L_overlay_start_0:
0x88: {  	s2 =	sld [smem:$0x3FD9]  }
0x89: {  	s3 =	sld [smem:$0x3FFE];
	_ =	sdelay $0x1  }
0x8a: {  	s1 =	srdreg.scid  }
0x8b: {  	s0 =	sand.u32 $0x1, s1  }
0x8c: {  	s17 =	sshll.u32 s0, $0xA;
	s2 =	sadd.s32 s3, s2  }
0x8d: {  	s2 =	sadd.s32 s2, s17  }
0x8e: {  	[smem:$0x3FC1] =	sst s2  }
0x8f: {  	_ = 	snop  }
0x90: {  	s2 =	sld [smem:$0x3FD0];
	(tm) =	ssettm $0x1  }
0x91: {  	s18 =	sld [smem:$0x3FFB];
	_ =	sdelay $0x3  }
0x92: {  	_ =	strace s18  }
0x93: {  	s3 =	sld [smem:$0x3FFC];
	_ =	sdelay $0x3  }
0x94: {  	_ =	strace s3  }
0x95: {  	s3 =	sld [smem:$0x3FFD];
	_ =	sdelay $0x3  }
0x96: {  	_ =	strace s3  }
0x97: {  	_ =	strace $0x8FFFFFFF  }
0x98: {  	s19 =	sld [smem:$0x3FDB];
	_ =	sdelay $0x1  }
0x99: {  	s4 =	simm.s32 $_scs_section_size  }
0x9a: {  	s5 =	simm.s32 $_size__tile_overlayer_lowered;
	s6 =	simm.s32 $_tile_overlayer_lowered  }
0x9b: {  	s22 =	simm.s32 $0x1BFF;
	s21 =	sshll.u32 s6, $0x1;
	s3 =	sadd.s32 s4, s19  }
0x9c: {  	s7 =	simm.s32 $0x0;
	s20 =	sshll.u32 s5, $0x1;
	s5 =	sadd.s32 s21, s3  }
0x9d: {  	[timem:s7], [sflag:s22] =	dma.local [hbm:s5], s20  }
0x9e: {  	_ =	swait.ge [sflag:s22], s20  }
0x9f: {  	s4 =	ssub.s32 $0x0, s20;
	[sflag:s22] =	ssyncset.done $0x0  }
0xa0: {  	[sflag:s22] =	ssyncadd.s32 s4;
	_ =	sdelay $0x1  }
0xa1: {  	s23 =	simm.s32 $0x1B8B  }
0xa2: {  	_ =	swait.ge [sflag:s23], $0x1  }
0xa3: {  	[sflag:s23] =	ssyncset.done $0x0  }
0xa4: {  	s25 =	simm.s32 $0x1B8E;
	s24 =	sld [smem:$0x3FFE];
	[sflag:s23] =	ssyncadd.s32 $0xFFFFFFFF  }
0xa5: {  	s26 =	simm.s32 $execute0_lowered;
	[smem:$0x3FD2] =	sst s25  }
0xa6: {  	s5 =	sshll.u32 s26, $0x1;
	_ =	strace $0x8000004F;
	[dreg:$0x1] =	wrdreg $0xFFFFFFFF  }
0xa7: {  	s28 =	simm.s32 $_size_execute0_lowered;
	s3 =	sadd.s32 s3, s5;
	[dreg:$0x0] =	wrdreg $0x0  }
0xa8: {  	s5 =	sshll.u32 s28, $0x1;
	[dreg:$0x2] =	wrdreg s3  }
0xa9: {  	[dreg:$0x3] =	wrdreg s5  }
0xaa: {  	[dreg:$0x4] =	wrdreg $0xC0  }
0xab: {  	_ =	task [dreg:s7], $0x5FFFF  }
0xac: {  	[dreg:$0x1] =	wrdreg $0xFFFFFFFF  }
0xad: {  	[dreg:$0x0] =	wrdreg $0x60  }
0xae: {  	[dreg:$0x2] =	wrdreg s2  }
0xaf: {  	[dreg:$0x3] =	wrdreg s24  }
0xb0: {  	[dreg:$0x4] =	wrdreg $0x0  }
0xb1: {  	[dreg:$0x5] =	wrdreg $0x9  }
0xb2: {  	_ =	task.clear_ibuf [dreg:s7], $0x6FFFF;
	_ =	strace $0x9000004F  }
0xb3: {  	s29 =	simm.s32 $0x9;
	_ =	strace $0x80000051  }
0xb4: {  	_ =	swait.ge [sflag:s29], $0x1  }
0xb5: {  	[sflag:s29] =	ssyncadd.s32 $0xFFFFFFFF  }
0xb6: {  	_ =	strace $0x90000051  }
0xb7: {  	_ =	sfence  }
0xb8: {  	s30 =	sld [smem:$0x0];
	_ =	sdelay $0x2  }
0xb9: {  	s31 =	sshll.u32 s1, $0xD;
	s1 =	sshrl.u32 s1, $0x2  }
0xba: {  	s3 =	sand.u32 $0x4000, s31;
	s1 =	sadd.s32 s1, s30  }
0xbb: {  	s0 =	sor.u32 s3, s0;
	s1 =	sshll.u32 s1, $0x11  }
0xbc: {  	s0 =	sor.u32 s1, s0  }
0xbd: {  	s0 =	sadd.s32 $0x8F2B, s0  }
0xbe: {  	[sflag:s0] =	ssyncadd.remote.s32 $0x1  }
0xbf: {  	_ =	sfence.sel $0xFFFF  }
0xc0: {  	[dreg:$0x0] =	wrdreg $0xFFFFFFFF;
	(pc) =	sbr.abs _section_cstart, $3  }
0xc1: {  	[dreg:$0x1] =	wrdreg $0xFFFFFFFF  }
0xc2: {  	_ =	task.clear_ibuf [dreg:s7], $0x2FFFF;
	_ =	strace $0x9FFFFFFF  }
0xc3: {  	(tm) =	ssettm $0x7FFFFFFF  }
tec
execute0_lowered:
.L_overlay_start_1:
0x0: {  	(tag) =	ssettag $0x1  }
0x1: {  	s1 =	rddreg [dreg:$0x0]  }
0x2: {  	s0 =	rddreg [dreg:$0x1]  }
0x3: {  	s2 =	rddreg [dreg:$0x2];
	s4 =	simm.s32 $0x0;
	s3 =	stileid.u32  }
0x4: {  	s6 =	srdreg.scid;
	s28 =	simm.s32 $0x80;
	s29 =	simm.s32 $0x18C00  }
0x5: {  	s30 =	simm.s32 $0x1;
	s31 =	simm.s32 $0x0;
	[smem:$0x7FF] =	sst s4  }
0x6: {  	s5 =	sadd.s32 $0x62200, s0;
	s8 =	smul.u32 $0x500, s3;
	s17 =	sand.u32 $0x1, s6  }
0x7: {  	s6 =	sadd.s32 $0x13E00, s0;
	s13 =	smul.u32 $0x2700, s3;
	s7 =	sadd.s32 $0x3B000, s0  }
0x8: {  	s11 =	smul.u32 $0x4E000, s3;
	p6 =	seq.s32 s3, $0xF;
	s12 =	sadd.s32 $0x138800, s2  }
0x9: {  	s14 =	sadd.s32 $0x38700, s0;
	p3 =	sne.s32 s3, $0xF;
	s25 =	sadd.s32 $0xADD00, s0  }
0xa: {  	_ =	strace $0x80000050;
	s9 =	ssub.s32 $0x2, s17;
	p2 =	seq.s32 s17, $0x1  }
0xb: {  	p0 =	seq.s32 s17, $0x0;
	[dreg:$0x4] =	wrdreg s25;
	s25 =	simm.s32 $0x2  }
0xc: {  	s10 =	sshrl.u32 s9, $0x1;
	s16 =	sadd.s32 s8, s0;
	s20 =	sadd.s32 s13, s0  }
0xd: {  	s24 =	sshrl.u32 s11, $0x2;
	s11 =	sadd.s32 $0x5F900, s0;
	p4 =	por !p0, !p3  }
0xe: {  	p5 =	por !p0, !p6;
	s0 =	sadd.s32 $0xD4F00, s0;
	p3 =	por !p3, !p2  }
0xf: {  	p6 =	por !p6, !p2;
	s21 =	ssub.s32 s9, s10;
	s8 =	sadd.s32 s24, s2  }
0x10: {  	p1 =	por !p5, !p5;
	s26 =	sadd.s32 $0x89400, s20;
	[dreg:$0x6] =	wrdreg s0  }
0x11: {  	p2 =	por !p3, !p3;
	p3 =	por !p6, !p6;
	s18 =	simm.s32 @!p1 $0x0  }
0x12: {  	[dreg:$0x5] =	wrdreg s26;
	s0 =	simm.s32 @!p3 $0x0;
	s18 =	simm.s32 @p1 $0x1  }
0x13: {  	s9 =	sadd.s32 $0x124800, s2;
	s0 =	simm.s32 @p3 $0x1;
	[smem:$0x7FA] =	sst s18  }
0x14: {  	p0 =	por !p4, !p4;
	p1 =	sne.s32 s17, $0x0;
	[smem:$0x7FC] =	sst s0  }
0x15: {  	s19 =	sadd.s32 $0xB0600, s20;
	p4 =	seq.s32 @p1 s3, $0xF;
	s20 =	sld [smem:$0x7FA]  }
0x16: {  	p6 =	sne.s32 @!p1 s3, $0xF;
	s0 =	simm.s32 @!p1 $0x0;
	p3 =	por !p4, !p1  }
0x17: {  	p4 =	por p4, !p1;
	p5 =	por !p6, p1;
	s0 =	simm.s32 @p1 $0x1  }
0x18: {  	p6 =	por p6, p1;
	s26 =	sld [smem:$0x7FC];
	p1 =	seq.s32 s20, $0x1  }
0x19: {  	s10 =	sadd.s32 s7, s13;
	s13 =	sadd.s32 s6, s13;
	p1 =	por !p1, p0  }
0x1a: {  	s15 =	sadd.s32 $0xEE00, s16;
	[smem:$0x7F9] =	sst s0;
	s0 =	simm.s32 @!p1 $0x0  }
.Ltmp0:
0x1b: {  	s0 =	simm.s32 @p1 $0x1;
	p1 =	seq.s32 s26, $0x1;
	(pc) =	sbr.rel .LBB2_1-.Ltmp0, $4  }
0x1c: {  	s16 =	sadd.s32 $0x9E00, s16;
	[dreg:$0x7] =	wrdreg s19;
	p1 =	por !p1, p2  }
0x1d: {  	s24 =	simm.s32 $0x13C00;
	[smem:$0x7FB] =	sst s0;
	s0 =	simm.s32 @!p1 $0x0  }
0x1e: {  	s21 =	smax.u32 s21, $0x1;
	s22 =	sshrl.u32 @!p3 s9, $0x3;
	s0 =	simm.s32 @p1 $0x1  }
0x1f: {  	s23 =	sshrl.u32 @!p3 s12, $0x3;
	s26 =	simm.s32 $0x16400;
	[smem:$0x7FD] =	sst s0  }
.LBB2_7:
0x20: {  	s17 =	sadd.s32 $0x13C00, s0;
	[sflag:s25] =	ssyncadd.s32 $0xFFFFC000  }
0x21: {  	[tilespmem:s29], [sflag:$0x1] =	stream.indirect.gather [hbm4b:s5+s28], $0x80, s17, s28, $0xb8;
	[tilespmem:$0x1CC00] =	vst v63  }
0x22: {  	_ =	swait.ge [sflag:s30], $0x4000  }
0x23: {  	[sflag:s30] =	ssyncset.done $0x0  }
0x24: {  	s19 =	sadd.s32 $0x16400, s0;
	[sflag:s30] =	ssyncadd.s32 $0xFFFFC000  }
0x25: {  	[spmem:s2] =	stream.indirect.scatter.add.f32 [tilespmem:s29], [sflag:$0x2], $0x80, s19, s28, $0xb8;
	[tilespmem:$0x1CC00] =	vst v63  }
0x26: {  	_ =	swait.ge [sflag:s25], $0x4000  }
0x27: {  	[sflag:s25] =	ssyncset.done $0x0  }
0x28: {  	[sflag:s25] =	ssyncadd.s32 $0xFFFFC000  }
0x29: {  	[bflag:$0x0] =	sbarrier.arrive $0xFFFF  }
0x2a: {  	s20 =	sld [smem:$0x7FD];
	_ =	sdelay $0x2  }
0x2b: {  	p1 =	seq.s32 s20, $0x1  }
0x2c: {  	s18 =	rddreg [dreg:$0x6];
	s0 =	sshrl.u32 @!p1 s9, $0x3;
	s17 =	simm.s32 @!p1 $0x1FC2  }
0x2d: {  	[hbm:s18], [sflag:s17] =	dma.local @!p1 [spmem:s0], $0x2800  }
0x2e: {  	s0 =	simm.s32 @!p1 $0x2  }
0x2f: {  	_ =	swait.ge @!p1 [sflag:s0], $0x2800  }
0x30: {  	s17 =	sshll.u32 @p2 s3, $0x6;
	[sflag:s0] =	ssyncset.done @!p1 $0x0;
	s18 =	rddreg [dreg:$0x7]  }
0x31: {  	[sflag:s0] =	ssyncadd.s32 @!p1 $0xFFFFD800;
	s0 =	sor.u32 @p2 $0x1C02, s17;
	s17 =	sshrl.u32 @p2 s8, $0x3  }
0x32: {  	[hbm:s18], [sflag:s0] =	dma.local @p2 [spmem:s17], $0x2700  }
0x33: {  	s0 =	simm.s32 @p2 $0x2  }
0x34: {  	_ =	swait.ge @p2 [sflag:s0], $0x2700  }
0x35: {  	[sflag:s0] =	ssyncset.done @p2 $0x0  }
0x36: {  	[sflag:s0] =	ssyncadd.s32 @p2 $0xFFFFD900  }
.LBB2_8:
0x37: {  	s31 =	sadd.s32 $0x1, s31  }
0x38: {  	p1 =	sne.s32 s31, s21  }
.Ltmp1:
0x39: {  	_ = 	snop;
	(pc) =	sbr.rel @!p1 .LBB2_9-.Ltmp1, $1  }
0x3a: {  	_ =	sdelay $0x3  }
.LBB2_1:
0x3b: {  	s0 =	simm.s32 @!p3 $0x1FC2;
	s17 =	simm.s32 @!p3 $0x2  }
0x3c: {  	[spmem:s22], [sflag:s0] =	dma.local @!p3 [hbm:s11], $0x2800  }
0x3d: {  	_ =	swait.ge @!p3 [sflag:s17], $0x2800  }
0x3e: {  	[sflag:s17] =	ssyncset.done @!p3 $0x0  }
0x3f: {  	[sflag:s17] =	ssyncadd.s32 @!p3 $0xFFFFD800  }
0x40: {  	[spmem:s23], [sflag:s0] =	dma.local @!p3 [hbm:s7], $0x700  }
0x41: {  	_ =	swait.ge @!p3 [sflag:s17], $0x700  }
0x42: {  	s0 =	sshll.u32 @!p4 s3, $0x6;
	[sflag:s17] =	ssyncset.done @!p3 $0x0  }
0x43: {  	s0 =	sor.u32 @!p4 $0x1C02, s0;
	[sflag:s17] =	ssyncadd.s32 @!p3 $0xFFFFF900;
	s17 =	sshrl.u32 @!p4 s8, $0x3  }
0x44: {  	[spmem:s17], [sflag:s0] =	dma.local @!p4 [hbm:s10], $0x2700  }
0x45: {  	s0 =	simm.s32 @!p4 $0x2  }
0x46: {  	_ =	swait.ge @!p4 [sflag:s0], $0x2700  }
0x47: {  	s17 =	sshll.u32 @!p5 s3, $0x6;
	[sflag:s0] =	ssyncset.done @!p4 $0x0  }
0x48: {  	[sflag:s0] =	ssyncadd.s32 @!p4 $0xFFFFD900;
	s0 =	sor.u32 @!p5 $0x1C02, s17;
	s17 =	sshrl.u32 @!p5 s8, $0x3  }
0x49: {  	[spmem:s17], [sflag:s0] =	dma.local @!p5 [hbm:s13], $0x2700  }
0x4a: {  	s0 =	simm.s32 @!p5 $0x2  }
0x4b: {  	_ =	swait.ge @!p5 [sflag:s0], $0x2700  }
0x4c: {  	[sflag:s0] =	ssyncset.done @!p5 $0x0  }
0x4d: {  	s17 =	simm.s32 @!p6 $0x1FC2;
	[sflag:s0] =	ssyncadd.s32 @!p5 $0xFFFFD900;
	s0 =	sshrl.u32 @!p6 s9, $0x3  }
0x4e: {  	[spmem:s0], [sflag:s17] =	dma.local @!p6 [hbm:s14], $0x2800  }
0x4f: {  	s0 =	simm.s32 @!p6 $0x2  }
0x50: {  	_ =	swait.ge @!p6 [sflag:s0], $0x2800  }
0x51: {  	[sflag:s0] =	ssyncset.done @!p6 $0x0  }
0x52: {  	s18 =	sshrl.u32 @!p6 s12, $0x3;
	[sflag:s0] =	ssyncadd.s32 @!p6 $0xFFFFD800  }
0x53: {  	[spmem:s18], [sflag:s17] =	dma.local @!p6 [hbm:s6], $0x700  }
0x54: {  	_ =	swait.ge @!p6 [sflag:s0], $0x700  }
0x55: {  	[sflag:s0] =	ssyncset.done @!p6 $0x0  }
0x56: {  	[sflag:s0] =	ssyncadd.s32 @!p6 $0xFFFFF900  }
0x57: {  	[tilespmem:s24], [sflag:$0x2] =	stream.linear.gather [hbm4b:s15+s4], $0x2780, $0x38;
	[tilespmem:$0x1CC00] =	vst v63  }
0x58: {  	_ =	swait.ge [sflag:s25], $0x2780  }
0x59: {  	[sflag:s25] =	ssyncset.done $0x0  }
0x5a: {  	[sflag:s25] =	ssyncadd.s32 $0xFFFFD880  }
0x5b: {  	[tilespmem:s26], [sflag:$0x2] =	stream.linear.gather [hbm4b:s16+s4], $0x2780, $0x38;
	[tilespmem:$0x1CC00] =	vst v63  }
0x5c: {  	_ =	swait.ge [sflag:s25], $0x2780  }
0x5d: {  	[sflag:s25] =	ssyncset.done $0x0  }
0x5e: {  	[sflag:s25] =	ssyncadd.s32 $0xFFFFD880  }
0x5f: {  	[bflag:$0x0] =	sbarrier.arrive $0xFFFF  }
0x60: {  	s20 =	sld [smem:$0x7F9];
	_ =	sdelay $0x2  }
0x61: {  	p1 =	seq.s32 s20, $0x1  }
.Ltmp2:
0x62: {  	_ = 	snop;
	(pc) =	sbr.rel @p1 .LBB2_5-.Ltmp2, $1  }
0x63: {  	_ =	sdelay $0x3  }
0x64: {  	s0 =	simm.s32 $0x13C00  }
0x65: {  	[tilespmem:s29], [sflag:$0x1] =	stream.indirect.gather [hbm4b:s1+s28], $0x80, s0, s28, $0xb8;
	[tilespmem:$0x1CC00] =	vst v63  }
0x66: {  	_ =	swait.ge [sflag:s30], $0x4000  }
0x67: {  	[sflag:s30] =	ssyncset.done $0x0  }
0x68: {  	s20 =	simm.s32 $0x16400;
	[sflag:s30] =	ssyncadd.s32 $0xFFFFC000  }
0x69: {  	[spmem:s2] =	stream.indirect.scatter.add.f32 [tilespmem:s29], [sflag:$0x2], $0x80, s20, s28, $0xb8;
	[tilespmem:$0x1CC00] =	vst v63  }
0x6a: {  	_ =	swait.ge [sflag:s25], $0x4000  }
0x6b: {  	s17 =	simm.s32 $0x400;
	s0 =	simm.s32 $0x80;
	[sflag:s25] =	ssyncset.done $0x0  }
.LBB2_3:
0x6c: {  	s18 =	sadd.s32 $0x13C00, s0  }
0x6d: {  	[sflag:s25] =	ssyncadd.s32 $0xFFFFC000;
	s19 =	smov.u32 s17;
	s20 =	sadd.s32 $0x200, s17  }
0x6e: {  	[tilespmem:s29], [sflag:$0x1] =	stream.indirect.gather [hbm4b:s1+s28], $0x80, s18, s28, $0xb8;
	[tilespmem:$0x1CC00] =	vst v63  }
0x6f: {  	p1 =	seq.s32 s17, $0x9C00;
	_ =	swait.ge [sflag:s30], $0x4000  }
.Ltmp3:
0x70: {  	[sflag:s30] =	ssyncset.done $0x0;
	(pc) =	sbr.rel @!p1 .LBB2_3-.Ltmp3, $4  }
0x71: {  	s0 =	sadd.s32 $0x16400, s0;
	[sflag:s30] =	ssyncadd.s32 $0xFFFFC000  }
0x72: {  	[spmem:s2] =	stream.indirect.scatter.add.f32 [tilespmem:s29], [sflag:$0x2], $0x80, s0, s28, $0xb8;
	[tilespmem:$0x1CC00] =	vst v63  }
0x73: {  	_ =	swait.ge [sflag:s25], $0x4000  }
0x74: {  	s17 =	smov.u32 s20;
	s0 =	sshra.s32 s19, $0x2;
	[sflag:s25] =	ssyncset.done $0x0  }
0x75: {  	s17 =	sadd.s32 $0x13C00, s0;
	[sflag:s25] =	ssyncadd.s32 $0xFFFFC000  }
0x76: {  	[tilespmem:s29], [sflag:$0x1] =	stream.indirect.gather [hbm4b:s1+s28], $0x80, s17, s28, $0xb8;
	[tilespmem:$0x1CC00] =	vst v63  }
0x77: {  	_ =	swait.ge [sflag:s30], $0x4000  }
0x78: {  	[sflag:s30] =	ssyncset.done $0x0  }
0x79: {  	s19 =	sadd.s32 $0x16400, s0;
	[sflag:s30] =	ssyncadd.s32 $0xFFFFC000  }
0x7a: {  	[spmem:s2] =	stream.indirect.scatter.add.f32 [tilespmem:s29], [sflag:$0x2], $0x80, s19, s28, $0xb8;
	[tilespmem:$0x1CC00] =	vst v63  }
0x7b: {  	_ =	swait.ge [sflag:s25], $0x4000  }
0x7c: {  	[sflag:s25] =	ssyncset.done $0x0  }
0x7d: {  	[sflag:s25] =	ssyncadd.s32 $0xFFFFC000  }
0x7e: {  	[bflag:$0x0] =	sbarrier.arrive $0xFFFF  }
0x7f: {  	s20 =	sld [smem:$0x7FB];
	_ =	sdelay $0x2  }
0x80: {  	p1 =	seq.s32 s20, $0x1  }
0x81: {  	s18 =	rddreg [dreg:$0x4];
	s0 =	sshrl.u32 @!p1 s9, $0x3;
	s17 =	simm.s32 @!p1 $0x1FC2  }
0x82: {  	[hbm:s18], [sflag:s17] =	dma.local @!p1 [spmem:s0], $0x2800  }
0x83: {  	s0 =	simm.s32 @!p1 $0x2  }
0x84: {  	_ =	swait.ge @!p1 [sflag:s0], $0x2800  }
0x85: {  	s17 =	sshll.u32 @p0 s3, $0x6;
	[sflag:s0] =	ssyncset.done @!p1 $0x0;
	s18 =	rddreg [dreg:$0x5]  }
0x86: {  	[sflag:s0] =	ssyncadd.s32 @!p1 $0xFFFFD800;
	s0 =	sor.u32 @p0 $0x1C02, s17;
	s17 =	sshrl.u32 @p0 s8, $0x3  }
0x87: {  	[hbm:s18], [sflag:s0] =	dma.local @p0 [spmem:s17], $0x2700  }
.Ltmp4:
0x88: {  	_ = 	snop;
	(pc) =	sbr.rel .LBB2_8-.Ltmp4, $4  }
0x89: {  	s0 =	simm.s32 @p0 $0x2  }
0x8a: {  	_ =	swait.ge @p0 [sflag:s0], $0x2700  }
0x8b: {  	[sflag:s0] =	ssyncset.done @p0 $0x0  }
0x8c: {  	[sflag:s0] =	ssyncadd.s32 @p0 $0xFFFFD900  }
.LBB2_5:
0x8d: {  	s0 =	simm.s32 $0x13C00  }
0x8e: {  	[tilespmem:s29], [sflag:$0x1] =	stream.indirect.gather [hbm4b:s5+s28], $0x80, s0, s28, $0xb8;
	[tilespmem:$0x1CC00] =	vst v63  }
0x8f: {  	_ =	swait.ge [sflag:s30], $0x4000  }
0x90: {  	[sflag:s30] =	ssyncset.done $0x0  }
0x91: {  	s20 =	simm.s32 $0x16400;
	[sflag:s30] =	ssyncadd.s32 $0xFFFFC000  }
0x92: {  	[spmem:s2] =	stream.indirect.scatter.add.f32 [tilespmem:s29], [sflag:$0x2], $0x80, s20, s28, $0xb8;
	[tilespmem:$0x1CC00] =	vst v63  }
0x93: {  	_ =	swait.ge [sflag:s25], $0x4000  }
0x94: {  	s17 =	simm.s32 $0x400;
	s0 =	simm.s32 $0x80;
	[sflag:s25] =	ssyncset.done $0x0  }
.LBB2_6:
0x95: {  	s18 =	sadd.s32 $0x13C00, s0  }
0x96: {  	[sflag:s25] =	ssyncadd.s32 $0xFFFFC000;
	s19 =	smov.u32 s17;
	s20 =	sadd.s32 $0x200, s17  }
0x97: {  	[tilespmem:s29], [sflag:$0x1] =	stream.indirect.gather [hbm4b:s5+s28], $0x80, s18, s28, $0xb8;
	[tilespmem:$0x1CC00] =	vst v63  }
0x98: {  	p1 =	seq.s32 s17, $0x9C00;
	_ =	swait.ge [sflag:s30], $0x4000  }
.Ltmp5:
0x99: {  	[sflag:s30] =	ssyncset.done $0x0;
	(pc) =	sbr.rel @!p1 .LBB2_6-.Ltmp5, $4  }
0x9a: {  	s0 =	sadd.s32 $0x16400, s0;
	[sflag:s30] =	ssyncadd.s32 $0xFFFFC000  }
0x9b: {  	[spmem:s2] =	stream.indirect.scatter.add.f32 [tilespmem:s29], [sflag:$0x2], $0x80, s0, s28, $0xb8;
	[tilespmem:$0x1CC00] =	vst v63  }
0x9c: {  	_ =	swait.ge [sflag:s25], $0x4000  }
0x9d: {  	s17 =	smov.u32 s20;
	s0 =	sshra.s32 s19, $0x2;
	[sflag:s25] =	ssyncset.done $0x0  }
.Ltmp6:
0x9e: {  	_ = 	snop;
	(pc) =	sbr.rel .LBB2_7-.Ltmp6, $1  }
0x9f: {  	_ =	sdelay $0x3  }
.LBB2_9:
0xa0: {  	_ =	sfence.sel $0x180000  }
0xa1: {  	[bflag:$0x0] =	sbarrier.arrive $0xFFFF  }
0xa2: {  	_ =	strace $0x90000050  }
0xa3: {  	[bflag:$0x2] =	sbarrier.arrive $0xFFFF  }
0xa4: {  	p0 =	sne.s32 s3, $0x0;
	s0 =	rddreg [dreg:$0x3]  }
0xa5: {  	s0 =	sadd.s32 @!p0 $0x100000, s0  }
0xa6: {  	[sflag:s0] =	ssyncadd.tile.s32 @!p0 $0x1;
	_ =	shalt  }
.Lfunc_end2:
_tile_overlayer_lowered:
.L_overlay_start_2:
0xa7: {  	(tag) =	ssettag $0x2  }
0xa8: {  	s0 =	rddreg [dreg:$0x0];
	s2 =	stileid.u32  }
0xa9: {  	s1 =	rddreg [dreg:$0x1];
	p0 =	sne.s32 s2, $0x0  }
0xaa: {  	s3 =	rddreg [dreg:$0x2];
	[bflag:$0x3] =	sbarrier.arrive $0xFFFF;
	s2 =	simm.s32 @!p0 $0x1C02  }
0xab: {  	[timem:s3], [sflag:s2] =	dma.local @!p0 [hbm:s0], s1  }
0xac: {  	s0 =	simm.s32 @!p0 $0x2  }
0xad: {  	_ =	swait.ge @!p0 [sflag:s0], s1  }
0xae: {  	s1 =	ssub.s32 @!p0 $0x0, s1;
	[sflag:s0] =	ssyncset.done @!p0 $0x0  }
0xaf: {  	[sflag:s0] =	ssyncadd.s32 @!p0 s1  }
0xb0: {  	[bflag:$0x3] =	sbarrier.arrive $0xFFFF  }
0xb1: {  	_ =	shalt  }

// kernel: kernel.31.cloned.1.call-start
scs
__scs_entry_jumppad:
0x0: {  	(pc) =	sbr.rel $0x88, $3  }
0x1: {  	(tag) =	ssettag $0x0;
	lr =	simm.s32 $0x1  }
0x2: {  	[smem:$0x3F9A] =	sst lr;
	_ =	strace $0xD0000000  }
0x3: {  	_ = 	snop  }
0x4: {  	_ = 	snop  }
0x5: {  	_ = 	snop  }
0x6: {  	_ = 	snop  }
0x7: {  	_ = 	snop  }
__scs_overlays_trampoline_lowered:
0x8: {  	[smem:$0x3FA9] =	sst s0  }
0x9: {  	[smem:$0x3FAA] =	sst s1  }
0xa: {  	[smem:$0x3FAB] =	sst s2  }
0xb: {  	[smem:$0x3FAC] =	sst s3  }
0xc: {  	[smem:$0x3FAD] =	sst s4  }
0xd: {  	[smem:$0x3FAE] =	sst s5  }
0xe: {  	[smem:$0x3FAF] =	sst s6  }
0xf: {  	[smem:$0x3FB0] =	sst s7  }
0x10: {  	[smem:$0x3FB1] =	sst s8  }
0x11: {  	[smem:$0x3FB2] =	sst s9;
	s0 =	simm.s32 @!p0 $0x0  }
0x12: {  	s1 =	sld [smem:$0x3F98];
	s0 =	simm.s32 @p0 $0x1  }
0x13: {  	[smem:$0x3FB3] =	sst s0;
	s0 =	simm.s32 @!p1 $0x0  }
0x14: {  	s2 =	sld [smem:$0x3F97];
	s0 =	simm.s32 @p1 $0x1  }
0x15: {  	[smem:$0x3FB4] =	sst s0;
	s0 =	simm.s32 @!p2 $0x0  }
0x16: {  	s3 =	sld [smem:$0x3FDB];
	s0 =	simm.s32 @p2 $0x1  }
0x17: {  	s4 =	simm.s32 $0x1BF5;
	[smem:$0x3FB6] =	sst s0  }
0x18: {  	s0 =	sld [smem:$0x3F99];
	_ =	swait.ge [sflag:s4], $0x0  }
0x19: {  	s7 =	sld [smem:$0x3F9A]  }
0x1a: {  	s8 =	sadd.s32 $0xFFFFE003, lr  }
0x1b: {  	s9 =	sadd.s32 $0xFFFFFEF7, lr;
	s5 =	simm.s32 $0xFFFFFFFF;
	p2 =	slt.u32 s8, $0xFFFFF086  }
0x1c: {  	p1 =	slt.u32 s9, $0xF7A;
	s5 =	simm.s32 @!p2 $0x0  }
0x1d: {  	s5 =	simm.s32 @p1 $0x1;
	p0 =	seq.s32 s7, s2  }
0x1e: {  	s7 =	smul.u32 @!p0 $0xF7A, s2;
	p2 =	seq.s32 @!p0 s5, $0x0  }
0x1f: {  	s9 =	smul.u32 $0xF7A, s1;
	s8 =	simm.s32 @!p0 $0x1BF5;
	p2 =	por !p2, p0  }
0x20: {  	[sflag:s8] =	ssyncset.s32 @!p0 $0xFFFFF086;
	s6 =	sadd.s32 @!p0 s3, s7;
	s7 =	simm.s32 @!p0 $0x108  }
0x21: {  	s3 =	sadd.s32 s3, s9;
	s6 =	sadd.s32 @!p0 $0x88, s6;
	s7 =	simm.s32 @p2 $0x1082  }
0x22: {  	[simem:s7], [sflag:s8] =	dma.local @!p0 [hbm:s6], $0xF7A  }
0x23: {  	s9 =	sor.u32 $0xD0000000, s2;
	s6 =	simm.s32 $0x108;
	_ =	swait.ge @!p0 [sflag:s8], $0x0  }
0x24: {  	s3 =	sadd.s32 $0x88, s3;
	s6 =	simm.s32 @!p1 $0x1082;
	[sflag:s4] =	ssyncset.s32 $0xFFFFF086  }
0x25: {  	[simem:s6], [sflag:s4] =	dma.local [hbm:s3], $0xF7A  }
0x26: {  	[smem:$0x3F9A] =	sst s1;
	(tag) =	ssettag s2;
	_ =	strace s9  }
0x27: {  	s1 =	sld [smem:$0x3FAA]  }
0x28: {  	s2 =	sld [smem:$0x3FAB]  }
0x29: {  	s4 =	sld [smem:$0x3FAD]  }
0x2a: {  	p0 =	seq.s32 s5, $0x0;
	s5 =	sld [smem:$0x3FAE]  }
0x2b: {  	s6 =	sld [smem:$0x3FAF]  }
0x2c: {  	s7 =	sld [smem:$0x3FB0]  }
0x2d: {  	s3 =	simm.s32 $0x108;
	s8 =	sld [smem:$0x3FB1]  }
0x2e: {  	s3 =	simm.s32 @!p0 $0x1082;
	s9 =	sld [smem:$0x3FB2]  }
0x2f: {  	lr =	sadd.s32 s0, s3;
	s0 =	sld [smem:$0x3FA9]  }
0x30: {  	s3 =	sld [smem:$0x3FAC]  }
0x31: {  	[smem:$0x3FB5] =	sst s10  }
0x32: {  	s10 =	sld [smem:$0x3FB3];
	_ =	sdelay $0x3  }
0x33: {  	p0 =	seq.s32 s10, $0x1;
	s10 =	sld [smem:$0x3FB5];
	_ =	sdelay $0x3  }
0x34: {  	[smem:$0x3FB5] =	sst s10  }
0x35: {  	s10 =	sld [smem:$0x3FB4];
	_ =	sdelay $0x3  }
0x36: {  	p1 =	seq.s32 s10, $0x1;
	s10 =	sld [smem:$0x3FB5];
	_ =	sdelay $0x3  }
0x37: {  	[smem:$0x3FB5] =	sst s10  }
0x38: {  	s10 =	sld [smem:$0x3FB6]  }
0x39: {  	_ = 	snop;
	(pc) =	sbr.ind lr, $3  }
0x3a: {  	_ = 	snop  }
0x3b: {  	_ = 	snop  }
0x3c: {  	p2 =	seq.s32 s10, $0x1;
	s10 =	sld [smem:$0x3FB5]  }
0x3d: {  	_ =	shalt  }
0x3e: {  	_ =	shalt  }
0x3f: {  	_ =	shalt  }
0x40: {  	_ =	shalt  }
0x41: {  	_ =	shalt  }
0x42: {  	_ =	shalt  }
0x43: {  	_ =	shalt  }
0x44: {  	_ =	shalt  }
0x45: {  	_ =	shalt  }
0x46: {  	_ =	shalt  }
0x47: {  	_ =	shalt  }
0x48: {  	_ =	shalt  }
0x49: {  	_ =	shalt  }
0x4a: {  	_ =	shalt  }
0x4b: {  	_ =	shalt  }
0x4c: {  	_ =	shalt  }
0x4d: {  	_ =	shalt  }
0x4e: {  	_ =	shalt  }
0x4f: {  	_ =	shalt  }
0x50: {  	_ =	shalt  }
0x51: {  	_ =	shalt  }
0x52: {  	_ =	shalt  }
0x53: {  	_ =	shalt  }
0x54: {  	_ =	shalt  }
0x55: {  	_ =	shalt  }
0x56: {  	_ =	shalt  }
0x57: {  	_ =	shalt  }
0x58: {  	_ =	shalt  }
0x59: {  	_ =	shalt  }
0x5a: {  	_ =	shalt  }
0x5b: {  	_ =	shalt  }
0x5c: {  	_ =	shalt  }
0x5d: {  	_ =	shalt  }
0x5e: {  	_ =	shalt  }
0x5f: {  	_ =	shalt  }
0x60: {  	_ =	shalt  }
0x61: {  	_ =	shalt  }
0x62: {  	_ =	shalt  }
0x63: {  	_ =	shalt  }
0x64: {  	_ =	shalt  }
0x65: {  	_ =	shalt  }
0x66: {  	_ =	shalt  }
0x67: {  	_ =	shalt  }
0x68: {  	_ =	shalt  }
0x69: {  	_ =	shalt  }
0x6a: {  	_ =	shalt  }
0x6b: {  	_ =	shalt  }
0x6c: {  	_ =	shalt  }
0x6d: {  	_ =	shalt  }
0x6e: {  	_ =	shalt  }
0x6f: {  	_ =	shalt  }
0x70: {  	_ =	shalt  }
0x71: {  	_ =	shalt  }
0x72: {  	_ =	shalt  }
0x73: {  	_ =	shalt  }
0x74: {  	_ =	shalt  }
0x75: {  	_ =	shalt  }
0x76: {  	_ =	shalt  }
0x77: {  	_ =	shalt  }
0x78: {  	_ =	shalt  }
0x79: {  	_ =	shalt  }
0x7a: {  	_ =	shalt  }
0x7b: {  	_ =	shalt  }
0x7c: {  	_ =	shalt  }
0x7d: {  	_ =	shalt  }
0x7e: {  	_ =	shalt  }
0x7f: {  	_ =	shalt  }
0x80: {  	_ =	shalt  }
0x81: {  	_ =	shalt  }
0x82: {  	_ =	shalt  }
0x83: {  	_ =	shalt  }
0x84: {  	_ =	shalt  }
0x85: {  	_ =	shalt  }
0x86: {  	_ =	shalt  }
0x87: {  	_ =	shalt  }
.Lfunc_end0:
.L_simem_size_0:
called_computation.4_lowered:
.L_overlay_start_0:
0x88: {  	s2 =	sld [smem:$0x3FD9]  }
0x89: {  	s3 =	sld [smem:$0x3FFE];
	_ =	sdelay $0x1  }
0x8a: {  	s1 =	srdreg.scid  }
0x8b: {  	s0 =	sand.u32 $0x1, s1  }
0x8c: {  	s17 =	sshll.u32 s0, $0xA;
	s2 =	sadd.s32 s3, s2  }
0x8d: {  	s2 =	sadd.s32 s2, s17  }
0x8e: {  	[smem:$0x3FC1] =	sst s2  }
0x8f: {  	_ = 	snop  }
0x90: {  	s2 =	sld [smem:$0x3FD0];
	(tm) =	ssettm $0x1  }
0x91: {  	s18 =	sld [smem:$0x3FFB];
	_ =	sdelay $0x3  }
0x92: {  	_ =	strace s18  }
0x93: {  	s3 =	sld [smem:$0x3FFC];
	_ =	sdelay $0x3  }
0x94: {  	_ =	strace s3  }
0x95: {  	s3 =	sld [smem:$0x3FFD];
	_ =	sdelay $0x3  }
0x96: {  	_ =	strace s3  }
0x97: {  	_ =	strace $0x8FFFFFFF  }
0x98: {  	s19 =	sld [smem:$0x3FDB];
	_ =	sdelay $0x1  }
0x99: {  	s4 =	simm.s32 $_scs_section_size  }
0x9a: {  	s5 =	simm.s32 $_size__tile_overlayer_lowered;
	s6 =	simm.s32 $_tile_overlayer_lowered  }
0x9b: {  	s22 =	simm.s32 $0x1BFF;
	s21 =	sshll.u32 s6, $0x1;
	s3 =	sadd.s32 s4, s19  }
0x9c: {  	s7 =	simm.s32 $0x0;
	s20 =	sshll.u32 s5, $0x1;
	s5 =	sadd.s32 s21, s3  }
0x9d: {  	[timem:s7], [sflag:s22] =	dma.local [hbm:s5], s20  }
0x9e: {  	_ =	swait.ge [sflag:s22], s20  }
0x9f: {  	s4 =	ssub.s32 $0x0, s20;
	[sflag:s22] =	ssyncset.done $0x0  }
0xa0: {  	[sflag:s22] =	ssyncadd.s32 s4;
	_ =	sdelay $0x1  }
0xa1: {  	s23 =	simm.s32 $0x1B8B  }
0xa2: {  	_ =	swait.ge [sflag:s23], $0x1  }
0xa3: {  	[sflag:s23] =	ssyncset.done $0x0  }
0xa4: {  	s25 =	simm.s32 $0x1B8E;
	s24 =	sld [smem:$0x3FFE];
	[sflag:s23] =	ssyncadd.s32 $0xFFFFFFFF  }
0xa5: {  	s26 =	simm.s32 $execute0_lowered;
	[smem:$0x3FD2] =	sst s25  }
0xa6: {  	s5 =	sshll.u32 s26, $0x1;
	_ =	strace $0x80000052;
	[dreg:$0x1] =	wrdreg $0xFFFFFFFF  }
0xa7: {  	s28 =	simm.s32 $_size_execute0_lowered;
	s3 =	sadd.s32 s3, s5;
	[dreg:$0x0] =	wrdreg $0x0  }
0xa8: {  	s5 =	sshll.u32 s28, $0x1;
	[dreg:$0x2] =	wrdreg s3  }
0xa9: {  	[dreg:$0x3] =	wrdreg s5  }
0xaa: {  	[dreg:$0x4] =	wrdreg $0xC0  }
0xab: {  	_ =	task [dreg:s7], $0x5FFFF  }
0xac: {  	[dreg:$0x1] =	wrdreg $0xFFFFFFFF  }
0xad: {  	[dreg:$0x0] =	wrdreg $0x60  }
0xae: {  	[dreg:$0x2] =	wrdreg s2  }
0xaf: {  	[dreg:$0x3] =	wrdreg s24  }
0xb0: {  	[dreg:$0x4] =	wrdreg $0x0  }
0xb1: {  	[dreg:$0x5] =	wrdreg $0x9  }
0xb2: {  	_ =	task.clear_ibuf [dreg:s7], $0x6FFFF;
	_ =	strace $0x90000052  }
0xb3: {  	s29 =	simm.s32 $0x9;
	_ =	strace $0x80000054  }
0xb4: {  	_ =	swait.ge [sflag:s29], $0x1  }
0xb5: {  	[sflag:s29] =	ssyncadd.s32 $0xFFFFFFFF  }
0xb6: {  	_ =	strace $0x90000054  }
0xb7: {  	_ =	sfence  }
0xb8: {  	s30 =	sld [smem:$0x0];
	_ =	sdelay $0x2  }
0xb9: {  	s31 =	sshll.u32 s1, $0xD;
	s1 =	sshrl.u32 s1, $0x2  }
0xba: {  	s3 =	sand.u32 $0x4000, s31;
	s1 =	sadd.s32 s1, s30  }
0xbb: {  	s0 =	sor.u32 s3, s0;
	s1 =	sshll.u32 s1, $0x11  }
0xbc: {  	s0 =	sor.u32 s1, s0  }
0xbd: {  	s0 =	sadd.s32 $0x8F2B, s0  }
0xbe: {  	[sflag:s0] =	ssyncadd.remote.s32 $0x1  }
0xbf: {  	_ =	sfence.sel $0xFFFF  }
0xc0: {  	[dreg:$0x0] =	wrdreg $0xFFFFFFFF;
	(pc) =	sbr.abs _section_cstart, $3  }
0xc1: {  	[dreg:$0x1] =	wrdreg $0xFFFFFFFF  }
0xc2: {  	_ =	task.clear_ibuf [dreg:s7], $0x2FFFF;
	_ =	strace $0x9FFFFFFF  }
0xc3: {  	(tm) =	ssettm $0x7FFFFFFF  }
tec
execute0_lowered:
.L_overlay_start_1:
0x0: {  	(tag) =	ssettag $0x1  }
0x1: {  	s1 =	rddreg [dreg:$0x0]  }
0x2: {  	s0 =	rddreg [dreg:$0x1]  }
0x3: {  	s2 =	rddreg [dreg:$0x2];
	s4 =	simm.s32 $0x0;
	s3 =	stileid.u32  }
0x4: {  	s6 =	srdreg.scid;
	s28 =	simm.s32 $0x80;
	s29 =	simm.s32 $0x18C00  }
0x5: {  	s30 =	simm.s32 $0x1;
	s31 =	simm.s32 $0x0;
	[smem:$0x7FF] =	sst s4  }
0x6: {  	s5 =	sadd.s32 $0x62200, s0;
	s8 =	smul.u32 $0x500, s3;
	s17 =	sand.u32 $0x1, s6  }
0x7: {  	s6 =	sadd.s32 $0x13E00, s0;
	s13 =	smul.u32 $0x2700, s3;
	s7 =	sadd.s32 $0x3B000, s0  }
0x8: {  	s11 =	smul.u32 $0x4E000, s3;
	p6 =	seq.s32 s3, $0xF;
	s12 =	sadd.s32 $0x138800, s2  }
0x9: {  	s14 =	sadd.s32 $0x38700, s0;
	p3 =	sne.s32 s3, $0xF;
	s25 =	sadd.s32 $0xADD00, s0  }
0xa: {  	_ =	strace $0x80000053;
	s9 =	ssub.s32 $0x2, s17;
	p2 =	seq.s32 s17, $0x1  }
0xb: {  	p0 =	seq.s32 s17, $0x0;
	[dreg:$0x4] =	wrdreg s25;
	s25 =	simm.s32 $0x2  }
0xc: {  	s10 =	sshrl.u32 s9, $0x1;
	s16 =	sadd.s32 s8, s0;
	s20 =	sadd.s32 s13, s0  }
0xd: {  	s24 =	sshrl.u32 s11, $0x2;
	s11 =	sadd.s32 $0x5F900, s0;
	p4 =	por !p0, !p3  }
0xe: {  	p5 =	por !p0, !p6;
	s0 =	sadd.s32 $0xD4F00, s0;
	p3 =	por !p3, !p2  }
0xf: {  	p6 =	por !p6, !p2;
	s21 =	ssub.s32 s9, s10;
	s8 =	sadd.s32 s24, s2  }
0x10: {  	p1 =	por !p5, !p5;
	s26 =	sadd.s32 $0x89400, s20;
	[dreg:$0x6] =	wrdreg s0  }
0x11: {  	p2 =	por !p3, !p3;
	p3 =	por !p6, !p6;
	s18 =	simm.s32 @!p1 $0x0  }
0x12: {  	[dreg:$0x5] =	wrdreg s26;
	s0 =	simm.s32 @!p3 $0x0;
	s18 =	simm.s32 @p1 $0x1  }
0x13: {  	s9 =	sadd.s32 $0x124800, s2;
	s0 =	simm.s32 @p3 $0x1;
	[smem:$0x7FA] =	sst s18  }
0x14: {  	p0 =	por !p4, !p4;
	p1 =	sne.s32 s17, $0x0;
	[smem:$0x7FC] =	sst s0  }
0x15: {  	s19 =	sadd.s32 $0xB0600, s20;
	p4 =	seq.s32 @p1 s3, $0xF;
	s20 =	sld [smem:$0x7FA]  }
0x16: {  	p6 =	sne.s32 @!p1 s3, $0xF;
	s0 =	simm.s32 @!p1 $0x0;
	p3 =	por !p4, !p1  }
0x17: {  	p4 =	por p4, !p1;
	p5 =	por !p6, p1;
	s0 =	simm.s32 @p1 $0x1  }
0x18: {  	p6 =	por p6, p1;
	s26 =	sld [smem:$0x7FC];
	p1 =	seq.s32 s20, $0x1  }
0x19: {  	s10 =	sadd.s32 s7, s13;
	s13 =	sadd.s32 s6, s13;
	p1 =	por !p1, p0  }
0x1a: {  	s15 =	sadd.s32 $0xEE00, s16;
	[smem:$0x7F9] =	sst s0;
	s0 =	simm.s32 @!p1 $0x0  }
.Ltmp0:
0x1b: {  	s0 =	simm.s32 @p1 $0x1;
	p1 =	seq.s32 s26, $0x1;
	(pc) =	sbr.rel .LBB2_1-.Ltmp0, $4  }
0x1c: {  	s16 =	sadd.s32 $0x9E00, s16;
	[dreg:$0x7] =	wrdreg s19;
	p1 =	por !p1, p2  }
0x1d: {  	s24 =	simm.s32 $0x13C00;
	[smem:$0x7FB] =	sst s0;
	s0 =	simm.s32 @!p1 $0x0  }
0x1e: {  	s21 =	smax.u32 s21, $0x1;
	s22 =	sshrl.u32 @!p3 s9, $0x3;
	s0 =	simm.s32 @p1 $0x1  }
0x1f: {  	s23 =	sshrl.u32 @!p3 s12, $0x3;
	s26 =	simm.s32 $0x16400;
	[smem:$0x7FD] =	sst s0  }
.LBB2_7:
0x20: {  	s17 =	sadd.s32 $0x13C00, s0;
	[sflag:s25] =	ssyncadd.s32 $0xFFFFC000  }
0x21: {  	[tilespmem:s29], [sflag:$0x1] =	stream.indirect.gather [hbm4b:s5+s28], $0x80, s17, s28, $0xb8;
	[tilespmem:$0x1CC00] =	vst v63  }
0x22: {  	_ =	swait.ge [sflag:s30], $0x4000  }
0x23: {  	[sflag:s30] =	ssyncset.done $0x0  }
0x24: {  	s19 =	sadd.s32 $0x16400, s0;
	[sflag:s30] =	ssyncadd.s32 $0xFFFFC000  }
0x25: {  	[spmem:s2] =	stream.indirect.scatter.add.f32 [tilespmem:s29], [sflag:$0x2], $0x80, s19, s28, $0xb8;
	[tilespmem:$0x1CC00] =	vst v63  }
0x26: {  	_ =	swait.ge [sflag:s25], $0x4000  }
0x27: {  	[sflag:s25] =	ssyncset.done $0x0  }
0x28: {  	[sflag:s25] =	ssyncadd.s32 $0xFFFFC000  }
0x29: {  	[bflag:$0x0] =	sbarrier.arrive $0xFFFF  }
0x2a: {  	s20 =	sld [smem:$0x7FD];
	_ =	sdelay $0x2  }
0x2b: {  	p1 =	seq.s32 s20, $0x1  }
0x2c: {  	s18 =	rddreg [dreg:$0x6];
	s0 =	sshrl.u32 @!p1 s9, $0x3;
	s17 =	simm.s32 @!p1 $0x1FC2  }
0x2d: {  	[hbm:s18], [sflag:s17] =	dma.local @!p1 [spmem:s0], $0x2800  }
0x2e: {  	s0 =	simm.s32 @!p1 $0x2  }
0x2f: {  	_ =	swait.ge @!p1 [sflag:s0], $0x2800  }
0x30: {  	s17 =	sshll.u32 @p2 s3, $0x6;
	[sflag:s0] =	ssyncset.done @!p1 $0x0;
	s18 =	rddreg [dreg:$0x7]  }
0x31: {  	[sflag:s0] =	ssyncadd.s32 @!p1 $0xFFFFD800;
	s0 =	sor.u32 @p2 $0x1C02, s17;
	s17 =	sshrl.u32 @p2 s8, $0x3  }
0x32: {  	[hbm:s18], [sflag:s0] =	dma.local @p2 [spmem:s17], $0x2700  }
0x33: {  	s0 =	simm.s32 @p2 $0x2  }
0x34: {  	_ =	swait.ge @p2 [sflag:s0], $0x2700  }
0x35: {  	[sflag:s0] =	ssyncset.done @p2 $0x0  }
0x36: {  	[sflag:s0] =	ssyncadd.s32 @p2 $0xFFFFD900  }
.LBB2_8:
0x37: {  	s31 =	sadd.s32 $0x1, s31  }
0x38: {  	p1 =	sne.s32 s31, s21  }
.Ltmp1:
0x39: {  	_ = 	snop;
	(pc) =	sbr.rel @!p1 .LBB2_9-.Ltmp1, $1  }
0x3a: {  	_ =	sdelay $0x3  }
.LBB2_1:
0x3b: {  	s0 =	simm.s32 @!p3 $0x1FC2;
	s17 =	simm.s32 @!p3 $0x2  }
0x3c: {  	[spmem:s22], [sflag:s0] =	dma.local @!p3 [hbm:s11], $0x2800  }
0x3d: {  	_ =	swait.ge @!p3 [sflag:s17], $0x2800  }
0x3e: {  	[sflag:s17] =	ssyncset.done @!p3 $0x0  }
0x3f: {  	[sflag:s17] =	ssyncadd.s32 @!p3 $0xFFFFD800  }
0x40: {  	[spmem:s23], [sflag:s0] =	dma.local @!p3 [hbm:s7], $0x700  }
0x41: {  	_ =	swait.ge @!p3 [sflag:s17], $0x700  }
0x42: {  	s0 =	sshll.u32 @!p4 s3, $0x6;
	[sflag:s17] =	ssyncset.done @!p3 $0x0  }
0x43: {  	s0 =	sor.u32 @!p4 $0x1C02, s0;
	[sflag:s17] =	ssyncadd.s32 @!p3 $0xFFFFF900;
	s17 =	sshrl.u32 @!p4 s8, $0x3  }
0x44: {  	[spmem:s17], [sflag:s0] =	dma.local @!p4 [hbm:s10], $0x2700  }
0x45: {  	s0 =	simm.s32 @!p4 $0x2  }
0x46: {  	_ =	swait.ge @!p4 [sflag:s0], $0x2700  }
0x47: {  	s17 =	sshll.u32 @!p5 s3, $0x6;
	[sflag:s0] =	ssyncset.done @!p4 $0x0  }
0x48: {  	[sflag:s0] =	ssyncadd.s32 @!p4 $0xFFFFD900;
	s0 =	sor.u32 @!p5 $0x1C02, s17;
	s17 =	sshrl.u32 @!p5 s8, $0x3  }
0x49: {  	[spmem:s17], [sflag:s0] =	dma.local @!p5 [hbm:s13], $0x2700  }
0x4a: {  	s0 =	simm.s32 @!p5 $0x2  }
0x4b: {  	_ =	swait.ge @!p5 [sflag:s0], $0x2700  }
0x4c: {  	[sflag:s0] =	ssyncset.done @!p5 $0x0  }
0x4d: {  	s17 =	simm.s32 @!p6 $0x1FC2;
	[sflag:s0] =	ssyncadd.s32 @!p5 $0xFFFFD900;
	s0 =	sshrl.u32 @!p6 s9, $0x3  }
0x4e: {  	[spmem:s0], [sflag:s17] =	dma.local @!p6 [hbm:s14], $0x2800  }
0x4f: {  	s0 =	simm.s32 @!p6 $0x2  }
0x50: {  	_ =	swait.ge @!p6 [sflag:s0], $0x2800  }
0x51: {  	[sflag:s0] =	ssyncset.done @!p6 $0x0  }
0x52: {  	s18 =	sshrl.u32 @!p6 s12, $0x3;
	[sflag:s0] =	ssyncadd.s32 @!p6 $0xFFFFD800  }
0x53: {  	[spmem:s18], [sflag:s17] =	dma.local @!p6 [hbm:s6], $0x700  }
0x54: {  	_ =	swait.ge @!p6 [sflag:s0], $0x700  }
0x55: {  	[sflag:s0] =	ssyncset.done @!p6 $0x0  }
0x56: {  	[sflag:s0] =	ssyncadd.s32 @!p6 $0xFFFFF900  }
0x57: {  	[tilespmem:s24], [sflag:$0x2] =	stream.linear.gather [hbm4b:s15+s4], $0x2780, $0x38;
	[tilespmem:$0x1CC00] =	vst v63  }
0x58: {  	_ =	swait.ge [sflag:s25], $0x2780  }
0x59: {  	[sflag:s25] =	ssyncset.done $0x0  }
0x5a: {  	[sflag:s25] =	ssyncadd.s32 $0xFFFFD880  }
0x5b: {  	[tilespmem:s26], [sflag:$0x2] =	stream.linear.gather [hbm4b:s16+s4], $0x2780, $0x38;
	[tilespmem:$0x1CC00] =	vst v63  }
0x5c: {  	_ =	swait.ge [sflag:s25], $0x2780  }
0x5d: {  	[sflag:s25] =	ssyncset.done $0x0  }
0x5e: {  	[sflag:s25] =	ssyncadd.s32 $0xFFFFD880  }
0x5f: {  	[bflag:$0x0] =	sbarrier.arrive $0xFFFF  }
0x60: {  	s20 =	sld [smem:$0x7F9];
	_ =	sdelay $0x2  }
0x61: {  	p1 =	seq.s32 s20, $0x1  }
.Ltmp2:
0x62: {  	_ = 	snop;
	(pc) =	sbr.rel @p1 .LBB2_5-.Ltmp2, $1  }
0x63: {  	_ =	sdelay $0x3  }
0x64: {  	s0 =	simm.s32 $0x13C00  }
0x65: {  	[tilespmem:s29], [sflag:$0x1] =	stream.indirect.gather [hbm4b:s1+s28], $0x80, s0, s28, $0xb8;
	[tilespmem:$0x1CC00] =	vst v63  }
0x66: {  	_ =	swait.ge [sflag:s30], $0x4000  }
0x67: {  	[sflag:s30] =	ssyncset.done $0x0  }
0x68: {  	s20 =	simm.s32 $0x16400;
	[sflag:s30] =	ssyncadd.s32 $0xFFFFC000  }
0x69: {  	[spmem:s2] =	stream.indirect.scatter.add.f32 [tilespmem:s29], [sflag:$0x2], $0x80, s20, s28, $0xb8;
	[tilespmem:$0x1CC00] =	vst v63  }
0x6a: {  	_ =	swait.ge [sflag:s25], $0x4000  }
0x6b: {  	s17 =	simm.s32 $0x400;
	s0 =	simm.s32 $0x80;
	[sflag:s25] =	ssyncset.done $0x0  }
.LBB2_3:
0x6c: {  	s18 =	sadd.s32 $0x13C00, s0  }
0x6d: {  	[sflag:s25] =	ssyncadd.s32 $0xFFFFC000;
	s19 =	smov.u32 s17;
	s20 =	sadd.s32 $0x200, s17  }
0x6e: {  	[tilespmem:s29], [sflag:$0x1] =	stream.indirect.gather [hbm4b:s1+s28], $0x80, s18, s28, $0xb8;
	[tilespmem:$0x1CC00] =	vst v63  }
0x6f: {  	p1 =	seq.s32 s17, $0x9C00;
	_ =	swait.ge [sflag:s30], $0x4000  }
.Ltmp3:
0x70: {  	[sflag:s30] =	ssyncset.done $0x0;
	(pc) =	sbr.rel @!p1 .LBB2_3-.Ltmp3, $4  }
0x71: {  	s0 =	sadd.s32 $0x16400, s0;
	[sflag:s30] =	ssyncadd.s32 $0xFFFFC000  }
0x72: {  	[spmem:s2] =	stream.indirect.scatter.add.f32 [tilespmem:s29], [sflag:$0x2], $0x80, s0, s28, $0xb8;
	[tilespmem:$0x1CC00] =	vst v63  }
0x73: {  	_ =	swait.ge [sflag:s25], $0x4000  }
0x74: {  	s17 =	smov.u32 s20;
	s0 =	sshra.s32 s19, $0x2;
	[sflag:s25] =	ssyncset.done $0x0  }
0x75: {  	s17 =	sadd.s32 $0x13C00, s0;
	[sflag:s25] =	ssyncadd.s32 $0xFFFFC000  }
0x76: {  	[tilespmem:s29], [sflag:$0x1] =	stream.indirect.gather [hbm4b:s1+s28], $0x80, s17, s28, $0xb8;
	[tilespmem:$0x1CC00] =	vst v63  }
0x77: {  	_ =	swait.ge [sflag:s30], $0x4000  }
0x78: {  	[sflag:s30] =	ssyncset.done $0x0  }
0x79: {  	s19 =	sadd.s32 $0x16400, s0;
	[sflag:s30] =	ssyncadd.s32 $0xFFFFC000  }
0x7a: {  	[spmem:s2] =	stream.indirect.scatter.add.f32 [tilespmem:s29], [sflag:$0x2], $0x80, s19, s28, $0xb8;
	[tilespmem:$0x1CC00] =	vst v63  }
0x7b: {  	_ =	swait.ge [sflag:s25], $0x4000  }
0x7c: {  	[sflag:s25] =	ssyncset.done $0x0  }
0x7d: {  	[sflag:s25] =	ssyncadd.s32 $0xFFFFC000  }
0x7e: {  	[bflag:$0x0] =	sbarrier.arrive $0xFFFF  }
0x7f: {  	s20 =	sld [smem:$0x7FB];
	_ =	sdelay $0x2  }
0x80: {  	p1 =	seq.s32 s20, $0x1  }
0x81: {  	s18 =	rddreg [dreg:$0x4];
	s0 =	sshrl.u32 @!p1 s9, $0x3;
	s17 =	simm.s32 @!p1 $0x1FC2  }
0x82: {  	[hbm:s18], [sflag:s17] =	dma.local @!p1 [spmem:s0], $0x2800  }
0x83: {  	s0 =	simm.s32 @!p1 $0x2  }
0x84: {  	_ =	swait.ge @!p1 [sflag:s0], $0x2800  }
0x85: {  	s17 =	sshll.u32 @p0 s3, $0x6;
	[sflag:s0] =	ssyncset.done @!p1 $0x0;
	s18 =	rddreg [dreg:$0x5]  }
0x86: {  	[sflag:s0] =	ssyncadd.s32 @!p1 $0xFFFFD800;
	s0 =	sor.u32 @p0 $0x1C02, s17;
	s17 =	sshrl.u32 @p0 s8, $0x3  }
0x87: {  	[hbm:s18], [sflag:s0] =	dma.local @p0 [spmem:s17], $0x2700  }
.Ltmp4:
0x88: {  	_ = 	snop;
	(pc) =	sbr.rel .LBB2_8-.Ltmp4, $4  }
0x89: {  	s0 =	simm.s32 @p0 $0x2  }
0x8a: {  	_ =	swait.ge @p0 [sflag:s0], $0x2700  }
0x8b: {  	[sflag:s0] =	ssyncset.done @p0 $0x0  }
0x8c: {  	[sflag:s0] =	ssyncadd.s32 @p0 $0xFFFFD900  }
.LBB2_5:
0x8d: {  	s0 =	simm.s32 $0x13C00  }
0x8e: {  	[tilespmem:s29], [sflag:$0x1] =	stream.indirect.gather [hbm4b:s5+s28], $0x80, s0, s28, $0xb8;
	[tilespmem:$0x1CC00] =	vst v63  }
0x8f: {  	_ =	swait.ge [sflag:s30], $0x4000  }
0x90: {  	[sflag:s30] =	ssyncset.done $0x0  }
0x91: {  	s20 =	simm.s32 $0x16400;
	[sflag:s30] =	ssyncadd.s32 $0xFFFFC000  }
0x92: {  	[spmem:s2] =	stream.indirect.scatter.add.f32 [tilespmem:s29], [sflag:$0x2], $0x80, s20, s28, $0xb8;
	[tilespmem:$0x1CC00] =	vst v63  }
0x93: {  	_ =	swait.ge [sflag:s25], $0x4000  }
0x94: {  	s17 =	simm.s32 $0x400;
	s0 =	simm.s32 $0x80;
	[sflag:s25] =	ssyncset.done $0x0  }
.LBB2_6:
0x95: {  	s18 =	sadd.s32 $0x13C00, s0  }
0x96: {  	[sflag:s25] =	ssyncadd.s32 $0xFFFFC000;
	s19 =	smov.u32 s17;
	s20 =	sadd.s32 $0x200, s17  }
0x97: {  	[tilespmem:s29], [sflag:$0x1] =	stream.indirect.gather [hbm4b:s5+s28], $0x80, s18, s28, $0xb8;
	[tilespmem:$0x1CC00] =	vst v63  }
0x98: {  	p1 =	seq.s32 s17, $0x9C00;
	_ =	swait.ge [sflag:s30], $0x4000  }
.Ltmp5:
0x99: {  	[sflag:s30] =	ssyncset.done $0x0;
	(pc) =	sbr.rel @!p1 .LBB2_6-.Ltmp5, $4  }
0x9a: {  	s0 =	sadd.s32 $0x16400, s0;
	[sflag:s30] =	ssyncadd.s32 $0xFFFFC000  }
0x9b: {  	[spmem:s2] =	stream.indirect.scatter.add.f32 [tilespmem:s29], [sflag:$0x2], $0x80, s0, s28, $0xb8;
	[tilespmem:$0x1CC00] =	vst v63  }
0x9c: {  	_ =	swait.ge [sflag:s25], $0x4000  }
0x9d: {  	s17 =	smov.u32 s20;
	s0 =	sshra.s32 s19, $0x2;
	[sflag:s25] =	ssyncset.done $0x0  }
.Ltmp6:
0x9e: {  	_ = 	snop;
	(pc) =	sbr.rel .LBB2_7-.Ltmp6, $1  }
0x9f: {  	_ =	sdelay $0x3  }
.LBB2_9:
0xa0: {  	_ =	sfence.sel $0x180000  }
0xa1: {  	[bflag:$0x0] =	sbarrier.arrive $0xFFFF  }
0xa2: {  	_ =	strace $0x90000053  }
0xa3: {  	[bflag:$0x2] =	sbarrier.arrive $0xFFFF  }
0xa4: {  	p0 =	sne.s32 s3, $0x0;
	s0 =	rddreg [dreg:$0x3]  }
0xa5: {  	s0 =	sadd.s32 @!p0 $0x100000, s0  }
0xa6: {  	[sflag:s0] =	ssyncadd.tile.s32 @!p0 $0x1;
	_ =	shalt  }
.Lfunc_end2:
_tile_overlayer_lowered:
.L_overlay_start_2:
0xa7: {  	(tag) =	ssettag $0x2  }
0xa8: {  	s0 =	rddreg [dreg:$0x0];
	s2 =	stileid.u32  }
0xa9: {  	s1 =	rddreg [dreg:$0x1];
	p0 =	sne.s32 s2, $0x0  }
0xaa: {  	s3 =	rddreg [dreg:$0x2];
	[bflag:$0x3] =	sbarrier.arrive $0xFFFF;
	s2 =	simm.s32 @!p0 $0x1C02  }
0xab: {  	[timem:s3], [sflag:s2] =	dma.local @!p0 [hbm:s0], s1  }
0xac: {  	s0 =	simm.s32 @!p0 $0x2  }
0xad: {  	_ =	swait.ge @!p0 [sflag:s0], s1  }
0xae: {  	s1 =	ssub.s32 @!p0 $0x0, s1;
	[sflag:s0] =	ssyncset.done @!p0 $0x0  }
0xaf: {  	[sflag:s0] =	ssyncadd.s32 @!p0 s1  }
0xb0: {  	[bflag:$0x3] =	sbarrier.arrive $0xFFFF  }
0xb1: {  	_ =	shalt  }

// kernel: kernel.34.cloned.1.call-start
scs
__scs_entry_jumppad:
0x0: {  	(pc) =	sbr.rel $0x88, $3  }
0x1: {  	(tag) =	ssettag $0x0;
	lr =	simm.s32 $0x1  }
0x2: {  	[smem:$0x3F9A] =	sst lr;
	_ =	strace $0xD0000000  }
0x3: {  	_ = 	snop  }
0x4: {  	_ = 	snop  }
0x5: {  	_ = 	snop  }
0x6: {  	_ = 	snop  }
0x7: {  	_ = 	snop  }
__scs_overlays_trampoline_lowered:
0x8: {  	[smem:$0x3FA9] =	sst s0  }
0x9: {  	[smem:$0x3FAA] =	sst s1  }
0xa: {  	[smem:$0x3FAB] =	sst s2  }
0xb: {  	[smem:$0x3FAC] =	sst s3  }
0xc: {  	[smem:$0x3FAD] =	sst s4  }
0xd: {  	[smem:$0x3FAE] =	sst s5  }
0xe: {  	[smem:$0x3FAF] =	sst s6  }
0xf: {  	[smem:$0x3FB0] =	sst s7  }
0x10: {  	[smem:$0x3FB1] =	sst s8  }
0x11: {  	[smem:$0x3FB2] =	sst s9;
	s0 =	simm.s32 @!p0 $0x0  }
0x12: {  	s1 =	sld [smem:$0x3F98];
	s0 =	simm.s32 @p0 $0x1  }
0x13: {  	[smem:$0x3FB3] =	sst s0;
	s0 =	simm.s32 @!p1 $0x0  }
0x14: {  	s2 =	sld [smem:$0x3F97];
	s0 =	simm.s32 @p1 $0x1  }
0x15: {  	[smem:$0x3FB4] =	sst s0;
	s0 =	simm.s32 @!p2 $0x0  }
0x16: {  	s3 =	sld [smem:$0x3FDB];
	s0 =	simm.s32 @p2 $0x1  }
0x17: {  	s4 =	simm.s32 $0x1BF5;
	[smem:$0x3FB6] =	sst s0  }
0x18: {  	s0 =	sld [smem:$0x3F99];
	_ =	swait.ge [sflag:s4], $0x0  }
0x19: {  	s7 =	sld [smem:$0x3F9A]  }
0x1a: {  	s8 =	sadd.s32 $0xFFFFE003, lr  }
0x1b: {  	s9 =	sadd.s32 $0xFFFFFEF7, lr;
	s5 =	simm.s32 $0xFFFFFFFF;
	p2 =	slt.u32 s8, $0xFFFFF086  }
0x1c: {  	p1 =	slt.u32 s9, $0xF7A;
	s5 =	simm.s32 @!p2 $0x0  }
0x1d: {  	s5 =	simm.s32 @p1 $0x1;
	p0 =	seq.s32 s7, s2  }
0x1e: {  	s7 =	smul.u32 @!p0 $0xF7A, s2;
	p2 =	seq.s32 @!p0 s5, $0x0  }
0x1f: {  	s9 =	smul.u32 $0xF7A, s1;
	s8 =	simm.s32 @!p0 $0x1BF5;
	p2 =	por !p2, p0  }
0x20: {  	[sflag:s8] =	ssyncset.s32 @!p0 $0xFFFFF086;
	s6 =	sadd.s32 @!p0 s3, s7;
	s7 =	simm.s32 @!p0 $0x108  }
0x21: {  	s3 =	sadd.s32 s3, s9;
	s6 =	sadd.s32 @!p0 $0x88, s6;
	s7 =	simm.s32 @p2 $0x1082  }
0x22: {  	[simem:s7], [sflag:s8] =	dma.local @!p0 [hbm:s6], $0xF7A  }
0x23: {  	s9 =	sor.u32 $0xD0000000, s2;
	s6 =	simm.s32 $0x108;
	_ =	swait.ge @!p0 [sflag:s8], $0x0  }
0x24: {  	s3 =	sadd.s32 $0x88, s3;
	s6 =	simm.s32 @!p1 $0x1082;
	[sflag:s4] =	ssyncset.s32 $0xFFFFF086  }
0x25: {  	[simem:s6], [sflag:s4] =	dma.local [hbm:s3], $0xF7A  }
0x26: {  	[smem:$0x3F9A] =	sst s1;
	(tag) =	ssettag s2;
	_ =	strace s9  }
0x27: {  	s1 =	sld [smem:$0x3FAA]  }
0x28: {  	s2 =	sld [smem:$0x3FAB]  }
0x29: {  	s4 =	sld [smem:$0x3FAD]  }
0x2a: {  	p0 =	seq.s32 s5, $0x0;
	s5 =	sld [smem:$0x3FAE]  }
0x2b: {  	s6 =	sld [smem:$0x3FAF]  }
0x2c: {  	s7 =	sld [smem:$0x3FB0]  }
0x2d: {  	s3 =	simm.s32 $0x108;
	s8 =	sld [smem:$0x3FB1]  }
0x2e: {  	s3 =	simm.s32 @!p0 $0x1082;
	s9 =	sld [smem:$0x3FB2]  }
0x2f: {  	lr =	sadd.s32 s0, s3;
	s0 =	sld [smem:$0x3FA9]  }
0x30: {  	s3 =	sld [smem:$0x3FAC]  }
0x31: {  	[smem:$0x3FB5] =	sst s10  }
0x32: {  	s10 =	sld [smem:$0x3FB3];
	_ =	sdelay $0x3  }
0x33: {  	p0 =	seq.s32 s10, $0x1;
	s10 =	sld [smem:$0x3FB5];
	_ =	sdelay $0x3  }
0x34: {  	[smem:$0x3FB5] =	sst s10  }
0x35: {  	s10 =	sld [smem:$0x3FB4];
	_ =	sdelay $0x3  }
0x36: {  	p1 =	seq.s32 s10, $0x1;
	s10 =	sld [smem:$0x3FB5];
	_ =	sdelay $0x3  }
0x37: {  	[smem:$0x3FB5] =	sst s10  }
0x38: {  	s10 =	sld [smem:$0x3FB6]  }
0x39: {  	_ = 	snop;
	(pc) =	sbr.ind lr, $3  }
0x3a: {  	_ = 	snop  }
0x3b: {  	_ = 	snop  }
0x3c: {  	p2 =	seq.s32 s10, $0x1;
	s10 =	sld [smem:$0x3FB5]  }
0x3d: {  	_ =	shalt  }
0x3e: {  	_ =	shalt  }
0x3f: {  	_ =	shalt  }
0x40: {  	_ =	shalt  }
0x41: {  	_ =	shalt  }
0x42: {  	_ =	shalt  }
0x43: {  	_ =	shalt  }
0x44: {  	_ =	shalt  }
0x45: {  	_ =	shalt  }
0x46: {  	_ =	shalt  }
0x47: {  	_ =	shalt  }
0x48: {  	_ =	shalt  }
0x49: {  	_ =	shalt  }
0x4a: {  	_ =	shalt  }
0x4b: {  	_ =	shalt  }
0x4c: {  	_ =	shalt  }
0x4d: {  	_ =	shalt  }
0x4e: {  	_ =	shalt  }
0x4f: {  	_ =	shalt  }
0x50: {  	_ =	shalt  }
0x51: {  	_ =	shalt  }
0x52: {  	_ =	shalt  }
0x53: {  	_ =	shalt  }
0x54: {  	_ =	shalt  }
0x55: {  	_ =	shalt  }
0x56: {  	_ =	shalt  }
0x57: {  	_ =	shalt  }
0x58: {  	_ =	shalt  }
0x59: {  	_ =	shalt  }
0x5a: {  	_ =	shalt  }
0x5b: {  	_ =	shalt  }
0x5c: {  	_ =	shalt  }
0x5d: {  	_ =	shalt  }
0x5e: {  	_ =	shalt  }
0x5f: {  	_ =	shalt  }
0x60: {  	_ =	shalt  }
0x61: {  	_ =	shalt  }
0x62: {  	_ =	shalt  }
0x63: {  	_ =	shalt  }
0x64: {  	_ =	shalt  }
0x65: {  	_ =	shalt  }
0x66: {  	_ =	shalt  }
0x67: {  	_ =	shalt  }
0x68: {  	_ =	shalt  }
0x69: {  	_ =	shalt  }
0x6a: {  	_ =	shalt  }
0x6b: {  	_ =	shalt  }
0x6c: {  	_ =	shalt  }
0x6d: {  	_ =	shalt  }
0x6e: {  	_ =	shalt  }
0x6f: {  	_ =	shalt  }
0x70: {  	_ =	shalt  }
0x71: {  	_ =	shalt  }
0x72: {  	_ =	shalt  }
0x73: {  	_ =	shalt  }
0x74: {  	_ =	shalt  }
0x75: {  	_ =	shalt  }
0x76: {  	_ =	shalt  }
0x77: {  	_ =	shalt  }
0x78: {  	_ =	shalt  }
0x79: {  	_ =	shalt  }
0x7a: {  	_ =	shalt  }
0x7b: {  	_ =	shalt  }
0x7c: {  	_ =	shalt  }
0x7d: {  	_ =	shalt  }
0x7e: {  	_ =	shalt  }
0x7f: {  	_ =	shalt  }
0x80: {  	_ =	shalt  }
0x81: {  	_ =	shalt  }
0x82: {  	_ =	shalt  }
0x83: {  	_ =	shalt  }
0x84: {  	_ =	shalt  }
0x85: {  	_ =	shalt  }
0x86: {  	_ =	shalt  }
0x87: {  	_ =	shalt  }
.Lfunc_end0:
.L_simem_size_0:
called_computation.5_lowered:
.L_overlay_start_0:
0x88: {  	s2 =	sld [smem:$0x3FD9]  }
0x89: {  	s3 =	sld [smem:$0x3FFE];
	_ =	sdelay $0x1  }
0x8a: {  	s1 =	srdreg.scid  }
0x8b: {  	s0 =	sand.u32 $0x1, s1  }
0x8c: {  	s17 =	sshll.u32 s0, $0xA;
	s2 =	sadd.s32 s3, s2  }
0x8d: {  	s2 =	sadd.s32 s2, s17  }
0x8e: {  	[smem:$0x3FC1] =	sst s2  }
0x8f: {  	_ = 	snop  }
0x90: {  	s2 =	sld [smem:$0x3FD0];
	(tm) =	ssettm $0x1  }
0x91: {  	s18 =	sld [smem:$0x3FFB];
	_ =	sdelay $0x3  }
0x92: {  	_ =	strace s18  }
0x93: {  	s3 =	sld [smem:$0x3FFC];
	_ =	sdelay $0x3  }
0x94: {  	_ =	strace s3  }
0x95: {  	s3 =	sld [smem:$0x3FFD];
	_ =	sdelay $0x3  }
0x96: {  	_ =	strace s3  }
0x97: {  	_ =	strace $0x8FFFFFFF  }
0x98: {  	s19 =	sld [smem:$0x3FDB];
	_ =	sdelay $0x1  }
0x99: {  	s4 =	simm.s32 $_scs_section_size  }
0x9a: {  	s5 =	simm.s32 $_size__tile_overlayer_lowered;
	s6 =	simm.s32 $_tile_overlayer_lowered  }
0x9b: {  	s22 =	simm.s32 $0x1BFF;
	s21 =	sshll.u32 s6, $0x1;
	s3 =	sadd.s32 s4, s19  }
0x9c: {  	s7 =	simm.s32 $0x0;
	s20 =	sshll.u32 s5, $0x1;
	s5 =	sadd.s32 s21, s3  }
0x9d: {  	[timem:s7], [sflag:s22] =	dma.local [hbm:s5], s20  }
0x9e: {  	_ =	swait.ge [sflag:s22], s20  }
0x9f: {  	s4 =	ssub.s32 $0x0, s20;
	[sflag:s22] =	ssyncset.done $0x0  }
0xa0: {  	[sflag:s22] =	ssyncadd.s32 s4;
	_ =	sdelay $0x1  }
0xa1: {  	s23 =	simm.s32 $0x1B8B  }
0xa2: {  	_ =	swait.ge [sflag:s23], $0x1  }
0xa3: {  	[sflag:s23] =	ssyncset.done $0x0  }
0xa4: {  	s25 =	simm.s32 $0x1B8E;
	s24 =	sld [smem:$0x3FFE];
	[sflag:s23] =	ssyncadd.s32 $0xFFFFFFFF  }
0xa5: {  	s26 =	simm.s32 $execute0_lowered;
	[smem:$0x3FD2] =	sst s25  }
0xa6: {  	s5 =	sshll.u32 s26, $0x1;
	_ =	strace $0x80000055;
	[dreg:$0x1] =	wrdreg $0xFFFFFFFF  }
0xa7: {  	s28 =	simm.s32 $_size_execute0_lowered;
	s3 =	sadd.s32 s3, s5;
	[dreg:$0x0] =	wrdreg $0x0  }
0xa8: {  	s5 =	sshll.u32 s28, $0x1;
	[dreg:$0x2] =	wrdreg s3  }
0xa9: {  	[dreg:$0x3] =	wrdreg s5  }
0xaa: {  	[dreg:$0x4] =	wrdreg $0xC0  }
0xab: {  	_ =	task [dreg:s7], $0x5FFFF  }
0xac: {  	[dreg:$0x1] =	wrdreg $0xFFFFFFFF  }
0xad: {  	[dreg:$0x0] =	wrdreg $0x60  }
0xae: {  	[dreg:$0x2] =	wrdreg s2  }
0xaf: {  	[dreg:$0x3] =	wrdreg s24  }
0xb0: {  	[dreg:$0x4] =	wrdreg $0x0  }
0xb1: {  	[dreg:$0x5] =	wrdreg $0x9  }
0xb2: {  	_ =	task.clear_ibuf [dreg:s7], $0x6FFFF;
	_ =	strace $0x90000055  }
0xb3: {  	s29 =	simm.s32 $0x9;
	_ =	strace $0x80000057  }
0xb4: {  	_ =	swait.ge [sflag:s29], $0x1  }
0xb5: {  	[sflag:s29] =	ssyncadd.s32 $0xFFFFFFFF  }
0xb6: {  	_ =	strace $0x90000057  }
0xb7: {  	_ =	sfence  }
0xb8: {  	s30 =	sld [smem:$0x0];
	_ =	sdelay $0x2  }
0xb9: {  	s31 =	sshll.u32 s1, $0xD;
	s1 =	sshrl.u32 s1, $0x2  }
0xba: {  	s3 =	sand.u32 $0x4000, s31;
	s1 =	sadd.s32 s1, s30  }
0xbb: {  	s0 =	sor.u32 s3, s0;
	s1 =	sshll.u32 s1, $0x11  }
0xbc: {  	s0 =	sor.u32 s1, s0  }
0xbd: {  	s0 =	sadd.s32 $0x8F2B, s0  }
0xbe: {  	[sflag:s0] =	ssyncadd.remote.s32 $0x1  }
0xbf: {  	_ =	sfence.sel $0xFFFF  }
0xc0: {  	[dreg:$0x0] =	wrdreg $0xFFFFFFFF;
	(pc) =	sbr.abs _section_cstart, $3  }
0xc1: {  	[dreg:$0x1] =	wrdreg $0xFFFFFFFF  }
0xc2: {  	_ =	task.clear_ibuf [dreg:s7], $0x2FFFF;
	_ =	strace $0x9FFFFFFF  }
0xc3: {  	(tm) =	ssettm $0x7FFFFFFF  }
tec
execute0_lowered:
.L_overlay_start_1:
0x0: {  	(tag) =	ssettag $0x1  }
0x1: {  	s1 =	rddreg [dreg:$0x0]  }
0x2: {  	s0 =	rddreg [dreg:$0x1]  }
0x3: {  	s2 =	rddreg [dreg:$0x2];
	s4 =	simm.s32 $0x0;
	s3 =	stileid.u32  }
0x4: {  	s6 =	srdreg.scid;
	s28 =	simm.s32 $0x80;
	s29 =	simm.s32 $0x18C00  }
0x5: {  	s30 =	simm.s32 $0x1;
	s31 =	simm.s32 $0x0;
	[smem:$0x7FF] =	sst s4  }
0x6: {  	s5 =	sadd.s32 $0x62200, s0;
	s8 =	smul.u32 $0x500, s3;
	s17 =	sand.u32 $0x1, s6  }
0x7: {  	s6 =	sadd.s32 $0x13E00, s0;
	s13 =	smul.u32 $0x2700, s3;
	s7 =	sadd.s32 $0x3B000, s0  }
0x8: {  	s11 =	smul.u32 $0x4E000, s3;
	p6 =	seq.s32 s3, $0xF;
	s12 =	sadd.s32 $0x138800, s2  }
0x9: {  	s14 =	sadd.s32 $0x38700, s0;
	p3 =	sne.s32 s3, $0xF;
	s25 =	sadd.s32 $0xADD00, s0  }
0xa: {  	_ =	strace $0x80000056;
	s9 =	ssub.s32 $0x2, s17;
	p2 =	seq.s32 s17, $0x1  }
0xb: {  	p0 =	seq.s32 s17, $0x0;
	[dreg:$0x4] =	wrdreg s25;
	s25 =	simm.s32 $0x2  }
0xc: {  	s10 =	sshrl.u32 s9, $0x1;
	s16 =	sadd.s32 s8, s0;
	s20 =	sadd.s32 s13, s0  }
0xd: {  	s24 =	sshrl.u32 s11, $0x2;
	s11 =	sadd.s32 $0x5F900, s0;
	p4 =	por !p0, !p3  }
0xe: {  	p5 =	por !p0, !p6;
	s0 =	sadd.s32 $0xD4F00, s0;
	p3 =	por !p3, !p2  }
0xf: {  	p6 =	por !p6, !p2;
	s21 =	ssub.s32 s9, s10;
	s8 =	sadd.s32 s24, s2  }
0x10: {  	p1 =	por !p5, !p5;
	s26 =	sadd.s32 $0x89400, s20;
	[dreg:$0x6] =	wrdreg s0  }
0x11: {  	p2 =	por !p3, !p3;
	p3 =	por !p6, !p6;
	s18 =	simm.s32 @!p1 $0x0  }
0x12: {  	[dreg:$0x5] =	wrdreg s26;
	s0 =	simm.s32 @!p3 $0x0;
	s18 =	simm.s32 @p1 $0x1  }
0x13: {  	s9 =	sadd.s32 $0x124800, s2;
	s0 =	simm.s32 @p3 $0x1;
	[smem:$0x7FA] =	sst s18  }
0x14: {  	p0 =	por !p4, !p4;
	p1 =	sne.s32 s17, $0x0;
	[smem:$0x7FC] =	sst s0  }
0x15: {  	s19 =	sadd.s32 $0xB0600, s20;
	p4 =	seq.s32 @p1 s3, $0xF;
	s20 =	sld [smem:$0x7FA]  }
0x16: {  	p6 =	sne.s32 @!p1 s3, $0xF;
	s0 =	simm.s32 @!p1 $0x0;
	p3 =	por !p4, !p1  }
0x17: {  	p4 =	por p4, !p1;
	p5 =	por !p6, p1;
	s0 =	simm.s32 @p1 $0x1  }
0x18: {  	p6 =	por p6, p1;
	s26 =	sld [smem:$0x7FC];
	p1 =	seq.s32 s20, $0x1  }
0x19: {  	s10 =	sadd.s32 s7, s13;
	s13 =	sadd.s32 s6, s13;
	p1 =	por !p1, p0  }
0x1a: {  	s15 =	sadd.s32 $0xEE00, s16;
	[smem:$0x7F9] =	sst s0;
	s0 =	simm.s32 @!p1 $0x0  }
.Ltmp0:
0x1b: {  	s0 =	simm.s32 @p1 $0x1;
	p1 =	seq.s32 s26, $0x1;
	(pc) =	sbr.rel .LBB2_1-.Ltmp0, $4  }
0x1c: {  	s16 =	sadd.s32 $0x9E00, s16;
	[dreg:$0x7] =	wrdreg s19;
	p1 =	por !p1, p2  }
0x1d: {  	s24 =	simm.s32 $0x13C00;
	[smem:$0x7FB] =	sst s0;
	s0 =	simm.s32 @!p1 $0x0  }
0x1e: {  	s21 =	smax.u32 s21, $0x1;
	s22 =	sshrl.u32 @!p3 s9, $0x3;
	s0 =	simm.s32 @p1 $0x1  }
0x1f: {  	s23 =	sshrl.u32 @!p3 s12, $0x3;
	s26 =	simm.s32 $0x16400;
	[smem:$0x7FD] =	sst s0  }
.LBB2_7:
0x20: {  	s17 =	sadd.s32 $0x13C00, s0;
	[sflag:s25] =	ssyncadd.s32 $0xFFFFC000  }
0x21: {  	[tilespmem:s29], [sflag:$0x1] =	stream.indirect.gather [hbm4b:s5+s28], $0x80, s17, s28, $0xb8;
	[tilespmem:$0x1CC00] =	vst v63  }
0x22: {  	_ =	swait.ge [sflag:s30], $0x4000  }
0x23: {  	[sflag:s30] =	ssyncset.done $0x0  }
0x24: {  	s19 =	sadd.s32 $0x16400, s0;
	[sflag:s30] =	ssyncadd.s32 $0xFFFFC000  }
0x25: {  	[spmem:s2] =	stream.indirect.scatter.add.f32 [tilespmem:s29], [sflag:$0x2], $0x80, s19, s28, $0xb8;
	[tilespmem:$0x1CC00] =	vst v63  }
0x26: {  	_ =	swait.ge [sflag:s25], $0x4000  }
0x27: {  	[sflag:s25] =	ssyncset.done $0x0  }
0x28: {  	[sflag:s25] =	ssyncadd.s32 $0xFFFFC000  }
0x29: {  	[bflag:$0x0] =	sbarrier.arrive $0xFFFF  }
0x2a: {  	s20 =	sld [smem:$0x7FD];
	_ =	sdelay $0x2  }
0x2b: {  	p1 =	seq.s32 s20, $0x1  }
0x2c: {  	s18 =	rddreg [dreg:$0x6];
	s0 =	sshrl.u32 @!p1 s9, $0x3;
	s17 =	simm.s32 @!p1 $0x1FC2  }
0x2d: {  	[hbm:s18], [sflag:s17] =	dma.local @!p1 [spmem:s0], $0x2800  }
0x2e: {  	s0 =	simm.s32 @!p1 $0x2  }
0x2f: {  	_ =	swait.ge @!p1 [sflag:s0], $0x2800  }
0x30: {  	s17 =	sshll.u32 @p2 s3, $0x6;
	[sflag:s0] =	ssyncset.done @!p1 $0x0;
	s18 =	rddreg [dreg:$0x7]  }
0x31: {  	[sflag:s0] =	ssyncadd.s32 @!p1 $0xFFFFD800;
	s0 =	sor.u32 @p2 $0x1C02, s17;
	s17 =	sshrl.u32 @p2 s8, $0x3  }
0x32: {  	[hbm:s18], [sflag:s0] =	dma.local @p2 [spmem:s17], $0x2700  }
0x33: {  	s0 =	simm.s32 @p2 $0x2  }
0x34: {  	_ =	swait.ge @p2 [sflag:s0], $0x2700  }
0x35: {  	[sflag:s0] =	ssyncset.done @p2 $0x0  }
0x36: {  	[sflag:s0] =	ssyncadd.s32 @p2 $0xFFFFD900  }
.LBB2_8:
0x37: {  	s31 =	sadd.s32 $0x1, s31  }
0x38: {  	p1 =	sne.s32 s31, s21  }
.Ltmp1:
0x39: {  	_ = 	snop;
	(pc) =	sbr.rel @!p1 .LBB2_9-.Ltmp1, $1  }
0x3a: {  	_ =	sdelay $0x3  }
.LBB2_1:
0x3b: {  	s0 =	simm.s32 @!p3 $0x1FC2;
	s17 =	simm.s32 @!p3 $0x2  }
0x3c: {  	[spmem:s22], [sflag:s0] =	dma.local @!p3 [hbm:s11], $0x2800  }
0x3d: {  	_ =	swait.ge @!p3 [sflag:s17], $0x2800  }
0x3e: {  	[sflag:s17] =	ssyncset.done @!p3 $0x0  }
0x3f: {  	[sflag:s17] =	ssyncadd.s32 @!p3 $0xFFFFD800  }
0x40: {  	[spmem:s23], [sflag:s0] =	dma.local @!p3 [hbm:s7], $0x700  }
0x41: {  	_ =	swait.ge @!p3 [sflag:s17], $0x700  }
0x42: {  	s0 =	sshll.u32 @!p4 s3, $0x6;
	[sflag:s17] =	ssyncset.done @!p3 $0x0  }
0x43: {  	s0 =	sor.u32 @!p4 $0x1C02, s0;
	[sflag:s17] =	ssyncadd.s32 @!p3 $0xFFFFF900;
	s17 =	sshrl.u32 @!p4 s8, $0x3  }
0x44: {  	[spmem:s17], [sflag:s0] =	dma.local @!p4 [hbm:s10], $0x2700  }
0x45: {  	s0 =	simm.s32 @!p4 $0x2  }
0x46: {  	_ =	swait.ge @!p4 [sflag:s0], $0x2700  }
0x47: {  	s17 =	sshll.u32 @!p5 s3, $0x6;
	[sflag:s0] =	ssyncset.done @!p4 $0x0  }
0x48: {  	[sflag:s0] =	ssyncadd.s32 @!p4 $0xFFFFD900;
	s0 =	sor.u32 @!p5 $0x1C02, s17;
	s17 =	sshrl.u32 @!p5 s8, $0x3  }
0x49: {  	[spmem:s17], [sflag:s0] =	dma.local @!p5 [hbm:s13], $0x2700  }
0x4a: {  	s0 =	simm.s32 @!p5 $0x2  }
0x4b: {  	_ =	swait.ge @!p5 [sflag:s0], $0x2700  }
0x4c: {  	[sflag:s0] =	ssyncset.done @!p5 $0x0  }
0x4d: {  	s17 =	simm.s32 @!p6 $0x1FC2;
	[sflag:s0] =	ssyncadd.s32 @!p5 $0xFFFFD900;
	s0 =	sshrl.u32 @!p6 s9, $0x3  }
0x4e: {  	[spmem:s0], [sflag:s17] =	dma.local @!p6 [hbm:s14], $0x2800  }
0x4f: {  	s0 =	simm.s32 @!p6 $0x2  }
0x50: {  	_ =	swait.ge @!p6 [sflag:s0], $0x2800  }
0x51: {  	[sflag:s0] =	ssyncset.done @!p6 $0x0  }
0x52: {  	s18 =	sshrl.u32 @!p6 s12, $0x3;
	[sflag:s0] =	ssyncadd.s32 @!p6 $0xFFFFD800  }
0x53: {  	[spmem:s18], [sflag:s17] =	dma.local @!p6 [hbm:s6], $0x700  }
0x54: {  	_ =	swait.ge @!p6 [sflag:s0], $0x700  }
0x55: {  	[sflag:s0] =	ssyncset.done @!p6 $0x0  }
0x56: {  	[sflag:s0] =	ssyncadd.s32 @!p6 $0xFFFFF900  }
0x57: {  	[tilespmem:s24], [sflag:$0x2] =	stream.linear.gather [hbm4b:s15+s4], $0x2780, $0x38;
	[tilespmem:$0x1CC00] =	vst v63  }
0x58: {  	_ =	swait.ge [sflag:s25], $0x2780  }
0x59: {  	[sflag:s25] =	ssyncset.done $0x0  }
0x5a: {  	[sflag:s25] =	ssyncadd.s32 $0xFFFFD880  }
0x5b: {  	[tilespmem:s26], [sflag:$0x2] =	stream.linear.gather [hbm4b:s16+s4], $0x2780, $0x38;
	[tilespmem:$0x1CC00] =	vst v63  }
0x5c: {  	_ =	swait.ge [sflag:s25], $0x2780  }
0x5d: {  	[sflag:s25] =	ssyncset.done $0x0  }
0x5e: {  	[sflag:s25] =	ssyncadd.s32 $0xFFFFD880  }
0x5f: {  	[bflag:$0x0] =	sbarrier.arrive $0xFFFF  }
0x60: {  	s20 =	sld [smem:$0x7F9];
	_ =	sdelay $0x2  }
0x61: {  	p1 =	seq.s32 s20, $0x1  }
.Ltmp2:
0x62: {  	_ = 	snop;
	(pc) =	sbr.rel @p1 .LBB2_5-.Ltmp2, $1  }
0x63: {  	_ =	sdelay $0x3  }
0x64: {  	s0 =	simm.s32 $0x13C00  }
0x65: {  	[tilespmem:s29], [sflag:$0x1] =	stream.indirect.gather [hbm4b:s1+s28], $0x80, s0, s28, $0xb8;
	[tilespmem:$0x1CC00] =	vst v63  }
0x66: {  	_ =	swait.ge [sflag:s30], $0x4000  }
0x67: {  	[sflag:s30] =	ssyncset.done $0x0  }
0x68: {  	s20 =	simm.s32 $0x16400;
	[sflag:s30] =	ssyncadd.s32 $0xFFFFC000  }
0x69: {  	[spmem:s2] =	stream.indirect.scatter.add.f32 [tilespmem:s29], [sflag:$0x2], $0x80, s20, s28, $0xb8;
	[tilespmem:$0x1CC00] =	vst v63  }
0x6a: {  	_ =	swait.ge [sflag:s25], $0x4000  }
0x6b: {  	s17 =	simm.s32 $0x400;
	s0 =	simm.s32 $0x80;
	[sflag:s25] =	ssyncset.done $0x0  }
.LBB2_3:
0x6c: {  	s18 =	sadd.s32 $0x13C00, s0  }
0x6d: {  	[sflag:s25] =	ssyncadd.s32 $0xFFFFC000;
	s19 =	smov.u32 s17;
	s20 =	sadd.s32 $0x200, s17  }
0x6e: {  	[tilespmem:s29], [sflag:$0x1] =	stream.indirect.gather [hbm4b:s1+s28], $0x80, s18, s28, $0xb8;
	[tilespmem:$0x1CC00] =	vst v63  }
0x6f: {  	p1 =	seq.s32 s17, $0x9C00;
	_ =	swait.ge [sflag:s30], $0x4000  }
.Ltmp3:
0x70: {  	[sflag:s30] =	ssyncset.done $0x0;
	(pc) =	sbr.rel @!p1 .LBB2_3-.Ltmp3, $4  }
0x71: {  	s0 =	sadd.s32 $0x16400, s0;
	[sflag:s30] =	ssyncadd.s32 $0xFFFFC000  }
0x72: {  	[spmem:s2] =	stream.indirect.scatter.add.f32 [tilespmem:s29], [sflag:$0x2], $0x80, s0, s28, $0xb8;
	[tilespmem:$0x1CC00] =	vst v63  }
0x73: {  	_ =	swait.ge [sflag:s25], $0x4000  }
0x74: {  	s17 =	smov.u32 s20;
	s0 =	sshra.s32 s19, $0x2;
	[sflag:s25] =	ssyncset.done $0x0  }
0x75: {  	s17 =	sadd.s32 $0x13C00, s0;
	[sflag:s25] =	ssyncadd.s32 $0xFFFFC000  }
0x76: {  	[tilespmem:s29], [sflag:$0x1] =	stream.indirect.gather [hbm4b:s1+s28], $0x80, s17, s28, $0xb8;
	[tilespmem:$0x1CC00] =	vst v63  }
0x77: {  	_ =	swait.ge [sflag:s30], $0x4000  }
0x78: {  	[sflag:s30] =	ssyncset.done $0x0  }
0x79: {  	s19 =	sadd.s32 $0x16400, s0;
	[sflag:s30] =	ssyncadd.s32 $0xFFFFC000  }
0x7a: {  	[spmem:s2] =	stream.indirect.scatter.add.f32 [tilespmem:s29], [sflag:$0x2], $0x80, s19, s28, $0xb8;
	[tilespmem:$0x1CC00] =	vst v63  }
0x7b: {  	_ =	swait.ge [sflag:s25], $0x4000  }
0x7c: {  	[sflag:s25] =	ssyncset.done $0x0  }
0x7d: {  	[sflag:s25] =	ssyncadd.s32 $0xFFFFC000  }
0x7e: {  	[bflag:$0x0] =	sbarrier.arrive $0xFFFF  }
0x7f: {  	s20 =	sld [smem:$0x7FB];
	_ =	sdelay $0x2  }
0x80: {  	p1 =	seq.s32 s20, $0x1  }
0x81: {  	s18 =	rddreg [dreg:$0x4];
	s0 =	sshrl.u32 @!p1 s9, $0x3;
	s17 =	simm.s32 @!p1 $0x1FC2  }
0x82: {  	[hbm:s18], [sflag:s17] =	dma.local @!p1 [spmem:s0], $0x2800  }
0x83: {  	s0 =	simm.s32 @!p1 $0x2  }
0x84: {  	_ =	swait.ge @!p1 [sflag:s0], $0x2800  }
0x85: {  	s17 =	sshll.u32 @p0 s3, $0x6;
	[sflag:s0] =	ssyncset.done @!p1 $0x0;
	s18 =	rddreg [dreg:$0x5]  }
0x86: {  	[sflag:s0] =	ssyncadd.s32 @!p1 $0xFFFFD800;
	s0 =	sor.u32 @p0 $0x1C02, s17;
	s17 =	sshrl.u32 @p0 s8, $0x3  }
0x87: {  	[hbm:s18], [sflag:s0] =	dma.local @p0 [spmem:s17], $0x2700  }
.Ltmp4:
0x88: {  	_ = 	snop;
	(pc) =	sbr.rel .LBB2_8-.Ltmp4, $4  }
0x89: {  	s0 =	simm.s32 @p0 $0x2  }
0x8a: {  	_ =	swait.ge @p0 [sflag:s0], $0x2700  }
0x8b: {  	[sflag:s0] =	ssyncset.done @p0 $0x0  }
0x8c: {  	[sflag:s0] =	ssyncadd.s32 @p0 $0xFFFFD900  }
.LBB2_5:
0x8d: {  	s0 =	simm.s32 $0x13C00  }
0x8e: {  	[tilespmem:s29], [sflag:$0x1] =	stream.indirect.gather [hbm4b:s5+s28], $0x80, s0, s28, $0xb8;
	[tilespmem:$0x1CC00] =	vst v63  }
0x8f: {  	_ =	swait.ge [sflag:s30], $0x4000  }
0x90: {  	[sflag:s30] =	ssyncset.done $0x0  }
0x91: {  	s20 =	simm.s32 $0x16400;
	[sflag:s30] =	ssyncadd.s32 $0xFFFFC000  }
0x92: {  	[spmem:s2] =	stream.indirect.scatter.add.f32 [tilespmem:s29], [sflag:$0x2], $0x80, s20, s28, $0xb8;
	[tilespmem:$0x1CC00] =	vst v63  }
0x93: {  	_ =	swait.ge [sflag:s25], $0x4000  }
0x94: {  	s17 =	simm.s32 $0x400;
	s0 =	simm.s32 $0x80;
	[sflag:s25] =	ssyncset.done $0x0  }
.LBB2_6:
0x95: {  	s18 =	sadd.s32 $0x13C00, s0  }
0x96: {  	[sflag:s25] =	ssyncadd.s32 $0xFFFFC000;
	s19 =	smov.u32 s17;
	s20 =	sadd.s32 $0x200, s17  }
0x97: {  	[tilespmem:s29], [sflag:$0x1] =	stream.indirect.gather [hbm4b:s5+s28], $0x80, s18, s28, $0xb8;
	[tilespmem:$0x1CC00] =	vst v63  }
0x98: {  	p1 =	seq.s32 s17, $0x9C00;
	_ =	swait.ge [sflag:s30], $0x4000  }
.Ltmp5:
0x99: {  	[sflag:s30] =	ssyncset.done $0x0;
	(pc) =	sbr.rel @!p1 .LBB2_6-.Ltmp5, $4  }
0x9a: {  	s0 =	sadd.s32 $0x16400, s0;
	[sflag:s30] =	ssyncadd.s32 $0xFFFFC000  }
0x9b: {  	[spmem:s2] =	stream.indirect.scatter.add.f32 [tilespmem:s29], [sflag:$0x2], $0x80, s0, s28, $0xb8;
	[tilespmem:$0x1CC00] =	vst v63  }
0x9c: {  	_ =	swait.ge [sflag:s25], $0x4000  }
0x9d: {  	s17 =	smov.u32 s20;
	s0 =	sshra.s32 s19, $0x2;
	[sflag:s25] =	ssyncset.done $0x0  }
.Ltmp6:
0x9e: {  	_ = 	snop;
	(pc) =	sbr.rel .LBB2_7-.Ltmp6, $1  }
0x9f: {  	_ =	sdelay $0x3  }
.LBB2_9:
0xa0: {  	_ =	sfence.sel $0x180000  }
0xa1: {  	[bflag:$0x0] =	sbarrier.arrive $0xFFFF  }
0xa2: {  	_ =	strace $0x90000056  }
0xa3: {  	[bflag:$0x2] =	sbarrier.arrive $0xFFFF  }
0xa4: {  	p0 =	sne.s32 s3, $0x0;
	s0 =	rddreg [dreg:$0x3]  }
0xa5: {  	s0 =	sadd.s32 @!p0 $0x100000, s0  }
0xa6: {  	[sflag:s0] =	ssyncadd.tile.s32 @!p0 $0x1;
	_ =	shalt  }
.Lfunc_end2:
_tile_overlayer_lowered:
.L_overlay_start_2:
0xa7: {  	(tag) =	ssettag $0x2  }
0xa8: {  	s0 =	rddreg [dreg:$0x0];
	s2 =	stileid.u32  }
0xa9: {  	s1 =	rddreg [dreg:$0x1];
	p0 =	sne.s32 s2, $0x0  }
0xaa: {  	s3 =	rddreg [dreg:$0x2];
	[bflag:$0x3] =	sbarrier.arrive $0xFFFF;
	s2 =	simm.s32 @!p0 $0x1C02  }
0xab: {  	[timem:s3], [sflag:s2] =	dma.local @!p0 [hbm:s0], s1  }
0xac: {  	s0 =	simm.s32 @!p0 $0x2  }
0xad: {  	_ =	swait.ge @!p0 [sflag:s0], s1  }
0xae: {  	s1 =	ssub.s32 @!p0 $0x0, s1;
	[sflag:s0] =	ssyncset.done @!p0 $0x0  }
0xaf: {  	[sflag:s0] =	ssyncadd.s32 @!p0 s1  }
0xb0: {  	[bflag:$0x3] =	sbarrier.arrive $0xFFFF  }
0xb1: {  	_ =	shalt  }

// kernel: kernel.37.cloned.1.call-start
scs
__scs_entry_jumppad:
0x0: {  	(pc) =	sbr.rel $0x88, $3  }
0x1: {  	(tag) =	ssettag $0x0;
	lr =	simm.s32 $0x1  }
0x2: {  	[smem:$0x3F9A] =	sst lr;
	_ =	strace $0xD0000000  }
0x3: {  	_ = 	snop  }
0x4: {  	_ = 	snop  }
0x5: {  	_ = 	snop  }
0x6: {  	_ = 	snop  }
0x7: {  	_ = 	snop  }
__scs_overlays_trampoline_lowered:
0x8: {  	[smem:$0x3FA9] =	sst s0  }
0x9: {  	[smem:$0x3FAA] =	sst s1  }
0xa: {  	[smem:$0x3FAB] =	sst s2  }
0xb: {  	[smem:$0x3FAC] =	sst s3  }
0xc: {  	[smem:$0x3FAD] =	sst s4  }
0xd: {  	[smem:$0x3FAE] =	sst s5  }
0xe: {  	[smem:$0x3FAF] =	sst s6  }
0xf: {  	[smem:$0x3FB0] =	sst s7  }
0x10: {  	[smem:$0x3FB1] =	sst s8  }
0x11: {  	[smem:$0x3FB2] =	sst s9;
	s0 =	simm.s32 @!p0 $0x0  }
0x12: {  	s1 =	sld [smem:$0x3F98];
	s0 =	simm.s32 @p0 $0x1  }
0x13: {  	[smem:$0x3FB3] =	sst s0;
	s0 =	simm.s32 @!p1 $0x0  }
0x14: {  	s2 =	sld [smem:$0x3F97];
	s0 =	simm.s32 @p1 $0x1  }
0x15: {  	[smem:$0x3FB4] =	sst s0;
	s0 =	simm.s32 @!p2 $0x0  }
0x16: {  	s3 =	sld [smem:$0x3FDB];
	s0 =	simm.s32 @p2 $0x1  }
0x17: {  	s4 =	simm.s32 $0x1BF5;
	[smem:$0x3FB6] =	sst s0  }
0x18: {  	s0 =	sld [smem:$0x3F99];
	_ =	swait.ge [sflag:s4], $0x0  }
0x19: {  	s7 =	sld [smem:$0x3F9A]  }
0x1a: {  	s8 =	sadd.s32 $0xFFFFE003, lr  }
0x1b: {  	s9 =	sadd.s32 $0xFFFFFEF7, lr;
	s5 =	simm.s32 $0xFFFFFFFF;
	p2 =	slt.u32 s8, $0xFFFFF086  }
0x1c: {  	p1 =	slt.u32 s9, $0xF7A;
	s5 =	simm.s32 @!p2 $0x0  }
0x1d: {  	s5 =	simm.s32 @p1 $0x1;
	p0 =	seq.s32 s7, s2  }
0x1e: {  	s7 =	smul.u32 @!p0 $0xF7A, s2;
	p2 =	seq.s32 @!p0 s5, $0x0  }
0x1f: {  	s9 =	smul.u32 $0xF7A, s1;
	s8 =	simm.s32 @!p0 $0x1BF5;
	p2 =	por !p2, p0  }
0x20: {  	[sflag:s8] =	ssyncset.s32 @!p0 $0xFFFFF086;
	s6 =	sadd.s32 @!p0 s3, s7;
	s7 =	simm.s32 @!p0 $0x108  }
0x21: {  	s3 =	sadd.s32 s3, s9;
	s6 =	sadd.s32 @!p0 $0x88, s6;
	s7 =	simm.s32 @p2 $0x1082  }
0x22: {  	[simem:s7], [sflag:s8] =	dma.local @!p0 [hbm:s6], $0xF7A  }
0x23: {  	s9 =	sor.u32 $0xD0000000, s2;
	s6 =	simm.s32 $0x108;
	_ =	swait.ge @!p0 [sflag:s8], $0x0  }
0x24: {  	s3 =	sadd.s32 $0x88, s3;
	s6 =	simm.s32 @!p1 $0x1082;
	[sflag:s4] =	ssyncset.s32 $0xFFFFF086  }
0x25: {  	[simem:s6], [sflag:s4] =	dma.local [hbm:s3], $0xF7A  }
0x26: {  	[smem:$0x3F9A] =	sst s1;
	(tag) =	ssettag s2;
	_ =	strace s9  }
0x27: {  	s1 =	sld [smem:$0x3FAA]  }
0x28: {  	s2 =	sld [smem:$0x3FAB]  }
0x29: {  	s4 =	sld [smem:$0x3FAD]  }
0x2a: {  	p0 =	seq.s32 s5, $0x0;
	s5 =	sld [smem:$0x3FAE]  }
0x2b: {  	s6 =	sld [smem:$0x3FAF]  }
0x2c: {  	s7 =	sld [smem:$0x3FB0]  }
0x2d: {  	s3 =	simm.s32 $0x108;
	s8 =	sld [smem:$0x3FB1]  }
0x2e: {  	s3 =	simm.s32 @!p0 $0x1082;
	s9 =	sld [smem:$0x3FB2]  }
0x2f: {  	lr =	sadd.s32 s0, s3;
	s0 =	sld [smem:$0x3FA9]  }
0x30: {  	s3 =	sld [smem:$0x3FAC]  }
0x31: {  	[smem:$0x3FB5] =	sst s10  }
0x32: {  	s10 =	sld [smem:$0x3FB3];
	_ =	sdelay $0x3  }
0x33: {  	p0 =	seq.s32 s10, $0x1;
	s10 =	sld [smem:$0x3FB5];
	_ =	sdelay $0x3  }
0x34: {  	[smem:$0x3FB5] =	sst s10  }
0x35: {  	s10 =	sld [smem:$0x3FB4];
	_ =	sdelay $0x3  }
0x36: {  	p1 =	seq.s32 s10, $0x1;
	s10 =	sld [smem:$0x3FB5];
	_ =	sdelay $0x3  }
0x37: {  	[smem:$0x3FB5] =	sst s10  }
0x38: {  	s10 =	sld [smem:$0x3FB6]  }
0x39: {  	_ = 	snop;
	(pc) =	sbr.ind lr, $3  }
0x3a: {  	_ = 	snop  }
0x3b: {  	_ = 	snop  }
0x3c: {  	p2 =	seq.s32 s10, $0x1;
	s10 =	sld [smem:$0x3FB5]  }
0x3d: {  	_ =	shalt  }
0x3e: {  	_ =	shalt  }
0x3f: {  	_ =	shalt  }
0x40: {  	_ =	shalt  }
0x41: {  	_ =	shalt  }
0x42: {  	_ =	shalt  }
0x43: {  	_ =	shalt  }
0x44: {  	_ =	shalt  }
0x45: {  	_ =	shalt  }
0x46: {  	_ =	shalt  }
0x47: {  	_ =	shalt  }
0x48: {  	_ =	shalt  }
0x49: {  	_ =	shalt  }
0x4a: {  	_ =	shalt  }
0x4b: {  	_ =	shalt  }
0x4c: {  	_ =	shalt  }
0x4d: {  	_ =	shalt  }
0x4e: {  	_ =	shalt  }
0x4f: {  	_ =	shalt  }
0x50: {  	_ =	shalt  }
0x51: {  	_ =	shalt  }
0x52: {  	_ =	shalt  }
0x53: {  	_ =	shalt  }
0x54: {  	_ =	shalt  }
0x55: {  	_ =	shalt  }
0x56: {  	_ =	shalt  }
0x57: {  	_ =	shalt  }
0x58: {  	_ =	shalt  }
0x59: {  	_ =	shalt  }
0x5a: {  	_ =	shalt  }
0x5b: {  	_ =	shalt  }
0x5c: {  	_ =	shalt  }
0x5d: {  	_ =	shalt  }
0x5e: {  	_ =	shalt  }
0x5f: {  	_ =	shalt  }
0x60: {  	_ =	shalt  }
0x61: {  	_ =	shalt  }
0x62: {  	_ =	shalt  }
0x63: {  	_ =	shalt  }
0x64: {  	_ =	shalt  }
0x65: {  	_ =	shalt  }
0x66: {  	_ =	shalt  }
0x67: {  	_ =	shalt  }
0x68: {  	_ =	shalt  }
0x69: {  	_ =	shalt  }
0x6a: {  	_ =	shalt  }
0x6b: {  	_ =	shalt  }
0x6c: {  	_ =	shalt  }
0x6d: {  	_ =	shalt  }
0x6e: {  	_ =	shalt  }
0x6f: {  	_ =	shalt  }
0x70: {  	_ =	shalt  }
0x71: {  	_ =	shalt  }
0x72: {  	_ =	shalt  }
0x73: {  	_ =	shalt  }
0x74: {  	_ =	shalt  }
0x75: {  	_ =	shalt  }
0x76: {  	_ =	shalt  }
0x77: {  	_ =	shalt  }
0x78: {  	_ =	shalt  }
0x79: {  	_ =	shalt  }
0x7a: {  	_ =	shalt  }
0x7b: {  	_ =	shalt  }
0x7c: {  	_ =	shalt  }
0x7d: {  	_ =	shalt  }
0x7e: {  	_ =	shalt  }
0x7f: {  	_ =	shalt  }
0x80: {  	_ =	shalt  }
0x81: {  	_ =	shalt  }
0x82: {  	_ =	shalt  }
0x83: {  	_ =	shalt  }
0x84: {  	_ =	shalt  }
0x85: {  	_ =	shalt  }
0x86: {  	_ =	shalt  }
0x87: {  	_ =	shalt  }
.Lfunc_end0:
.L_simem_size_0:
called_computation.6_lowered:
.L_overlay_start_0:
0x88: {  	s2 =	sld [smem:$0x3FD9]  }
0x89: {  	s3 =	sld [smem:$0x3FFE];
	_ =	sdelay $0x1  }
0x8a: {  	s1 =	srdreg.scid  }
0x8b: {  	s0 =	sand.u32 $0x1, s1  }
0x8c: {  	s17 =	sshll.u32 s0, $0xA;
	s2 =	sadd.s32 s3, s2  }
0x8d: {  	s2 =	sadd.s32 s2, s17  }
0x8e: {  	[smem:$0x3FC1] =	sst s2  }
0x8f: {  	_ = 	snop  }
0x90: {  	s2 =	sld [smem:$0x3FD0];
	(tm) =	ssettm $0x1  }
0x91: {  	s18 =	sld [smem:$0x3FFB];
	_ =	sdelay $0x3  }
0x92: {  	_ =	strace s18  }
0x93: {  	s3 =	sld [smem:$0x3FFC];
	_ =	sdelay $0x3  }
0x94: {  	_ =	strace s3  }
0x95: {  	s3 =	sld [smem:$0x3FFD];
	_ =	sdelay $0x3  }
0x96: {  	_ =	strace s3  }
0x97: {  	_ =	strace $0x8FFFFFFF  }
0x98: {  	s19 =	sld [smem:$0x3FDB];
	_ =	sdelay $0x1  }
0x99: {  	s4 =	simm.s32 $_scs_section_size  }
0x9a: {  	s5 =	simm.s32 $_size__tile_overlayer_lowered;
	s6 =	simm.s32 $_tile_overlayer_lowered  }
0x9b: {  	s22 =	simm.s32 $0x1BFF;
	s21 =	sshll.u32 s6, $0x1;
	s3 =	sadd.s32 s4, s19  }
0x9c: {  	s7 =	simm.s32 $0x0;
	s20 =	sshll.u32 s5, $0x1;
	s5 =	sadd.s32 s21, s3  }
0x9d: {  	[timem:s7], [sflag:s22] =	dma.local [hbm:s5], s20  }
0x9e: {  	_ =	swait.ge [sflag:s22], s20  }
0x9f: {  	s4 =	ssub.s32 $0x0, s20;
	[sflag:s22] =	ssyncset.done $0x0  }
0xa0: {  	[sflag:s22] =	ssyncadd.s32 s4;
	_ =	sdelay $0x1  }
0xa1: {  	s23 =	simm.s32 $0x1B8B  }
0xa2: {  	_ =	swait.ge [sflag:s23], $0x1  }
0xa3: {  	[sflag:s23] =	ssyncset.done $0x0  }
0xa4: {  	s25 =	simm.s32 $0x1B8E;
	s24 =	sld [smem:$0x3FFE];
	[sflag:s23] =	ssyncadd.s32 $0xFFFFFFFF  }
0xa5: {  	s26 =	simm.s32 $execute0_lowered;
	[smem:$0x3FD2] =	sst s25  }
0xa6: {  	s5 =	sshll.u32 s26, $0x1;
	_ =	strace $0x80000058;
	[dreg:$0x1] =	wrdreg $0xFFFFFFFF  }
0xa7: {  	s28 =	simm.s32 $_size_execute0_lowered;
	s3 =	sadd.s32 s3, s5;
	[dreg:$0x0] =	wrdreg $0x0  }
0xa8: {  	s5 =	sshll.u32 s28, $0x1;
	[dreg:$0x2] =	wrdreg s3  }
0xa9: {  	[dreg:$0x3] =	wrdreg s5  }
0xaa: {  	[dreg:$0x4] =	wrdreg $0xC0  }
0xab: {  	_ =	task [dreg:s7], $0x5FFFF  }
0xac: {  	[dreg:$0x1] =	wrdreg $0xFFFFFFFF  }
0xad: {  	[dreg:$0x0] =	wrdreg $0x60  }
0xae: {  	[dreg:$0x2] =	wrdreg s2  }
0xaf: {  	[dreg:$0x3] =	wrdreg s24  }
0xb0: {  	[dreg:$0x4] =	wrdreg $0x0  }
0xb1: {  	[dreg:$0x5] =	wrdreg $0x9  }
0xb2: {  	_ =	task.clear_ibuf [dreg:s7], $0x6FFFF;
	_ =	strace $0x90000058  }
0xb3: {  	s29 =	simm.s32 $0x9;
	_ =	strace $0x8000005A  }
0xb4: {  	_ =	swait.ge [sflag:s29], $0x1  }
0xb5: {  	[sflag:s29] =	ssyncadd.s32 $0xFFFFFFFF  }
0xb6: {  	_ =	strace $0x9000005A  }
0xb7: {  	_ =	sfence  }
0xb8: {  	s30 =	sld [smem:$0x0];
	_ =	sdelay $0x2  }
0xb9: {  	s31 =	sshll.u32 s1, $0xD;
	s1 =	sshrl.u32 s1, $0x2  }
0xba: {  	s3 =	sand.u32 $0x4000, s31;
	s1 =	sadd.s32 s1, s30  }
0xbb: {  	s0 =	sor.u32 s3, s0;
	s1 =	sshll.u32 s1, $0x11  }
0xbc: {  	s0 =	sor.u32 s1, s0  }
0xbd: {  	s0 =	sadd.s32 $0x8F2B, s0  }
0xbe: {  	[sflag:s0] =	ssyncadd.remote.s32 $0x1  }
0xbf: {  	_ =	sfence.sel $0xFFFF  }
0xc0: {  	[dreg:$0x0] =	wrdreg $0xFFFFFFFF;
	(pc) =	sbr.abs _section_cstart, $3  }
0xc1: {  	[dreg:$0x1] =	wrdreg $0xFFFFFFFF  }
0xc2: {  	_ =	task.clear_ibuf [dreg:s7], $0x2FFFF;
	_ =	strace $0x9FFFFFFF  }
0xc3: {  	(tm) =	ssettm $0x7FFFFFFF  }
tec
execute0_lowered:
.L_overlay_start_1:
0x0: {  	(tag) =	ssettag $0x1  }
0x1: {  	s1 =	rddreg [dreg:$0x0]  }
0x2: {  	s0 =	rddreg [dreg:$0x1]  }
0x3: {  	s2 =	rddreg [dreg:$0x2];
	s4 =	simm.s32 $0x0;
	s3 =	stileid.u32  }
0x4: {  	s6 =	srdreg.scid;
	s28 =	simm.s32 $0x80;
	s29 =	simm.s32 $0x18C00  }
0x5: {  	s30 =	simm.s32 $0x1;
	s31 =	simm.s32 $0x0;
	[smem:$0x7FF] =	sst s4  }
0x6: {  	s5 =	sadd.s32 $0x62200, s0;
	s8 =	smul.u32 $0x500, s3;
	s17 =	sand.u32 $0x1, s6  }
0x7: {  	s6 =	sadd.s32 $0x13E00, s0;
	s13 =	smul.u32 $0x2700, s3;
	s7 =	sadd.s32 $0x3B000, s0  }
0x8: {  	s11 =	smul.u32 $0x4E000, s3;
	p6 =	seq.s32 s3, $0xF;
	s12 =	sadd.s32 $0x138800, s2  }
0x9: {  	s14 =	sadd.s32 $0x38700, s0;
	p3 =	sne.s32 s3, $0xF;
	s25 =	sadd.s32 $0xADD00, s0  }
0xa: {  	_ =	strace $0x80000059;
	s9 =	ssub.s32 $0x2, s17;
	p2 =	seq.s32 s17, $0x1  }
0xb: {  	p0 =	seq.s32 s17, $0x0;
	[dreg:$0x4] =	wrdreg s25;
	s25 =	simm.s32 $0x2  }
0xc: {  	s10 =	sshrl.u32 s9, $0x1;
	s16 =	sadd.s32 s8, s0;
	s20 =	sadd.s32 s13, s0  }
0xd: {  	s24 =	sshrl.u32 s11, $0x2;
	s11 =	sadd.s32 $0x5F900, s0;
	p4 =	por !p0, !p3  }
0xe: {  	p5 =	por !p0, !p6;
	s0 =	sadd.s32 $0xD4F00, s0;
	p3 =	por !p3, !p2  }
0xf: {  	p6 =	por !p6, !p2;
	s21 =	ssub.s32 s9, s10;
	s8 =	sadd.s32 s24, s2  }
0x10: {  	p1 =	por !p5, !p5;
	s26 =	sadd.s32 $0x89400, s20;
	[dreg:$0x6] =	wrdreg s0  }
0x11: {  	p2 =	por !p3, !p3;
	p3 =	por !p6, !p6;
	s18 =	simm.s32 @!p1 $0x0  }
0x12: {  	[dreg:$0x5] =	wrdreg s26;
	s0 =	simm.s32 @!p3 $0x0;
	s18 =	simm.s32 @p1 $0x1  }
0x13: {  	s9 =	sadd.s32 $0x124800, s2;
	s0 =	simm.s32 @p3 $0x1;
	[smem:$0x7FA] =	sst s18  }
0x14: {  	p0 =	por !p4, !p4;
	p1 =	sne.s32 s17, $0x0;
	[smem:$0x7FC] =	sst s0  }
0x15: {  	s19 =	sadd.s32 $0xB0600, s20;
	p4 =	seq.s32 @p1 s3, $0xF;
	s20 =	sld [smem:$0x7FA]  }
0x16: {  	p6 =	sne.s32 @!p1 s3, $0xF;
	s0 =	simm.s32 @!p1 $0x0;
	p3 =	por !p4, !p1  }
0x17: {  	p4 =	por p4, !p1;
	p5 =	por !p6, p1;
	s0 =	simm.s32 @p1 $0x1  }
0x18: {  	p6 =	por p6, p1;
	s26 =	sld [smem:$0x7FC];
	p1 =	seq.s32 s20, $0x1  }
0x19: {  	s10 =	sadd.s32 s7, s13;
	s13 =	sadd.s32 s6, s13;
	p1 =	por !p1, p0  }
0x1a: {  	s15 =	sadd.s32 $0xEE00, s16;
	[smem:$0x7F9] =	sst s0;
	s0 =	simm.s32 @!p1 $0x0  }
.Ltmp0:
0x1b: {  	s0 =	simm.s32 @p1 $0x1;
	p1 =	seq.s32 s26, $0x1;
	(pc) =	sbr.rel .LBB2_1-.Ltmp0, $4  }
0x1c: {  	s16 =	sadd.s32 $0x9E00, s16;
	[dreg:$0x7] =	wrdreg s19;
	p1 =	por !p1, p2  }
0x1d: {  	s24 =	simm.s32 $0x13C00;
	[smem:$0x7FB] =	sst s0;
	s0 =	simm.s32 @!p1 $0x0  }
0x1e: {  	s21 =	smax.u32 s21, $0x1;
	s22 =	sshrl.u32 @!p3 s9, $0x3;
	s0 =	simm.s32 @p1 $0x1  }
0x1f: {  	s23 =	sshrl.u32 @!p3 s12, $0x3;
	s26 =	simm.s32 $0x16400;
	[smem:$0x7FD] =	sst s0  }
.LBB2_7:
0x20: {  	s17 =	sadd.s32 $0x13C00, s0;
	[sflag:s25] =	ssyncadd.s32 $0xFFFFC000  }
0x21: {  	[tilespmem:s29], [sflag:$0x1] =	stream.indirect.gather [hbm4b:s5+s28], $0x80, s17, s28, $0xb8;
	[tilespmem:$0x1CC00] =	vst v63  }
0x22: {  	_ =	swait.ge [sflag:s30], $0x4000  }
0x23: {  	[sflag:s30] =	ssyncset.done $0x0  }
0x24: {  	s19 =	sadd.s32 $0x16400, s0;
	[sflag:s30] =	ssyncadd.s32 $0xFFFFC000  }
0x25: {  	[spmem:s2] =	stream.indirect.scatter.add.f32 [tilespmem:s29], [sflag:$0x2], $0x80, s19, s28, $0xb8;
	[tilespmem:$0x1CC00] =	vst v63  }
0x26: {  	_ =	swait.ge [sflag:s25], $0x4000  }
0x27: {  	[sflag:s25] =	ssyncset.done $0x0  }
0x28: {  	[sflag:s25] =	ssyncadd.s32 $0xFFFFC000  }
0x29: {  	[bflag:$0x0] =	sbarrier.arrive $0xFFFF  }
0x2a: {  	s20 =	sld [smem:$0x7FD];
	_ =	sdelay $0x2  }
0x2b: {  	p1 =	seq.s32 s20, $0x1  }
0x2c: {  	s18 =	rddreg [dreg:$0x6];
	s0 =	sshrl.u32 @!p1 s9, $0x3;
	s17 =	simm.s32 @!p1 $0x1FC2  }
0x2d: {  	[hbm:s18], [sflag:s17] =	dma.local @!p1 [spmem:s0], $0x2800  }
0x2e: {  	s0 =	simm.s32 @!p1 $0x2  }
0x2f: {  	_ =	swait.ge @!p1 [sflag:s0], $0x2800  }
0x30: {  	s17 =	sshll.u32 @p2 s3, $0x6;
	[sflag:s0] =	ssyncset.done @!p1 $0x0;
	s18 =	rddreg [dreg:$0x7]  }
0x31: {  	[sflag:s0] =	ssyncadd.s32 @!p1 $0xFFFFD800;
	s0 =	sor.u32 @p2 $0x1C02, s17;
	s17 =	sshrl.u32 @p2 s8, $0x3  }
0x32: {  	[hbm:s18], [sflag:s0] =	dma.local @p2 [spmem:s17], $0x2700  }
0x33: {  	s0 =	simm.s32 @p2 $0x2  }
0x34: {  	_ =	swait.ge @p2 [sflag:s0], $0x2700  }
0x35: {  	[sflag:s0] =	ssyncset.done @p2 $0x0  }
0x36: {  	[sflag:s0] =	ssyncadd.s32 @p2 $0xFFFFD900  }
.LBB2_8:
0x37: {  	s31 =	sadd.s32 $0x1, s31  }
0x38: {  	p1 =	sne.s32 s31, s21  }
.Ltmp1:
0x39: {  	_ = 	snop;
	(pc) =	sbr.rel @!p1 .LBB2_9-.Ltmp1, $1  }
0x3a: {  	_ =	sdelay $0x3  }
.LBB2_1:
0x3b: {  	s0 =	simm.s32 @!p3 $0x1FC2;
	s17 =	simm.s32 @!p3 $0x2  }
0x3c: {  	[spmem:s22], [sflag:s0] =	dma.local @!p3 [hbm:s11], $0x2800  }
0x3d: {  	_ =	swait.ge @!p3 [sflag:s17], $0x2800  }
0x3e: {  	[sflag:s17] =	ssyncset.done @!p3 $0x0  }
0x3f: {  	[sflag:s17] =	ssyncadd.s32 @!p3 $0xFFFFD800  }
0x40: {  	[spmem:s23], [sflag:s0] =	dma.local @!p3 [hbm:s7], $0x700  }
0x41: {  	_ =	swait.ge @!p3 [sflag:s17], $0x700  }
0x42: {  	s0 =	sshll.u32 @!p4 s3, $0x6;
	[sflag:s17] =	ssyncset.done @!p3 $0x0  }
0x43: {  	s0 =	sor.u32 @!p4 $0x1C02, s0;
	[sflag:s17] =	ssyncadd.s32 @!p3 $0xFFFFF900;
	s17 =	sshrl.u32 @!p4 s8, $0x3  }
0x44: {  	[spmem:s17], [sflag:s0] =	dma.local @!p4 [hbm:s10], $0x2700  }
0x45: {  	s0 =	simm.s32 @!p4 $0x2  }
0x46: {  	_ =	swait.ge @!p4 [sflag:s0], $0x2700  }
0x47: {  	s17 =	sshll.u32 @!p5 s3, $0x6;
	[sflag:s0] =	ssyncset.done @!p4 $0x0  }
0x48: {  	[sflag:s0] =	ssyncadd.s32 @!p4 $0xFFFFD900;
	s0 =	sor.u32 @!p5 $0x1C02, s17;
	s17 =	sshrl.u32 @!p5 s8, $0x3  }
0x49: {  	[spmem:s17], [sflag:s0] =	dma.local @!p5 [hbm:s13], $0x2700  }
0x4a: {  	s0 =	simm.s32 @!p5 $0x2  }
0x4b: {  	_ =	swait.ge @!p5 [sflag:s0], $0x2700  }
0x4c: {  	[sflag:s0] =	ssyncset.done @!p5 $0x0  }
0x4d: {  	s17 =	simm.s32 @!p6 $0x1FC2;
	[sflag:s0] =	ssyncadd.s32 @!p5 $0xFFFFD900;
	s0 =	sshrl.u32 @!p6 s9, $0x3  }
0x4e: {  	[spmem:s0], [sflag:s17] =	dma.local @!p6 [hbm:s14], $0x2800  }
0x4f: {  	s0 =	simm.s32 @!p6 $0x2  }
0x50: {  	_ =	swait.ge @!p6 [sflag:s0], $0x2800  }
0x51: {  	[sflag:s0] =	ssyncset.done @!p6 $0x0  }
0x52: {  	s18 =	sshrl.u32 @!p6 s12, $0x3;
	[sflag:s0] =	ssyncadd.s32 @!p6 $0xFFFFD800  }
0x53: {  	[spmem:s18], [sflag:s17] =	dma.local @!p6 [hbm:s6], $0x700  }
0x54: {  	_ =	swait.ge @!p6 [sflag:s0], $0x700  }
0x55: {  	[sflag:s0] =	ssyncset.done @!p6 $0x0  }
0x56: {  	[sflag:s0] =	ssyncadd.s32 @!p6 $0xFFFFF900  }
0x57: {  	[tilespmem:s24], [sflag:$0x2] =	stream.linear.gather [hbm4b:s15+s4], $0x2780, $0x38;
	[tilespmem:$0x1CC00] =	vst v63  }
0x58: {  	_ =	swait.ge [sflag:s25], $0x2780  }
0x59: {  	[sflag:s25] =	ssyncset.done $0x0  }
0x5a: {  	[sflag:s25] =	ssyncadd.s32 $0xFFFFD880  }
0x5b: {  	[tilespmem:s26], [sflag:$0x2] =	stream.linear.gather [hbm4b:s16+s4], $0x2780, $0x38;
	[tilespmem:$0x1CC00] =	vst v63  }
0x5c: {  	_ =	swait.ge [sflag:s25], $0x2780  }
0x5d: {  	[sflag:s25] =	ssyncset.done $0x0  }
0x5e: {  	[sflag:s25] =	ssyncadd.s32 $0xFFFFD880  }
0x5f: {  	[bflag:$0x0] =	sbarrier.arrive $0xFFFF  }
0x60: {  	s20 =	sld [smem:$0x7F9];
	_ =	sdelay $0x2  }
0x61: {  	p1 =	seq.s32 s20, $0x1  }
.Ltmp2:
0x62: {  	_ = 	snop;
	(pc) =	sbr.rel @p1 .LBB2_5-.Ltmp2, $1  }
0x63: {  	_ =	sdelay $0x3  }
0x64: {  	s0 =	simm.s32 $0x13C00  }
0x65: {  	[tilespmem:s29], [sflag:$0x1] =	stream.indirect.gather [hbm4b:s1+s28], $0x80, s0, s28, $0xb8;
	[tilespmem:$0x1CC00] =	vst v63  }
0x66: {  	_ =	swait.ge [sflag:s30], $0x4000  }
0x67: {  	[sflag:s30] =	ssyncset.done $0x0  }
0x68: {  	s20 =	simm.s32 $0x16400;
	[sflag:s30] =	ssyncadd.s32 $0xFFFFC000  }
0x69: {  	[spmem:s2] =	stream.indirect.scatter.add.f32 [tilespmem:s29], [sflag:$0x2], $0x80, s20, s28, $0xb8;
	[tilespmem:$0x1CC00] =	vst v63  }
0x6a: {  	_ =	swait.ge [sflag:s25], $0x4000  }
0x6b: {  	s17 =	simm.s32 $0x400;
	s0 =	simm.s32 $0x80;
	[sflag:s25] =	ssyncset.done $0x0  }
.LBB2_3:
0x6c: {  	s18 =	sadd.s32 $0x13C00, s0  }
0x6d: {  	[sflag:s25] =	ssyncadd.s32 $0xFFFFC000;
	s19 =	smov.u32 s17;
	s20 =	sadd.s32 $0x200, s17  }
0x6e: {  	[tilespmem:s29], [sflag:$0x1] =	stream.indirect.gather [hbm4b:s1+s28], $0x80, s18, s28, $0xb8;
	[tilespmem:$0x1CC00] =	vst v63  }
0x6f: {  	p1 =	seq.s32 s17, $0x9C00;
	_ =	swait.ge [sflag:s30], $0x4000  }
.Ltmp3:
0x70: {  	[sflag:s30] =	ssyncset.done $0x0;
	(pc) =	sbr.rel @!p1 .LBB2_3-.Ltmp3, $4  }
0x71: {  	s0 =	sadd.s32 $0x16400, s0;
	[sflag:s30] =	ssyncadd.s32 $0xFFFFC000  }
0x72: {  	[spmem:s2] =	stream.indirect.scatter.add.f32 [tilespmem:s29], [sflag:$0x2], $0x80, s0, s28, $0xb8;
	[tilespmem:$0x1CC00] =	vst v63  }
0x73: {  	_ =	swait.ge [sflag:s25], $0x4000  }
0x74: {  	s17 =	smov.u32 s20;
	s0 =	sshra.s32 s19, $0x2;
	[sflag:s25] =	ssyncset.done $0x0  }
0x75: {  	s17 =	sadd.s32 $0x13C00, s0;
	[sflag:s25] =	ssyncadd.s32 $0xFFFFC000  }
0x76: {  	[tilespmem:s29], [sflag:$0x1] =	stream.indirect.gather [hbm4b:s1+s28], $0x80, s17, s28, $0xb8;
	[tilespmem:$0x1CC00] =	vst v63  }
0x77: {  	_ =	swait.ge [sflag:s30], $0x4000  }
0x78: {  	[sflag:s30] =	ssyncset.done $0x0  }
0x79: {  	s19 =	sadd.s32 $0x16400, s0;
	[sflag:s30] =	ssyncadd.s32 $0xFFFFC000  }
0x7a: {  	[spmem:s2] =	stream.indirect.scatter.add.f32 [tilespmem:s29], [sflag:$0x2], $0x80, s19, s28, $0xb8;
	[tilespmem:$0x1CC00] =	vst v63  }
0x7b: {  	_ =	swait.ge [sflag:s25], $0x4000  }
0x7c: {  	[sflag:s25] =	ssyncset.done $0x0  }
0x7d: {  	[sflag:s25] =	ssyncadd.s32 $0xFFFFC000  }
0x7e: {  	[bflag:$0x0] =	sbarrier.arrive $0xFFFF  }
0x7f: {  	s20 =	sld [smem:$0x7FB];
	_ =	sdelay $0x2  }
0x80: {  	p1 =	seq.s32 s20, $0x1  }
0x81: {  	s18 =	rddreg [dreg:$0x4];
	s0 =	sshrl.u32 @!p1 s9, $0x3;
	s17 =	simm.s32 @!p1 $0x1FC2  }
0x82: {  	[hbm:s18], [sflag:s17] =	dma.local @!p1 [spmem:s0], $0x2800  }
0x83: {  	s0 =	simm.s32 @!p1 $0x2  }
0x84: {  	_ =	swait.ge @!p1 [sflag:s0], $0x2800  }
0x85: {  	s17 =	sshll.u32 @p0 s3, $0x6;
	[sflag:s0] =	ssyncset.done @!p1 $0x0;
	s18 =	rddreg [dreg:$0x5]  }
0x86: {  	[sflag:s0] =	ssyncadd.s32 @!p1 $0xFFFFD800;
	s0 =	sor.u32 @p0 $0x1C02, s17;
	s17 =	sshrl.u32 @p0 s8, $0x3  }
0x87: {  	[hbm:s18], [sflag:s0] =	dma.local @p0 [spmem:s17], $0x2700  }
.Ltmp4:
0x88: {  	_ = 	snop;
	(pc) =	sbr.rel .LBB2_8-.Ltmp4, $4  }
0x89: {  	s0 =	simm.s32 @p0 $0x2  }
0x8a: {  	_ =	swait.ge @p0 [sflag:s0], $0x2700  }
0x8b: {  	[sflag:s0] =	ssyncset.done @p0 $0x0  }
0x8c: {  	[sflag:s0] =	ssyncadd.s32 @p0 $0xFFFFD900  }
.LBB2_5:
0x8d: {  	s0 =	simm.s32 $0x13C00  }
0x8e: {  	[tilespmem:s29], [sflag:$0x1] =	stream.indirect.gather [hbm4b:s5+s28], $0x80, s0, s28, $0xb8;
	[tilespmem:$0x1CC00] =	vst v63  }
0x8f: {  	_ =	swait.ge [sflag:s30], $0x4000  }
0x90: {  	[sflag:s30] =	ssyncset.done $0x0  }
0x91: {  	s20 =	simm.s32 $0x16400;
	[sflag:s30] =	ssyncadd.s32 $0xFFFFC000  }
0x92: {  	[spmem:s2] =	stream.indirect.scatter.add.f32 [tilespmem:s29], [sflag:$0x2], $0x80, s20, s28, $0xb8;
	[tilespmem:$0x1CC00] =	vst v63  }
0x93: {  	_ =	swait.ge [sflag:s25], $0x4000  }
0x94: {  	s17 =	simm.s32 $0x400;
	s0 =	simm.s32 $0x80;
	[sflag:s25] =	ssyncset.done $0x0  }
.LBB2_6:
0x95: {  	s18 =	sadd.s32 $0x13C00, s0  }
0x96: {  	[sflag:s25] =	ssyncadd.s32 $0xFFFFC000;
	s19 =	smov.u32 s17;
	s20 =	sadd.s32 $0x200, s17  }
0x97: {  	[tilespmem:s29], [sflag:$0x1] =	stream.indirect.gather [hbm4b:s5+s28], $0x80, s18, s28, $0xb8;
	[tilespmem:$0x1CC00] =	vst v63  }
0x98: {  	p1 =	seq.s32 s17, $0x9C00;
	_ =	swait.ge [sflag:s30], $0x4000  }
.Ltmp5:
0x99: {  	[sflag:s30] =	ssyncset.done $0x0;
	(pc) =	sbr.rel @!p1 .LBB2_6-.Ltmp5, $4  }
0x9a: {  	s0 =	sadd.s32 $0x16400, s0;
	[sflag:s30] =	ssyncadd.s32 $0xFFFFC000  }
0x9b: {  	[spmem:s2] =	stream.indirect.scatter.add.f32 [tilespmem:s29], [sflag:$0x2], $0x80, s0, s28, $0xb8;
	[tilespmem:$0x1CC00] =	vst v63  }
0x9c: {  	_ =	swait.ge [sflag:s25], $0x4000  }
0x9d: {  	s17 =	smov.u32 s20;
	s0 =	sshra.s32 s19, $0x2;
	[sflag:s25] =	ssyncset.done $0x0  }
.Ltmp6:
0x9e: {  	_ = 	snop;
	(pc) =	sbr.rel .LBB2_7-.Ltmp6, $1  }
0x9f: {  	_ =	sdelay $0x3  }
.LBB2_9:
0xa0: {  	_ =	sfence.sel $0x180000  }
0xa1: {  	[bflag:$0x0] =	sbarrier.arrive $0xFFFF  }
0xa2: {  	_ =	strace $0x90000059  }
0xa3: {  	[bflag:$0x2] =	sbarrier.arrive $0xFFFF  }
0xa4: {  	p0 =	sne.s32 s3, $0x0;
	s0 =	rddreg [dreg:$0x3]  }
0xa5: {  	s0 =	sadd.s32 @!p0 $0x100000, s0  }
0xa6: {  	[sflag:s0] =	ssyncadd.tile.s32 @!p0 $0x1;
	_ =	shalt  }
.Lfunc_end2:
_tile_overlayer_lowered:
.L_overlay_start_2:
0xa7: {  	(tag) =	ssettag $0x2  }
0xa8: {  	s0 =	rddreg [dreg:$0x0];
	s2 =	stileid.u32  }
0xa9: {  	s1 =	rddreg [dreg:$0x1];
	p0 =	sne.s32 s2, $0x0  }
0xaa: {  	s3 =	rddreg [dreg:$0x2];
	[bflag:$0x3] =	sbarrier.arrive $0xFFFF;
	s2 =	simm.s32 @!p0 $0x1C02  }
0xab: {  	[timem:s3], [sflag:s2] =	dma.local @!p0 [hbm:s0], s1  }
0xac: {  	s0 =	simm.s32 @!p0 $0x2  }
0xad: {  	_ =	swait.ge @!p0 [sflag:s0], s1  }
0xae: {  	s1 =	ssub.s32 @!p0 $0x0, s1;
	[sflag:s0] =	ssyncset.done @!p0 $0x0  }
0xaf: {  	[sflag:s0] =	ssyncadd.s32 @!p0 s1  }
0xb0: {  	[bflag:$0x3] =	sbarrier.arrive $0xFFFF  }
0xb1: {  	_ =	shalt  }

// kernel: kernel.40.cloned.1.call-start
scs
__scs_entry_jumppad:
0x0: {  	(pc) =	sbr.rel $0x88, $3  }
0x1: {  	(tag) =	ssettag $0x0;
	lr =	simm.s32 $0x1  }
0x2: {  	[smem:$0x3F9A] =	sst lr;
	_ =	strace $0xD0000000  }
0x3: {  	_ = 	snop  }
0x4: {  	_ = 	snop  }
0x5: {  	_ = 	snop  }
0x6: {  	_ = 	snop  }
0x7: {  	_ = 	snop  }
__scs_overlays_trampoline_lowered:
0x8: {  	[smem:$0x3FA9] =	sst s0  }
0x9: {  	[smem:$0x3FAA] =	sst s1  }
0xa: {  	[smem:$0x3FAB] =	sst s2  }
0xb: {  	[smem:$0x3FAC] =	sst s3  }
0xc: {  	[smem:$0x3FAD] =	sst s4  }
0xd: {  	[smem:$0x3FAE] =	sst s5  }
0xe: {  	[smem:$0x3FAF] =	sst s6  }
0xf: {  	[smem:$0x3FB0] =	sst s7  }
0x10: {  	[smem:$0x3FB1] =	sst s8  }
0x11: {  	[smem:$0x3FB2] =	sst s9;
	s0 =	simm.s32 @!p0 $0x0  }
0x12: {  	s1 =	sld [smem:$0x3F98];
	s0 =	simm.s32 @p0 $0x1  }
0x13: {  	[smem:$0x3FB3] =	sst s0;
	s0 =	simm.s32 @!p1 $0x0  }
0x14: {  	s2 =	sld [smem:$0x3F97];
	s0 =	simm.s32 @p1 $0x1  }
0x15: {  	[smem:$0x3FB4] =	sst s0;
	s0 =	simm.s32 @!p2 $0x0  }
0x16: {  	s3 =	sld [smem:$0x3FDB];
	s0 =	simm.s32 @p2 $0x1  }
0x17: {  	s4 =	simm.s32 $0x1BF5;
	[smem:$0x3FB6] =	sst s0  }
0x18: {  	s0 =	sld [smem:$0x3F99];
	_ =	swait.ge [sflag:s4], $0x0  }
0x19: {  	s7 =	sld [smem:$0x3F9A]  }
0x1a: {  	s8 =	sadd.s32 $0xFFFFE003, lr  }
0x1b: {  	s9 =	sadd.s32 $0xFFFFFEF7, lr;
	s5 =	simm.s32 $0xFFFFFFFF;
	p2 =	slt.u32 s8, $0xFFFFF086  }
0x1c: {  	p1 =	slt.u32 s9, $0xF7A;
	s5 =	simm.s32 @!p2 $0x0  }
0x1d: {  	s5 =	simm.s32 @p1 $0x1;
	p0 =	seq.s32 s7, s2  }
0x1e: {  	s7 =	smul.u32 @!p0 $0xF7A, s2;
	p2 =	seq.s32 @!p0 s5, $0x0  }
0x1f: {  	s9 =	smul.u32 $0xF7A, s1;
	s8 =	simm.s32 @!p0 $0x1BF5;
	p2 =	por !p2, p0  }
0x20: {  	[sflag:s8] =	ssyncset.s32 @!p0 $0xFFFFF086;
	s6 =	sadd.s32 @!p0 s3, s7;
	s7 =	simm.s32 @!p0 $0x108  }
0x21: {  	s3 =	sadd.s32 s3, s9;
	s6 =	sadd.s32 @!p0 $0x88, s6;
	s7 =	simm.s32 @p2 $0x1082  }
0x22: {  	[simem:s7], [sflag:s8] =	dma.local @!p0 [hbm:s6], $0xF7A  }
0x23: {  	s9 =	sor.u32 $0xD0000000, s2;
	s6 =	simm.s32 $0x108;
	_ =	swait.ge @!p0 [sflag:s8], $0x0  }
0x24: {  	s3 =	sadd.s32 $0x88, s3;
	s6 =	simm.s32 @!p1 $0x1082;
	[sflag:s4] =	ssyncset.s32 $0xFFFFF086  }
0x25: {  	[simem:s6], [sflag:s4] =	dma.local [hbm:s3], $0xF7A  }
0x26: {  	[smem:$0x3F9A] =	sst s1;
	(tag) =	ssettag s2;
	_ =	strace s9  }
0x27: {  	s1 =	sld [smem:$0x3FAA]  }
0x28: {  	s2 =	sld [smem:$0x3FAB]  }
0x29: {  	s4 =	sld [smem:$0x3FAD]  }
0x2a: {  	p0 =	seq.s32 s5, $0x0;
	s5 =	sld [smem:$0x3FAE]  }
0x2b: {  	s6 =	sld [smem:$0x3FAF]  }
0x2c: {  	s7 =	sld [smem:$0x3FB0]  }
0x2d: {  	s3 =	simm.s32 $0x108;
	s8 =	sld [smem:$0x3FB1]  }
0x2e: {  	s3 =	simm.s32 @!p0 $0x1082;
	s9 =	sld [smem:$0x3FB2]  }
0x2f: {  	lr =	sadd.s32 s0, s3;
	s0 =	sld [smem:$0x3FA9]  }
0x30: {  	s3 =	sld [smem:$0x3FAC]  }
0x31: {  	[smem:$0x3FB5] =	sst s10  }
0x32: {  	s10 =	sld [smem:$0x3FB3];
	_ =	sdelay $0x3  }
0x33: {  	p0 =	seq.s32 s10, $0x1;
	s10 =	sld [smem:$0x3FB5];
	_ =	sdelay $0x3  }
0x34: {  	[smem:$0x3FB5] =	sst s10  }
0x35: {  	s10 =	sld [smem:$0x3FB4];
	_ =	sdelay $0x3  }
0x36: {  	p1 =	seq.s32 s10, $0x1;
	s10 =	sld [smem:$0x3FB5];
	_ =	sdelay $0x3  }
0x37: {  	[smem:$0x3FB5] =	sst s10  }
0x38: {  	s10 =	sld [smem:$0x3FB6]  }
0x39: {  	_ = 	snop;
	(pc) =	sbr.ind lr, $3  }
0x3a: {  	_ = 	snop  }
0x3b: {  	_ = 	snop  }
0x3c: {  	p2 =	seq.s32 s10, $0x1;
	s10 =	sld [smem:$0x3FB5]  }
0x3d: {  	_ =	shalt  }
0x3e: {  	_ =	shalt  }
0x3f: {  	_ =	shalt  }
0x40: {  	_ =	shalt  }
0x41: {  	_ =	shalt  }
0x42: {  	_ =	shalt  }
0x43: {  	_ =	shalt  }
0x44: {  	_ =	shalt  }
0x45: {  	_ =	shalt  }
0x46: {  	_ =	shalt  }
0x47: {  	_ =	shalt  }
0x48: {  	_ =	shalt  }
0x49: {  	_ =	shalt  }
0x4a: {  	_ =	shalt  }
0x4b: {  	_ =	shalt  }
0x4c: {  	_ =	shalt  }
0x4d: {  	_ =	shalt  }
0x4e: {  	_ =	shalt  }
0x4f: {  	_ =	shalt  }
0x50: {  	_ =	shalt  }
0x51: {  	_ =	shalt  }
0x52: {  	_ =	shalt  }
0x53: {  	_ =	shalt  }
0x54: {  	_ =	shalt  }
0x55: {  	_ =	shalt  }
0x56: {  	_ =	shalt  }
0x57: {  	_ =	shalt  }
0x58: {  	_ =	shalt  }
0x59: {  	_ =	shalt  }
0x5a: {  	_ =	shalt  }
0x5b: {  	_ =	shalt  }
0x5c: {  	_ =	shalt  }
0x5d: {  	_ =	shalt  }
0x5e: {  	_ =	shalt  }
0x5f: {  	_ =	shalt  }
0x60: {  	_ =	shalt  }
0x61: {  	_ =	shalt  }
0x62: {  	_ =	shalt  }
0x63: {  	_ =	shalt  }
0x64: {  	_ =	shalt  }
0x65: {  	_ =	shalt  }
0x66: {  	_ =	shalt  }
0x67: {  	_ =	shalt  }
0x68: {  	_ =	shalt  }
0x69: {  	_ =	shalt  }
0x6a: {  	_ =	shalt  }
0x6b: {  	_ =	shalt  }
0x6c: {  	_ =	shalt  }
0x6d: {  	_ =	shalt  }
0x6e: {  	_ =	shalt  }
0x6f: {  	_ =	shalt  }
0x70: {  	_ =	shalt  }
0x71: {  	_ =	shalt  }
0x72: {  	_ =	shalt  }
0x73: {  	_ =	shalt  }
0x74: {  	_ =	shalt  }
0x75: {  	_ =	shalt  }
0x76: {  	_ =	shalt  }
0x77: {  	_ =	shalt  }
0x78: {  	_ =	shalt  }
0x79: {  	_ =	shalt  }
0x7a: {  	_ =	shalt  }
0x7b: {  	_ =	shalt  }
0x7c: {  	_ =	shalt  }
0x7d: {  	_ =	shalt  }
0x7e: {  	_ =	shalt  }
0x7f: {  	_ =	shalt  }
0x80: {  	_ =	shalt  }
0x81: {  	_ =	shalt  }
0x82: {  	_ =	shalt  }
0x83: {  	_ =	shalt  }
0x84: {  	_ =	shalt  }
0x85: {  	_ =	shalt  }
0x86: {  	_ =	shalt  }
0x87: {  	_ =	shalt  }
.Lfunc_end0:
.L_simem_size_0:
called_computation.7_lowered:
.L_overlay_start_0:
0x88: {  	s2 =	sld [smem:$0x3FD9]  }
0x89: {  	s3 =	sld [smem:$0x3FFE];
	_ =	sdelay $0x1  }
0x8a: {  	s1 =	srdreg.scid  }
0x8b: {  	s0 =	sand.u32 $0x1, s1  }
0x8c: {  	s17 =	sshll.u32 s0, $0xA;
	s2 =	sadd.s32 s3, s2  }
0x8d: {  	s2 =	sadd.s32 s2, s17  }
0x8e: {  	[smem:$0x3FC1] =	sst s2  }
0x8f: {  	_ = 	snop  }
0x90: {  	s2 =	sld [smem:$0x3FD0];
	(tm) =	ssettm $0x1  }
0x91: {  	s18 =	sld [smem:$0x3FFB];
	_ =	sdelay $0x3  }
0x92: {  	_ =	strace s18  }
0x93: {  	s3 =	sld [smem:$0x3FFC];
	_ =	sdelay $0x3  }
0x94: {  	_ =	strace s3  }
0x95: {  	s3 =	sld [smem:$0x3FFD];
	_ =	sdelay $0x3  }
0x96: {  	_ =	strace s3  }
0x97: {  	_ =	strace $0x8FFFFFFF  }
0x98: {  	s19 =	sld [smem:$0x3FDB];
	_ =	sdelay $0x1  }
0x99: {  	s4 =	simm.s32 $_scs_section_size  }
0x9a: {  	s5 =	simm.s32 $_size__tile_overlayer_lowered;
	s6 =	simm.s32 $_tile_overlayer_lowered  }
0x9b: {  	s22 =	simm.s32 $0x1BFF;
	s21 =	sshll.u32 s6, $0x1;
	s3 =	sadd.s32 s4, s19  }
0x9c: {  	s7 =	simm.s32 $0x0;
	s20 =	sshll.u32 s5, $0x1;
	s5 =	sadd.s32 s21, s3  }
0x9d: {  	[timem:s7], [sflag:s22] =	dma.local [hbm:s5], s20  }
0x9e: {  	_ =	swait.ge [sflag:s22], s20  }
0x9f: {  	s4 =	ssub.s32 $0x0, s20;
	[sflag:s22] =	ssyncset.done $0x0  }
0xa0: {  	[sflag:s22] =	ssyncadd.s32 s4;
	_ =	sdelay $0x1  }
0xa1: {  	s23 =	simm.s32 $0x1B8B  }
0xa2: {  	_ =	swait.ge [sflag:s23], $0x1  }
0xa3: {  	[sflag:s23] =	ssyncset.done $0x0  }
0xa4: {  	s25 =	simm.s32 $0x1B8E;
	s24 =	sld [smem:$0x3FFE];
	[sflag:s23] =	ssyncadd.s32 $0xFFFFFFFF  }
0xa5: {  	s26 =	simm.s32 $execute0_lowered;
	[smem:$0x3FD2] =	sst s25  }
0xa6: {  	s5 =	sshll.u32 s26, $0x1;
	_ =	strace $0x8000005B;
	[dreg:$0x1] =	wrdreg $0xFFFFFFFF  }
0xa7: {  	s28 =	simm.s32 $_size_execute0_lowered;
	s3 =	sadd.s32 s3, s5;
	[dreg:$0x0] =	wrdreg $0x0  }
0xa8: {  	s5 =	sshll.u32 s28, $0x1;
	[dreg:$0x2] =	wrdreg s3  }
0xa9: {  	[dreg:$0x3] =	wrdreg s5  }
0xaa: {  	[dreg:$0x4] =	wrdreg $0xC0  }
0xab: {  	_ =	task [dreg:s7], $0x5FFFF  }
0xac: {  	[dreg:$0x1] =	wrdreg $0xFFFFFFFF  }
0xad: {  	[dreg:$0x0] =	wrdreg $0x60  }
0xae: {  	[dreg:$0x2] =	wrdreg s2  }
0xaf: {  	[dreg:$0x3] =	wrdreg s24  }
0xb0: {  	[dreg:$0x4] =	wrdreg $0x0  }
0xb1: {  	[dreg:$0x5] =	wrdreg $0x9  }
0xb2: {  	_ =	task.clear_ibuf [dreg:s7], $0x6FFFF;
	_ =	strace $0x9000005B  }
0xb3: {  	s29 =	simm.s32 $0x9;
	_ =	strace $0x8000005D  }
0xb4: {  	_ =	swait.ge [sflag:s29], $0x1  }
0xb5: {  	[sflag:s29] =	ssyncadd.s32 $0xFFFFFFFF  }
0xb6: {  	_ =	strace $0x9000005D  }
0xb7: {  	_ =	sfence  }
0xb8: {  	s30 =	sld [smem:$0x0];
	_ =	sdelay $0x2  }
0xb9: {  	s31 =	sshll.u32 s1, $0xD;
	s1 =	sshrl.u32 s1, $0x2  }
0xba: {  	s3 =	sand.u32 $0x4000, s31;
	s1 =	sadd.s32 s1, s30  }
0xbb: {  	s0 =	sor.u32 s3, s0;
	s1 =	sshll.u32 s1, $0x11  }
0xbc: {  	s0 =	sor.u32 s1, s0  }
0xbd: {  	s0 =	sadd.s32 $0x8F2B, s0  }
0xbe: {  	[sflag:s0] =	ssyncadd.remote.s32 $0x1  }
0xbf: {  	_ =	sfence.sel $0xFFFF  }
0xc0: {  	[dreg:$0x0] =	wrdreg $0xFFFFFFFF;
	(pc) =	sbr.abs _section_cstart, $3  }
0xc1: {  	[dreg:$0x1] =	wrdreg $0xFFFFFFFF  }
0xc2: {  	_ =	task.clear_ibuf [dreg:s7], $0x2FFFF;
	_ =	strace $0x9FFFFFFF  }
0xc3: {  	(tm) =	ssettm $0x7FFFFFFF  }
tec
execute0_lowered:
.L_overlay_start_1:
0x0: {  	(tag) =	ssettag $0x1  }
0x1: {  	s1 =	rddreg [dreg:$0x0]  }
0x2: {  	s0 =	rddreg [dreg:$0x1]  }
0x3: {  	s2 =	rddreg [dreg:$0x2];
	s4 =	simm.s32 $0x0;
	s3 =	stileid.u32  }
0x4: {  	s6 =	srdreg.scid;
	s28 =	simm.s32 $0x80;
	s29 =	simm.s32 $0x18C00  }
0x5: {  	s30 =	simm.s32 $0x1;
	s31 =	simm.s32 $0x0;
	[smem:$0x7FF] =	sst s4  }
0x6: {  	s5 =	sadd.s32 $0x62200, s0;
	s8 =	smul.u32 $0x500, s3;
	s17 =	sand.u32 $0x1, s6  }
0x7: {  	s6 =	sadd.s32 $0x13E00, s0;
	s13 =	smul.u32 $0x2700, s3;
	s7 =	sadd.s32 $0x3B000, s0  }
0x8: {  	s11 =	smul.u32 $0x4E000, s3;
	p6 =	seq.s32 s3, $0xF;
	s12 =	sadd.s32 $0x138800, s2  }
0x9: {  	s14 =	sadd.s32 $0x38700, s0;
	p3 =	sne.s32 s3, $0xF;
	s25 =	sadd.s32 $0xADD00, s0  }
0xa: {  	_ =	strace $0x8000005C;
	s9 =	ssub.s32 $0x2, s17;
	p2 =	seq.s32 s17, $0x1  }
0xb: {  	p0 =	seq.s32 s17, $0x0;
	[dreg:$0x4] =	wrdreg s25;
	s25 =	simm.s32 $0x2  }
0xc: {  	s10 =	sshrl.u32 s9, $0x1;
	s16 =	sadd.s32 s8, s0;
	s20 =	sadd.s32 s13, s0  }
0xd: {  	s24 =	sshrl.u32 s11, $0x2;
	s11 =	sadd.s32 $0x5F900, s0;
	p4 =	por !p0, !p3  }
0xe: {  	p5 =	por !p0, !p6;
	s0 =	sadd.s32 $0xD4F00, s0;
	p3 =	por !p3, !p2  }
0xf: {  	p6 =	por !p6, !p2;
	s21 =	ssub.s32 s9, s10;
	s8 =	sadd.s32 s24, s2  }
0x10: {  	p1 =	por !p5, !p5;
	s26 =	sadd.s32 $0x89400, s20;
	[dreg:$0x6] =	wrdreg s0  }
0x11: {  	p2 =	por !p3, !p3;
	p3 =	por !p6, !p6;
	s18 =	simm.s32 @!p1 $0x0  }
0x12: {  	[dreg:$0x5] =	wrdreg s26;
	s0 =	simm.s32 @!p3 $0x0;
	s18 =	simm.s32 @p1 $0x1  }
0x13: {  	s9 =	sadd.s32 $0x124800, s2;
	s0 =	simm.s32 @p3 $0x1;
	[smem:$0x7FA] =	sst s18  }
0x14: {  	p0 =	por !p4, !p4;
	p1 =	sne.s32 s17, $0x0;
	[smem:$0x7FC] =	sst s0  }
0x15: {  	s19 =	sadd.s32 $0xB0600, s20;
	p4 =	seq.s32 @p1 s3, $0xF;
	s20 =	sld [smem:$0x7FA]  }
0x16: {  	p6 =	sne.s32 @!p1 s3, $0xF;
	s0 =	simm.s32 @!p1 $0x0;
	p3 =	por !p4, !p1  }
0x17: {  	p4 =	por p4, !p1;
	p5 =	por !p6, p1;
	s0 =	simm.s32 @p1 $0x1  }
0x18: {  	p6 =	por p6, p1;
	s26 =	sld [smem:$0x7FC];
	p1 =	seq.s32 s20, $0x1  }
0x19: {  	s10 =	sadd.s32 s7, s13;
	s13 =	sadd.s32 s6, s13;
	p1 =	por !p1, p0  }
0x1a: {  	s15 =	sadd.s32 $0xEE00, s16;
	[smem:$0x7F9] =	sst s0;
	s0 =	simm.s32 @!p1 $0x0  }
.Ltmp0:
0x1b: {  	s0 =	simm.s32 @p1 $0x1;
	p1 =	seq.s32 s26, $0x1;
	(pc) =	sbr.rel .LBB2_1-.Ltmp0, $4  }
0x1c: {  	s16 =	sadd.s32 $0x9E00, s16;
	[dreg:$0x7] =	wrdreg s19;
	p1 =	por !p1, p2  }
0x1d: {  	s24 =	simm.s32 $0x13C00;
	[smem:$0x7FB] =	sst s0;
	s0 =	simm.s32 @!p1 $0x0  }
0x1e: {  	s21 =	smax.u32 s21, $0x1;
	s22 =	sshrl.u32 @!p3 s9, $0x3;
	s0 =	simm.s32 @p1 $0x1  }
0x1f: {  	s23 =	sshrl.u32 @!p3 s12, $0x3;
	s26 =	simm.s32 $0x16400;
	[smem:$0x7FD] =	sst s0  }
.LBB2_7:
0x20: {  	s17 =	sadd.s32 $0x13C00, s0;
	[sflag:s25] =	ssyncadd.s32 $0xFFFFC000  }
0x21: {  	[tilespmem:s29], [sflag:$0x1] =	stream.indirect.gather [hbm4b:s5+s28], $0x80, s17, s28, $0xb8;
	[tilespmem:$0x1CC00] =	vst v63  }
0x22: {  	_ =	swait.ge [sflag:s30], $0x4000  }
0x23: {  	[sflag:s30] =	ssyncset.done $0x0  }
0x24: {  	s19 =	sadd.s32 $0x16400, s0;
	[sflag:s30] =	ssyncadd.s32 $0xFFFFC000  }
0x25: {  	[spmem:s2] =	stream.indirect.scatter.add.f32 [tilespmem:s29], [sflag:$0x2], $0x80, s19, s28, $0xb8;
	[tilespmem:$0x1CC00] =	vst v63  }
0x26: {  	_ =	swait.ge [sflag:s25], $0x4000  }
0x27: {  	[sflag:s25] =	ssyncset.done $0x0  }
0x28: {  	[sflag:s25] =	ssyncadd.s32 $0xFFFFC000  }
0x29: {  	[bflag:$0x0] =	sbarrier.arrive $0xFFFF  }
0x2a: {  	s20 =	sld [smem:$0x7FD];
	_ =	sdelay $0x2  }
0x2b: {  	p1 =	seq.s32 s20, $0x1  }
0x2c: {  	s18 =	rddreg [dreg:$0x6];
	s0 =	sshrl.u32 @!p1 s9, $0x3;
	s17 =	simm.s32 @!p1 $0x1FC2  }
0x2d: {  	[hbm:s18], [sflag:s17] =	dma.local @!p1 [spmem:s0], $0x2800  }
0x2e: {  	s0 =	simm.s32 @!p1 $0x2  }
0x2f: {  	_ =	swait.ge @!p1 [sflag:s0], $0x2800  }
0x30: {  	s17 =	sshll.u32 @p2 s3, $0x6;
	[sflag:s0] =	ssyncset.done @!p1 $0x0;
	s18 =	rddreg [dreg:$0x7]  }
0x31: {  	[sflag:s0] =	ssyncadd.s32 @!p1 $0xFFFFD800;
	s0 =	sor.u32 @p2 $0x1C02, s17;
	s17 =	sshrl.u32 @p2 s8, $0x3  }
0x32: {  	[hbm:s18], [sflag:s0] =	dma.local @p2 [spmem:s17], $0x2700  }
0x33: {  	s0 =	simm.s32 @p2 $0x2  }
0x34: {  	_ =	swait.ge @p2 [sflag:s0], $0x2700  }
0x35: {  	[sflag:s0] =	ssyncset.done @p2 $0x0  }
0x36: {  	[sflag:s0] =	ssyncadd.s32 @p2 $0xFFFFD900  }
.LBB2_8:
0x37: {  	s31 =	sadd.s32 $0x1, s31  }
0x38: {  	p1 =	sne.s32 s31, s21  }
.Ltmp1:
0x39: {  	_ = 	snop;
	(pc) =	sbr.rel @!p1 .LBB2_9-.Ltmp1, $1  }
0x3a: {  	_ =	sdelay $0x3  }
.LBB2_1:
0x3b: {  	s0 =	simm.s32 @!p3 $0x1FC2;
	s17 =	simm.s32 @!p3 $0x2  }
0x3c: {  	[spmem:s22], [sflag:s0] =	dma.local @!p3 [hbm:s11], $0x2800  }
0x3d: {  	_ =	swait.ge @!p3 [sflag:s17], $0x2800  }
0x3e: {  	[sflag:s17] =	ssyncset.done @!p3 $0x0  }
0x3f: {  	[sflag:s17] =	ssyncadd.s32 @!p3 $0xFFFFD800  }
0x40: {  	[spmem:s23], [sflag:s0] =	dma.local @!p3 [hbm:s7], $0x700  }
0x41: {  	_ =	swait.ge @!p3 [sflag:s17], $0x700  }
0x42: {  	s0 =	sshll.u32 @!p4 s3, $0x6;
	[sflag:s17] =	ssyncset.done @!p3 $0x0  }
0x43: {  	s0 =	sor.u32 @!p4 $0x1C02, s0;
	[sflag:s17] =	ssyncadd.s32 @!p3 $0xFFFFF900;
	s17 =	sshrl.u32 @!p4 s8, $0x3  }
0x44: {  	[spmem:s17], [sflag:s0] =	dma.local @!p4 [hbm:s10], $0x2700  }
0x45: {  	s0 =	simm.s32 @!p4 $0x2  }
0x46: {  	_ =	swait.ge @!p4 [sflag:s0], $0x2700  }
0x47: {  	s17 =	sshll.u32 @!p5 s3, $0x6;
	[sflag:s0] =	ssyncset.done @!p4 $0x0  }
0x48: {  	[sflag:s0] =	ssyncadd.s32 @!p4 $0xFFFFD900;
	s0 =	sor.u32 @!p5 $0x1C02, s17;
	s17 =	sshrl.u32 @!p5 s8, $0x3  }
0x49: {  	[spmem:s17], [sflag:s0] =	dma.local @!p5 [hbm:s13], $0x2700  }
0x4a: {  	s0 =	simm.s32 @!p5 $0x2  }
0x4b: {  	_ =	swait.ge @!p5 [sflag:s0], $0x2700  }
0x4c: {  	[sflag:s0] =	ssyncset.done @!p5 $0x0  }
0x4d: {  	s17 =	simm.s32 @!p6 $0x1FC2;
	[sflag:s0] =	ssyncadd.s32 @!p5 $0xFFFFD900;
	s0 =	sshrl.u32 @!p6 s9, $0x3  }
0x4e: {  	[spmem:s0], [sflag:s17] =	dma.local @!p6 [hbm:s14], $0x2800  }
0x4f: {  	s0 =	simm.s32 @!p6 $0x2  }
0x50: {  	_ =	swait.ge @!p6 [sflag:s0], $0x2800  }
0x51: {  	[sflag:s0] =	ssyncset.done @!p6 $0x0  }
0x52: {  	s18 =	sshrl.u32 @!p6 s12, $0x3;
	[sflag:s0] =	ssyncadd.s32 @!p6 $0xFFFFD800  }
0x53: {  	[spmem:s18], [sflag:s17] =	dma.local @!p6 [hbm:s6], $0x700  }
0x54: {  	_ =	swait.ge @!p6 [sflag:s0], $0x700  }
0x55: {  	[sflag:s0] =	ssyncset.done @!p6 $0x0  }
0x56: {  	[sflag:s0] =	ssyncadd.s32 @!p6 $0xFFFFF900  }
0x57: {  	[tilespmem:s24], [sflag:$0x2] =	stream.linear.gather [hbm4b:s15+s4], $0x2780, $0x38;
	[tilespmem:$0x1CC00] =	vst v63  }
0x58: {  	_ =	swait.ge [sflag:s25], $0x2780  }
0x59: {  	[sflag:s25] =	ssyncset.done $0x0  }
0x5a: {  	[sflag:s25] =	ssyncadd.s32 $0xFFFFD880  }
0x5b: {  	[tilespmem:s26], [sflag:$0x2] =	stream.linear.gather [hbm4b:s16+s4], $0x2780, $0x38;
	[tilespmem:$0x1CC00] =	vst v63  }
0x5c: {  	_ =	swait.ge [sflag:s25], $0x2780  }
0x5d: {  	[sflag:s25] =	ssyncset.done $0x0  }
0x5e: {  	[sflag:s25] =	ssyncadd.s32 $0xFFFFD880  }
0x5f: {  	[bflag:$0x0] =	sbarrier.arrive $0xFFFF  }
0x60: {  	s20 =	sld [smem:$0x7F9];
	_ =	sdelay $0x2  }
0x61: {  	p1 =	seq.s32 s20, $0x1  }
.Ltmp2:
0x62: {  	_ = 	snop;
	(pc) =	sbr.rel @p1 .LBB2_5-.Ltmp2, $1  }
0x63: {  	_ =	sdelay $0x3  }
0x64: {  	s0 =	simm.s32 $0x13C00  }
0x65: {  	[tilespmem:s29], [sflag:$0x1] =	stream.indirect.gather [hbm4b:s1+s28], $0x80, s0, s28, $0xb8;
	[tilespmem:$0x1CC00] =	vst v63  }
0x66: {  	_ =	swait.ge [sflag:s30], $0x4000  }
0x67: {  	[sflag:s30] =	ssyncset.done $0x0  }
0x68: {  	s20 =	simm.s32 $0x16400;
	[sflag:s30] =	ssyncadd.s32 $0xFFFFC000  }
0x69: {  	[spmem:s2] =	stream.indirect.scatter.add.f32 [tilespmem:s29], [sflag:$0x2], $0x80, s20, s28, $0xb8;
	[tilespmem:$0x1CC00] =	vst v63  }
0x6a: {  	_ =	swait.ge [sflag:s25], $0x4000  }
0x6b: {  	s17 =	simm.s32 $0x400;
	s0 =	simm.s32 $0x80;
	[sflag:s25] =	ssyncset.done $0x0  }
.LBB2_3:
0x6c: {  	s18 =	sadd.s32 $0x13C00, s0  }
0x6d: {  	[sflag:s25] =	ssyncadd.s32 $0xFFFFC000;
	s19 =	smov.u32 s17;
	s20 =	sadd.s32 $0x200, s17  }
0x6e: {  	[tilespmem:s29], [sflag:$0x1] =	stream.indirect.gather [hbm4b:s1+s28], $0x80, s18, s28, $0xb8;
	[tilespmem:$0x1CC00] =	vst v63  }
0x6f: {  	p1 =	seq.s32 s17, $0x9C00;
	_ =	swait.ge [sflag:s30], $0x4000  }
.Ltmp3:
0x70: {  	[sflag:s30] =	ssyncset.done $0x0;
	(pc) =	sbr.rel @!p1 .LBB2_3-.Ltmp3, $4  }
0x71: {  	s0 =	sadd.s32 $0x16400, s0;
	[sflag:s30] =	ssyncadd.s32 $0xFFFFC000  }
0x72: {  	[spmem:s2] =	stream.indirect.scatter.add.f32 [tilespmem:s29], [sflag:$0x2], $0x80, s0, s28, $0xb8;
	[tilespmem:$0x1CC00] =	vst v63  }
0x73: {  	_ =	swait.ge [sflag:s25], $0x4000  }
0x74: {  	s17 =	smov.u32 s20;
	s0 =	sshra.s32 s19, $0x2;
	[sflag:s25] =	ssyncset.done $0x0  }
0x75: {  	s17 =	sadd.s32 $0x13C00, s0;
	[sflag:s25] =	ssyncadd.s32 $0xFFFFC000  }
0x76: {  	[tilespmem:s29], [sflag:$0x1] =	stream.indirect.gather [hbm4b:s1+s28], $0x80, s17, s28, $0xb8;
	[tilespmem:$0x1CC00] =	vst v63  }
0x77: {  	_ =	swait.ge [sflag:s30], $0x4000  }
0x78: {  	[sflag:s30] =	ssyncset.done $0x0  }
0x79: {  	s19 =	sadd.s32 $0x16400, s0;
	[sflag:s30] =	ssyncadd.s32 $0xFFFFC000  }
0x7a: {  	[spmem:s2] =	stream.indirect.scatter.add.f32 [tilespmem:s29], [sflag:$0x2], $0x80, s19, s28, $0xb8;
	[tilespmem:$0x1CC00] =	vst v63  }
0x7b: {  	_ =	swait.ge [sflag:s25], $0x4000  }
0x7c: {  	[sflag:s25] =	ssyncset.done $0x0  }
0x7d: {  	[sflag:s25] =	ssyncadd.s32 $0xFFFFC000  }
0x7e: {  	[bflag:$0x0] =	sbarrier.arrive $0xFFFF  }
0x7f: {  	s20 =	sld [smem:$0x7FB];
	_ =	sdelay $0x2  }
0x80: {  	p1 =	seq.s32 s20, $0x1  }
0x81: {  	s18 =	rddreg [dreg:$0x4];
	s0 =	sshrl.u32 @!p1 s9, $0x3;
	s17 =	simm.s32 @!p1 $0x1FC2  }
0x82: {  	[hbm:s18], [sflag:s17] =	dma.local @!p1 [spmem:s0], $0x2800  }
0x83: {  	s0 =	simm.s32 @!p1 $0x2  }
0x84: {  	_ =	swait.ge @!p1 [sflag:s0], $0x2800  }
0x85: {  	s17 =	sshll.u32 @p0 s3, $0x6;
	[sflag:s0] =	ssyncset.done @!p1 $0x0;
	s18 =	rddreg [dreg:$0x5]  }
0x86: {  	[sflag:s0] =	ssyncadd.s32 @!p1 $0xFFFFD800;
	s0 =	sor.u32 @p0 $0x1C02, s17;
	s17 =	sshrl.u32 @p0 s8, $0x3  }
0x87: {  	[hbm:s18], [sflag:s0] =	dma.local @p0 [spmem:s17], $0x2700  }
.Ltmp4:
0x88: {  	_ = 	snop;
	(pc) =	sbr.rel .LBB2_8-.Ltmp4, $4  }
0x89: {  	s0 =	simm.s32 @p0 $0x2  }
0x8a: {  	_ =	swait.ge @p0 [sflag:s0], $0x2700  }
0x8b: {  	[sflag:s0] =	ssyncset.done @p0 $0x0  }
0x8c: {  	[sflag:s0] =	ssyncadd.s32 @p0 $0xFFFFD900  }
.LBB2_5:
0x8d: {  	s0 =	simm.s32 $0x13C00  }
0x8e: {  	[tilespmem:s29], [sflag:$0x1] =	stream.indirect.gather [hbm4b:s5+s28], $0x80, s0, s28, $0xb8;
	[tilespmem:$0x1CC00] =	vst v63  }
0x8f: {  	_ =	swait.ge [sflag:s30], $0x4000  }
0x90: {  	[sflag:s30] =	ssyncset.done $0x0  }
0x91: {  	s20 =	simm.s32 $0x16400;
	[sflag:s30] =	ssyncadd.s32 $0xFFFFC000  }
0x92: {  	[spmem:s2] =	stream.indirect.scatter.add.f32 [tilespmem:s29], [sflag:$0x2], $0x80, s20, s28, $0xb8;
	[tilespmem:$0x1CC00] =	vst v63  }
0x93: {  	_ =	swait.ge [sflag:s25], $0x4000  }
0x94: {  	s17 =	simm.s32 $0x400;
	s0 =	simm.s32 $0x80;
	[sflag:s25] =	ssyncset.done $0x0  }
.LBB2_6:
0x95: {  	s18 =	sadd.s32 $0x13C00, s0  }
0x96: {  	[sflag:s25] =	ssyncadd.s32 $0xFFFFC000;
	s19 =	smov.u32 s17;
	s20 =	sadd.s32 $0x200, s17  }
0x97: {  	[tilespmem:s29], [sflag:$0x1] =	stream.indirect.gather [hbm4b:s5+s28], $0x80, s18, s28, $0xb8;
	[tilespmem:$0x1CC00] =	vst v63  }
0x98: {  	p1 =	seq.s32 s17, $0x9C00;
	_ =	swait.ge [sflag:s30], $0x4000  }
.Ltmp5:
0x99: {  	[sflag:s30] =	ssyncset.done $0x0;
	(pc) =	sbr.rel @!p1 .LBB2_6-.Ltmp5, $4  }
0x9a: {  	s0 =	sadd.s32 $0x16400, s0;
	[sflag:s30] =	ssyncadd.s32 $0xFFFFC000  }
0x9b: {  	[spmem:s2] =	stream.indirect.scatter.add.f32 [tilespmem:s29], [sflag:$0x2], $0x80, s0, s28, $0xb8;
	[tilespmem:$0x1CC00] =	vst v63  }
0x9c: {  	_ =	swait.ge [sflag:s25], $0x4000  }
0x9d: {  	s17 =	smov.u32 s20;
	s0 =	sshra.s32 s19, $0x2;
	[sflag:s25] =	ssyncset.done $0x0  }
.Ltmp6:
0x9e: {  	_ = 	snop;
	(pc) =	sbr.rel .LBB2_7-.Ltmp6, $1  }
0x9f: {  	_ =	sdelay $0x3  }
.LBB2_9:
0xa0: {  	_ =	sfence.sel $0x180000  }
0xa1: {  	[bflag:$0x0] =	sbarrier.arrive $0xFFFF  }
0xa2: {  	_ =	strace $0x9000005C  }
0xa3: {  	[bflag:$0x2] =	sbarrier.arrive $0xFFFF  }
0xa4: {  	p0 =	sne.s32 s3, $0x0;
	s0 =	rddreg [dreg:$0x3]  }
0xa5: {  	s0 =	sadd.s32 @!p0 $0x100000, s0  }
0xa6: {  	[sflag:s0] =	ssyncadd.tile.s32 @!p0 $0x1;
	_ =	shalt  }
.Lfunc_end2:
_tile_overlayer_lowered:
.L_overlay_start_2:
0xa7: {  	(tag) =	ssettag $0x2  }
0xa8: {  	s0 =	rddreg [dreg:$0x0];
	s2 =	stileid.u32  }
0xa9: {  	s1 =	rddreg [dreg:$0x1];
	p0 =	sne.s32 s2, $0x0  }
0xaa: {  	s3 =	rddreg [dreg:$0x2];
	[bflag:$0x3] =	sbarrier.arrive $0xFFFF;
	s2 =	simm.s32 @!p0 $0x1C02  }
0xab: {  	[timem:s3], [sflag:s2] =	dma.local @!p0 [hbm:s0], s1  }
0xac: {  	s0 =	simm.s32 @!p0 $0x2  }
0xad: {  	_ =	swait.ge @!p0 [sflag:s0], s1  }
0xae: {  	s1 =	ssub.s32 @!p0 $0x0, s1;
	[sflag:s0] =	ssyncset.done @!p0 $0x0  }
0xaf: {  	[sflag:s0] =	ssyncadd.s32 @!p0 s1  }
0xb0: {  	[bflag:$0x3] =	sbarrier.arrive $0xFFFF  }
0xb1: {  	_ =	shalt  }

</sc_bundles>
